<compile_context>
chip_gen: v7x
topology: tpu7x:2x2x1
jax: 0.10.2.dev20260603
libtpu: 0.0.44.dev20260713+nightly
codegen_flags: <defaults>
</compile_context>

<pallas_src>
import functools

import jax
import jax.numpy as jnp
from jax import lax
from jax.experimental import pallas as pl
from jax.experimental.pallas import tpu as pltpu
from jax.experimental.pallas import tpu_sc as plsc

_B, _H, _W, _C = 2, 384, 384, 96
_HW = _H * _W
_NPIX = _B * _HW
_NW = 32
_PPW = _NPIX // _NW
_ROWS_PW = _PPW // _W
_CHUNK = 128
_NCHUNK = _PPW // _CHUNK
_GRP = _CHUNK // 16
_CPG = _W // _CHUNK
_CB = _C // 16

_BCAST_DNUMS = lax.GatherDimensionNumbers(
    offset_dims=(), collapsed_slice_dims=(0,), start_index_map=(0,))


def _lane_bcast(vec, lane_idx):
  idx = jnp.full((16, 1), lane_idx, jnp.int32)
  return lax.gather(vec, idx, _BCAST_DNUMS, slice_sizes=(1,),
                    mode=lax.GatherScatterMode.PROMISE_IN_BOUNDS)


def _tec_body(im_hbm, dx_hbm, dy_hbm, out_hbm,
              dfA, dfB,
              iaA, ibA, icA, idA, iaB, ibB, icB, idB,
              waA, wbA, wcA, wdA, waB, wbB, wcB, wdB,
              rowsA, rowsB,
              outA, outB,
              semA, semB, semOA, semOB):
  cid = lax.axis_index("c")
  sid = lax.axis_index("s")
  wid = sid * 2 + cid
  pix0 = wid * _PPW
  batch = wid // (_NW // _B)
  row0 = (wid % (_NW // _B)) * _ROWS_PW

  lanes = lax.broadcasted_iota(jnp.int32, (16,), 0)
  base_v = jnp.full((16,), batch * _HW, jnp.int32)

  def prepare(g, df_v, ia_v, ib_v, ic_v, id_v, wa_v, wb_v, wc_v, wd_v):
    row = row0 + g // _CPG
    col0 = (g % _CPG) * _CHUNK
    row_f = jnp.full((16,), row, jnp.int32).astype(jnp.float32)

    def idx_group(k, c2):
      sl = pl.ds(k * 16, 16)
      jj = jnp.full((16,), col0, jnp.int32) + k * 16 + lanes
      dx = df_v[pl.ds(k * 16, 16)]
      dy = df_v[pl.ds(_CHUNK + k * 16, 16)]
      xf = (dx + jj.astype(jnp.float32)) + 1.0
      yf = (dy + row_f) + 1.0
      xt = xf.astype(jnp.int32)
      xflo = jnp.where(xt.astype(jnp.float32) > xf, xt - 1, xt)
      yt = yf.astype(jnp.int32)
      yflo = jnp.where(yt.astype(jnp.float32) > yf, yt - 1, yt)
      x0 = jnp.clip(xflo, 0, _W + 1)
      x1 = jnp.clip(xflo + 1, 0, _W + 1)
      y0 = jnp.clip(yflo, 0, _H + 1)
      y1 = jnp.clip(yflo + 1, 0, _H + 1)
      ddx = x1.astype(jnp.float32) - xf
      ddy = y1.astype(jnp.float32) - yf
      exd = 1.0 - ddx
      eyd = 1.0 - ddy
      wa = ddx * ddy
      wb = ddx * eyd
      wc = exd * ddy
      wd = exd * eyd
      vx0 = (x0 >= 1) & (x0 <= _W)
      vx1 = (x1 >= 1) & (x1 <= _W)
      vy0 = (y0 >= 1) & (y0 <= _H)
      vy1 = (y1 >= 1) & (y1 <= _H)
      zero = jnp.zeros((16,), jnp.float32)
      wa = jnp.where(vy0 & vx0, wa, zero)
      wb = jnp.where(vy1 & vx0, wb, zero)
      wc = jnp.where(vy0 & vx1, wc, zero)
      wd = jnp.where(vy1 & vx1, wd, zero)
      x0c = jnp.clip(x0 - 1, 0, _W - 1)
      x1c = jnp.clip(x1 - 1, 0, _W - 1)
      y0c = jnp.clip(y0 - 1, 0, _H - 1)
      y1c = jnp.clip(y1 - 1, 0, _H - 1)
      ia_v[sl] = base_v + y0c * _W + x0c
      ib_v[sl] = base_v + y1c * _W + x0c
      ic_v[sl] = base_v + y0c * _W + x1c
      id_v[sl] = base_v + y1c * _W + x1c
      wa_v[sl] = wa
      wb_v[sl] = wb
      wc_v[sl] = wc
      wd_v[sl] = wd
      return c2

    lax.fori_loop(0, _GRP, idx_group, 0)

  def fire(g, df_v, ia_v, ib_v, ic_v, id_v, rows_v, sem):
    pltpu.async_copy(im_hbm.at[ia_v], rows_v.at[pl.ds(0, _CHUNK)], sem)
    pltpu.async_copy(im_hbm.at[ib_v], rows_v.at[pl.ds(_CHUNK, _CHUNK)], sem)
    pltpu.async_copy(im_hbm.at[ic_v], rows_v.at[pl.ds(2 * _CHUNK, _CHUNK)],
                     sem)
    pltpu.async_copy(im_hbm.at[id_v], rows_v.at[pl.ds(3 * _CHUNK, _CHUNK)],
                     sem)
    nxt = pix0 + jnp.minimum(g + 2, _NCHUNK - 1) * _CHUNK
    pltpu.async_copy(dx_hbm.at[pl.ds(nxt, _CHUNK)],
                     df_v.at[pl.ds(0, _CHUNK)], sem)
    pltpu.async_copy(dy_hbm.at[pl.ds(nxt, _CHUNK)],
                     df_v.at[pl.ds(_CHUNK, _CHUNK)], sem)

  def drain(df_v, ia_v, ib_v, ic_v, id_v, rows_v, sem):
    pltpu.make_async_copy(im_hbm.at[pl.ds(0, 4 * _CHUNK)], rows_v,
                          sem).wait()
    pltpu.make_async_copy(dx_hbm.at[pl.ds(0, 2 * _CHUNK)], df_v, sem).wait()

  def combine(wa_v, wb_v, wc_v, wd_v, rows_v, out_v):
    def blk_body(i, c2):
      p0 = i * 8
      lane0 = p0 & 15
      wsl = pl.ds((i >> 1) * 16, 16)
      wav = wa_v[wsl]
      wbv = wb_v[wsl]
      wcv = wc_v[wsl]
      wdv = wd_v[wsl]
      for q in range(8):
        p = p0 + q
        pp = lane0 + q
        wab = _lane_bcast(wav, pp)
        wbb = _lane_bcast(wbv, pp)
        wcb = _lane_bcast(wcv, pp)
        wdb = _lane_bcast(wdv, pp)
        for cb in range(_CB):
          cs = pl.ds(cb * 16, 16)
          va = rows_v[p, cs]
          vb = rows_v[_CHUNK + p, cs]
          vc = rows_v[2 * _CHUNK + p, cs]
          vd = rows_v[3 * _CHUNK + p, cs]
          out_v[p, cs] = (wab * va + wbb * vb) + (wcb * vc + wdb * vd)
      return c2

    lax.fori_loop(0, _CHUNK // 8, blk_body, 0)

  def flush(g, out_v, semO):
    pixc = pix0 + g * _CHUNK
    pltpu.async_copy(out_v, out_hbm.at[pl.ds(pixc, _CHUNK)], semO)

  def drain_out(g, out_v, semO):
    pixc = pix0 + g * _CHUNK
    pltpu.make_async_copy(out_v, out_hbm.at[pl.ds(pixc, _CHUNK)], semO).wait()

  setA = (dfA, iaA, ibA, icA, idA, rowsA, semA)
  setB = (dfB, iaB, ibB, icB, idB, rowsB, semB)

  pltpu.sync_copy(dx_hbm.at[pl.ds(pix0, _CHUNK)], dfA.at[pl.ds(0, _CHUNK)])
  pltpu.sync_copy(dy_hbm.at[pl.ds(pix0, _CHUNK)],
                  dfA.at[pl.ds(_CHUNK, _CHUNK)])
  pltpu.sync_copy(dx_hbm.at[pl.ds(pix0 + _CHUNK, _CHUNK)],
                  dfB.at[pl.ds(0, _CHUNK)])
  pltpu.sync_copy(dy_hbm.at[pl.ds(pix0 + _CHUNK, _CHUNK)],
                  dfB.at[pl.ds(_CHUNK, _CHUNK)])
  prepare(0, dfA, iaA, ibA, icA, idA, waA, wbA, wcA, wdA)
  fire(0, *setA)

  def pair_body(i, c2):
    g0 = 2 * i
    g1 = g0 + 1
    prepare(g1, dfB, iaB, ibB, icB, idB, waB, wbB, wcB, wdB)
    fire(g1, *setB)
    drain(*setA)

    @pl.when(i > 0)
    def _():
      drain_out(g0 - 2, outA, semOA)

    combine(waA, wbA, wcA, wdA, rowsA, outA)
    flush(g0, outA, semOA)

    @pl.when(i < _NCHUNK // 2 - 1)
    def _():
      prepare(g0 + 2, dfA, iaA, ibA, icA, idA, waA, wbA, wcA, wdA)
      fire(g0 + 2, *setA)

    drain(*setB)

    @pl.when(i > 0)
    def _():
      drain_out(g1 - 2, outB, semOB)

    combine(waB, wbB, wcB, wdB, rowsB, outB)
    flush(g1, outB, semOB)
    return c2

  lax.fori_loop(0, _NCHUNK // 2, pair_body, 0)
  drain_out(_NCHUNK - 2, outA, semOA)
  drain_out(_NCHUNK - 1, outB, semOB)


_mesh = plsc.VectorSubcoreMesh(core_axis_name="c", subcore_axis_name="s")

_sample = functools.partial(
    pl.kernel,
    mesh=_mesh,
    out_type=jax.ShapeDtypeStruct((_NPIX, _C), jnp.float32),
    compiler_params=pltpu.CompilerParams(
        needs_layout_passes=False, use_tc_tiling_on_sc=False),
    scratch_types=(
        [pltpu.VMEM((2 * _CHUNK,), jnp.float32)] * 2
        + [pltpu.VMEM((_CHUNK,), jnp.int32)] * 8
        + [pltpu.VMEM((_CHUNK,), jnp.float32)] * 8
        + [pltpu.VMEM((4 * _CHUNK, _C), jnp.float32)] * 2
        + [pltpu.VMEM((_CHUNK, _C), jnp.float32)] * 2
        + [pltpu.SemaphoreType.DMA] * 4
    ),
)(_tec_body)


@jax.jit
def kernel(moving_image, deformation_matrix):
  im_tab = moving_image.reshape(_NPIX, _C)
  dx = deformation_matrix[..., 0].reshape(_NPIX)
  dy = deformation_matrix[..., 1].reshape(_NPIX)
  out = _sample(im_tab, dx, dy)
  return out.reshape(_B, _H, _W, _C)

# --- scband reference (transcript-rebuilt; emitter-appended) ---
"""Pipeline reference for scband-spatial-transformer3d-111669149936 (READ-ONLY COPY).

The authoritative reference and input builder live on the scoring server;
editing this copy changes nothing except your own understanding.
"""

import jax, jax.numpy as jnp
import numpy as np


def setup_inputs(seed: int = 0) -> dict:
    key = jax.random.key(seed)
    k1, k2 = jax.random.split(key)
    moving_image = jax.random.normal(k1, (2, 384, 384, 96), dtype=jnp.float32)
    deformation_matrix = jax.random.normal(k2, (2, 384, 384, 2), dtype=jnp.float32)
    return {"moving_image": moving_image, "deformation_matrix": deformation_matrix}


def reference(moving_image, deformation_matrix):
    B, H, W, C = moving_image.shape
    dx = deformation_matrix[:, :, :, 0]
    dy = deformation_matrix[:, :, :, 1]
    # meshgrid: x_t varies along width, y_t along height
    x_mesh = jnp.broadcast_to(jnp.linspace(0.0, W - 1.0, W)[None, :], (H, W))
    y_mesh = jnp.broadcast_to(jnp.linspace(0.0, H - 1.0, H)[:, None], (H, W))
    x_new = dx + x_mesh[None, :, :]
    y_new = dy + y_mesh[None, :, :]
    # interpolate: pad H and W by 1 on each side
    im = jnp.pad(moving_image, ((0, 0), (1, 1), (1, 1), (0, 0)))
    _, height, width, channels = im.shape
    x = x_new.reshape(-1) + 1.0
    y = y_new.reshape(-1) + 1.0
    max_x = width - 1
    max_y = height - 1
    x0f = jnp.floor(x)
    y0f = jnp.floor(y)
    x0 = jnp.clip(x0f.astype(jnp.int32), 0, max_x)
    x1 = jnp.clip(x0f.astype(jnp.int32) + 1, 0, max_x)
    y0 = jnp.clip(y0f.astype(jnp.int32), 0, max_y)
    y1 = jnp.clip(y0f.astype(jnp.int32) + 1, 0, max_y)
    dim2 = width
    dim1 = width * height
    base = jnp.repeat(jnp.arange(B, dtype=jnp.int32) * dim1, H * W)
    base_y0 = base + y0 * dim2
    base_y1 = base + y1 * dim2
    idx_a = base_y0 + x0
    idx_b = base_y1 + x0
    idx_c = base_y0 + x1
    idx_d = base_y1 + x1
    im_flat = im.reshape(-1, channels).astype(jnp.float32)
    Ia = jnp.take(im_flat, idx_a, axis=0)
    Ib = jnp.take(im_flat, idx_b, axis=0)
    Ic = jnp.take(im_flat, idx_c, axis=0)
    Id = jnp.take(im_flat, idx_d, axis=0)
    x1_f = x1.astype(jnp.float32)
    y1_f = y1.astype(jnp.float32)
    ddx = x1_f - x
    ddy = y1_f - y
    wa = (ddx * ddy)[:, None]
    wb = (ddx * (1.0 - ddy))[:, None]
    wc = ((1.0 - ddx) * ddy)[:, None]
    wd = ((1.0 - ddx) * (1.0 - ddy))[:, None]
    output = wa * Ia + wb * Ib + wc * Ic + wd * Id
    return output.reshape(B, H, W, C)

if __name__ == "__main__":
    import jax
    _d = setup_inputs()
    print(jax.jit(kernel)(*tuple(_d.values())))

</pallas_src>

<mosaic_0001>
#map = affine_map<(d0, d1) -> (0, 0)>
#map1 = affine_map<(d0, d1) -> (0)>
module attributes {stable_mosaic.version = 14 : i64} {
  func.func @_tec_body(%arg0: i32, %arg1: i32, %arg2: memref<294912x96xf32, #tpu.memory_space<hbm>>, %arg3: memref<294912xf32, #tpu.memory_space<hbm>>, %arg4: memref<294912xf32, #tpu.memory_space<hbm>>, %arg5: memref<294912x96xf32, #tpu.memory_space<hbm>>, %arg6: memref<256xf32, #tpu.memory_space<vmem>>, %arg7: memref<256xf32, #tpu.memory_space<vmem>>, %arg8: memref<128xi32, #tpu.memory_space<vmem>>, %arg9: memref<128xi32, #tpu.memory_space<vmem>>, %arg10: memref<128xi32, #tpu.memory_space<vmem>>, %arg11: memref<128xi32, #tpu.memory_space<vmem>>, %arg12: memref<128xi32, #tpu.memory_space<vmem>>, %arg13: memref<128xi32, #tpu.memory_space<vmem>>, %arg14: memref<128xi32, #tpu.memory_space<vmem>>, %arg15: memref<128xi32, #tpu.memory_space<vmem>>, %arg16: memref<128xf32, #tpu.memory_space<vmem>>, %arg17: memref<128xf32, #tpu.memory_space<vmem>>, %arg18: memref<128xf32, #tpu.memory_space<vmem>>, %arg19: memref<128xf32, #tpu.memory_space<vmem>>, %arg20: memref<128xf32, #tpu.memory_space<vmem>>, %arg21: memref<128xf32, #tpu.memory_space<vmem>>, %arg22: memref<128xf32, #tpu.memory_space<vmem>>, %arg23: memref<128xf32, #tpu.memory_space<vmem>>, %arg24: memref<512x96xf32, #tpu.memory_space<vmem>>, %arg25: memref<512x96xf32, #tpu.memory_space<vmem>>, %arg26: memref<128x96xf32, #tpu.memory_space<vmem>>, %arg27: memref<128x96xf32, #tpu.memory_space<vmem>>, %arg28: memref<!tpu.dma_semaphore, #tpu.memory_space<semaphore_mem>>, %arg29: memref<!tpu.dma_semaphore, #tpu.memory_space<semaphore_mem>>, %arg30: memref<!tpu.dma_semaphore, #tpu.memory_space<semaphore_mem>>, %arg31: memref<!tpu.dma_semaphore, #tpu.memory_space<semaphore_mem>>) attributes {dimension_semantics = [#tpu.dimension_semantics<core_parallel>, #tpu.dimension_semantics<subcore_parallel>], iteration_bounds = array<i64: 2, 16>, scalar_prefetch = 0 : i64, scratch_operands = 26 : i64, tpu.core_type = #tpu.core_type<sc_vector_subcore>, window_params = [{transform_indices = #map}, {transform_indices = #map1}, {transform_indices = #map1}, {transform_indices = #map}]} {
    %mul3A = arith.constant 2 : i32
    %mul3A_0 = arith.muli %arg1, %mul3A : i32
    %add3A = arith.addi %mul3A_0, %arg0 : i32
    %mul3A_1 = arith.constant 9216 : i32
    %mul3A_2 = arith.muli %add3A, %mul3A_1 : i32
    %jit3A = arith.constant 16 : i32
    %div3A = arith.divsi %add3A, %jit3A : i32
    %sign3A = arith.constant 0 : i32
    %sign3A_3 = arith.cmpi sgt, %add3A, %sign3A : i32
    %sign3A_4 = arith.extui %sign3A_3 : i1 to i32
    %sign3A_5 = arith.constant 0 : i32
    %sign3A_6 = arith.cmpi slt, %add3A, %sign3A_5 : i32
    %sign3A_7 = arith.extui %sign3A_6 : i1 to i32
    %sign3A_8 = arith.subi %sign3A_4, %sign3A_7 : i32
    %sign3A_9 = arith.constant 0 : i32
    %sign3A_10 = arith.cmpi sgt, %jit3A, %sign3A_9 : i32
    %sign3A_11 = arith.extui %sign3A_10 : i1 to i32
    %sign3A_12 = arith.constant 0 : i32
    %sign3A_13 = arith.cmpi slt, %jit3A, %sign3A_12 : i32
    %sign3A_14 = arith.extui %sign3A_13 : i1 to i32
    %sign3A_15 = arith.subi %sign3A_11, %sign3A_14 : i32
    %ne3A = arith.cmpi ne, %sign3A_8, %sign3A_15 : i32
    %rem3A = arith.remsi %add3A, %jit3A : i32
    %ne3A_16 = arith.constant 0 : i32
    %ne3A_17 = arith.cmpi ne, %rem3A, %ne3A_16 : i32
    %and3A = arith.andi %ne3A, %ne3A_17 : i1
    %sub3A = arith.constant 1 : i32
    %sub3A_18 = arith.subi %div3A, %sub3A : i32
    %select_n3A = arith.select %and3A, %sub3A_18, %div3A : i32
    %jit3A_19 = arith.constant 16 : i32
    %eq3A = arith.constant 0 : i32
    %eq3A_20 = arith.cmpi eq, %jit3A_19, %eq3A : i32
    %jit3A_21 = arith.constant 1 : i32
    %select_n3A_22 = arith.select %eq3A_20, %jit3A_21, %jit3A_19 : i32
    %rem3A_23 = arith.remsi %add3A, %select_n3A_22 : i32
    %ne3A_24 = arith.constant 0 : i32
    %ne3A_25 = arith.cmpi ne, %rem3A_23, %ne3A_24 : i32
    %lt3A = arith.constant 0 : i32
    %lt3A_26 = arith.cmpi slt, %rem3A_23, %lt3A : i32
    %lt3A_27 = arith.constant 0 : i32
    %lt3A_28 = arith.cmpi slt, %select_n3A_22, %lt3A_27 : i32
    %ne3A_29 = arith.xori %lt3A_26, %lt3A_28 : i1
    %and3A_30 = arith.andi %ne3A_29, %ne3A_25 : i1
    %add3A_31 = arith.addi %rem3A_23, %select_n3A_22 : i32
    %select_n3A_32 = arith.select %and3A_30, %add3A_31, %rem3A_23 : i32
    %mul3A_33 = arith.constant 24 : i32
    %mul3A_34 = arith.muli %select_n3A_32, %mul3A_33 : i32
    %iota3A = tpu.iota {dimensions = array<i32: 0>} : vector<16xi32>
    %mul3A_35 = arith.constant 147456 : i32
    %mul3A_36 = arith.muli %select_n3A, %mul3A_35 : i32
    %broadcast_in_dim3A = vector.broadcast %mul3A_36 : i32 to vector<16xi32>
    "tpu.region"() ({
      %run_scoped3A = tpu.sem_alloc : memref<!tpu.dma_semaphore, #tpu.memory_space<semaphore_mem>>
      %dma_start3A_106 = arith.constant 0 : i32
      %dma_start3A_107 = tpu.memref_slice %arg6[%dma_start3A_106] : memref<256xf32, #tpu.memory_space<vmem>> -> memref<128xf32, #tpu.memory_space<vmem>>
      %dma_start3A_108 = tpu.memref_slice %arg3[%mul3A_2] : memref<294912xf32, #tpu.memory_space<hbm>> -> memref<128xf32, #tpu.memory_space<hbm>>
      %dma_start3A_109 = arith.constant 0 : i32
      %dma_start3A_110 = tpu.memref_slice %arg6[%dma_start3A_109] : memref<256xf32, #tpu.memory_space<vmem>> -> memref<128xf32, #tpu.memory_space<vmem>>
      %dma_start3A_111 = tpu.memref_slice %arg3[%mul3A_2] : memref<294912xf32, #tpu.memory_space<hbm>> -> memref<128xf32, #tpu.memory_space<hbm>>
      tpu.enqueue_dma source(%dma_start3A_111 : memref<128xf32, #tpu.memory_space<hbm>>) target(%dma_start3A_110 : memref<128xf32, #tpu.memory_space<vmem>>) target_semaphore(%run_scoped3A : memref<!tpu.dma_semaphore, #tpu.memory_space<semaphore_mem>>)
      %dma_wait3A_112 = arith.constant 0 : i32
      %dma_wait3A_113 = tpu.memref_slice %arg6[%dma_wait3A_112] : memref<256xf32, #tpu.memory_space<vmem>> -> memref<128xf32, #tpu.memory_space<vmem>>
      %dma_wait3A_114 = tpu.memref_slice %arg3[%mul3A_2] : memref<294912xf32, #tpu.memory_space<hbm>> -> memref<128xf32, #tpu.memory_space<hbm>>
      %dma_wait3A_115 = arith.constant 0 : i32
      %dma_wait3A_116 = tpu.memref_slice %arg6[%dma_wait3A_115] : memref<256xf32, #tpu.memory_space<vmem>> -> memref<128xf32, #tpu.memory_space<vmem>>
      %dma_wait3A_117 = tpu.memref_slice %arg3[%mul3A_2] : memref<294912xf32, #tpu.memory_space<hbm>> -> memref<128xf32, #tpu.memory_space<hbm>>
      tpu.wait_dma2 semaphore(%run_scoped3A : memref<!tpu.dma_semaphore, #tpu.memory_space<semaphore_mem>>) src(%dma_wait3A_117 : memref<128xf32, #tpu.memory_space<hbm>>) dst(%dma_wait3A_116 : memref<128xf32, #tpu.memory_space<vmem>>)
      tpu.yield
    }) : () -> ()
    "tpu.region"() ({
      %run_scoped3A = tpu.sem_alloc : memref<!tpu.dma_semaphore, #tpu.memory_space<semaphore_mem>>
      %dma_start3A_106 = arith.constant 128 : i32
      %dma_start3A_107 = tpu.memref_slice %arg6[%dma_start3A_106] : memref<256xf32, #tpu.memory_space<vmem>> -> memref<128xf32, #tpu.memory_space<vmem>>
      %dma_start3A_108 = tpu.memref_slice %arg4[%mul3A_2] : memref<294912xf32, #tpu.memory_space<hbm>> -> memref<128xf32, #tpu.memory_space<hbm>>
      %dma_start3A_109 = arith.constant 128 : i32
      %dma_start3A_110 = tpu.memref_slice %arg6[%dma_start3A_109] : memref<256xf32, #tpu.memory_space<vmem>> -> memref<128xf32, #tpu.memory_space<vmem>>
      %dma_start3A_111 = tpu.memref_slice %arg4[%mul3A_2] : memref<294912xf32, #tpu.memory_space<hbm>> -> memref<128xf32, #tpu.memory_space<hbm>>
      tpu.enqueue_dma source(%dma_start3A_111 : memref<128xf32, #tpu.memory_space<hbm>>) target(%dma_start3A_110 : memref<128xf32, #tpu.memory_space<vmem>>) target_semaphore(%run_scoped3A : memref<!tpu.dma_semaphore, #tpu.memory_space<semaphore_mem>>)
      %dma_wait3A_112 = arith.constant 128 : i32
      %dma_wait3A_113 = tpu.memref_slice %arg6[%dma_wait3A_112] : memref<256xf32, #tpu.memory_space<vmem>> -> memref<128xf32, #tpu.memory_space<vmem>>
      %dma_wait3A_114 = tpu.memref_slice %arg4[%mul3A_2] : memref<294912xf32, #tpu.memory_space<hbm>> -> memref<128xf32, #tpu.memory_space<hbm>>
      %dma_wait3A_115 = arith.constant 128 : i32
      %dma_wait3A_116 = tpu.memref_slice %arg6[%dma_wait3A_115] : memref<256xf32, #tpu.memory_space<vmem>> -> memref<128xf32, #tpu.memory_space<vmem>>
      %dma_wait3A_117 = tpu.memref_slice %arg4[%mul3A_2] : memref<294912xf32, #tpu.memory_space<hbm>> -> memref<128xf32, #tpu.memory_space<hbm>>
      tpu.wait_dma2 semaphore(%run_scoped3A : memref<!tpu.dma_semaphore, #tpu.memory_space<semaphore_mem>>) src(%dma_wait3A_117 : memref<128xf32, #tpu.memory_space<hbm>>) dst(%dma_wait3A_116 : memref<128xf32, #tpu.memory_space<vmem>>)
      tpu.yield
    }) : () -> ()
    %add3A_37 = arith.constant 128 : i32
    %add3A_38 = arith.addi %mul3A_2, %add3A_37 : i32
    "tpu.region"() ({
      %run_scoped3A = tpu.sem_alloc : memref<!tpu.dma_semaphore, #tpu.memory_space<semaphore_mem>>
      %dma_start3A_106 = arith.constant 0 : i32
      %dma_start3A_107 = tpu.memref_slice %arg7[%dma_start3A_106] : memref<256xf32, #tpu.memory_space<vmem>> -> memref<128xf32, #tpu.memory_space<vmem>>
      %dma_start3A_108 = tpu.memref_slice %arg3[%add3A_38] : memref<294912xf32, #tpu.memory_space<hbm>> -> memref<128xf32, #tpu.memory_space<hbm>>
      %dma_start3A_109 = arith.constant 0 : i32
      %dma_start3A_110 = tpu.memref_slice %arg7[%dma_start3A_109] : memref<256xf32, #tpu.memory_space<vmem>> -> memref<128xf32, #tpu.memory_space<vmem>>
      %dma_start3A_111 = tpu.memref_slice %arg3[%add3A_38] : memref<294912xf32, #tpu.memory_space<hbm>> -> memref<128xf32, #tpu.memory_space<hbm>>
      tpu.enqueue_dma source(%dma_start3A_111 : memref<128xf32, #tpu.memory_space<hbm>>) target(%dma_start3A_110 : memref<128xf32, #tpu.memory_space<vmem>>) target_semaphore(%run_scoped3A : memref<!tpu.dma_semaphore, #tpu.memory_space<semaphore_mem>>)
      %dma_wait3A_112 = arith.constant 0 : i32
      %dma_wait3A_113 = tpu.memref_slice %arg7[%dma_wait3A_112] : memref<256xf32, #tpu.memory_space<vmem>> -> memref<128xf32, #tpu.memory_space<vmem>>
      %dma_wait3A_114 = tpu.memref_slice %arg3[%add3A_38] : memref<294912xf32, #tpu.memory_space<hbm>> -> memref<128xf32, #tpu.memory_space<hbm>>
      %dma_wait3A_115 = arith.constant 0 : i32
      %dma_wait3A_116 = tpu.memref_slice %arg7[%dma_wait3A_115] : memref<256xf32, #tpu.memory_space<vmem>> -> memref<128xf32, #tpu.memory_space<vmem>>
      %dma_wait3A_117 = tpu.memref_slice %arg3[%add3A_38] : memref<294912xf32, #tpu.memory_space<hbm>> -> memref<128xf32, #tpu.memory_space<hbm>>
      tpu.wait_dma2 semaphore(%run_scoped3A : memref<!tpu.dma_semaphore, #tpu.memory_space<semaphore_mem>>) src(%dma_wait3A_117 : memref<128xf32, #tpu.memory_space<hbm>>) dst(%dma_wait3A_116 : memref<128xf32, #tpu.memory_space<vmem>>)
      tpu.yield
    }) : () -> ()
    %add3A_39 = arith.constant 128 : i32
    %add3A_40 = arith.addi %mul3A_2, %add3A_39 : i32
    "tpu.region"() ({
      %run_scoped3A = tpu.sem_alloc : memref<!tpu.dma_semaphore, #tpu.memory_space<semaphore_mem>>
      %dma_start3A_106 = arith.constant 128 : i32
      %dma_start3A_107 = tpu.memref_slice %arg7[%dma_start3A_106] : memref<256xf32, #tpu.memory_space<vmem>> -> memref<128xf32, #tpu.memory_space<vmem>>
      %dma_start3A_108 = tpu.memref_slice %arg4[%add3A_40] : memref<294912xf32, #tpu.memory_space<hbm>> -> memref<128xf32, #tpu.memory_space<hbm>>
      %dma_start3A_109 = arith.constant 128 : i32
      %dma_start3A_110 = tpu.memref_slice %arg7[%dma_start3A_109] : memref<256xf32, #tpu.memory_space<vmem>> -> memref<128xf32, #tpu.memory_space<vmem>>
      %dma_start3A_111 = tpu.memref_slice %arg4[%add3A_40] : memref<294912xf32, #tpu.memory_space<hbm>> -> memref<128xf32, #tpu.memory_space<hbm>>
      tpu.enqueue_dma source(%dma_start3A_111 : memref<128xf32, #tpu.memory_space<hbm>>) target(%dma_start3A_110 : memref<128xf32, #tpu.memory_space<vmem>>) target_semaphore(%run_scoped3A : memref<!tpu.dma_semaphore, #tpu.memory_space<semaphore_mem>>)
      %dma_wait3A_112 = arith.constant 128 : i32
      %dma_wait3A_113 = tpu.memref_slice %arg7[%dma_wait3A_112] : memref<256xf32, #tpu.memory_space<vmem>> -> memref<128xf32, #tpu.memory_space<vmem>>
      %dma_wait3A_114 = tpu.memref_slice %arg4[%add3A_40] : memref<294912xf32, #tpu.memory_space<hbm>> -> memref<128xf32, #tpu.memory_space<hbm>>
      %dma_wait3A_115 = arith.constant 128 : i32
      %dma_wait3A_116 = tpu.memref_slice %arg7[%dma_wait3A_115] : memref<256xf32, #tpu.memory_space<vmem>> -> memref<128xf32, #tpu.memory_space<vmem>>
      %dma_wait3A_117 = tpu.memref_slice %arg4[%add3A_40] : memref<294912xf32, #tpu.memory_space<hbm>> -> memref<128xf32, #tpu.memory_space<hbm>>
      tpu.wait_dma2 semaphore(%run_scoped3A : memref<!tpu.dma_semaphore, #tpu.memory_space<semaphore_mem>>) src(%dma_wait3A_117 : memref<128xf32, #tpu.memory_space<hbm>>) dst(%dma_wait3A_116 : memref<128xf32, #tpu.memory_space<vmem>>)
      tpu.yield
    }) : () -> ()
    %add3A_41 = arith.constant 0 : i32
    %add3A_42 = arith.addi %mul3A_34, %add3A_41 : i32
    %broadcast_in_dim3A_43 = vector.broadcast %add3A_42 : i32 to vector<16xi32>
    %convert_element_type3A = arith.sitofp %broadcast_in_dim3A_43 : vector<16xi32> to vector<16xf32>
    %scan3A = arith.constant 0 : i32
    %scan3A_44 = arith.constant 0 : i32
    %scan3A_45 = arith.constant 8 : i32
    %scan3A_46 = arith.addi %scan3A_44, %scan3A_45 : i32
    %scan3A_47 = arith.constant 1 : i32
    scf.for %scan3A_106 = %scan3A_44 to %scan3A_46 step %scan3A_47  : i32 {
      %mul3A_107 = arith.constant 16 : i32
      %mul3A_108 = arith.muli %scan3A_106, %mul3A_107 : i32
      %broadcast_in_dim3A_109 = arith.constant 0 : i32
      %broadcast_in_dim3A_110 = vector.broadcast %broadcast_in_dim3A_109 : i32 to vector<16xi32>
      %mul3A_111 = arith.constant 16 : i32
      %mul3A_112 = arith.muli %scan3A_106, %mul3A_111 : i32
      %add3A_113 = vector.broadcast %mul3A_112 : i32 to vector<16xi32>
      %add3A_114 = arith.addi %broadcast_in_dim3A_110, %add3A_113 : vector<16xi32>
      %add3A_115 = arith.addi %add3A_114, %iota3A : vector<16xi32>
      %mul3A_116 = arith.constant 16 : i32
      %mul3A_117 = arith.muli %scan3A_106, %mul3A_116 : i32
      %get3A = arith.index_cast %mul3A_117 : i32 to index
      %get3A_118 = tpu.vector_load %arg6[%get3A] {strides = array<i32>} : memref<256xf32, #tpu.memory_space<vmem>>, vector<16xf32>,
      %mul3A_119 = arith.constant 16 : i32
      %mul3A_120 = arith.muli %scan3A_106, %mul3A_119 : i32
      %add3A_121 = arith.constant 128 : i32
      %add3A_122 = arith.addi %add3A_121, %mul3A_120 : i32
      %get3A_123 = arith.index_cast %add3A_122 : i32 to index
      %get3A_124 = tpu.vector_load %arg6[%get3A_123] {strides = array<i32>} : memref<256xf32, #tpu.memory_space<vmem>>, vector<16xf32>,
      %convert_element_type3A_125 = arith.sitofp %add3A_115 : vector<16xi32> to vector<16xf32>
      %add3A_126 = arith.addf %get3A_118, %convert_element_type3A_125 : vector<16xf32>
      %add3A_127 = arith.constant 1.000000e+00 : f32
      %add3A_128 = vector.broadcast %add3A_127 : f32 to vector<16xf32>
      %add3A_129 = arith.addf %add3A_126, %add3A_128 : vector<16xf32>
      %add3A_130 = arith.addf %get3A_124, %convert_element_type3A : vector<16xf32>
      %add3A_131 = arith.constant 1.000000e+00 : f32
      %add3A_132 = vector.broadcast %add3A_131 : f32 to vector<16xf32>
      %add3A_133 = arith.addf %add3A_130, %add3A_132 : vector<16xf32>
      %convert_element_type3A_134 = arith.fptosi %add3A_129 : vector<16xf32> to vector<16xi32>
      %convert_element_type3A_135 = arith.sitofp %convert_element_type3A_134 : vector<16xi32> to vector<16xf32>
      %gt3A = arith.cmpf ogt, %convert_element_type3A_135, %add3A_129 : vector<16xf32>
      %sub3A_136 = arith.constant 1 : i32
      %sub3A_137 = vector.broadcast %sub3A_136 : i32 to vector<16xi32>
      %sub3A_138 = arith.subi %convert_element_type3A_134, %sub3A_137 : vector<16xi32>
      %select_n3A_139 = arith.select %gt3A, %sub3A_138, %convert_element_type3A_134 : vector<16xi1>, vector<16xi32>
      %convert_element_type3A_140 = arith.fptosi %add3A_133 : vector<16xf32> to vector<16xi32>
      %convert_element_type3A_141 = arith.sitofp %convert_element_type3A_140 : vector<16xi32> to vector<16xf32>
      %gt3A_142 = arith.cmpf ogt, %convert_element_type3A_141, %add3A_133 : vector<16xf32>
      %sub3A_143 = arith.constant 1 : i32
      %sub3A_144 = vector.broadcast %sub3A_143 : i32 to vector<16xi32>
      %sub3A_145 = arith.subi %convert_element_type3A_140, %sub3A_144 : vector<16xi32>
      %select_n3A_146 = arith.select %gt3A_142, %sub3A_145, %convert_element_type3A_140 : vector<16xi1>, vector<16xi32>
      %jit3A_147 = arith.constant 0 : i32
      %jit3A_148 = arith.constant 385 : i32
      %max3A = vector.broadcast %jit3A_147 : i32 to vector<16xi32>
      %max3A_149 = arith.maxsi %max3A, %select_n3A_139 : vector<16xi32>
      %min3A_150 = vector.broadcast %jit3A_148 : i32 to vector<16xi32>
      %min3A_151 = arith.minsi %min3A_150, %max3A_149 : vector<16xi32>
      %add3A_152 = arith.constant 1 : i32
      %add3A_153 = vector.broadcast %add3A_152 : i32 to vector<16xi32>
      %add3A_154 = arith.addi %select_n3A_139, %add3A_153 : vector<16xi32>
      %jit3A_155 = arith.constant 0 : i32
      %jit3A_156 = arith.constant 385 : i32
      %max3A_157 = vector.broadcast %jit3A_155 : i32 to vector<16xi32>
      %max3A_158 = arith.maxsi %max3A_157, %add3A_154 : vector<16xi32>
      %min3A_159 = vector.broadcast %jit3A_156 : i32 to vector<16xi32>
      %min3A_160 = arith.minsi %min3A_159, %max3A_158 : vector<16xi32>
      %jit3A_161 = arith.constant 0 : i32
      %jit3A_162 = arith.constant 385 : i32
      %max3A_163 = vector.broadcast %jit3A_161 : i32 to vector<16xi32>
      %max3A_164 = arith.maxsi %max3A_163, %select_n3A_146 : vector<16xi32>
      %min3A_165 = vector.broadcast %jit3A_162 : i32 to vector<16xi32>
      %min3A_166 = arith.minsi %min3A_165, %max3A_164 : vector<16xi32>
      %add3A_167 = arith.constant 1 : i32
      %add3A_168 = vector.broadcast %add3A_167 : i32 to vector<16xi32>
      %add3A_169 = arith.addi %select_n3A_146, %add3A_168 : vector<16xi32>
      %jit3A_170 = arith.constant 0 : i32
      %jit3A_171 = arith.constant 385 : i32
      %max3A_172 = vector.broadcast %jit3A_170 : i32 to vector<16xi32>
      %max3A_173 = arith.maxsi %max3A_172, %add3A_169 : vector<16xi32>
      %min3A_174 = vector.broadcast %jit3A_171 : i32 to vector<16xi32>
      %min3A_175 = arith.minsi %min3A_174, %max3A_173 : vector<16xi32>
      %convert_element_type3A_176 = arith.sitofp %min3A_160 : vector<16xi32> to vector<16xf32>
      %sub3A_177 = arith.subf %convert_element_type3A_176, %add3A_129 : vector<16xf32>
      %convert_element_type3A_178 = arith.sitofp %min3A_175 : vector<16xi32> to vector<16xf32>
      %sub3A_179 = arith.subf %convert_element_type3A_178, %add3A_133 : vector<16xf32>
      %sub3A_180 = arith.constant 1.000000e+00 : f32
      %sub3A_181 = vector.broadcast %sub3A_180 : f32 to vector<16xf32>
      %sub3A_182 = arith.subf %sub3A_181, %sub3A_177 : vector<16xf32>
      %sub3A_183 = arith.constant 1.000000e+00 : f32
      %sub3A_184 = vector.broadcast %sub3A_183 : f32 to vector<16xf32>
      %sub3A_185 = arith.subf %sub3A_184, %sub3A_179 : vector<16xf32>
      %mul3A_186 = arith.mulf %sub3A_177, %sub3A_179 : vector<16xf32>
      %mul3A_187 = arith.mulf %sub3A_177, %sub3A_185 : vector<16xf32>
      %mul3A_188 = arith.mulf %sub3A_182, %sub3A_179 : vector<16xf32>
      %mul3A_189 = arith.mulf %sub3A_182, %sub3A_185 : vector<16xf32>
      %ge3A = arith.constant 1 : i32
      %ge3A_190 = vector.broadcast %ge3A : i32 to vector<16xi32>
      %ge3A_191 = arith.cmpi sge, %min3A_151, %ge3A_190 : vector<16xi32>
      %le3A = arith.constant 384 : i32
      %le3A_192 = vector.broadcast %le3A : i32 to vector<16xi32>
      %le3A_193 = arith.cmpi sle, %min3A_151, %le3A_192 : vector<16xi32>
      %and3A_194 = arith.andi %ge3A_191, %le3A_193 : vector<16xi1>
      %ge3A_195 = arith.constant 1 : i32
      %ge3A_196 = vector.broadcast %ge3A_195 : i32 to vector<16xi32>
      %ge3A_197 = arith.cmpi sge, %min3A_160, %ge3A_196 : vector<16xi32>
      %le3A_198 = arith.constant 384 : i32
      %le3A_199 = vector.broadcast %le3A_198 : i32 to vector<16xi32>
      %le3A_200 = arith.cmpi sle, %min3A_160, %le3A_199 : vector<16xi32>
      %and3A_201 = arith.andi %ge3A_197, %le3A_200 : vector<16xi1>
      %ge3A_202 = arith.constant 1 : i32
      %ge3A_203 = vector.broadcast %ge3A_202 : i32 to vector<16xi32>
      %ge3A_204 = arith.cmpi sge, %min3A_166, %ge3A_203 : vector<16xi32>
      %le3A_205 = arith.constant 384 : i32
      %le3A_206 = vector.broadcast %le3A_205 : i32 to vector<16xi32>
      %le3A_207 = arith.cmpi sle, %min3A_166, %le3A_206 : vector<16xi32>
      %and3A_208 = arith.andi %ge3A_204, %le3A_207 : vector<16xi1>
      %ge3A_209 = arith.constant 1 : i32
      %ge3A_210 = vector.broadcast %ge3A_209 : i32 to vector<16xi32>
      %ge3A_211 = arith.cmpi sge, %min3A_175, %ge3A_210 : vector<16xi32>
      %le3A_212 = arith.constant 384 : i32
      %le3A_213 = vector.broadcast %le3A_212 : i32 to vector<16xi32>
      %le3A_214 = arith.cmpi sle, %min3A_175, %le3A_213 : vector<16xi32>
      %and3A_215 = arith.andi %ge3A_211, %le3A_214 : vector<16xi1>
      %broadcast_in_dim3A_216 = arith.constant 0.000000e+00 : f32
      %broadcast_in_dim3A_217 = vector.broadcast %broadcast_in_dim3A_216 : f32 to vector<16xf32>
      %and3A_218 = arith.andi %and3A_208, %and3A_194 : vector<16xi1>
      %select_n3A_219 = arith.select %and3A_218, %mul3A_186, %broadcast_in_dim3A_217 : vector<16xi1>, vector<16xf32>
      %and3A_220 = arith.andi %and3A_215, %and3A_194 : vector<16xi1>
      %select_n3A_221 = arith.select %and3A_220, %mul3A_187, %broadcast_in_dim3A_217 : vector<16xi1>, vector<16xf32>
      %and3A_222 = arith.andi %and3A_208, %and3A_201 : vector<16xi1>
      %select_n3A_223 = arith.select %and3A_222, %mul3A_188, %broadcast_in_dim3A_217 : vector<16xi1>, vector<16xf32>
      %and3A_224 = arith.andi %and3A_215, %and3A_201 : vector<16xi1>
      %select_n3A_225 = arith.select %and3A_224, %mul3A_189, %broadcast_in_dim3A_217 : vector<16xi1>, vector<16xf32>
      %sub3A_226 = arith.constant 1 : i32
      %sub3A_227 = vector.broadcast %sub3A_226 : i32 to vector<16xi32>
      %sub3A_228 = arith.subi %min3A_151, %sub3A_227 : vector<16xi32>
      %jit3A_229 = arith.constant 0 : i32
      %jit3A_230 = arith.constant 383 : i32
      %max3A_231 = vector.broadcast %jit3A_229 : i32 to vector<16xi32>
      %max3A_232 = arith.maxsi %max3A_231, %sub3A_228 : vector<16xi32>
      %min3A_233 = vector.broadcast %jit3A_230 : i32 to vector<16xi32>
      %min3A_234 = arith.minsi %min3A_233, %max3A_232 : vector<16xi32>
      %sub3A_235 = arith.constant 1 : i32
      %sub3A_236 = vector.broadcast %sub3A_235 : i32 to vector<16xi32>
      %sub3A_237 = arith.subi %min3A_160, %sub3A_236 : vector<16xi32>
      %jit3A_238 = arith.constant 0 : i32
      %jit3A_239 = arith.constant 383 : i32
      %max3A_240 = vector.broadcast %jit3A_238 : i32 to vector<16xi32>
      %max3A_241 = arith.maxsi %max3A_240, %sub3A_237 : vector<16xi32>
      %min3A_242 = vector.broadcast %jit3A_239 : i32 to vector<16xi32>
      %min3A_243 = arith.minsi %min3A_242, %max3A_241 : vector<16xi32>
      %sub3A_244 = arith.constant 1 : i32
      %sub3A_245 = vector.broadcast %sub3A_244 : i32 to vector<16xi32>
      %sub3A_246 = arith.subi %min3A_166, %sub3A_245 : vector<16xi32>
      %jit3A_247 = arith.constant 0 : i32
      %jit3A_248 = arith.constant 383 : i32
      %max3A_249 = vector.broadcast %jit3A_247 : i32 to vector<16xi32>
      %max3A_250 = arith.maxsi %max3A_249, %sub3A_246 : vector<16xi32>
      %min3A_251 = vector.broadcast %jit3A_248 : i32 to vector<16xi32>
      %min3A_252 = arith.minsi %min3A_251, %max3A_250 : vector<16xi32>
      %sub3A_253 = arith.constant 1 : i32
      %sub3A_254 = vector.broadcast %sub3A_253 : i32 to vector<16xi32>
      %sub3A_255 = arith.subi %min3A_175, %sub3A_254 : vector<16xi32>
      %jit3A_256 = arith.constant 0 : i32
      %jit3A_257 = arith.constant 383 : i32
      %max3A_258 = vector.broadcast %jit3A_256 : i32 to vector<16xi32>
      %max3A_259 = arith.maxsi %max3A_258, %sub3A_255 : vector<16xi32>
      %min3A_260 = vector.broadcast %jit3A_257 : i32 to vector<16xi32>
      %min3A_261 = arith.minsi %min3A_260, %max3A_259 : vector<16xi32>
      %mul3A_262 = arith.constant 384 : i32
      %mul3A_263 = vector.broadcast %mul3A_262 : i32 to vector<16xi32>
      %mul3A_264 = arith.muli %min3A_252, %mul3A_263 : vector<16xi32>
      %add3A_265 = arith.addi %broadcast_in_dim3A, %mul3A_264 : vector<16xi32>
      %add3A_266 = arith.addi %add3A_265, %min3A_234 : vector<16xi32>
      %swap3A = arith.index_cast %mul3A_108 : i32 to index
      %swap3A_267 = tpu.vector_load %arg8[%swap3A] {strides = array<i32>} : memref<128xi32, #tpu.memory_space<vmem>>, vector<16xi32>,
      tpu.vector_store %arg8[%swap3A], %add3A_266 {strides = array<i32>} : memref<128xi32, #tpu.memory_space<vmem>>, vector<16xi32>,
      %mul3A_268 = arith.constant 384 : i32
      %mul3A_269 = vector.broadcast %mul3A_268 : i32 to vector<16xi32>
      %mul3A_270 = arith.muli %min3A_261, %mul3A_269 : vector<16xi32>
      %add3A_271 = arith.addi %broadcast_in_dim3A, %mul3A_270 : vector<16xi32>
      %add3A_272 = arith.addi %add3A_271, %min3A_234 : vector<16xi32>
      %swap3A_273 = arith.index_cast %mul3A_108 : i32 to index
      %swap3A_274 = tpu.vector_load %arg9[%swap3A_273] {strides = array<i32>} : memref<128xi32, #tpu.memory_space<vmem>>, vector<16xi32>,
      tpu.vector_store %arg9[%swap3A_273], %add3A_272 {strides = array<i32>} : memref<128xi32, #tpu.memory_space<vmem>>, vector<16xi32>,
      %mul3A_275 = arith.constant 384 : i32
      %mul3A_276 = vector.broadcast %mul3A_275 : i32 to vector<16xi32>
      %mul3A_277 = arith.muli %min3A_252, %mul3A_276 : vector<16xi32>
      %add3A_278 = arith.addi %broadcast_in_dim3A, %mul3A_277 : vector<16xi32>
      %add3A_279 = arith.addi %add3A_278, %min3A_243 : vector<16xi32>
      %swap3A_280 = arith.index_cast %mul3A_108 : i32 to index
      %swap3A_281 = tpu.vector_load %arg10[%swap3A_280] {strides = array<i32>} : memref<128xi32, #tpu.memory_space<vmem>>, vector<16xi32>,
      tpu.vector_store %arg10[%swap3A_280], %add3A_279 {strides = array<i32>} : memref<128xi32, #tpu.memory_space<vmem>>, vector<16xi32>,
      %mul3A_282 = arith.constant 384 : i32
      %mul3A_283 = vector.broadcast %mul3A_282 : i32 to vector<16xi32>
      %mul3A_284 = arith.muli %min3A_261, %mul3A_283 : vector<16xi32>
      %add3A_285 = arith.addi %broadcast_in_dim3A, %mul3A_284 : vector<16xi32>
      %add3A_286 = arith.addi %add3A_285, %min3A_243 : vector<16xi32>
      %swap3A_287 = arith.index_cast %mul3A_108 : i32 to index
      %swap3A_288 = tpu.vector_load %arg11[%swap3A_287] {strides = array<i32>} : memref<128xi32, #tpu.memory_space<vmem>>, vector<16xi32>,
      tpu.vector_store %arg11[%swap3A_287], %add3A_286 {strides = array<i32>} : memref<128xi32, #tpu.memory_space<vmem>>, vector<16xi32>,
      %swap3A_289 = arith.index_cast %mul3A_108 : i32 to index
      %swap3A_290 = tpu.vector_load %arg16[%swap3A_289] {strides = array<i32>} : memref<128xf32, #tpu.memory_space<vmem>>, vector<16xf32>,
      tpu.vector_store %arg16[%swap3A_289], %select_n3A_219 {strides = array<i32>} : memref<128xf32, #tpu.memory_space<vmem>>, vector<16xf32>,
      %swap3A_291 = arith.index_cast %mul3A_108 : i32 to index
      %swap3A_292 = tpu.vector_load %arg17[%swap3A_291] {strides = array<i32>} : memref<128xf32, #tpu.memory_space<vmem>>, vector<16xf32>,
      tpu.vector_store %arg17[%swap3A_291], %select_n3A_221 {strides = array<i32>} : memref<128xf32, #tpu.memory_space<vmem>>, vector<16xf32>,
      %swap3A_293 = arith.index_cast %mul3A_108 : i32 to index
      %swap3A_294 = tpu.vector_load %arg18[%swap3A_293] {strides = array<i32>} : memref<128xf32, #tpu.memory_space<vmem>>, vector<16xf32>,
      tpu.vector_store %arg18[%swap3A_293], %select_n3A_223 {strides = array<i32>} : memref<128xf32, #tpu.memory_space<vmem>>, vector<16xf32>,
      %swap3A_295 = arith.index_cast %mul3A_108 : i32 to index
      %swap3A_296 = tpu.vector_load %arg19[%swap3A_295] {strides = array<i32>} : memref<128xf32, #tpu.memory_space<vmem>>, vector<16xf32>,
      tpu.vector_store %arg19[%swap3A_295], %select_n3A_225 {strides = array<i32>} : memref<128xf32, #tpu.memory_space<vmem>>, vector<16xf32>,
    }
    %scan3A_48 = arith.constant 8 : i32
    %dma_start3A = arith.constant 0 : i32
    %dma_start3A_49 = arith.constant 0 : i32
    %dma_start3A_50 = tpu.memref_slice %arg24[%dma_start3A, %dma_start3A_49] : memref<512x96xf32, #tpu.memory_space<vmem>> -> memref<128x96xf32, #tpu.memory_space<vmem>>
    %dma_start3A_51 = arith.constant 0 : i32
    %dma_start3A_52 = arith.constant 0 : i32
    %dma_start3A_53 = tpu.memref_slice %arg2[%dma_start3A_51, %dma_start3A_52] : memref<294912x96xf32, #tpu.memory_space<hbm>> -> memref<294912x96xf32, #tpu.memory_space<hbm>>
    tpu.enqueue_indirect_dma source(%dma_start3A_53 : memref<294912x96xf32, #tpu.memory_space<hbm>>) target(%dma_start3A_50 : memref<128x96xf32, #tpu.memory_space<vmem>>) offsets(%arg8 : memref<128xi32, #tpu.memory_space<vmem>>) semaphore(%arg28 : memref<!tpu.dma_semaphore, #tpu.memory_space<semaphore_mem>>)
    %dma_start3A_54 = arith.constant 128 : i32
    %dma_start3A_55 = arith.constant 0 : i32
    %dma_start3A_56 = tpu.memref_slice %arg24[%dma_start3A_54, %dma_start3A_55] : memref<512x96xf32, #tpu.memory_space<vmem>> -> memref<128x96xf32, #tpu.memory_space<vmem>>
    %dma_start3A_57 = arith.constant 0 : i32
    %dma_start3A_58 = arith.constant 0 : i32
    %dma_start3A_59 = tpu.memref_slice %arg2[%dma_start3A_57, %dma_start3A_58] : memref<294912x96xf32, #tpu.memory_space<hbm>> -> memref<294912x96xf32, #tpu.memory_space<hbm>>
    tpu.enqueue_indirect_dma source(%dma_start3A_59 : memref<294912x96xf32, #tpu.memory_space<hbm>>) target(%dma_start3A_56 : memref<128x96xf32, #tpu.memory_space<vmem>>) offsets(%arg9 : memref<128xi32, #tpu.memory_space<vmem>>) semaphore(%arg28 : memref<!tpu.dma_semaphore, #tpu.memory_space<semaphore_mem>>)
    %dma_start3A_60 = arith.constant 256 : i32
    %dma_start3A_61 = arith.constant 0 : i32
    %dma_start3A_62 = tpu.memref_slice %arg24[%dma_start3A_60, %dma_start3A_61] : memref<512x96xf32, #tpu.memory_space<vmem>> -> memref<128x96xf32, #tpu.memory_space<vmem>>
    %dma_start3A_63 = arith.constant 0 : i32
    %dma_start3A_64 = arith.constant 0 : i32
    %dma_start3A_65 = tpu.memref_slice %arg2[%dma_start3A_63, %dma_start3A_64] : memref<294912x96xf32, #tpu.memory_space<hbm>> -> memref<294912x96xf32, #tpu.memory_space<hbm>>
    tpu.enqueue_indirect_dma source(%dma_start3A_65 : memref<294912x96xf32, #tpu.memory_space<hbm>>) target(%dma_start3A_62 : memref<128x96xf32, #tpu.memory_space<vmem>>) offsets(%arg10 : memref<128xi32, #tpu.memory_space<vmem>>) semaphore(%arg28 : memref<!tpu.dma_semaphore, #tpu.memory_space<semaphore_mem>>)
    %dma_start3A_66 = arith.constant 384 : i32
    %dma_start3A_67 = arith.constant 0 : i32
    %dma_start3A_68 = tpu.memref_slice %arg24[%dma_start3A_66, %dma_start3A_67] : memref<512x96xf32, #tpu.memory_space<vmem>> -> memref<128x96xf32, #tpu.memory_space<vmem>>
    %dma_start3A_69 = arith.constant 0 : i32
    %dma_start3A_70 = arith.constant 0 : i32
    %dma_start3A_71 = tpu.memref_slice %arg2[%dma_start3A_69, %dma_start3A_70] : memref<294912x96xf32, #tpu.memory_space<hbm>> -> memref<294912x96xf32, #tpu.memory_space<hbm>>
    tpu.enqueue_indirect_dma source(%dma_start3A_71 : memref<294912x96xf32, #tpu.memory_space<hbm>>) target(%dma_start3A_68 : memref<128x96xf32, #tpu.memory_space<vmem>>) offsets(%arg11 : memref<128xi32, #tpu.memory_space<vmem>>) semaphore(%arg28 : memref<!tpu.dma_semaphore, #tpu.memory_space<semaphore_mem>>)
    %min3A = arith.constant 2 : i32
    %min3A_72 = arith.constant 71 : i32
    %min3A_73 = arith.minsi %min3A, %min3A_72 : i32
    %mul3A_74 = arith.constant 128 : i32
    %mul3A_75 = arith.muli %min3A_73, %mul3A_74 : i32
    %add3A_76 = arith.addi %mul3A_2, %mul3A_75 : i32
    %dma_start3A_77 = arith.constant 0 : i32
    %dma_start3A_78 = tpu.memref_slice %arg6[%dma_start3A_77] : memref<256xf32, #tpu.memory_space<vmem>> -> memref<128xf32, #tpu.memory_space<vmem>>
    %dma_start3A_79 = tpu.memref_slice %arg3[%add3A_76] : memref<294912xf32, #tpu.memory_space<hbm>> -> memref<128xf32, #tpu.memory_space<hbm>>
    %dma_start3A_80 = arith.constant 0 : i32
    %dma_start3A_81 = tpu.memref_slice %arg6[%dma_start3A_80] : memref<256xf32, #tpu.memory_space<vmem>> -> memref<128xf32, #tpu.memory_space<vmem>>
    %dma_start3A_82 = tpu.memref_slice %arg3[%add3A_76] : memref<294912xf32, #tpu.memory_space<hbm>> -> memref<128xf32, #tpu.memory_space<hbm>>
    tpu.enqueue_dma source(%dma_start3A_82 : memref<128xf32, #tpu.memory_space<hbm>>) target(%dma_start3A_81 : memref<128xf32, #tpu.memory_space<vmem>>) target_semaphore(%arg28 : memref<!tpu.dma_semaphore, #tpu.memory_space<semaphore_mem>>)
    %dma_start3A_83 = arith.constant 128 : i32
    %dma_start3A_84 = tpu.memref_slice %arg6[%dma_start3A_83] : memref<256xf32, #tpu.memory_space<vmem>> -> memref<128xf32, #tpu.memory_space<vmem>>
    %dma_start3A_85 = tpu.memref_slice %arg4[%add3A_76] : memref<294912xf32, #tpu.memory_space<hbm>> -> memref<128xf32, #tpu.memory_space<hbm>>
    %dma_start3A_86 = arith.constant 128 : i32
    %dma_start3A_87 = tpu.memref_slice %arg6[%dma_start3A_86] : memref<256xf32, #tpu.memory_space<vmem>> -> memref<128xf32, #tpu.memory_space<vmem>>
    %dma_start3A_88 = tpu.memref_slice %arg4[%add3A_76] : memref<294912xf32, #tpu.memory_space<hbm>> -> memref<128xf32, #tpu.memory_space<hbm>>
    tpu.enqueue_dma source(%dma_start3A_88 : memref<128xf32, #tpu.memory_space<hbm>>) target(%dma_start3A_87 : memref<128xf32, #tpu.memory_space<vmem>>) target_semaphore(%arg28 : memref<!tpu.dma_semaphore, #tpu.memory_space<semaphore_mem>>)
    %scan3A_89 = arith.constant 0 : i32
    %scan3A_90 = arith.constant 0 : i32
    %scan3A_91 = arith.constant 36 : i32
    %scan3A_92 = arith.addi %scan3A_90, %scan3A_91 : i32
    %scan3A_93 = arith.constant 1 : i32
    scf.for %scan3A_106 = %scan3A_90 to %scan3A_92 step %scan3A_93  : i32 {
      %mul3A_107 = arith.constant 2 : i32
      %mul3A_108 = arith.muli %mul3A_107, %scan3A_106 : i32
      %add3A_109 = arith.constant 1 : i32
      %add3A_110 = arith.addi %mul3A_108, %add3A_109 : i32
      %jit3A_111 = arith.constant 3 : i32
      %div3A_112 = arith.divsi %add3A_110, %jit3A_111 : i32
      %sign3A_113 = arith.constant 0 : i32
      %sign3A_114 = arith.cmpi sgt, %add3A_110, %sign3A_113 : i32
      %sign3A_115 = arith.extui %sign3A_114 : i1 to i32
      %sign3A_116 = arith.constant 0 : i32
      %sign3A_117 = arith.cmpi slt, %add3A_110, %sign3A_116 : i32
      %sign3A_118 = arith.extui %sign3A_117 : i1 to i32
      %sign3A_119 = arith.subi %sign3A_115, %sign3A_118 : i32
      %sign3A_120 = arith.constant 0 : i32
      %sign3A_121 = arith.cmpi sgt, %jit3A_111, %sign3A_120 : i32
      %sign3A_122 = arith.extui %sign3A_121 : i1 to i32
      %sign3A_123 = arith.constant 0 : i32
      %sign3A_124 = arith.cmpi slt, %jit3A_111, %sign3A_123 : i32
      %sign3A_125 = arith.extui %sign3A_124 : i1 to i32
      %sign3A_126 = arith.subi %sign3A_122, %sign3A_125 : i32
      %ne3A_127 = arith.cmpi ne, %sign3A_119, %sign3A_126 : i32
      %rem3A_128 = arith.remsi %add3A_110, %jit3A_111 : i32
      %ne3A_129 = arith.constant 0 : i32
      %ne3A_130 = arith.cmpi ne, %rem3A_128, %ne3A_129 : i32
      %and3A_131 = arith.andi %ne3A_127, %ne3A_130 : i1
      %sub3A_132 = arith.constant 1 : i32
      %sub3A_133 = arith.subi %div3A_112, %sub3A_132 : i32
      %select_n3A_134 = arith.select %and3A_131, %sub3A_133, %div3A_112 : i32
      %add3A_135 = arith.addi %mul3A_34, %select_n3A_134 : i32
      %jit3A_136 = arith.constant 3 : i32
      %eq3A_137 = arith.constant 0 : i32
      %eq3A_138 = arith.cmpi eq, %jit3A_136, %eq3A_137 : i32
      %jit3A_139 = arith.constant 1 : i32
      %select_n3A_140 = arith.select %eq3A_138, %jit3A_139, %jit3A_136 : i32
      %rem3A_141 = arith.remsi %add3A_110, %select_n3A_140 : i32
      %ne3A_142 = arith.constant 0 : i32
      %ne3A_143 = arith.cmpi ne, %rem3A_141, %ne3A_142 : i32
      %lt3A_144 = arith.constant 0 : i32
      %lt3A_145 = arith.cmpi slt, %rem3A_141, %lt3A_144 : i32
      %lt3A_146 = arith.constant 0 : i32
      %lt3A_147 = arith.cmpi slt, %select_n3A_140, %lt3A_146 : i32
      %ne3A_148 = arith.xori %lt3A_145, %lt3A_147 : i1
      %and3A_149 = arith.andi %ne3A_148, %ne3A_143 : i1
      %add3A_150 = arith.addi %rem3A_141, %select_n3A_140 : i32
      %select_n3A_151 = arith.select %and3A_149, %add3A_150, %rem3A_141 : i32
      %mul3A_152 = arith.constant 128 : i32
      %mul3A_153 = arith.muli %select_n3A_151, %mul3A_152 : i32
      %broadcast_in_dim3A_154 = vector.broadcast %add3A_135 : i32 to vector<16xi32>
      %convert_element_type3A_155 = arith.sitofp %broadcast_in_dim3A_154 : vector<16xi32> to vector<16xf32>
      %scan3A_156 = arith.constant 0 : i32
      %scan3A_157 = arith.constant 0 : i32
      %scan3A_158 = arith.constant 8 : i32
      %scan3A_159 = arith.addi %scan3A_157, %scan3A_158 : i32
      %scan3A_160 = arith.constant 1 : i32
      scf.for %scan3A_264 = %scan3A_157 to %scan3A_159 step %scan3A_160  : i32 {
        %mul3A_265 = arith.constant 16 : i32
        %mul3A_266 = arith.muli %scan3A_264, %mul3A_265 : i32
        %broadcast_in_dim3A_267 = vector.broadcast %mul3A_153 : i32 to vector<16xi32>
        %mul3A_268 = arith.constant 16 : i32
        %mul3A_269 = arith.muli %scan3A_264, %mul3A_268 : i32
        %add3A_270 = vector.broadcast %mul3A_269 : i32 to vector<16xi32>
        %add3A_271 = arith.addi %broadcast_in_dim3A_267, %add3A_270 : vector<16xi32>
        %add3A_272 = arith.addi %add3A_271, %iota3A : vector<16xi32>
        %mul3A_273 = arith.constant 16 : i32
        %mul3A_274 = arith.muli %scan3A_264, %mul3A_273 : i32
        %get3A = arith.index_cast %mul3A_274 : i32 to index
        %get3A_275 = tpu.vector_load %arg7[%get3A] {strides = array<i32>} : memref<256xf32, #tpu.memory_space<vmem>>, vector<16xf32>,
        %mul3A_276 = arith.constant 16 : i32
        %mul3A_277 = arith.muli %scan3A_264, %mul3A_276 : i32
        %add3A_278 = arith.constant 128 : i32
        %add3A_279 = arith.addi %add3A_278, %mul3A_277 : i32
        %get3A_280 = arith.index_cast %add3A_279 : i32 to index
        %get3A_281 = tpu.vector_load %arg7[%get3A_280] {strides = array<i32>} : memref<256xf32, #tpu.memory_space<vmem>>, vector<16xf32>,
        %convert_element_type3A_282 = arith.sitofp %add3A_272 : vector<16xi32> to vector<16xf32>
        %add3A_283 = arith.addf %get3A_275, %convert_element_type3A_282 : vector<16xf32>
        %add3A_284 = arith.constant 1.000000e+00 : f32
        %add3A_285 = vector.broadcast %add3A_284 : f32 to vector<16xf32>
        %add3A_286 = arith.addf %add3A_283, %add3A_285 : vector<16xf32>
        %add3A_287 = arith.addf %get3A_281, %convert_element_type3A_155 : vector<16xf32>
        %add3A_288 = arith.constant 1.000000e+00 : f32
        %add3A_289 = vector.broadcast %add3A_288 : f32 to vector<16xf32>
        %add3A_290 = arith.addf %add3A_287, %add3A_289 : vector<16xf32>
        %convert_element_type3A_291 = arith.fptosi %add3A_286 : vector<16xf32> to vector<16xi32>
        %convert_element_type3A_292 = arith.sitofp %convert_element_type3A_291 : vector<16xi32> to vector<16xf32>
        %gt3A_293 = arith.cmpf ogt, %convert_element_type3A_292, %add3A_286 : vector<16xf32>
        %sub3A_294 = arith.constant 1 : i32
        %sub3A_295 = vector.broadcast %sub3A_294 : i32 to vector<16xi32>
        %sub3A_296 = arith.subi %convert_element_type3A_291, %sub3A_295 : vector<16xi32>
        %select_n3A_297 = arith.select %gt3A_293, %sub3A_296, %convert_element_type3A_291 : vector<16xi1>, vector<16xi32>
        %convert_element_type3A_298 = arith.fptosi %add3A_290 : vector<16xf32> to vector<16xi32>
        %convert_element_type3A_299 = arith.sitofp %convert_element_type3A_298 : vector<16xi32> to vector<16xf32>
        %gt3A_300 = arith.cmpf ogt, %convert_element_type3A_299, %add3A_290 : vector<16xf32>
        %sub3A_301 = arith.constant 1 : i32
        %sub3A_302 = vector.broadcast %sub3A_301 : i32 to vector<16xi32>
        %sub3A_303 = arith.subi %convert_element_type3A_298, %sub3A_302 : vector<16xi32>
        %select_n3A_304 = arith.select %gt3A_300, %sub3A_303, %convert_element_type3A_298 : vector<16xi1>, vector<16xi32>
        %jit3A_305 = arith.constant 0 : i32
        %jit3A_306 = arith.constant 385 : i32
        %max3A = vector.broadcast %jit3A_305 : i32 to vector<16xi32>
        %max3A_307 = arith.maxsi %max3A, %select_n3A_297 : vector<16xi32>
        %min3A_308 = vector.broadcast %jit3A_306 : i32 to vector<16xi32>
        %min3A_309 = arith.minsi %min3A_308, %max3A_307 : vector<16xi32>
        %add3A_310 = arith.constant 1 : i32
        %add3A_311 = vector.broadcast %add3A_310 : i32 to vector<16xi32>
        %add3A_312 = arith.addi %select_n3A_297, %add3A_311 : vector<16xi32>
        %jit3A_313 = arith.constant 0 : i32
        %jit3A_314 = arith.constant 385 : i32
        %max3A_315 = vector.broadcast %jit3A_313 : i32 to vector<16xi32>
        %max3A_316 = arith.maxsi %max3A_315, %add3A_312 : vector<16xi32>
        %min3A_317 = vector.broadcast %jit3A_314 : i32 to vector<16xi32>
        %min3A_318 = arith.minsi %min3A_317, %max3A_316 : vector<16xi32>
        %jit3A_319 = arith.constant 0 : i32
        %jit3A_320 = arith.constant 385 : i32
        %max3A_321 = vector.broadcast %jit3A_319 : i32 to vector<16xi32>
        %max3A_322 = arith.maxsi %max3A_321, %select_n3A_304 : vector<16xi32>
        %min3A_323 = vector.broadcast %jit3A_320 : i32 to vector<16xi32>
        %min3A_324 = arith.minsi %min3A_323, %max3A_322 : vector<16xi32>
        %add3A_325 = arith.constant 1 : i32
        %add3A_326 = vector.broadcast %add3A_325 : i32 to vector<16xi32>
        %add3A_327 = arith.addi %select_n3A_304, %add3A_326 : vector<16xi32>
        %jit3A_328 = arith.constant 0 : i32
        %jit3A_329 = arith.constant 385 : i32
        %max3A_330 = vector.broadcast %jit3A_328 : i32 to vector<16xi32>
        %max3A_331 = arith.maxsi %max3A_330, %add3A_327 : vector<16xi32>
        %min3A_332 = vector.broadcast %jit3A_329 : i32 to vector<16xi32>
        %min3A_333 = arith.minsi %min3A_332, %max3A_331 : vector<16xi32>
        %convert_element_type3A_334 = arith.sitofp %min3A_318 : vector<16xi32> to vector<16xf32>
        %sub3A_335 = arith.subf %convert_element_type3A_334, %add3A_286 : vector<16xf32>
        %convert_element_type3A_336 = arith.sitofp %min3A_333 : vector<16xi32> to vector<16xf32>
        %sub3A_337 = arith.subf %convert_element_type3A_336, %add3A_290 : vector<16xf32>
        %sub3A_338 = arith.constant 1.000000e+00 : f32
        %sub3A_339 = vector.broadcast %sub3A_338 : f32 to vector<16xf32>
        %sub3A_340 = arith.subf %sub3A_339, %sub3A_335 : vector<16xf32>
        %sub3A_341 = arith.constant 1.000000e+00 : f32
        %sub3A_342 = vector.broadcast %sub3A_341 : f32 to vector<16xf32>
        %sub3A_343 = arith.subf %sub3A_342, %sub3A_337 : vector<16xf32>
        %mul3A_344 = arith.mulf %sub3A_335, %sub3A_337 : vector<16xf32>
        %mul3A_345 = arith.mulf %sub3A_335, %sub3A_343 : vector<16xf32>
        %mul3A_346 = arith.mulf %sub3A_340, %sub3A_337 : vector<16xf32>
        %mul3A_347 = arith.mulf %sub3A_340, %sub3A_343 : vector<16xf32>
        %ge3A = arith.constant 1 : i32
        %ge3A_348 = vector.broadcast %ge3A : i32 to vector<16xi32>
        %ge3A_349 = arith.cmpi sge, %min3A_309, %ge3A_348 : vector<16xi32>
        %le3A = arith.constant 384 : i32
        %le3A_350 = vector.broadcast %le3A : i32 to vector<16xi32>
        %le3A_351 = arith.cmpi sle, %min3A_309, %le3A_350 : vector<16xi32>
        %and3A_352 = arith.andi %ge3A_349, %le3A_351 : vector<16xi1>
        %ge3A_353 = arith.constant 1 : i32
        %ge3A_354 = vector.broadcast %ge3A_353 : i32 to vector<16xi32>
        %ge3A_355 = arith.cmpi sge, %min3A_318, %ge3A_354 : vector<16xi32>
        %le3A_356 = arith.constant 384 : i32
        %le3A_357 = vector.broadcast %le3A_356 : i32 to vector<16xi32>
        %le3A_358 = arith.cmpi sle, %min3A_318, %le3A_357 : vector<16xi32>
        %and3A_359 = arith.andi %ge3A_355, %le3A_358 : vector<16xi1>
        %ge3A_360 = arith.constant 1 : i32
        %ge3A_361 = vector.broadcast %ge3A_360 : i32 to vector<16xi32>
        %ge3A_362 = arith.cmpi sge, %min3A_324, %ge3A_361 : vector<16xi32>
        %le3A_363 = arith.constant 384 : i32
        %le3A_364 = vector.broadcast %le3A_363 : i32 to vector<16xi32>
        %le3A_365 = arith.cmpi sle, %min3A_324, %le3A_364 : vector<16xi32>
        %and3A_366 = arith.andi %ge3A_362, %le3A_365 : vector<16xi1>
        %ge3A_367 = arith.constant 1 : i32
        %ge3A_368 = vector.broadcast %ge3A_367 : i32 to vector<16xi32>
        %ge3A_369 = arith.cmpi sge, %min3A_333, %ge3A_368 : vector<16xi32>
        %le3A_370 = arith.constant 384 : i32
        %le3A_371 = vector.broadcast %le3A_370 : i32 to vector<16xi32>
        %le3A_372 = arith.cmpi sle, %min3A_333, %le3A_371 : vector<16xi32>
        %and3A_373 = arith.andi %ge3A_369, %le3A_372 : vector<16xi1>
        %broadcast_in_dim3A_374 = arith.constant 0.000000e+00 : f32
        %broadcast_in_dim3A_375 = vector.broadcast %broadcast_in_dim3A_374 : f32 to vector<16xf32>
        %and3A_376 = arith.andi %and3A_366, %and3A_352 : vector<16xi1>
        %select_n3A_377 = arith.select %and3A_376, %mul3A_344, %broadcast_in_dim3A_375 : vector<16xi1>, vector<16xf32>
        %and3A_378 = arith.andi %and3A_373, %and3A_352 : vector<16xi1>
        %select_n3A_379 = arith.select %and3A_378, %mul3A_345, %broadcast_in_dim3A_375 : vector<16xi1>, vector<16xf32>
        %and3A_380 = arith.andi %and3A_366, %and3A_359 : vector<16xi1>
        %select_n3A_381 = arith.select %and3A_380, %mul3A_346, %broadcast_in_dim3A_375 : vector<16xi1>, vector<16xf32>
        %and3A_382 = arith.andi %and3A_373, %and3A_359 : vector<16xi1>
        %select_n3A_383 = arith.select %and3A_382, %mul3A_347, %broadcast_in_dim3A_375 : vector<16xi1>, vector<16xf32>
        %sub3A_384 = arith.constant 1 : i32
        %sub3A_385 = vector.broadcast %sub3A_384 : i32 to vector<16xi32>
        %sub3A_386 = arith.subi %min3A_309, %sub3A_385 : vector<16xi32>
        %jit3A_387 = arith.constant 0 : i32
        %jit3A_388 = arith.constant 383 : i32
        %max3A_389 = vector.broadcast %jit3A_387 : i32 to vector<16xi32>
        %max3A_390 = arith.maxsi %max3A_389, %sub3A_386 : vector<16xi32>
        %min3A_391 = vector.broadcast %jit3A_388 : i32 to vector<16xi32>
        %min3A_392 = arith.minsi %min3A_391, %max3A_390 : vector<16xi32>
        %sub3A_393 = arith.constant 1 : i32
        %sub3A_394 = vector.broadcast %sub3A_393 : i32 to vector<16xi32>
        %sub3A_395 = arith.subi %min3A_318, %sub3A_394 : vector<16xi32>
        %jit3A_396 = arith.constant 0 : i32
        %jit3A_397 = arith.constant 383 : i32
        %max3A_398 = vector.broadcast %jit3A_396 : i32 to vector<16xi32>
        %max3A_399 = arith.maxsi %max3A_398, %sub3A_395 : vector<16xi32>
        %min3A_400 = vector.broadcast %jit3A_397 : i32 to vector<16xi32>
        %min3A_401 = arith.minsi %min3A_400, %max3A_399 : vector<16xi32>
        %sub3A_402 = arith.constant 1 : i32
        %sub3A_403 = vector.broadcast %sub3A_402 : i32 to vector<16xi32>
        %sub3A_404 = arith.subi %min3A_324, %sub3A_403 : vector<16xi32>
        %jit3A_405 = arith.constant 0 : i32
        %jit3A_406 = arith.constant 383 : i32
        %max3A_407 = vector.broadcast %jit3A_405 : i32 to vector<16xi32>
        %max3A_408 = arith.maxsi %max3A_407, %sub3A_404 : vector<16xi32>
        %min3A_409 = vector.broadcast %jit3A_406 : i32 to vector<16xi32>
        %min3A_410 = arith.minsi %min3A_409, %max3A_408 : vector<16xi32>
        %sub3A_411 = arith.constant 1 : i32
        %sub3A_412 = vector.broadcast %sub3A_411 : i32 to vector<16xi32>
        %sub3A_413 = arith.subi %min3A_333, %sub3A_412 : vector<16xi32>
        %jit3A_414 = arith.constant 0 : i32
        %jit3A_415 = arith.constant 383 : i32
        %max3A_416 = vector.broadcast %jit3A_414 : i32 to vector<16xi32>
        %max3A_417 = arith.maxsi %max3A_416, %sub3A_413 : vector<16xi32>
        %min3A_418 = vector.broadcast %jit3A_415 : i32 to vector<16xi32>
        %min3A_419 = arith.minsi %min3A_418, %max3A_417 : vector<16xi32>
        %mul3A_420 = arith.constant 384 : i32
        %mul3A_421 = vector.broadcast %mul3A_420 : i32 to vector<16xi32>
        %mul3A_422 = arith.muli %min3A_410, %mul3A_421 : vector<16xi32>
        %add3A_423 = arith.addi %broadcast_in_dim3A, %mul3A_422 : vector<16xi32>
        %add3A_424 = arith.addi %add3A_423, %min3A_392 : vector<16xi32>
        %swap3A = arith.index_cast %mul3A_266 : i32 to index
        %swap3A_425 = tpu.vector_load %arg12[%swap3A] {strides = array<i32>} : memref<128xi32, #tpu.memory_space<vmem>>, vector<16xi32>,
        tpu.vector_store %arg12[%swap3A], %add3A_424 {strides = array<i32>} : memref<128xi32, #tpu.memory_space<vmem>>, vector<16xi32>,
        %mul3A_426 = arith.constant 384 : i32
        %mul3A_427 = vector.broadcast %mul3A_426 : i32 to vector<16xi32>
        %mul3A_428 = arith.muli %min3A_419, %mul3A_427 : vector<16xi32>
        %add3A_429 = arith.addi %broadcast_in_dim3A, %mul3A_428 : vector<16xi32>
        %add3A_430 = arith.addi %add3A_429, %min3A_392 : vector<16xi32>
        %swap3A_431 = arith.index_cast %mul3A_266 : i32 to index
        %swap3A_432 = tpu.vector_load %arg13[%swap3A_431] {strides = array<i32>} : memref<128xi32, #tpu.memory_space<vmem>>, vector<16xi32>,
        tpu.vector_store %arg13[%swap3A_431], %add3A_430 {strides = array<i32>} : memref<128xi32, #tpu.memory_space<vmem>>, vector<16xi32>,
        %mul3A_433 = arith.constant 384 : i32
        %mul3A_434 = vector.broadcast %mul3A_433 : i32 to vector<16xi32>
        %mul3A_435 = arith.muli %min3A_410, %mul3A_434 : vector<16xi32>
        %add3A_436 = arith.addi %broadcast_in_dim3A, %mul3A_435 : vector<16xi32>
        %add3A_437 = arith.addi %add3A_436, %min3A_401 : vector<16xi32>
        %swap3A_438 = arith.index_cast %mul3A_266 : i32 to index
        %swap3A_439 = tpu.vector_load %arg14[%swap3A_438] {strides = array<i32>} : memref<128xi32, #tpu.memory_space<vmem>>, vector<16xi32>,
        tpu.vector_store %arg14[%swap3A_438], %add3A_437 {strides = array<i32>} : memref<128xi32, #tpu.memory_space<vmem>>, vector<16xi32>,
        %mul3A_440 = arith.constant 384 : i32
        %mul3A_441 = vector.broadcast %mul3A_440 : i32 to vector<16xi32>
        %mul3A_442 = arith.muli %min3A_419, %mul3A_441 : vector<16xi32>
        %add3A_443 = arith.addi %broadcast_in_dim3A, %mul3A_442 : vector<16xi32>
        %add3A_444 = arith.addi %add3A_443, %min3A_401 : vector<16xi32>
        %swap3A_445 = arith.index_cast %mul3A_266 : i32 to index
        %swap3A_446 = tpu.vector_load %arg15[%swap3A_445] {strides = array<i32>} : memref<128xi32, #tpu.memory_space<vmem>>, vector<16xi32>,
        tpu.vector_store %arg15[%swap3A_445], %add3A_444 {strides = array<i32>} : memref<128xi32, #tpu.memory_space<vmem>>, vector<16xi32>,
        %swap3A_447 = arith.index_cast %mul3A_266 : i32 to index
        %swap3A_448 = tpu.vector_load %arg20[%swap3A_447] {strides = array<i32>} : memref<128xf32, #tpu.memory_space<vmem>>, vector<16xf32>,
        tpu.vector_store %arg20[%swap3A_447], %select_n3A_377 {strides = array<i32>} : memref<128xf32, #tpu.memory_space<vmem>>, vector<16xf32>,
        %swap3A_449 = arith.index_cast %mul3A_266 : i32 to index
        %swap3A_450 = tpu.vector_load %arg21[%swap3A_449] {strides = array<i32>} : memref<128xf32, #tpu.memory_space<vmem>>, vector<16xf32>,
        tpu.vector_store %arg21[%swap3A_449], %select_n3A_379 {strides = array<i32>} : memref<128xf32, #tpu.memory_space<vmem>>, vector<16xf32>,
        %swap3A_451 = arith.index_cast %mul3A_266 : i32 to index
        %swap3A_452 = tpu.vector_load %arg22[%swap3A_451] {strides = array<i32>} : memref<128xf32, #tpu.memory_space<vmem>>, vector<16xf32>,
        tpu.vector_store %arg22[%swap3A_451], %select_n3A_381 {strides = array<i32>} : memref<128xf32, #tpu.memory_space<vmem>>, vector<16xf32>,
        %swap3A_453 = arith.index_cast %mul3A_266 : i32 to index
        %swap3A_454 = tpu.vector_load %arg23[%swap3A_453] {strides = array<i32>} : memref<128xf32, #tpu.memory_space<vmem>>, vector<16xf32>,
        tpu.vector_store %arg23[%swap3A_453], %select_n3A_383 {strides = array<i32>} : memref<128xf32, #tpu.memory_space<vmem>>, vector<16xf32>,
      }
      %scan3A_161 = arith.constant 8 : i32
      %dma_start3A_162 = arith.constant 0 : i32
      %dma_start3A_163 = arith.constant 0 : i32
      %dma_start3A_164 = tpu.memref_slice %arg25[%dma_start3A_162, %dma_start3A_163] : memref<512x96xf32, #tpu.memory_space<vmem>> -> memref<128x96xf32, #tpu.memory_space<vmem>>
      %dma_start3A_165 = arith.constant 0 : i32
      %dma_start3A_166 = arith.constant 0 : i32
      %dma_start3A_167 = tpu.memref_slice %arg2[%dma_start3A_165, %dma_start3A_166] : memref<294912x96xf32, #tpu.memory_space<hbm>> -> memref<294912x96xf32, #tpu.memory_space<hbm>>
      tpu.enqueue_indirect_dma source(%dma_start3A_167 : memref<294912x96xf32, #tpu.memory_space<hbm>>) target(%dma_start3A_164 : memref<128x96xf32, #tpu.memory_space<vmem>>) offsets(%arg12 : memref<128xi32, #tpu.memory_space<vmem>>) semaphore(%arg29 : memref<!tpu.dma_semaphore, #tpu.memory_space<semaphore_mem>>)
      %dma_start3A_168 = arith.constant 128 : i32
      %dma_start3A_169 = arith.constant 0 : i32
      %dma_start3A_170 = tpu.memref_slice %arg25[%dma_start3A_168, %dma_start3A_169] : memref<512x96xf32, #tpu.memory_space<vmem>> -> memref<128x96xf32, #tpu.memory_space<vmem>>
      %dma_start3A_171 = arith.constant 0 : i32
      %dma_start3A_172 = arith.constant 0 : i32
      %dma_start3A_173 = tpu.memref_slice %arg2[%dma_start3A_171, %dma_start3A_172] : memref<294912x96xf32, #tpu.memory_space<hbm>> -> memref<294912x96xf32, #tpu.memory_space<hbm>>
      tpu.enqueue_indirect_dma source(%dma_start3A_173 : memref<294912x96xf32, #tpu.memory_space<hbm>>) target(%dma_start3A_170 : memref<128x96xf32, #tpu.memory_space<vmem>>) offsets(%arg13 : memref<128xi32, #tpu.memory_space<vmem>>) semaphore(%arg29 : memref<!tpu.dma_semaphore, #tpu.memory_space<semaphore_mem>>)
      %dma_start3A_174 = arith.constant 256 : i32
      %dma_start3A_175 = arith.constant 0 : i32
      %dma_start3A_176 = tpu.memref_slice %arg25[%dma_start3A_174, %dma_start3A_175] : memref<512x96xf32, #tpu.memory_space<vmem>> -> memref<128x96xf32, #tpu.memory_space<vmem>>
      %dma_start3A_177 = arith.constant 0 : i32
      %dma_start3A_178 = arith.constant 0 : i32
      %dma_start3A_179 = tpu.memref_slice %arg2[%dma_start3A_177, %dma_start3A_178] : memref<294912x96xf32, #tpu.memory_space<hbm>> -> memref<294912x96xf32, #tpu.memory_space<hbm>>
      tpu.enqueue_indirect_dma source(%dma_start3A_179 : memref<294912x96xf32, #tpu.memory_space<hbm>>) target(%dma_start3A_176 : memref<128x96xf32, #tpu.memory_space<vmem>>) offsets(%arg14 : memref<128xi32, #tpu.memory_space<vmem>>) semaphore(%arg29 : memref<!tpu.dma_semaphore, #tpu.memory_space<semaphore_mem>>)
      %dma_start3A_180 = arith.constant 384 : i32
      %dma_start3A_181 = arith.constant 0 : i32
      %dma_start3A_182 = tpu.memref_slice %arg25[%dma_start3A_180, %dma_start3A_181] : memref<512x96xf32, #tpu.memory_space<vmem>> -> memref<128x96xf32, #tpu.memory_space<vmem>>
      %dma_start3A_183 = arith.constant 0 : i32
      %dma_start3A_184 = arith.constant 0 : i32
      %dma_start3A_185 = tpu.memref_slice %arg2[%dma_start3A_183, %dma_start3A_184] : memref<294912x96xf32, #tpu.memory_space<hbm>> -> memref<294912x96xf32, #tpu.memory_space<hbm>>
      tpu.enqueue_indirect_dma source(%dma_start3A_185 : memref<294912x96xf32, #tpu.memory_space<hbm>>) target(%dma_start3A_182 : memref<128x96xf32, #tpu.memory_space<vmem>>) offsets(%arg15 : memref<128xi32, #tpu.memory_space<vmem>>) semaphore(%arg29 : memref<!tpu.dma_semaphore, #tpu.memory_space<semaphore_mem>>)
      %add3A_186 = arith.constant 2 : i32
      %add3A_187 = arith.addi %add3A_110, %add3A_186 : i32
      %min3A_188 = arith.constant 71 : i32
      %min3A_189 = arith.minsi %add3A_187, %min3A_188 : i32
      %mul3A_190 = arith.constant 128 : i32
      %mul3A_191 = arith.muli %min3A_189, %mul3A_190 : i32
      %add3A_192 = arith.addi %mul3A_2, %mul3A_191 : i32
      %dma_start3A_193 = arith.constant 0 : i32
      %dma_start3A_194 = tpu.memref_slice %arg7[%dma_start3A_193] : memref<256xf32, #tpu.memory_space<vmem>> -> memref<128xf32, #tpu.memory_space<vmem>>
      %dma_start3A_195 = tpu.memref_slice %arg3[%add3A_192] : memref<294912xf32, #tpu.memory_space<hbm>> -> memref<128xf32, #tpu.memory_space<hbm>>
      %dma_start3A_196 = arith.constant 0 : i32
      %dma_start3A_197 = tpu.memref_slice %arg7[%dma_start3A_196] : memref<256xf32, #tpu.memory_space<vmem>> -> memref<128xf32, #tpu.memory_space<vmem>>
      %dma_start3A_198 = tpu.memref_slice %arg3[%add3A_192] : memref<294912xf32, #tpu.memory_space<hbm>> -> memref<128xf32, #tpu.memory_space<hbm>>
      tpu.enqueue_dma source(%dma_start3A_198 : memref<128xf32, #tpu.memory_space<hbm>>) target(%dma_start3A_197 : memref<128xf32, #tpu.memory_space<vmem>>) target_semaphore(%arg29 : memref<!tpu.dma_semaphore, #tpu.memory_space<semaphore_mem>>)
      %dma_start3A_199 = arith.constant 128 : i32
      %dma_start3A_200 = tpu.memref_slice %arg7[%dma_start3A_199] : memref<256xf32, #tpu.memory_space<vmem>> -> memref<128xf32, #tpu.memory_space<vmem>>
      %dma_start3A_201 = tpu.memref_slice %arg4[%add3A_192] : memref<294912xf32, #tpu.memory_space<hbm>> -> memref<128xf32, #tpu.memory_space<hbm>>
      %dma_start3A_202 = arith.constant 128 : i32
      %dma_start3A_203 = tpu.memref_slice %arg7[%dma_start3A_202] : memref<256xf32, #tpu.memory_space<vmem>> -> memref<128xf32, #tpu.memory_space<vmem>>
      %dma_start3A_204 = tpu.memref_slice %arg4[%add3A_192] : memref<294912xf32, #tpu.memory_space<hbm>> -> memref<128xf32, #tpu.memory_space<hbm>>
      tpu.enqueue_dma source(%dma_start3A_204 : memref<128xf32, #tpu.memory_space<hbm>>) target(%dma_start3A_203 : memref<128xf32, #tpu.memory_space<vmem>>) target_semaphore(%arg29 : memref<!tpu.dma_semaphore, #tpu.memory_space<semaphore_mem>>)
      %dma_wait3A_205 = arith.constant 0 : i32
      %dma_wait3A_206 = arith.constant 0 : i32
      %dma_wait3A_207 = tpu.memref_slice %arg2[%dma_wait3A_205, %dma_wait3A_206] : memref<294912x96xf32, #tpu.memory_space<hbm>> -> memref<512x96xf32, #tpu.memory_space<hbm>>
      %dma_wait3A_208 = arith.constant 0 : i32
      %dma_wait3A_209 = arith.constant 0 : i32
      %dma_wait3A_210 = tpu.memref_slice %arg2[%dma_wait3A_208, %dma_wait3A_209] : memref<294912x96xf32, #tpu.memory_space<hbm>> -> memref<512x96xf32, #tpu.memory_space<hbm>>
      tpu.wait_dma2 semaphore(%arg28 : memref<!tpu.dma_semaphore, #tpu.memory_space<semaphore_mem>>) src(%dma_wait3A_210 : memref<512x96xf32, #tpu.memory_space<hbm>>) dst(%arg24 : memref<512x96xf32, #tpu.memory_space<vmem>>)
      %dma_wait3A_211 = arith.constant 0 : i32
      %dma_wait3A_212 = tpu.memref_slice %arg3[%dma_wait3A_211] : memref<294912xf32, #tpu.memory_space<hbm>> -> memref<256xf32, #tpu.memory_space<hbm>>
      %dma_wait3A_213 = arith.constant 0 : i32
      %dma_wait3A_214 = tpu.memref_slice %arg3[%dma_wait3A_213] : memref<294912xf32, #tpu.memory_space<hbm>> -> memref<256xf32, #tpu.memory_space<hbm>>
      tpu.wait_dma2 semaphore(%arg28 : memref<!tpu.dma_semaphore, #tpu.memory_space<semaphore_mem>>) src(%dma_wait3A_214 : memref<256xf32, #tpu.memory_space<hbm>>) dst(%arg6 : memref<256xf32, #tpu.memory_space<vmem>>)
      %gt3A = arith.constant 0 : i32
      %gt3A_215 = arith.cmpi sgt, %scan3A_106, %gt3A : i32
      %convert_element_type3A_216 = arith.extui %gt3A_215 : i1 to i32
      %cond3A = arith.constant 0 : i32
      %cond3A_217 = arith.cmpi ne, %convert_element_type3A_216, %cond3A : i32
      scf.if %cond3A_217 {
        %sub3A_264 = arith.constant 2 : i32
        %sub3A_265 = arith.subi %mul3A_108, %sub3A_264 : i32
        %mul3A_266 = arith.constant 128 : i32
        %mul3A_267 = arith.muli %sub3A_265, %mul3A_266 : i32
        %add3A_268 = arith.addi %mul3A_2, %mul3A_267 : i32
        %dma_wait3A_269 = arith.constant 0 : i32
        %dma_wait3A_270 = tpu.memref_slice %arg5[%add3A_268, %dma_wait3A_269] : memref<294912x96xf32, #tpu.memory_space<hbm>> -> memref<128x96xf32, #tpu.memory_space<hbm>>
        %dma_wait3A_271 = arith.constant 0 : i32
        %dma_wait3A_272 = tpu.memref_slice %arg5[%add3A_268, %dma_wait3A_271] : memref<294912x96xf32, #tpu.memory_space<hbm>> -> memref<128x96xf32, #tpu.memory_space<hbm>>
        tpu.wait_dma2 semaphore(%arg30 : memref<!tpu.dma_semaphore, #tpu.memory_space<semaphore_mem>>) src(%arg26 : memref<128x96xf32, #tpu.memory_space<vmem>>) dst(%dma_wait3A_272 : memref<128x96xf32, #tpu.memory_space<hbm>>)
      } else {
      }
      %scan3A_218 = arith.constant 0 : i32
      %scan3A_219 = arith.constant 0 : i32
      %scan3A_220 = arith.constant 16 : i32
      %scan3A_221 = arith.addi %scan3A_219, %scan3A_220 : i32
      %scan3A_222 = arith.constant 1 : i32
      scf.for %scan3A_264 = %scan3A_219 to %scan3A_221 step %scan3A_222  : i32 {
        %mul3A_265 = arith.constant 8 : i32
        %mul3A_266 = arith.muli %scan3A_264, %mul3A_265 : i32
        %and3A_267 = arith.constant 15 : i32
        %and3A_268 = arith.andi %mul3A_266, %and3A_267 : i32
        %shift_right_arithmetic3A = arith.constant 1 : i32
        %shift_right_arithmetic3A_269 = arith.shrsi %scan3A_264, %shift_right_arithmetic3A : i32
        %mul3A_270 = arith.constant 16 : i32
        %mul3A_271 = arith.muli %shift_right_arithmetic3A_269, %mul3A_270 : i32
        %get3A = arith.index_cast %mul3A_271 : i32 to index
        %get3A_272 = tpu.vector_load %arg16[%get3A] {strides = array<i32>} : memref<128xf32, #tpu.memory_space<vmem>>, vector<16xf32>,
        %get3A_273 = arith.index_cast %mul3A_271 : i32 to index
        %get3A_274 = tpu.vector_load %arg17[%get3A_273] {strides = array<i32>} : memref<128xf32, #tpu.memory_space<vmem>>, vector<16xf32>,
        %get3A_275 = arith.index_cast %mul3A_271 : i32 to index
        %get3A_276 = tpu.vector_load %arg18[%get3A_275] {strides = array<i32>} : memref<128xf32, #tpu.memory_space<vmem>>, vector<16xf32>,
        %get3A_277 = arith.index_cast %mul3A_271 : i32 to index
        %get3A_278 = tpu.vector_load %arg19[%get3A_277] {strides = array<i32>} : memref<128xf32, #tpu.memory_space<vmem>>, vector<16xf32>,
        %add3A_279 = arith.constant 0 : i32
        %add3A_280 = arith.addi %mul3A_266, %add3A_279 : i32
        %add3A_281 = arith.constant 0 : i32
        %add3A_282 = arith.addi %and3A_268, %add3A_281 : i32
        %broadcast_in_dim3A_283 = vector.broadcast %add3A_282 : i32 to vector<16x1xi32>
        %gather3A = vector.shape_cast %broadcast_in_dim3A_283 : vector<16x1xi32> to vector<16xi32>
        %gather3A_284 = tpu.dynamic_gather %get3A_272[%gather3A] in [0] : vector<16xf32>, vector<16xi32> -> vector<16xf32>
        %broadcast_in_dim3A_285 = vector.broadcast %add3A_282 : i32 to vector<16x1xi32>
        %gather3A_286 = vector.shape_cast %broadcast_in_dim3A_285 : vector<16x1xi32> to vector<16xi32>
        %gather3A_287 = tpu.dynamic_gather %get3A_274[%gather3A_286] in [0] : vector<16xf32>, vector<16xi32> -> vector<16xf32>
        %broadcast_in_dim3A_288 = vector.broadcast %add3A_282 : i32 to vector<16x1xi32>
        %gather3A_289 = vector.shape_cast %broadcast_in_dim3A_288 : vector<16x1xi32> to vector<16xi32>
        %gather3A_290 = tpu.dynamic_gather %get3A_276[%gather3A_289] in [0] : vector<16xf32>, vector<16xi32> -> vector<16xf32>
        %broadcast_in_dim3A_291 = vector.broadcast %add3A_282 : i32 to vector<16x1xi32>
        %gather3A_292 = vector.shape_cast %broadcast_in_dim3A_291 : vector<16x1xi32> to vector<16xi32>
        %gather3A_293 = tpu.dynamic_gather %get3A_278[%gather3A_292] in [0] : vector<16xf32>, vector<16xi32> -> vector<16xf32>
        %get3A_294 = arith.index_cast %add3A_280 : i32 to index
        %get3A_295 = arith.constant 0 : index
        %get3A_296 = tpu.vector_load %arg24[%get3A_294, %get3A_295] {strides = array<i32>} : memref<512x96xf32, #tpu.memory_space<vmem>>, vector<16xf32>,
        %add3A_297 = arith.constant 128 : i32
        %add3A_298 = arith.addi %add3A_297, %add3A_280 : i32
        %get3A_299 = arith.index_cast %add3A_298 : i32 to index
        %get3A_300 = arith.constant 0 : index
        %get3A_301 = tpu.vector_load %arg24[%get3A_299, %get3A_300] {strides = array<i32>} : memref<512x96xf32, #tpu.memory_space<vmem>>, vector<16xf32>,
        %add3A_302 = arith.constant 256 : i32
        %add3A_303 = arith.addi %add3A_302, %add3A_280 : i32
        %get3A_304 = arith.index_cast %add3A_303 : i32 to index
        %get3A_305 = arith.constant 0 : index
        %get3A_306 = tpu.vector_load %arg24[%get3A_304, %get3A_305] {strides = array<i32>} : memref<512x96xf32, #tpu.memory_space<vmem>>, vector<16xf32>,
        %add3A_307 = arith.constant 384 : i32
        %add3A_308 = arith.addi %add3A_307, %add3A_280 : i32
        %get3A_309 = arith.index_cast %add3A_308 : i32 to index
        %get3A_310 = arith.constant 0 : index
        %get3A_311 = tpu.vector_load %arg24[%get3A_309, %get3A_310] {strides = array<i32>} : memref<512x96xf32, #tpu.memory_space<vmem>>, vector<16xf32>,
        %mul3A_312 = arith.mulf %gather3A_284, %get3A_296 : vector<16xf32>
        %mul3A_313 = arith.mulf %gather3A_287, %get3A_301 : vector<16xf32>
        %add3A_314 = arith.addf %mul3A_312, %mul3A_313 : vector<16xf32>
        %mul3A_315 = arith.mulf %gather3A_290, %get3A_306 : vector<16xf32>
        %mul3A_316 = arith.mulf %gather3A_293, %get3A_311 : vector<16xf32>
        %add3A_317 = arith.addf %mul3A_315, %mul3A_316 : vector<16xf32>
        %add3A_318 = arith.addf %add3A_314, %add3A_317 : vector<16xf32>
        %swap3A = arith.index_cast %add3A_280 : i32 to index
        %swap3A_319 = arith.constant 0 : index
        %swap3A_320 = tpu.vector_load %arg26[%swap3A, %swap3A_319] {strides = array<i32>} : memref<128x96xf32, #tpu.memory_space<vmem>>, vector<16xf32>,
        tpu.vector_store %arg26[%swap3A, %swap3A_319], %add3A_318 {strides = array<i32>} : memref<128x96xf32, #tpu.memory_space<vmem>>, vector<16xf32>,
        %get3A_321 = arith.index_cast %add3A_280 : i32 to index
        %get3A_322 = arith.constant 16 : index
        %get3A_323 = tpu.vector_load %arg24[%get3A_321, %get3A_322] {strides = array<i32>} : memref<512x96xf32, #tpu.memory_space<vmem>>, vector<16xf32>,
        %add3A_324 = arith.constant 128 : i32
        %add3A_325 = arith.addi %add3A_324, %add3A_280 : i32
        %get3A_326 = arith.index_cast %add3A_325 : i32 to index
        %get3A_327 = arith.constant 16 : index
        %get3A_328 = tpu.vector_load %arg24[%get3A_326, %get3A_327] {strides = array<i32>} : memref<512x96xf32, #tpu.memory_space<vmem>>, vector<16xf32>,
        %add3A_329 = arith.constant 256 : i32
        %add3A_330 = arith.addi %add3A_329, %add3A_280 : i32
        %get3A_331 = arith.index_cast %add3A_330 : i32 to index
        %get3A_332 = arith.constant 16 : index
        %get3A_333 = tpu.vector_load %arg24[%get3A_331, %get3A_332] {strides = array<i32>} : memref<512x96xf32, #tpu.memory_space<vmem>>, vector<16xf32>,
        %add3A_334 = arith.constant 384 : i32
        %add3A_335 = arith.addi %add3A_334, %add3A_280 : i32
        %get3A_336 = arith.index_cast %add3A_335 : i32 to index
        %get3A_337 = arith.constant 16 : index
        %get3A_338 = tpu.vector_load %arg24[%get3A_336, %get3A_337] {strides = array<i32>} : memref<512x96xf32, #tpu.memory_space<vmem>>, vector<16xf32>,
        %mul3A_339 = arith.mulf %gather3A_284, %get3A_323 : vector<16xf32>
        %mul3A_340 = arith.mulf %gather3A_287, %get3A_328 : vector<16xf32>
        %add3A_341 = arith.addf %mul3A_339, %mul3A_340 : vector<16xf32>
        %mul3A_342 = arith.mulf %gather3A_290, %get3A_333 : vector<16xf32>
        %mul3A_343 = arith.mulf %gather3A_293, %get3A_338 : vector<16xf32>
        %add3A_344 = arith.addf %mul3A_342, %mul3A_343 : vector<16xf32>
        %add3A_345 = arith.addf %add3A_341, %add3A_344 : vector<16xf32>
        %swap3A_346 = arith.index_cast %add3A_280 : i32 to index
        %swap3A_347 = arith.constant 16 : index
        %swap3A_348 = tpu.vector_load %arg26[%swap3A_346, %swap3A_347] {strides = array<i32>} : memref<128x96xf32, #tpu.memory_space<vmem>>, vector<16xf32>,
        tpu.vector_store %arg26[%swap3A_346, %swap3A_347], %add3A_345 {strides = array<i32>} : memref<128x96xf32, #tpu.memory_space<vmem>>, vector<16xf32>,
        %get3A_349 = arith.index_cast %add3A_280 : i32 to index
        %get3A_350 = arith.constant 32 : index
        %get3A_351 = tpu.vector_load %arg24[%get3A_349, %get3A_350] {strides = array<i32>} : memref<512x96xf32, #tpu.memory_space<vmem>>, vector<16xf32>,
        %add3A_352 = arith.constant 128 : i32
        %add3A_353 = arith.addi %add3A_352, %add3A_280 : i32
        %get3A_354 = arith.index_cast %add3A_353 : i32 to index
        %get3A_355 = arith.constant 32 : index
        %get3A_356 = tpu.vector_load %arg24[%get3A_354, %get3A_355] {strides = array<i32>} : memref<512x96xf32, #tpu.memory_space<vmem>>, vector<16xf32>,
        %add3A_357 = arith.constant 256 : i32
        %add3A_358 = arith.addi %add3A_357, %add3A_280 : i32
        %get3A_359 = arith.index_cast %add3A_358 : i32 to index
        %get3A_360 = arith.constant 32 : index
        %get3A_361 = tpu.vector_load %arg24[%get3A_359, %get3A_360] {strides = array<i32>} : memref<512x96xf32, #tpu.memory_space<vmem>>, vector<16xf32>,
        %add3A_362 = arith.constant 384 : i32
        %add3A_363 = arith.addi %add3A_362, %add3A_280 : i32
        %get3A_364 = arith.index_cast %add3A_363 : i32 to index
        %get3A_365 = arith.constant 32 : index
        %get3A_366 = tpu.vector_load %arg24[%get3A_364, %get3A_365] {strides = array<i32>} : memref<512x96xf32, #tpu.memory_space<vmem>>, vector<16xf32>,
        %mul3A_367 = arith.mulf %gather3A_284, %get3A_351 : vector<16xf32>
        %mul3A_368 = arith.mulf %gather3A_287, %get3A_356 : vector<16xf32>
        %add3A_369 = arith.addf %mul3A_367, %mul3A_368 : vector<16xf32>
        %mul3A_370 = arith.mulf %gather3A_290, %get3A_361 : vector<16xf32>
        %mul3A_371 = arith.mulf %gather3A_293, %get3A_366 : vector<16xf32>
        %add3A_372 = arith.addf %mul3A_370, %mul3A_371 : vector<16xf32>
        %add3A_373 = arith.addf %add3A_369, %add3A_372 : vector<16xf32>
        %swap3A_374 = arith.index_cast %add3A_280 : i32 to index
        %swap3A_375 = arith.constant 32 : index
        %swap3A_376 = tpu.vector_load %arg26[%swap3A_374, %swap3A_375] {strides = array<i32>} : memref<128x96xf32, #tpu.memory_space<vmem>>, vector<16xf32>,
        tpu.vector_store %arg26[%swap3A_374, %swap3A_375], %add3A_373 {strides = array<i32>} : memref<128x96xf32, #tpu.memory_space<vmem>>, vector<16xf32>,
        %get3A_377 = arith.index_cast %add3A_280 : i32 to index
        %get3A_378 = arith.constant 48 : index
        %get3A_379 = tpu.vector_load %arg24[%get3A_377, %get3A_378] {strides = array<i32>} : memref<512x96xf32, #tpu.memory_space<vmem>>, vector<16xf32>,
        %add3A_380 = arith.constant 128 : i32
        %add3A_381 = arith.addi %add3A_380, %add3A_280 : i32
        %get3A_382 = arith.index_cast %add3A_381 : i32 to index
        %get3A_383 = arith.constant 48 : index
        %get3A_384 = tpu.vector_load %arg24[%get3A_382, %get3A_383] {strides = array<i32>} : memref<512x96xf32, #tpu.memory_space<vmem>>, vector<16xf32>,
        %add3A_385 = arith.constant 256 : i32
        %add3A_386 = arith.addi %add3A_385, %add3A_280 : i32
        %get3A_387 = arith.index_cast %add3A_386 : i32 to index
        %get3A_388 = arith.constant 48 : index
        %get3A_389 = tpu.vector_load %arg24[%get3A_387, %get3A_388] {strides = array<i32>} : memref<512x96xf32, #tpu.memory_space<vmem>>, vector<16xf32>,
        %add3A_390 = arith.constant 384 : i32
        %add3A_391 = arith.addi %add3A_390, %add3A_280 : i32
        %get3A_392 = arith.index_cast %add3A_391 : i32 to index
        %get3A_393 = arith.constant 48 : index
        %get3A_394 = tpu.vector_load %arg24[%get3A_392, %get3A_393] {strides = array<i32>} : memref<512x96xf32, #tpu.memory_space<vmem>>, vector<16xf32>,
        %mul3A_395 = arith.mulf %gather3A_284, %get3A_379 : vector<16xf32>
        %mul3A_396 = arith.mulf %gather3A_287, %get3A_384 : vector<16xf32>
        %add3A_397 = arith.addf %mul3A_395, %mul3A_396 : vector<16xf32>
        %mul3A_398 = arith.mulf %gather3A_290, %get3A_389 : vector<16xf32>
        %mul3A_399 = arith.mulf %gather3A_293, %get3A_394 : vector<16xf32>
        %add3A_400 = arith.addf %mul3A_398, %mul3A_399 : vector<16xf32>
        %add3A_401 = arith.addf %add3A_397, %add3A_400 : vector<16xf32>
        %swap3A_402 = arith.index_cast %add3A_280 : i32 to index
        %swap3A_403 = arith.constant 48 : index
        %swap3A_404 = tpu.vector_load %arg26[%swap3A_402, %swap3A_403] {strides = array<i32>} : memref<128x96xf32, #tpu.memory_space<vmem>>, vector<16xf32>,
        tpu.vector_store %arg26[%swap3A_402, %swap3A_403], %add3A_401 {strides = array<i32>} : memref<128x96xf32, #tpu.memory_space<vmem>>, vector<16xf32>,
        %get3A_405 = arith.index_cast %add3A_280 : i32 to index
        %get3A_406 = arith.constant 64 : index
        %get3A_407 = tpu.vector_load %arg24[%get3A_405, %get3A_406] {strides = array<i32>} : memref<512x96xf32, #tpu.memory_space<vmem>>, vector<16xf32>,
        %add3A_408 = arith.constant 128 : i32
        %add3A_409 = arith.addi %add3A_408, %add3A_280 : i32
        %get3A_410 = arith.index_cast %add3A_409 : i32 to index
        %get3A_411 = arith.constant 64 : index
        %get3A_412 = tpu.vector_load %arg24[%get3A_410, %get3A_411] {strides = array<i32>} : memref<512x96xf32, #tpu.memory_space<vmem>>, vector<16xf32>,
        %add3A_413 = arith.constant 256 : i32
        %add3A_414 = arith.addi %add3A_413, %add3A_280 : i32
        %get3A_415 = arith.index_cast %add3A_414 : i32 to index
        %get3A_416 = arith.constant 64 : index
        %get3A_417 = tpu.vector_load %arg24[%get3A_415, %get3A_416] {strides = array<i32>} : memref<512x96xf32, #tpu.memory_space<vmem>>, vector<16xf32>,
        %add3A_418 = arith.constant 384 : i32
        %add3A_419 = arith.addi %add3A_418, %add3A_280 : i32
        %get3A_420 = arith.index_cast %add3A_419 : i32 to index
        %get3A_421 = arith.constant 64 : index
        %get3A_422 = tpu.vector_load %arg24[%get3A_420, %get3A_421] {strides = array<i32>} : memref<512x96xf32, #tpu.memory_space<vmem>>, vector<16xf32>,
        %mul3A_423 = arith.mulf %gather3A_284, %get3A_407 : vector<16xf32>
        %mul3A_424 = arith.mulf %gather3A_287, %get3A_412 : vector<16xf32>
        %add3A_425 = arith.addf %mul3A_423, %mul3A_424 : vector<16xf32>
        %mul3A_426 = arith.mulf %gather3A_290, %get3A_417 : vector<16xf32>
        %mul3A_427 = arith.mulf %gather3A_293, %get3A_422 : vector<16xf32>
        %add3A_428 = arith.addf %mul3A_426, %mul3A_427 : vector<16xf32>
        %add3A_429 = arith.addf %add3A_425, %add3A_428 : vector<16xf32>
        %swap3A_430 = arith.index_cast %add3A_280 : i32 to index
        %swap3A_431 = arith.constant 64 : index
        %swap3A_432 = tpu.vector_load %arg26[%swap3A_430, %swap3A_431] {strides = array<i32>} : memref<128x96xf32, #tpu.memory_space<vmem>>, vector<16xf32>,
        tpu.vector_store %arg26[%swap3A_430, %swap3A_431], %add3A_429 {strides = array<i32>} : memref<128x96xf32, #tpu.memory_space<vmem>>, vector<16xf32>,
        %get3A_433 = arith.index_cast %add3A_280 : i32 to index
        %get3A_434 = arith.constant 80 : index
        %get3A_435 = tpu.vector_load %arg24[%get3A_433, %get3A_434] {strides = array<i32>} : memref<512x96xf32, #tpu.memory_space<vmem>>, vector<16xf32>,
        %add3A_436 = arith.constant 128 : i32
        %add3A_437 = arith.addi %add3A_436, %add3A_280 : i32
        %get3A_438 = arith.index_cast %add3A_437 : i32 to index
        %get3A_439 = arith.constant 80 : index
        %get3A_440 = tpu.vector_load %arg24[%get3A_438, %get3A_439] {strides = array<i32>} : memref<512x96xf32, #tpu.memory_space<vmem>>, vector<16xf32>,
        %add3A_441 = arith.constant 256 : i32
        %add3A_442 = arith.addi %add3A_441, %add3A_280 : i32
        %get3A_443 = arith.index_cast %add3A_442 : i32 to index
        %get3A_444 = arith.constant 80 : index
        %get3A_445 = tpu.vector_load %arg24[%get3A_443, %get3A_444] {strides = array<i32>} : memref<512x96xf32, #tpu.memory_space<vmem>>, vector<16xf32>,
        %add3A_446 = arith.constant 384 : i32
        %add3A_447 = arith.addi %add3A_446, %add3A_280 : i32
        %get3A_448 = arith.index_cast %add3A_447 : i32 to index
        %get3A_449 = arith.constant 80 : index
        %get3A_450 = tpu.vector_load %arg24[%get3A_448, %get3A_449] {strides = array<i32>} : memref<512x96xf32, #tpu.memory_space<vmem>>, vector<16xf32>,
        %mul3A_451 = arith.mulf %gather3A_284, %get3A_435 : vector<16xf32>
        %mul3A_452 = arith.mulf %gather3A_287, %get3A_440 : vector<16xf32>
        %add3A_453 = arith.addf %mul3A_451, %mul3A_452 : vector<16xf32>
        %mul3A_454 = arith.mulf %gather3A_290, %get3A_445 : vector<16xf32>
        %mul3A_455 = arith.mulf %gather3A_293, %get3A_450 : vector<16xf32>
        %add3A_456 = arith.addf %mul3A_454, %mul3A_455 : vector<16xf32>
        %add3A_457 = arith.addf %add3A_453, %add3A_456 : vector<16xf32>
        %swap3A_458 = arith.index_cast %add3A_280 : i32 to index
        %swap3A_459 = arith.constant 80 : index
        %swap3A_460 = tpu.vector_load %arg26[%swap3A_458, %swap3A_459] {strides = array<i32>} : memref<128x96xf32, #tpu.memory_space<vmem>>, vector<16xf32>,
        tpu.vector_store %arg26[%swap3A_458, %swap3A_459], %add3A_457 {strides = array<i32>} : memref<128x96xf32, #tpu.memory_space<vmem>>, vector<16xf32>,
        %add3A_461 = arith.constant 1 : i32
        %add3A_462 = arith.addi %mul3A_266, %add3A_461 : i32
        %add3A_463 = arith.constant 1 : i32
        %add3A_464 = arith.addi %and3A_268, %add3A_463 : i32
        %broadcast_in_dim3A_465 = vector.broadcast %add3A_464 : i32 to vector<16x1xi32>
        %gather3A_466 = vector.shape_cast %broadcast_in_dim3A_465 : vector<16x1xi32> to vector<16xi32>
        %gather3A_467 = tpu.dynamic_gather %get3A_272[%gather3A_466] in [0] : vector<16xf32>, vector<16xi32> -> vector<16xf32>
        %broadcast_in_dim3A_468 = vector.broadcast %add3A_464 : i32 to vector<16x1xi32>
        %gather3A_469 = vector.shape_cast %broadcast_in_dim3A_468 : vector<16x1xi32> to vector<16xi32>
        %gather3A_470 = tpu.dynamic_gather %get3A_274[%gather3A_469] in [0] : vector<16xf32>, vector<16xi32> -> vector<16xf32>
        %broadcast_in_dim3A_471 = vector.broadcast %add3A_464 : i32 to vector<16x1xi32>
        %gather3A_472 = vector.shape_cast %broadcast_in_dim3A_471 : vector<16x1xi32> to vector<16xi32>
        %gather3A_473 = tpu.dynamic_gather %get3A_276[%gather3A_472] in [0] : vector<16xf32>, vector<16xi32> -> vector<16xf32>
        %broadcast_in_dim3A_474 = vector.broadcast %add3A_464 : i32 to vector<16x1xi32>
        %gather3A_475 = vector.shape_cast %broadcast_in_dim3A_474 : vector<16x1xi32> to vector<16xi32>
        %gather3A_476 = tpu.dynamic_gather %get3A_278[%gather3A_475] in [0] : vector<16xf32>, vector<16xi32> -> vector<16xf32>
        %get3A_477 = arith.index_cast %add3A_462 : i32 to index
        %get3A_478 = arith.constant 0 : index
        %get3A_479 = tpu.vector_load %arg24[%get3A_477, %get3A_478] {strides = array<i32>} : memref<512x96xf32, #tpu.memory_space<vmem>>, vector<16xf32>,
        %add3A_480 = arith.constant 128 : i32
        %add3A_481 = arith.addi %add3A_480, %add3A_462 : i32
        %get3A_482 = arith.index_cast %add3A_481 : i32 to index
        %get3A_483 = arith.constant 0 : index
        %get3A_484 = tpu.vector_load %arg24[%get3A_482, %get3A_483] {strides = array<i32>} : memref<512x96xf32, #tpu.memory_space<vmem>>, vector<16xf32>,
        %add3A_485 = arith.constant 256 : i32
        %add3A_486 = arith.addi %add3A_485, %add3A_462 : i32
        %get3A_487 = arith.index_cast %add3A_486 : i32 to index
        %get3A_488 = arith.constant 0 : index
        %get3A_489 = tpu.vector_load %arg24[%get3A_487, %get3A_488] {strides = array<i32>} : memref<512x96xf32, #tpu.memory_space<vmem>>, vector<16xf32>,
        %add3A_490 = arith.constant 384 : i32
        %add3A_491 = arith.addi %add3A_490, %add3A_462 : i32
        %get3A_492 = arith.index_cast %add3A_491 : i32 to index
        %get3A_493 = arith.constant 0 : index
        %get3A_494 = tpu.vector_load %arg24[%get3A_492, %get3A_493] {strides = array<i32>} : memref<512x96xf32, #tpu.memory_space<vmem>>, vector<16xf32>,
        %mul3A_495 = arith.mulf %gather3A_467, %get3A_479 : vector<16xf32>
        %mul3A_496 = arith.mulf %gather3A_470, %get3A_484 : vector<16xf32>
        %add3A_497 = arith.addf %mul3A_495, %mul3A_496 : vector<16xf32>
        %mul3A_498 = arith.mulf %gather3A_473, %get3A_489 : vector<16xf32>
        %mul3A_499 = arith.mulf %gather3A_476, %get3A_494 : vector<16xf32>
        %add3A_500 = arith.addf %mul3A_498, %mul3A_499 : vector<16xf32>
        %add3A_501 = arith.addf %add3A_497, %add3A_500 : vector<16xf32>
        %swap3A_502 = arith.index_cast %add3A_462 : i32 to index
        %swap3A_503 = arith.constant 0 : index
        %swap3A_504 = tpu.vector_load %arg26[%swap3A_502, %swap3A_503] {strides = array<i32>} : memref<128x96xf32, #tpu.memory_space<vmem>>, vector<16xf32>,
        tpu.vector_store %arg26[%swap3A_502, %swap3A_503], %add3A_501 {strides = array<i32>} : memref<128x96xf32, #tpu.memory_space<vmem>>, vector<16xf32>,
        %get3A_505 = arith.index_cast %add3A_462 : i32 to index
        %get3A_506 = arith.constant 16 : index
        %get3A_507 = tpu.vector_load %arg24[%get3A_505, %get3A_506] {strides = array<i32>} : memref<512x96xf32, #tpu.memory_space<vmem>>, vector<16xf32>,
        %add3A_508 = arith.constant 128 : i32
        %add3A_509 = arith.addi %add3A_508, %add3A_462 : i32
        %get3A_510 = arith.index_cast %add3A_509 : i32 to index
        %get3A_511 = arith.constant 16 : index
        %get3A_512 = tpu.vector_load %arg24[%get3A_510, %get3A_511] {strides = array<i32>} : memref<512x96xf32, #tpu.memory_space<vmem>>, vector<16xf32>,
        %add3A_513 = arith.constant 256 : i32
        %add3A_514 = arith.addi %add3A_513, %add3A_462 : i32
        %get3A_515 = arith.index_cast %add3A_514 : i32 to index
        %get3A_516 = arith.constant 16 : index
        %get3A_517 = tpu.vector_load %arg24[%get3A_515, %get3A_516] {strides = array<i32>} : memref<512x96xf32, #tpu.memory_space<vmem>>, vector<16xf32>,
        %add3A_518 = arith.constant 384 : i32
        %add3A_519 = arith.addi %add3A_518, %add3A_462 : i32
        %get3A_520 = arith.index_cast %add3A_519 : i32 to index
        %get3A_521 = arith.constant 16 : index
        %get3A_522 = tpu.vector_load %arg24[%get3A_520, %get3A_521] {strides = array<i32>} : memref<512x96xf32, #tpu.memory_space<vmem>>, vector<16xf32>,
        %mul3A_523 = arith.mulf %gather3A_467, %get3A_507 : vector<16xf32>
        %mul3A_524 = arith.mulf %gather3A_470, %get3A_512 : vector<16xf32>
        %add3A_525 = arith.addf %mul3A_523, %mul3A_524 : vector<16xf32>
        %mul3A_526 = arith.mulf %gather3A_473, %get3A_517 : vector<16xf32>
        %mul3A_527 = arith.mulf %gather3A_476, %get3A_522 : vector<16xf32>
        %add3A_528 = arith.addf %mul3A_526, %mul3A_527 : vector<16xf32>
        %add3A_529 = arith.addf %add3A_525, %add3A_528 : vector<16xf32>
        %swap3A_530 = arith.index_cast %add3A_462 : i32 to index
        %swap3A_531 = arith.constant 16 : index
        %swap3A_532 = tpu.vector_load %arg26[%swap3A_530, %swap3A_531] {strides = array<i32>} : memref<128x96xf32, #tpu.memory_space<vmem>>, vector<16xf32>,
        tpu.vector_store %arg26[%swap3A_530, %swap3A_531], %add3A_529 {strides = array<i32>} : memref<128x96xf32, #tpu.memory_space<vmem>>, vector<16xf32>,
        %get3A_533 = arith.index_cast %add3A_462 : i32 to index
        %get3A_534 = arith.constant 32 : index
        %get3A_535 = tpu.vector_load %arg24[%get3A_533, %get3A_534] {strides = array<i32>} : memref<512x96xf32, #tpu.memory_space<vmem>>, vector<16xf32>,
        %add3A_536 = arith.constant 128 : i32
        %add3A_537 = arith.addi %add3A_536, %add3A_462 : i32
        %get3A_538 = arith.index_cast %add3A_537 : i32 to index
        %get3A_539 = arith.constant 32 : index
        %get3A_540 = tpu.vector_load %arg24[%get3A_538, %get3A_539] {strides = array<i32>} : memref<512x96xf32, #tpu.memory_space<vmem>>, vector<16xf32>,
        %add3A_541 = arith.constant 256 : i32
        %add3A_542 = arith.addi %add3A_541, %add3A_462 : i32
        %get3A_543 = arith.index_cast %add3A_542 : i32 to index
        %get3A_544 = arith.constant 32 : index
        %get3A_545 = tpu.vector_load %arg24[%get3A_543, %get3A_544] {strides = array<i32>} : memref<512x96xf32, #tpu.memory_space<vmem>>, vector<16xf32>,
        %add3A_546 = arith.constant 384 : i32
        %add3A_547 = arith.addi %add3A_546, %add3A_462 : i32
        %get3A_548 = arith.index_cast %add3A_547 : i32 to index
        %get3A_549 = arith.constant 32 : index
        %get3A_550 = tpu.vector_load %arg24[%get3A_548, %get3A_549] {strides = array<i32>} : memref<512x96xf32, #tpu.memory_space<vmem>>, vector<16xf32>,
        %mul3A_551 = arith.mulf %gather3A_467, %get3A_535 : vector<16xf32>
        %mul3A_552 = arith.mulf %gather3A_470, %get3A_540 : vector<16xf32>
        %add3A_553 = arith.addf %mul3A_551, %mul3A_552 : vector<16xf32>
        %mul3A_554 = arith.mulf %gather3A_473, %get3A_545 : vector<16xf32>
        %mul3A_555 = arith.mulf %gather3A_476, %get3A_550 : vector<16xf32>
        %add3A_556 = arith.addf %mul3A_554, %mul3A_555 : vector<16xf32>
        %add3A_557 = arith.addf %add3A_553, %add3A_556 : vector<16xf32>
        %swap3A_558 = arith.index_cast %add3A_462 : i32 to index
        %swap3A_559 = arith.constant 32 : index
        %swap3A_560 = tpu.vector_load %arg26[%swap3A_558, %swap3A_559] {strides = array<i32>} : memref<128x96xf32, #tpu.memory_space<vmem>>, vector<16xf32>,
        tpu.vector_store %arg26[%swap3A_558, %swap3A_559], %add3A_557 {strides = array<i32>} : memref<128x96xf32, #tpu.memory_space<vmem>>, vector<16xf32>,
        %get3A_561 = arith.index_cast %add3A_462 : i32 to index
        %get3A_562 = arith.constant 48 : index
        %get3A_563 = tpu.vector_load %arg24[%get3A_561, %get3A_562] {strides = array<i32>} : memref<512x96xf32, #tpu.memory_space<vmem>>, vector<16xf32>,
        %add3A_564 = arith.constant 128 : i32
        %add3A_565 = arith.addi %add3A_564, %add3A_462 : i32
        %get3A_566 = arith.index_cast %add3A_565 : i32 to index
        %get3A_567 = arith.constant 48 : index
        %get3A_568 = tpu.vector_load %arg24[%get3A_566, %get3A_567] {strides = array<i32>} : memref<512x96xf32, #tpu.memory_space<vmem>>, vector<16xf32>,
        %add3A_569 = arith.constant 256 : i32
        %add3A_570 = arith.addi %add3A_569, %add3A_462 : i32
        %get3A_571 = arith.index_cast %add3A_570 : i32 to index
        %get3A_572 = arith.constant 48 : index
        %get3A_573 = tpu.vector_load %arg24[%get3A_571, %get3A_572] {strides = array<i32>} : memref<512x96xf32, #tpu.memory_space<vmem>>, vector<16xf32>,
        %add3A_574 = arith.constant 384 : i32
        %add3A_575 = arith.addi %add3A_574, %add3A_462 : i32
        %get3A_576 = arith.index_cast %add3A_575 : i32 to index
        %get3A_577 = arith.constant 48 : index
        %get3A_578 = tpu.vector_load %arg24[%get3A_576, %get3A_577] {strides = array<i32>} : memref<512x96xf32, #tpu.memory_space<vmem>>, vector<16xf32>,
        %mul3A_579 = arith.mulf %gather3A_467, %get3A_563 : vector<16xf32>
        %mul3A_580 = arith.mulf %gather3A_470, %get3A_568 : vector<16xf32>
        %add3A_581 = arith.addf %mul3A_579, %mul3A_580 : vector<16xf32>
        %mul3A_582 = arith.mulf %gather3A_473, %get3A_573 : vector<16xf32>
        %mul3A_583 = arith.mulf %gather3A_476, %get3A_578 : vector<16xf32>
        %add3A_584 = arith.addf %mul3A_582, %mul3A_583 : vector<16xf32>
        %add3A_585 = arith.addf %add3A_581, %add3A_584 : vector<16xf32>
        %swap3A_586 = arith.index_cast %add3A_462 : i32 to index
        %swap3A_587 = arith.constant 48 : index
        %swap3A_588 = tpu.vector_load %arg26[%swap3A_586, %swap3A_587] {strides = array<i32>} : memref<128x96xf32, #tpu.memory_space<vmem>>, vector<16xf32>,
        tpu.vector_store %arg26[%swap3A_586, %swap3A_587], %add3A_585 {strides = array<i32>} : memref<128x96xf32, #tpu.memory_space<vmem>>, vector<16xf32>,
        %get3A_589 = arith.index_cast %add3A_462 : i32 to index
        %get3A_590 = arith.constant 64 : index
        %get3A_591 = tpu.vector_load %arg24[%get3A_589, %get3A_590] {strides = array<i32>} : memref<512x96xf32, #tpu.memory_space<vmem>>, vector<16xf32>,
        %add3A_592 = arith.constant 128 : i32
        %add3A_593 = arith.addi %add3A_592, %add3A_462 : i32
        %get3A_594 = arith.index_cast %add3A_593 : i32 to index
        %get3A_595 = arith.constant 64 : index
        %get3A_596 = tpu.vector_load %arg24[%get3A_594, %get3A_595] {strides = array<i32>} : memref<512x96xf32, #tpu.memory_space<vmem>>, vector<16xf32>,
        %add3A_597 = arith.constant 256 : i32
        %add3A_598 = arith.addi %add3A_597, %add3A_462 : i32
        %get3A_599 = arith.index_cast %add3A_598 : i32 to index
        %get3A_600 = arith.constant 64 : index
        %get3A_601 = tpu.vector_load %arg24[%get3A_599, %get3A_600] {strides = array<i32>} : memref<512x96xf32, #tpu.memory_space<vmem>>, vector<16xf32>,
        %add3A_602 = arith.constant 384 : i32
        %add3A_603 = arith.addi %add3A_602, %add3A_462 : i32
        %get3A_604 = arith.index_cast %add3A_603 : i32 to index
        %get3A_605 = arith.constant 64 : index
        %get3A_606 = tpu.vector_load %arg24[%get3A_604, %get3A_605] {strides = array<i32>} : memref<512x96xf32, #tpu.memory_space<vmem>>, vector<16xf32>,
        %mul3A_607 = arith.mulf %gather3A_467, %get3A_591 : vector<16xf32>
        %mul3A_608 = arith.mulf %gather3A_470, %get3A_596 : vector<16xf32>
        %add3A_609 = arith.addf %mul3A_607, %mul3A_608 : vector<16xf32>
        %mul3A_610 = arith.mulf %gather3A_473, %get3A_601 : vector<16xf32>
        %mul3A_611 = arith.mulf %gather3A_476, %get3A_606 : vector<16xf32>
        %add3A_612 = arith.addf %mul3A_610, %mul3A_611 : vector<16xf32>
        %add3A_613 = arith.addf %add3A_609, %add3A_612 : vector<16xf32>
        %swap3A_614 = arith.index_cast %add3A_462 : i32 to index
        %swap3A_615 = arith.constant 64 : index
        %swap3A_616 = tpu.vector_load %arg26[%swap3A_614, %swap3A_615] {strides = array<i32>} : memref<128x96xf32, #tpu.memory_space<vmem>>, vector<16xf32>,
        tpu.vector_store %arg26[%swap3A_614, %swap3A_615], %add3A_613 {strides = array<i32>} : memref<128x96xf32, #tpu.memory_space<vmem>>, vector<16xf32>,
        %get3A_617 = arith.index_cast %add3A_462 : i32 to index
        %get3A_618 = arith.constant 80 : index
        %get3A_619 = tpu.vector_load %arg24[%get3A_617, %get3A_618] {strides = array<i32>} : memref<512x96xf32, #tpu.memory_space<vmem>>, vector<16xf32>,
        %add3A_620 = arith.constant 128 : i32
        %add3A_621 = arith.addi %add3A_620, %add3A_462 : i32
        %get3A_622 = arith.index_cast %add3A_621 : i32 to index
        %get3A_623 = arith.constant 80 : index
        %get3A_624 = tpu.vector_load %arg24[%get3A_622, %get3A_623] {strides = array<i32>} : memref<512x96xf32, #tpu.memory_space<vmem>>, vector<16xf32>,
        %add3A_625 = arith.constant 256 : i32
        %add3A_626 = arith.addi %add3A_625, %add3A_462 : i32
        %get3A_627 = arith.index_cast %add3A_626 : i32 to index
        %get3A_628 = arith.constant 80 : index
        %get3A_629 = tpu.vector_load %arg24[%get3A_627, %get3A_628] {strides = array<i32>} : memref<512x96xf32, #tpu.memory_space<vmem>>, vector<16xf32>,
        %add3A_630 = arith.constant 384 : i32
        %add3A_631 = arith.addi %add3A_630, %add3A_462 : i32
        %get3A_632 = arith.index_cast %add3A_631 : i32 to index
        %get3A_633 = arith.constant 80 : index
        %get3A_634 = tpu.vector_load %arg24[%get3A_632, %get3A_633] {strides = array<i32>} : memref<512x96xf32, #tpu.memory_space<vmem>>, vector<16xf32>,
        %mul3A_635 = arith.mulf %gather3A_467, %get3A_619 : vector<16xf32>
        %mul3A_636 = arith.mulf %gather3A_470, %get3A_624 : vector<16xf32>
        %add3A_637 = arith.addf %mul3A_635, %mul3A_636 : vector<16xf32>
        %mul3A_638 = arith.mulf %gather3A_473, %get3A_629 : vector<16xf32>
        %mul3A_639 = arith.mulf %gather3A_476, %get3A_634 : vector<16xf32>
        %add3A_640 = arith.addf %mul3A_638, %mul3A_639 : vector<16xf32>
        %add3A_641 = arith.addf %add3A_637, %add3A_640 : vector<16xf32>
        %swap3A_642 = arith.index_cast %add3A_462 : i32 to index
        %swap3A_643 = arith.constant 80 : index
        %swap3A_644 = tpu.vector_load %arg26[%swap3A_642, %swap3A_643] {strides = array<i32>} : memref<128x96xf32, #tpu.memory_space<vmem>>, vector<16xf32>,
        tpu.vector_store %arg26[%swap3A_642, %swap3A_643], %add3A_641 {strides = array<i32>} : memref<128x96xf32, #tpu.memory_space<vmem>>, vector<16xf32>,
        %add3A_645 = arith.constant 2 : i32
        %add3A_646 = arith.addi %mul3A_266, %add3A_645 : i32
        %add3A_647 = arith.constant 2 : i32
        %add3A_648 = arith.addi %and3A_268, %add3A_647 : i32
        %broadcast_in_dim3A_649 = vector.broadcast %add3A_648 : i32 to vector<16x1xi32>
        %gather3A_650 = vector.shape_cast %broadcast_in_dim3A_649 : vector<16x1xi32> to vector<16xi32>
        %gather3A_651 = tpu.dynamic_gather %get3A_272[%gather3A_650] in [0] : vector<16xf32>, vector<16xi32> -> vector<16xf32>
        %broadcast_in_dim3A_652 = vector.broadcast %add3A_648 : i32 to vector<16x1xi32>
        %gather3A_653 = vector.shape_cast %broadcast_in_dim3A_652 : vector<16x1xi32> to vector<16xi32>
        %gather3A_654 = tpu.dynamic_gather %get3A_274[%gather3A_653] in [0] : vector<16xf32>, vector<16xi32> -> vector<16xf32>
        %broadcast_in_dim3A_655 = vector.broadcast %add3A_648 : i32 to vector<16x1xi32>
        %gather3A_656 = vector.shape_cast %broadcast_in_dim3A_655 : vector<16x1xi32> to vector<16xi32>
        %gather3A_657 = tpu.dynamic_gather %get3A_276[%gather3A_656] in [0] : vector<16xf32>, vector<16xi32> -> vector<16xf32>
        %broadcast_in_dim3A_658 = vector.broadcast %add3A_648 : i32 to vector<16x1xi32>
        %gather3A_659 = vector.shape_cast %broadcast_in_dim3A_658 : vector<16x1xi32> to vector<16xi32>
        %gather3A_660 = tpu.dynamic_gather %get3A_278[%gather3A_659] in [0] : vector<16xf32>, vector<16xi32> -> vector<16xf32>
        %get3A_661 = arith.index_cast %add3A_646 : i32 to index
        %get3A_662 = arith.constant 0 : index
        %get3A_663 = tpu.vector_load %arg24[%get3A_661, %get3A_662] {strides = array<i32>} : memref<512x96xf32, #tpu.memory_space<vmem>>, vector<16xf32>,
        %add3A_664 = arith.constant 128 : i32
        %add3A_665 = arith.addi %add3A_664, %add3A_646 : i32
        %get3A_666 = arith.index_cast %add3A_665 : i32 to index
        %get3A_667 = arith.constant 0 : index
        %get3A_668 = tpu.vector_load %arg24[%get3A_666, %get3A_667] {strides = array<i32>} : memref<512x96xf32, #tpu.memory_space<vmem>>, vector<16xf32>,
        %add3A_669 = arith.constant 256 : i32
        %add3A_670 = arith.addi %add3A_669, %add3A_646 : i32
        %get3A_671 = arith.index_cast %add3A_670 : i32 to index
        %get3A_672 = arith.constant 0 : index
        %get3A_673 = tpu.vector_load %arg24[%get3A_671, %get3A_672] {strides = array<i32>} : memref<512x96xf32, #tpu.memory_space<vmem>>, vector<16xf32>,
        %add3A_674 = arith.constant 384 : i32
        %add3A_675 = arith.addi %add3A_674, %add3A_646 : i32
        %get3A_676 = arith.index_cast %add3A_675 : i32 to index
        %get3A_677 = arith.constant 0 : index
        %get3A_678 = tpu.vector_load %arg24[%get3A_676, %get3A_677] {strides = array<i32>} : memref<512x96xf32, #tpu.memory_space<vmem>>, vector<16xf32>,
        %mul3A_679 = arith.mulf %gather3A_651, %get3A_663 : vector<16xf32>
        %mul3A_680 = arith.mulf %gather3A_654, %get3A_668 : vector<16xf32>
        %add3A_681 = arith.addf %mul3A_679, %mul3A_680 : vector<16xf32>
        %mul3A_682 = arith.mulf %gather3A_657, %get3A_673 : vector<16xf32>
        %mul3A_683 = arith.mulf %gather3A_660, %get3A_678 : vector<16xf32>
        %add3A_684 = arith.addf %mul3A_682, %mul3A_683 : vector<16xf32>
        %add3A_685 = arith.addf %add3A_681, %add3A_684 : vector<16xf32>
        %swap3A_686 = arith.index_cast %add3A_646 : i32 to index
        %swap3A_687 = arith.constant 0 : index
        %swap3A_688 = tpu.vector_load %arg26[%swap3A_686, %swap3A_687] {strides = array<i32>} : memref<128x96xf32, #tpu.memory_space<vmem>>, vector<16xf32>,
        tpu.vector_store %arg26[%swap3A_686, %swap3A_687], %add3A_685 {strides = array<i32>} : memref<128x96xf32, #tpu.memory_space<vmem>>, vector<16xf32>,
        %get3A_689 = arith.index_cast %add3A_646 : i32 to index
        %get3A_690 = arith.constant 16 : index
        %get3A_691 = tpu.vector_load %arg24[%get3A_689, %get3A_690] {strides = array<i32>} : memref<512x96xf32, #tpu.memory_space<vmem>>, vector<16xf32>,
        %add3A_692 = arith.constant 128 : i32
        %add3A_693 = arith.addi %add3A_692, %add3A_646 : i32
        %get3A_694 = arith.index_cast %add3A_693 : i32 to index
        %get3A_695 = arith.constant 16 : index
        %get3A_696 = tpu.vector_load %arg24[%get3A_694, %get3A_695] {strides = array<i32>} : memref<512x96xf32, #tpu.memory_space<vmem>>, vector<16xf32>,
        %add3A_697 = arith.constant 256 : i32
        %add3A_698 = arith.addi %add3A_697, %add3A_646 : i32
        %get3A_699 = arith.index_cast %add3A_698 : i32 to index
        %get3A_700 = arith.constant 16 : index
        %get3A_701 = tpu.vector_load %arg24[%get3A_699, %get3A_700] {strides = array<i32>} : memref<512x96xf32, #tpu.memory_space<vmem>>, vector<16xf32>,
        %add3A_702 = arith.constant 384 : i32
        %add3A_703 = arith.addi %add3A_702, %add3A_646 : i32
        %get3A_704 = arith.index_cast %add3A_703 : i32 to index
        %get3A_705 = arith.constant 16 : index
        %get3A_706 = tpu.vector_load %arg24[%get3A_704, %get3A_705] {strides = array<i32>} : memref<512x96xf32, #tpu.memory_space<vmem>>, vector<16xf32>,
        %mul3A_707 = arith.mulf %gather3A_651, %get3A_691 : vector<16xf32>
        %mul3A_708 = arith.mulf %gather3A_654, %get3A_696 : vector<16xf32>
        %add3A_709 = arith.addf %mul3A_707, %mul3A_708 : vector<16xf32>
        %mul3A_710 = arith.mulf %gather3A_657, %get3A_701 : vector<16xf32>
        %mul3A_711 = arith.mulf %gather3A_660, %get3A_706 : vector<16xf32>
        %add3A_712 = arith.addf %mul3A_710, %mul3A_711 : vector<16xf32>
        %add3A_713 = arith.addf %add3A_709, %add3A_712 : vector<16xf32>
        %swap3A_714 = arith.index_cast %add3A_646 : i32 to index
        %swap3A_715 = arith.constant 16 : index
        %swap3A_716 = tpu.vector_load %arg26[%swap3A_714, %swap3A_715] {strides = array<i32>} : memref<128x96xf32, #tpu.memory_space<vmem>>, vector<16xf32>,
        tpu.vector_store %arg26[%swap3A_714, %swap3A_715], %add3A_713 {strides = array<i32>} : memref<128x96xf32, #tpu.memory_space<vmem>>, vector<16xf32>,
        %get3A_717 = arith.index_cast %add3A_646 : i32 to index
        %get3A_718 = arith.constant 32 : index
        %get3A_719 = tpu.vector_load %arg24[%get3A_717, %get3A_718] {strides = array<i32>} : memref<512x96xf32, #tpu.memory_space<vmem>>, vector<16xf32>,
        %add3A_720 = arith.constant 128 : i32
        %add3A_721 = arith.addi %add3A_720, %add3A_646 : i32
        %get3A_722 = arith.index_cast %add3A_721 : i32 to index
        %get3A_723 = arith.constant 32 : index
        %get3A_724 = tpu.vector_load %arg24[%get3A_722, %get3A_723] {strides = array<i32>} : memref<512x96xf32, #tpu.memory_space<vmem>>, vector<16xf32>,
        %add3A_725 = arith.constant 256 : i32
        %add3A_726 = arith.addi %add3A_725, %add3A_646 : i32
        %get3A_727 = arith.index_cast %add3A_726 : i32 to index
        %get3A_728 = arith.constant 32 : index
        %get3A_729 = tpu.vector_load %arg24[%get3A_727, %get3A_728] {strides = array<i32>} : memref<512x96xf32, #tpu.memory_space<vmem>>, vector<16xf32>,
        %add3A_730 = arith.constant 384 : i32
        %add3A_731 = arith.addi %add3A_730, %add3A_646 : i32
        %get3A_732 = arith.index_cast %add3A_731 : i32 to index
        %get3A_733 = arith.constant 32 : index
        %get3A_734 = tpu.vector_load %arg24[%get3A_732, %get3A_733] {strides = array<i32>} : memref<512x96xf32, #tpu.memory_space<vmem>>, vector<16xf32>,
        %mul3A_735 = arith.mulf %gather3A_651, %get3A_719 : vector<16xf32>
        %mul3A_736 = arith.mulf %gather3A_654, %get3A_724 : vector<16xf32>
        %add3A_737 = arith.addf %mul3A_735, %mul3A_736 : vector<16xf32>
        %mul3A_738 = arith.mulf %gather3A_657, %get3A_729 : vector<16xf32>
        %mul3A_739 = arith.mulf %gather3A_660, %get3A_734 : vector<16xf32>
        %add3A_740 = arith.addf %mul3A_738, %mul3A_739 : vector<16xf32>
        %add3A_741 = arith.addf %add3A_737, %add3A_740 : vector<16xf32>
        %swap3A_742 = arith.index_cast %add3A_646 : i32 to index
        %swap3A_743 = arith.constant 32 : index
        %swap3A_744 = tpu.vector_load %arg26[%swap3A_742, %swap3A_743] {strides = array<i32>} : memref<128x96xf32, #tpu.memory_space<vmem>>, vector<16xf32>,
        tpu.vector_store %arg26[%swap3A_742, %swap3A_743], %add3A_741 {strides = array<i32>} : memref<128x96xf32, #tpu.memory_space<vmem>>, vector<16xf32>,
        %get3A_745 = arith.index_cast %add3A_646 : i32 to index
        %get3A_746 = arith.constant 48 : index
        %get3A_747 = tpu.vector_load %arg24[%get3A_745, %get3A_746] {strides = array<i32>} : memref<512x96xf32, #tpu.memory_space<vmem>>, vector<16xf32>,
        %add3A_748 = arith.constant 128 : i32
        %add3A_749 = arith.addi %add3A_748, %add3A_646 : i32
        %get3A_750 = arith.index_cast %add3A_749 : i32 to index
        %get3A_751 = arith.constant 48 : index
        %get3A_752 = tpu.vector_load %arg24[%get3A_750, %get3A_751] {strides = array<i32>} : memref<512x96xf32, #tpu.memory_space<vmem>>, vector<16xf32>,
        %add3A_753 = arith.constant 256 : i32
        %add3A_754 = arith.addi %add3A_753, %add3A_646 : i32
        %get3A_755 = arith.index_cast %add3A_754 : i32 to index
        %get3A_756 = arith.constant 48 : index
        %get3A_757 = tpu.vector_load %arg24[%get3A_755, %get3A_756] {strides = array<i32>} : memref<512x96xf32, #tpu.memory_space<vmem>>, vector<16xf32>,
        %add3A_758 = arith.constant 384 : i32
        %add3A_759 = arith.addi %add3A_758, %add3A_646 : i32
        %get3A_760 = arith.index_cast %add3A_759 : i32 to index
        %get3A_761 = arith.constant 48 : index
        %get3A_762 = tpu.vector_load %arg24[%get3A_760, %get3A_761] {strides = array<i32>} : memref<512x96xf32, #tpu.memory_space<vmem>>, vector<16xf32>,
        %mul3A_763 = arith.mulf %gather3A_651, %get3A_747 : vector<16xf32>
        %mul3A_764 = arith.mulf %gather3A_654, %get3A_752 : vector<16xf32>
        %add3A_765 = arith.addf %mul3A_763, %mul3A_764 : vector<16xf32>
        %mul3A_766 = arith.mulf %gather3A_657, %get3A_757 : vector<16xf32>
        %mul3A_767 = arith.mulf %gather3A_660, %get3A_762 : vector<16xf32>
        %add3A_768 = arith.addf %mul3A_766, %mul3A_767 : vector<16xf32>
        %add3A_769 = arith.addf %add3A_765, %add3A_768 : vector<16xf32>
        %swap3A_770 = arith.index_cast %add3A_646 : i32 to index
        %swap3A_771 = arith.constant 48 : index
        %swap3A_772 = tpu.vector_load %arg26[%swap3A_770, %swap3A_771] {strides = array<i32>} : memref<128x96xf32, #tpu.memory_space<vmem>>, vector<16xf32>,
        tpu.vector_store %arg26[%swap3A_770, %swap3A_771], %add3A_769 {strides = array<i32>} : memref<128x96xf32, #tpu.memory_space<vmem>>, vector<16xf32>,
        %get3A_773 = arith.index_cast %add3A_646 : i32 to index
        %get3A_774 = arith.constant 64 : index
        %get3A_775 = tpu.vector_load %arg24[%get3A_773, %get3A_774] {strides = array<i32>} : memref<512x96xf32, #tpu.memory_space<vmem>>, vector<16xf32>,
        %add3A_776 = arith.constant 128 : i32
        %add3A_777 = arith.addi %add3A_776, %add3A_646 : i32
        %get3A_778 = arith.index_cast %add3A_777 : i32 to index
        %get3A_779 = arith.constant 64 : index
        %get3A_780 = tpu.vector_load %arg24[%get3A_778, %get3A_779] {strides = array<i32>} : memref<512x96xf32, #tpu.memory_space<vmem>>, vector<16xf32>,
        %add3A_781 = arith.constant 256 : i32
        %add3A_782 = arith.addi %add3A_781, %add3A_646 : i32
        %get3A_783 = arith.index_cast %add3A_782 : i32 to index
        %get3A_784 = arith.constant 64 : index
        %get3A_785 = tpu.vector_load %arg24[%get3A_783, %get3A_784] {strides = array<i32>} : memref<512x96xf32, #tpu.memory_space<vmem>>, vector<16xf32>,
        %add3A_786 = arith.constant 384 : i32
        %add3A_787 = arith.addi %add3A_786, %add3A_646 : i32
        %get3A_788 = arith.index_cast %add3A_787 : i32 to index
        %get3A_789 = arith.constant 64 : index
        %get3A_790 = tpu.vector_load %arg24[%get3A_788, %get3A_789] {strides = array<i32>} : memref<512x96xf32, #tpu.memory_space<vmem>>, vector<16xf32>,
        %mul3A_791 = arith.mulf %gather3A_651, %get3A_775 : vector<16xf32>
        %mul3A_792 = arith.mulf %gather3A_654, %get3A_780 : vector<16xf32>
        %add3A_793 = arith.addf %mul3A_791, %mul3A_792 : vector<16xf32>
        %mul3A_794 = arith.mulf %gather3A_657, %get3A_785 : vector<16xf32>
        %mul3A_795 = arith.mulf %gather3A_660, %get3A_790 : vector<16xf32>
        %add3A_796 = arith.addf %mul3A_794, %mul3A_795 : vector<16xf32>
        %add3A_797 = arith.addf %add3A_793, %add3A_796 : vector<16xf32>
        %swap3A_798 = arith.index_cast %add3A_646 : i32 to index
        %swap3A_799 = arith.constant 64 : index
        %swap3A_800 = tpu.vector_load %arg26[%swap3A_798, %swap3A_799] {strides = array<i32>} : memref<128x96xf32, #tpu.memory_space<vmem>>, vector<16xf32>,
        tpu.vector_store %arg26[%swap3A_798, %swap3A_799], %add3A_797 {strides = array<i32>} : memref<128x96xf32, #tpu.memory_space<vmem>>, vector<16xf32>,
        %get3A_801 = arith.index_cast %add3A_646 : i32 to index
        %get3A_802 = arith.constant 80 : index
        %get3A_803 = tpu.vector_load %arg24[%get3A_801, %get3A_802] {strides = array<i32>} : memref<512x96xf32, #tpu.memory_space<vmem>>, vector<16xf32>,
        %add3A_804 = arith.constant 128 : i32
        %add3A_805 = arith.addi %add3A_804, %add3A_646 : i32
        %get3A_806 = arith.index_cast %add3A_805 : i32 to index
        %get3A_807 = arith.constant 80 : index
        %get3A_808 = tpu.vector_load %arg24[%get3A_806, %get3A_807] {strides = array<i32>} : memref<512x96xf32, #tpu.memory_space<vmem>>, vector<16xf32>,
        %add3A_809 = arith.constant 256 : i32
        %add3A_810 = arith.addi %add3A_809, %add3A_646 : i32
        %get3A_811 = arith.index_cast %add3A_810 : i32 to index
        %get3A_812 = arith.constant 80 : index
        %get3A_813 = tpu.vector_load %arg24[%get3A_811, %get3A_812] {strides = array<i32>} : memref<512x96xf32, #tpu.memory_space<vmem>>, vector<16xf32>,
        %add3A_814 = arith.constant 384 : i32
        %add3A_815 = arith.addi %add3A_814, %add3A_646 : i32
        %get3A_816 = arith.index_cast %add3A_815 : i32 to index
        %get3A_817 = arith.constant 80 : index
        %get3A_818 = tpu.vector_load %arg24[%get3A_816, %get3A_817] {strides = array<i32>} : memref<512x96xf32, #tpu.memory_space<vmem>>, vector<16xf32>,
        %mul3A_819 = arith.mulf %gather3A_651, %get3A_803 : vector<16xf32>
        %mul3A_820 = arith.mulf %gather3A_654, %get3A_808 : vector<16xf32>
        %add3A_821 = arith.addf %mul3A_819, %mul3A_820 : vector<16xf32>
        %mul3A_822 = arith.mulf %gather3A_657, %get3A_813 : vector<16xf32>
        %mul3A_823 = arith.mulf %gather3A_660, %get3A_818 : vector<16xf32>
        %add3A_824 = arith.addf %mul3A_822, %mul3A_823 : vector<16xf32>
        %add3A_825 = arith.addf %add3A_821, %add3A_824 : vector<16xf32>
        %swap3A_826 = arith.index_cast %add3A_646 : i32 to index
        %swap3A_827 = arith.constant 80 : index
        %swap3A_828 = tpu.vector_load %arg26[%swap3A_826, %swap3A_827] {strides = array<i32>} : memref<128x96xf32, #tpu.memory_space<vmem>>, vector<16xf32>,
        tpu.vector_store %arg26[%swap3A_826, %swap3A_827], %add3A_825 {strides = array<i32>} : memref<128x96xf32, #tpu.memory_space<vmem>>, vector<16xf32>,
        %add3A_829 = arith.constant 3 : i32
        %add3A_830 = arith.addi %mul3A_266, %add3A_829 : i32
        %add3A_831 = arith.constant 3 : i32
        %add3A_832 = arith.addi %and3A_268, %add3A_831 : i32
        %broadcast_in_dim3A_833 = vector.broadcast %add3A_832 : i32 to vector<16x1xi32>
        %gather3A_834 = vector.shape_cast %broadcast_in_dim3A_833 : vector<16x1xi32> to vector<16xi32>
        %gather3A_835 = tpu.dynamic_gather %get3A_272[%gather3A_834] in [0] : vector<16xf32>, vector<16xi32> -> vector<16xf32>
        %broadcast_in_dim3A_836 = vector.broadcast %add3A_832 : i32 to vector<16x1xi32>
        %gather3A_837 = vector.shape_cast %broadcast_in_dim3A_836 : vector<16x1xi32> to vector<16xi32>
        %gather3A_838 = tpu.dynamic_gather %get3A_274[%gather3A_837] in [0] : vector<16xf32>, vector<16xi32> -> vector<16xf32>
        %broadcast_in_dim3A_839 = vector.broadcast %add3A_832 : i32 to vector<16x1xi32>
        %gather3A_840 = vector.shape_cast %broadcast_in_dim3A_839 : vector<16x1xi32> to vector<16xi32>
        %gather3A_841 = tpu.dynamic_gather %get3A_276[%gather3A_840] in [0] : vector<16xf32>, vector<16xi32> -> vector<16xf32>
        %broadcast_in_dim3A_842 = vector.broadcast %add3A_832 : i32 to vector<16x1xi32>
        %gather3A_843 = vector.shape_cast %broadcast_in_dim3A_842 : vector<16x1xi32> to vector<16xi32>
        %gather3A_844 = tpu.dynamic_gather %get3A_278[%gather3A_843] in [0] : vector<16xf32>, vector<16xi32> -> vector<16xf32>
        %get3A_845 = arith.index_cast %add3A_830 : i32 to index
        %get3A_846 = arith.constant 0 : index
        %get3A_847 = tpu.vector_load %arg24[%get3A_845, %get3A_846] {strides = array<i32>} : memref<512x96xf32, #tpu.memory_space<vmem>>, vector<16xf32>,
        %add3A_848 = arith.constant 128 : i32
        %add3A_849 = arith.addi %add3A_848, %add3A_830 : i32
        %get3A_850 = arith.index_cast %add3A_849 : i32 to index
        %get3A_851 = arith.constant 0 : index
        %get3A_852 = tpu.vector_load %arg24[%get3A_850, %get3A_851] {strides = array<i32>} : memref<512x96xf32, #tpu.memory_space<vmem>>, vector<16xf32>,
        %add3A_853 = arith.constant 256 : i32
        %add3A_854 = arith.addi %add3A_853, %add3A_830 : i32
        %get3A_855 = arith.index_cast %add3A_854 : i32 to index
        %get3A_856 = arith.constant 0 : index
        %get3A_857 = tpu.vector_load %arg24[%get3A_855, %get3A_856] {strides = array<i32>} : memref<512x96xf32, #tpu.memory_space<vmem>>, vector<16xf32>,
        %add3A_858 = arith.constant 384 : i32
        %add3A_859 = arith.addi %add3A_858, %add3A_830 : i32
        %get3A_860 = arith.index_cast %add3A_859 : i32 to index
        %get3A_861 = arith.constant 0 : index
        %get3A_862 = tpu.vector_load %arg24[%get3A_860, %get3A_861] {strides = array<i32>} : memref<512x96xf32, #tpu.memory_space<vmem>>, vector<16xf32>,
        %mul3A_863 = arith.mulf %gather3A_835, %get3A_847 : vector<16xf32>
        %mul3A_864 = arith.mulf %gather3A_838, %get3A_852 : vector<16xf32>
        %add3A_865 = arith.addf %mul3A_863, %mul3A_864 : vector<16xf32>
        %mul3A_866 = arith.mulf %gather3A_841, %get3A_857 : vector<16xf32>
        %mul3A_867 = arith.mulf %gather3A_844, %get3A_862 : vector<16xf32>
        %add3A_868 = arith.addf %mul3A_866, %mul3A_867 : vector<16xf32>
        %add3A_869 = arith.addf %add3A_865, %add3A_868 : vector<16xf32>
        %swap3A_870 = arith.index_cast %add3A_830 : i32 to index
        %swap3A_871 = arith.constant 0 : index
        %swap3A_872 = tpu.vector_load %arg26[%swap3A_870, %swap3A_871] {strides = array<i32>} : memref<128x96xf32, #tpu.memory_space<vmem>>, vector<16xf32>,
        tpu.vector_store %arg26[%swap3A_870, %swap3A_871], %add3A_869 {strides = array<i32>} : memref<128x96xf32, #tpu.memory_space<vmem>>, vector<16xf32>,
        %get3A_873 = arith.index_cast %add3A_830 : i32 to index
        %get3A_874 = arith.constant 16 : index
        %get3A_875 = tpu.vector_load %arg24[%get3A_873, %get3A_874] {strides = array<i32>} : memref<512x96xf32, #tpu.memory_space<vmem>>, vector<16xf32>,
        %add3A_876 = arith.constant 128 : i32
        %add3A_877 = arith.addi %add3A_876, %add3A_830 : i32
        %get3A_878 = arith.index_cast %add3A_877 : i32 to index
        %get3A_879 = arith.constant 16 : index
        %get3A_880 = tpu.vector_load %arg24[%get3A_878, %get3A_879] {strides = array<i32>} : memref<512x96xf32, #tpu.memory_space<vmem>>, vector<16xf32>,
        %add3A_881 = arith.constant 256 : i32
        %add3A_882 = arith.addi %add3A_881, %add3A_830 : i32
        %get3A_883 = arith.index_cast %add3A_882 : i32 to index
        %get3A_884 = arith.constant 16 : index
        %get3A_885 = tpu.vector_load %arg24[%get3A_883, %get3A_884] {strides = array<i32>} : memref<512x96xf32, #tpu.memory_space<vmem>>, vector<16xf32>,
        %add3A_886 = arith.constant 384 : i32
        %add3A_887 = arith.addi %add3A_886, %add3A_830 : i32
        %get3A_888 = arith.index_cast %add3A_887 : i32 to index
        %get3A_889 = arith.constant 16 : index
        %get3A_890 = tpu.vector_load %arg24[%get3A_888, %get3A_889] {strides = array<i32>} : memref<512x96xf32, #tpu.memory_space<vmem>>, vector<16xf32>,
        %mul3A_891 = arith.mulf %gather3A_835, %get3A_875 : vector<16xf32>
        %mul3A_892 = arith.mulf %gather3A_838, %get3A_880 : vector<16xf32>
        %add3A_893 = arith.addf %mul3A_891, %mul3A_892 : vector<16xf32>
        %mul3A_894 = arith.mulf %gather3A_841, %get3A_885 : vector<16xf32>
        %mul3A_895 = arith.mulf %gather3A_844, %get3A_890 : vector<16xf32>
        %add3A_896 = arith.addf %mul3A_894, %mul3A_895 : vector<16xf32>
        %add3A_897 = arith.addf %add3A_893, %add3A_896 : vector<16xf32>
        %swap3A_898 = arith.index_cast %add3A_830 : i32 to index
        %swap3A_899 = arith.constant 16 : index
        %swap3A_900 = tpu.vector_load %arg26[%swap3A_898, %swap3A_899] {strides = array<i32>} : memref<128x96xf32, #tpu.memory_space<vmem>>, vector<16xf32>,
        tpu.vector_store %arg26[%swap3A_898, %swap3A_899], %add3A_897 {strides = array<i32>} : memref<128x96xf32, #tpu.memory_space<vmem>>, vector<16xf32>,
        %get3A_901 = arith.index_cast %add3A_830 : i32 to index
        %get3A_902 = arith.constant 32 : index
        %get3A_903 = tpu.vector_load %arg24[%get3A_901, %get3A_902] {strides = array<i32>} : memref<512x96xf32, #tpu.memory_space<vmem>>, vector<16xf32>,
        %add3A_904 = arith.constant 128 : i32
        %add3A_905 = arith.addi %add3A_904, %add3A_830 : i32
        %get3A_906 = arith.index_cast %add3A_905 : i32 to index
        %get3A_907 = arith.constant 32 : index
        %get3A_908 = tpu.vector_load %arg24[%get3A_906, %get3A_907] {strides = array<i32>} : memref<512x96xf32, #tpu.memory_space<vmem>>, vector<16xf32>,
        %add3A_909 = arith.constant 256 : i32
        %add3A_910 = arith.addi %add3A_909, %add3A_830 : i32
        %get3A_911 = arith.index_cast %add3A_910 : i32 to index
        %get3A_912 = arith.constant 32 : index
        %get3A_913 = tpu.vector_load %arg24[%get3A_911, %get3A_912] {strides = array<i32>} : memref<512x96xf32, #tpu.memory_space<vmem>>, vector<16xf32>,
        %add3A_914 = arith.constant 384 : i32
        %add3A_915 = arith.addi %add3A_914, %add3A_830 : i32
        %get3A_916 = arith.index_cast %add3A_915 : i32 to index
        %get3A_917 = arith.constant 32 : index
        %get3A_918 = tpu.vector_load %arg24[%get3A_916, %get3A_917] {strides = array<i32>} : memref<512x96xf32, #tpu.memory_space<vmem>>, vector<16xf32>,
        %mul3A_919 = arith.mulf %gather3A_835, %get3A_903 : vector<16xf32>
        %mul3A_920 = arith.mulf %gather3A_838, %get3A_908 : vector<16xf32>
        %add3A_921 = arith.addf %mul3A_919, %mul3A_920 : vector<16xf32>
        %mul3A_922 = arith.mulf %gather3A_841, %get3A_913 : vector<16xf32>
        %mul3A_923 = arith.mulf %gather3A_844, %get3A_918 : vector<16xf32>
        %add3A_924 = arith.addf %mul3A_922, %mul3A_923 : vector<16xf32>
        %add3A_925 = arith.addf %add3A_921, %add3A_924 : vector<16xf32>
        %swap3A_926 = arith.index_cast %add3A_830 : i32 to index
        %swap3A_927 = arith.constant 32 : index
        %swap3A_928 = tpu.vector_load %arg26[%swap3A_926, %swap3A_927] {strides = array<i32>} : memref<128x96xf32, #tpu.memory_space<vmem>>, vector<16xf32>,
        tpu.vector_store %arg26[%swap3A_926, %swap3A_927], %add3A_925 {strides = array<i32>} : memref<128x96xf32, #tpu.memory_space<vmem>>, vector<16xf32>,
        %get3A_929 = arith.index_cast %add3A_830 : i32 to index
        %get3A_930 = arith.constant 48 : index
        %get3A_931 = tpu.vector_load %arg24[%get3A_929, %get3A_930] {strides = array<i32>} : memref<512x96xf32, #tpu.memory_space<vmem>>, vector<16xf32>,
        %add3A_932 = arith.constant 128 : i32
        %add3A_933 = arith.addi %add3A_932, %add3A_830 : i32
        %get3A_934 = arith.index_cast %add3A_933 : i32 to index
        %get3A_935 = arith.constant 48 : index
        %get3A_936 = tpu.vector_load %arg24[%get3A_934, %get3A_935] {strides = array<i32>} : memref<512x96xf32, #tpu.memory_space<vmem>>, vector<16xf32>,
        %add3A_937 = arith.constant 256 : i32
        %add3A_938 = arith.addi %add3A_937, %add3A_830 : i32
        %get3A_939 = arith.index_cast %add3A_938 : i32 to index
        %get3A_940 = arith.constant 48 : index
        %get3A_941 = tpu.vector_load %arg24[%get3A_939, %get3A_940] {strides = array<i32>} : memref<512x96xf32, #tpu.memory_space<vmem>>, vector<16xf32>,
        %add3A_942 = arith.constant 384 : i32
        %add3A_943 = arith.addi %add3A_942, %add3A_830 : i32
        %get3A_944 = arith.index_cast %add3A_943 : i32 to index
        %get3A_945 = arith.constant 48 : index
        %get3A_946 = tpu.vector_load %arg24[%get3A_944, %get3A_945] {strides = array<i32>} : memref<512x96xf32, #tpu.memory_space<vmem>>, vector<16xf32>,
        %mul3A_947 = arith.mulf %gather3A_835, %get3A_931 : vector<16xf32>
        %mul3A_948 = arith.mulf %gather3A_838, %get3A_936 : vector<16xf32>
        %add3A_949 = arith.addf %mul3A_947, %mul3A_948 : vector<16xf32>
        %mul3A_950 = arith.mulf %gather3A_841, %get3A_941 : vector<16xf32>
        %mul3A_951 = arith.mulf %gather3A_844, %get3A_946 : vector<16xf32>
        %add3A_952 = arith.addf %mul3A_950, %mul3A_951 : vector<16xf32>
        %add3A_953 = arith.addf %add3A_949, %add3A_952 : vector<16xf32>
        %swap3A_954 = arith.index_cast %add3A_830 : i32 to index
        %swap3A_955 = arith.constant 48 : index
        %swap3A_956 = tpu.vector_load %arg26[%swap3A_954, %swap3A_955] {strides = array<i32>} : memref<128x96xf32, #tpu.memory_space<vmem>>, vector<16xf32>,
        tpu.vector_store %arg26[%swap3A_954, %swap3A_955], %add3A_953 {strides = array<i32>} : memref<128x96xf32, #tpu.memory_space<vmem>>, vector<16xf32>,
        %get3A_957 = arith.index_cast %add3A_830 : i32 to index
        %get3A_958 = arith.constant 64 : index
        %get3A_959 = tpu.vector_load %arg24[%get3A_957, %get3A_958] {strides = array<i32>} : memref<512x96xf32, #tpu.memory_space<vmem>>, vector<16xf32>,
        %add3A_960 = arith.constant 128 : i32
        %add3A_961 = arith.addi %add3A_960, %add3A_830 : i32
        %get3A_962 = arith.index_cast %add3A_961 : i32 to index
        %get3A_963 = arith.constant 64 : index
        %get3A_964 = tpu.vector_load %arg24[%get3A_962, %get3A_963] {strides = array<i32>} : memref<512x96xf32, #tpu.memory_space<vmem>>, vector<16xf32>,
        %add3A_965 = arith.constant 256 : i32
        %add3A_966 = arith.addi %add3A_965, %add3A_830 : i32
        %get3A_967 = arith.index_cast %add3A_966 : i32 to index
        %get3A_968 = arith.constant 64 : index
        %get3A_969 = tpu.vector_load %arg24[%get3A_967, %get3A_968] {strides = array<i32>} : memref<512x96xf32, #tpu.memory_space<vmem>>, vector<16xf32>,
        %add3A_970 = arith.constant 384 : i32
        %add3A_971 = arith.addi %add3A_970, %add3A_830 : i32
        %get3A_972 = arith.index_cast %add3A_971 : i32 to index
        %get3A_973 = arith.constant 64 : index
        %get3A_974 = tpu.vector_load %arg24[%get3A_972, %get3A_973] {strides = array<i32>} : memref<512x96xf32, #tpu.memory_space<vmem>>, vector<16xf32>,
        %mul3A_975 = arith.mulf %gather3A_835, %get3A_959 : vector<16xf32>
        %mul3A_976 = arith.mulf %gather3A_838, %get3A_964 : vector<16xf32>
        %add3A_977 = arith.addf %mul3A_975, %mul3A_976 : vector<16xf32>
        %mul3A_978 = arith.mulf %gather3A_841, %get3A_969 : vector<16xf32>
        %mul3A_979 = arith.mulf %gather3A_844, %get3A_974 : vector<16xf32>
        %add3A_980 = arith.addf %mul3A_978, %mul3A_979 : vector<16xf32>
        %add3A_981 = arith.addf %add3A_977, %add3A_980 : vector<16xf32>
        %swap3A_982 = arith.index_cast %add3A_830 : i32 to index
        %swap3A_983 = arith.constant 64 : index
        %swap3A_984 = tpu.vector_load %arg26[%swap3A_982, %swap3A_983] {strides = array<i32>} : memref<128x96xf32, #tpu.memory_space<vmem>>, vector<16xf32>,
        tpu.vector_store %arg26[%swap3A_982, %swap3A_983], %add3A_981 {strides = array<i32>} : memref<128x96xf32, #tpu.memory_space<vmem>>, vector<16xf32>,
        %get3A_985 = arith.index_cast %add3A_830 : i32 to index
        %get3A_986 = arith.constant 80 : index
        %get3A_987 = tpu.vector_load %arg24[%get3A_985, %get3A_986] {strides = array<i32>} : memref<512x96xf32, #tpu.memory_space<vmem>>, vector<16xf32>,
        %add3A_988 = arith.constant 128 : i32
        %add3A_989 = arith.addi %add3A_988, %add3A_830 : i32
        %get3A_990 = arith.index_cast %add3A_989 : i32 to index
        %get3A_991 = arith.constant 80 : index
        %get3A_992 = tpu.vector_load %arg24[%get3A_990, %get3A_991] {strides = array<i32>} : memref<512x96xf32, #tpu.memory_space<vmem>>, vector<16xf32>,
        %add3A_993 = arith.constant 256 : i32
        %add3A_994 = arith.addi %add3A_993, %add3A_830 : i32
        %get3A_995 = arith.index_cast %add3A_994 : i32 to index
        %get3A_996 = arith.constant 80 : index
        %get3A_997 = tpu.vector_load %arg24[%get3A_995, %get3A_996] {strides = array<i32>} : memref<512x96xf32, #tpu.memory_space<vmem>>, vector<16xf32>,
        %add3A_998 = arith.constant 384 : i32
        %add3A_999 = arith.addi %add3A_998, %add3A_830 : i32
        %get3A_1000 = arith.index_cast %add3A_999 : i32 to index
        %get3A_1001 = arith.constant 80 : index
        %get3A_1002 = tpu.vector_load %arg24[%get3A_1000, %get3A_1001] {strides = array<i32>} : memref<512x96xf32, #tpu.memory_space<vmem>>, vector<16xf32>,
        %mul3A_1003 = arith.mulf %gather3A_835, %get3A_987 : vector<16xf32>
        %mul3A_1004 = arith.mulf %gather3A_838, %get3A_992 : vector<16xf32>
        %add3A_1005 = arith.addf %mul3A_1003, %mul3A_1004 : vector<16xf32>
        %mul3A_1006 = arith.mulf %gather3A_841, %get3A_997 : vector<16xf32>
        %mul3A_1007 = arith.mulf %gather3A_844, %get3A_1002 : vector<16xf32>
        %add3A_1008 = arith.addf %mul3A_1006, %mul3A_1007 : vector<16xf32>
        %add3A_1009 = arith.addf %add3A_1005, %add3A_1008 : vector<16xf32>
        %swap3A_1010 = arith.index_cast %add3A_830 : i32 to index
        %swap3A_1011 = arith.constant 80 : index
        %swap3A_1012 = tpu.vector_load %arg26[%swap3A_1010, %swap3A_1011] {strides = array<i32>} : memref<128x96xf32, #tpu.memory_space<vmem>>, vector<16xf32>,
        tpu.vector_store %arg26[%swap3A_1010, %swap3A_1011], %add3A_1009 {strides = array<i32>} : memref<128x96xf32, #tpu.memory_space<vmem>>, vector<16xf32>,
        %add3A_1013 = arith.constant 4 : i32
        %add3A_1014 = arith.addi %mul3A_266, %add3A_1013 : i32
        %add3A_1015 = arith.constant 4 : i32
        %add3A_1016 = arith.addi %and3A_268, %add3A_1015 : i32
        %broadcast_in_dim3A_1017 = vector.broadcast %add3A_1016 : i32 to vector<16x1xi32>
        %gather3A_1018 = vector.shape_cast %broadcast_in_dim3A_1017 : vector<16x1xi32> to vector<16xi32>
        %gather3A_1019 = tpu.dynamic_gather %get3A_272[%gather3A_1018] in [0] : vector<16xf32>, vector<16xi32> -> vector<16xf32>
        %broadcast_in_dim3A_1020 = vector.broadcast %add3A_1016 : i32 to vector<16x1xi32>
        %gather3A_1021 = vector.shape_cast %broadcast_in_dim3A_1020 : vector<16x1xi32> to vector<16xi32>
        %gather3A_1022 = tpu.dynamic_gather %get3A_274[%gather3A_1021] in [0] : vector<16xf32>, vector<16xi32> -> vector<16xf32>
        %broadcast_in_dim3A_1023 = vector.broadcast %add3A_1016 : i32 to vector<16x1xi32>
        %gather3A_1024 = vector.shape_cast %broadcast_in_dim3A_1023 : vector<16x1xi32> to vector<16xi32>
        %gather3A_1025 = tpu.dynamic_gather %get3A_276[%gather3A_1024] in [0] : vector<16xf32>, vector<16xi32> -> vector<16xf32>
        %broadcast_in_dim3A_1026 = vector.broadcast %add3A_1016 : i32 to vector<16x1xi32>
        %gather3A_1027 = vector.shape_cast %broadcast_in_dim3A_1026 : vector<16x1xi32> to vector<16xi32>
        %gather3A_1028 = tpu.dynamic_gather %get3A_278[%gather3A_1027] in [0] : vector<16xf32>, vector<16xi32> -> vector<16xf32>
        %get3A_1029 = arith.index_cast %add3A_1014 : i32 to index
        %get3A_1030 = arith.constant 0 : index
        %get3A_1031 = tpu.vector_load %arg24[%get3A_1029, %get3A_1030] {strides = array<i32>} : memref<512x96xf32, #tpu.memory_space<vmem>>, vector<16xf32>,
        %add3A_1032 = arith.constant 128 : i32
        %add3A_1033 = arith.addi %add3A_1032, %add3A_1014 : i32
        %get3A_1034 = arith.index_cast %add3A_1033 : i32 to index
        %get3A_1035 = arith.constant 0 : index
        %get3A_1036 = tpu.vector_load %arg24[%get3A_1034, %get3A_1035] {strides = array<i32>} : memref<512x96xf32, #tpu.memory_space<vmem>>, vector<16xf32>,
        %add3A_1037 = arith.constant 256 : i32
        %add3A_1038 = arith.addi %add3A_1037, %add3A_1014 : i32
        %get3A_1039 = arith.index_cast %add3A_1038 : i32 to index
        %get3A_1040 = arith.constant 0 : index
        %get3A_1041 = tpu.vector_load %arg24[%get3A_1039, %get3A_1040] {strides = array<i32>} : memref<512x96xf32, #tpu.memory_space<vmem>>, vector<16xf32>,
        %add3A_1042 = arith.constant 384 : i32
        %add3A_1043 = arith.addi %add3A_1042, %add3A_1014 : i32
        %get3A_1044 = arith.index_cast %add3A_1043 : i32 to index
        %get3A_1045 = arith.constant 0 : index
        %get3A_1046 = tpu.vector_load %arg24[%get3A_1044, %get3A_1045] {strides = array<i32>} : memref<512x96xf32, #tpu.memory_space<vmem>>, vector<16xf32>,
        %mul3A_1047 = arith.mulf %gather3A_1019, %get3A_1031 : vector<16xf32>
        %mul3A_1048 = arith.mulf %gather3A_1022, %get3A_1036 : vector<16xf32>
        %add3A_1049 = arith.addf %mul3A_1047, %mul3A_1048 : vector<16xf32>
        %mul3A_1050 = arith.mulf %gather3A_1025, %get3A_1041 : vector<16xf32>
        %mul3A_1051 = arith.mulf %gather3A_1028, %get3A_1046 : vector<16xf32>
        %add3A_1052 = arith.addf %mul3A_1050, %mul3A_1051 : vector<16xf32>
        %add3A_1053 = arith.addf %add3A_1049, %add3A_1052 : vector<16xf32>
        %swap3A_1054 = arith.index_cast %add3A_1014 : i32 to index
        %swap3A_1055 = arith.constant 0 : index
        %swap3A_1056 = tpu.vector_load %arg26[%swap3A_1054, %swap3A_1055] {strides = array<i32>} : memref<128x96xf32, #tpu.memory_space<vmem>>, vector<16xf32>,
        tpu.vector_store %arg26[%swap3A_1054, %swap3A_1055], %add3A_1053 {strides = array<i32>} : memref<128x96xf32, #tpu.memory_space<vmem>>, vector<16xf32>,
        %get3A_1057 = arith.index_cast %add3A_1014 : i32 to index
        %get3A_1058 = arith.constant 16 : index
        %get3A_1059 = tpu.vector_load %arg24[%get3A_1057, %get3A_1058] {strides = array<i32>} : memref<512x96xf32, #tpu.memory_space<vmem>>, vector<16xf32>,
        %add3A_1060 = arith.constant 128 : i32
        %add3A_1061 = arith.addi %add3A_1060, %add3A_1014 : i32
        %get3A_1062 = arith.index_cast %add3A_1061 : i32 to index
        %get3A_1063 = arith.constant 16 : index
        %get3A_1064 = tpu.vector_load %arg24[%get3A_1062, %get3A_1063] {strides = array<i32>} : memref<512x96xf32, #tpu.memory_space<vmem>>, vector<16xf32>,
        %add3A_1065 = arith.constant 256 : i32
        %add3A_1066 = arith.addi %add3A_1065, %add3A_1014 : i32
        %get3A_1067 = arith.index_cast %add3A_1066 : i32 to index
        %get3A_1068 = arith.constant 16 : index
        %get3A_1069 = tpu.vector_load %arg24[%get3A_1067, %get3A_1068] {strides = array<i32>} : memref<512x96xf32, #tpu.memory_space<vmem>>, vector<16xf32>,
        %add3A_1070 = arith.constant 384 : i32
        %add3A_1071 = arith.addi %add3A_1070, %add3A_1014 : i32
        %get3A_1072 = arith.index_cast %add3A_1071 : i32 to index
        %get3A_1073 = arith.constant 16 : index
        %get3A_1074 = tpu.vector_load %arg24[%get3A_1072, %get3A_1073] {strides = array<i32>} : memref<512x96xf32, #tpu.memory_space<vmem>>, vector<16xf32>,
        %mul3A_1075 = arith.mulf %gather3A_1019, %get3A_1059 : vector<16xf32>
        %mul3A_1076 = arith.mulf %gather3A_1022, %get3A_1064 : vector<16xf32>
        %add3A_1077 = arith.addf %mul3A_1075, %mul3A_1076 : vector<16xf32>
        %mul3A_1078 = arith.mulf %gather3A_1025, %get3A_1069 : vector<16xf32>
        %mul3A_1079 = arith.mulf %gather3A_1028, %get3A_1074 : vector<16xf32>
        %add3A_1080 = arith.addf %mul3A_1078, %mul3A_1079 : vector<16xf32>
        %add3A_1081 = arith.addf %add3A_1077, %add3A_1080 : vector<16xf32>
        %swap3A_1082 = arith.index_cast %add3A_1014 : i32 to index
        %swap3A_1083 = arith.constant 16 : index
        %swap3A_1084 = tpu.vector_load %arg26[%swap3A_1082, %swap3A_1083] {strides = array<i32>} : memref<128x96xf32, #tpu.memory_space<vmem>>, vector<16xf32>,
        tpu.vector_store %arg26[%swap3A_1082, %swap3A_1083], %add3A_1081 {strides = array<i32>} : memref<128x96xf32, #tpu.memory_space<vmem>>, vector<16xf32>,
        %get3A_1085 = arith.index_cast %add3A_1014 : i32 to index
        %get3A_1086 = arith.constant 32 : index
        %get3A_1087 = tpu.vector_load %arg24[%get3A_1085, %get3A_1086] {strides = array<i32>} : memref<512x96xf32, #tpu.memory_space<vmem>>, vector<16xf32>,
        %add3A_1088 = arith.constant 128 : i32
        %add3A_1089 = arith.addi %add3A_1088, %add3A_1014 : i32
        %get3A_1090 = arith.index_cast %add3A_1089 : i32 to index
        %get3A_1091 = arith.constant 32 : index
        %get3A_1092 = tpu.vector_load %arg24[%get3A_1090, %get3A_1091] {strides = array<i32>} : memref<512x96xf32, #tpu.memory_space<vmem>>, vector<16xf32>,
        %add3A_1093 = arith.constant 256 : i32
        %add3A_1094 = arith.addi %add3A_1093, %add3A_1014 : i32
        %get3A_1095 = arith.index_cast %add3A_1094 : i32 to index
        %get3A_1096 = arith.constant 32 : index
        %get3A_1097 = tpu.vector_load %arg24[%get3A_1095, %get3A_1096] {strides = array<i32>} : memref<512x96xf32, #tpu.memory_space<vmem>>, vector<16xf32>,
        %add3A_1098 = arith.constant 384 : i32
        %add3A_1099 = arith.addi %add3A_1098, %add3A_1014 : i32
        %get3A_1100 = arith.index_cast %add3A_1099 : i32 to index
        %get3A_1101 = arith.constant 32 : index
        %get3A_1102 = tpu.vector_load %arg24[%get3A_1100, %get3A_1101] {strides = array<i32>} : memref<512x96xf32, #tpu.memory_space<vmem>>, vector<16xf32>,
        %mul3A_1103 = arith.mulf %gather3A_1019, %get3A_1087 : vector<16xf32>
        %mul3A_1104 = arith.mulf %gather3A_1022, %get3A_1092 : vector<16xf32>
        %add3A_1105 = arith.addf %mul3A_1103, %mul3A_1104 : vector<16xf32>
        %mul3A_1106 = arith.mulf %gather3A_1025, %get3A_1097 : vector<16xf32>
        %mul3A_1107 = arith.mulf %gather3A_1028, %get3A_1102 : vector<16xf32>
        %add3A_1108 = arith.addf %mul3A_1106, %mul3A_1107 : vector<16xf32>
        %add3A_1109 = arith.addf %add3A_1105, %add3A_1108 : vector<16xf32>
        %swap3A_1110 = arith.index_cast %add3A_1014 : i32 to index
        %swap3A_1111 = arith.constant 32 : index
        %swap3A_1112 = tpu.vector_load %arg26[%swap3A_1110, %swap3A_1111] {strides = array<i32>} : memref<128x96xf32, #tpu.memory_space<vmem>>, vector<16xf32>,
        tpu.vector_store %arg26[%swap3A_1110, %swap3A_1111], %add3A_1109 {strides = array<i32>} : memref<128x96xf32, #tpu.memory_space<vmem>>, vector<16xf32>,
        %get3A_1113 = arith.index_cast %add3A_1014 : i32 to index
        %get3A_1114 = arith.constant 48 : index
        %get3A_1115 = tpu.vector_load %arg24[%get3A_1113, %get3A_1114] {strides = array<i32>} : memref<512x96xf32, #tpu.memory_space<vmem>>, vector<16xf32>,
        %add3A_1116 = arith.constant 128 : i32
        %add3A_1117 = arith.addi %add3A_1116, %add3A_1014 : i32
        %get3A_1118 = arith.index_cast %add3A_1117 : i32 to index
        %get3A_1119 = arith.constant 48 : index
        %get3A_1120 = tpu.vector_load %arg24[%get3A_1118, %get3A_1119] {strides = array<i32>} : memref<512x96xf32, #tpu.memory_space<vmem>>, vector<16xf32>,
        %add3A_1121 = arith.constant 256 : i32
        %add3A_1122 = arith.addi %add3A_1121, %add3A_1014 : i32
        %get3A_1123 = arith.index_cast %add3A_1122 : i32 to index
        %get3A_1124 = arith.constant 48 : index
        %get3A_1125 = tpu.vector_load %arg24[%get3A_1123, %get3A_1124] {strides = array<i32>} : memref<512x96xf32, #tpu.memory_space<vmem>>, vector<16xf32>,
        %add3A_1126 = arith.constant 384 : i32
        %add3A_1127 = arith.addi %add3A_1126, %add3A_1014 : i32
        %get3A_1128 = arith.index_cast %add3A_1127 : i32 to index
        %get3A_1129 = arith.constant 48 : index
        %get3A_1130 = tpu.vector_load %arg24[%get3A_1128, %get3A_1129] {strides = array<i32>} : memref<512x96xf32, #tpu.memory_space<vmem>>, vector<16xf32>,
        %mul3A_1131 = arith.mulf %gather3A_1019, %get3A_1115 : vector<16xf32>
        %mul3A_1132 = arith.mulf %gather3A_1022, %get3A_1120 : vector<16xf32>
        %add3A_1133 = arith.addf %mul3A_1131, %mul3A_1132 : vector<16xf32>
        %mul3A_1134 = arith.mulf %gather3A_1025, %get3A_1125 : vector<16xf32>
        %mul3A_1135 = arith.mulf %gather3A_1028, %get3A_1130 : vector<16xf32>
        %add3A_1136 = arith.addf %mul3A_1134, %mul3A_1135 : vector<16xf32>
        %add3A_1137 = arith.addf %add3A_1133, %add3A_1136 : vector<16xf32>
        %swap3A_1138 = arith.index_cast %add3A_1014 : i32 to index
        %swap3A_1139 = arith.constant 48 : index
        %swap3A_1140 = tpu.vector_load %arg26[%swap3A_1138, %swap3A_1139] {strides = array<i32>} : memref<128x96xf32, #tpu.memory_space<vmem>>, vector<16xf32>,
        tpu.vector_store %arg26[%swap3A_1138, %swap3A_1139], %add3A_1137 {strides = array<i32>} : memref<128x96xf32, #tpu.memory_space<vmem>>, vector<16xf32>,
        %get3A_1141 = arith.index_cast %add3A_1014 : i32 to index
        %get3A_1142 = arith.constant 64 : index
        %get3A_1143 = tpu.vector_load %arg24[%get3A_1141, %get3A_1142] {strides = array<i32>} : memref<512x96xf32, #tpu.memory_space<vmem>>, vector<16xf32>,
        %add3A_1144 = arith.constant 128 : i32
        %add3A_1145 = arith.addi %add3A_1144, %add3A_1014 : i32
        %get3A_1146 = arith.index_cast %add3A_1145 : i32 to index
        %get3A_1147 = arith.constant 64 : index
        %get3A_1148 = tpu.vector_load %arg24[%get3A_1146, %get3A_1147] {strides = array<i32>} : memref<512x96xf32, #tpu.memory_space<vmem>>, vector<16xf32>,
        %add3A_1149 = arith.constant 256 : i32
        %add3A_1150 = arith.addi %add3A_1149, %add3A_1014 : i32
        %get3A_1151 = arith.index_cast %add3A_1150 : i32 to index
        %get3A_1152 = arith.constant 64 : index
        %get3A_1153 = tpu.vector_load %arg24[%get3A_1151, %get3A_1152] {strides = array<i32>} : memref<512x96xf32, #tpu.memory_space<vmem>>, vector<16xf32>,
        %add3A_1154 = arith.constant 384 : i32
        %add3A_1155 = arith.addi %add3A_1154, %add3A_1014 : i32
        %get3A_1156 = arith.index_cast %add3A_1155 : i32 to index
        %get3A_1157 = arith.constant 64 : index
        %get3A_1158 = tpu.vector_load %arg24[%get3A_1156, %get3A_1157] {strides = array<i32>} : memref<512x96xf32, #tpu.memory_space<vmem>>, vector<16xf32>,
        %mul3A_1159 = arith.mulf %gather3A_1019, %get3A_1143 : vector<16xf32>
        %mul3A_1160 = arith.mulf %gather3A_1022, %get3A_1148 : vector<16xf32>
        %add3A_1161 = arith.addf %mul3A_1159, %mul3A_1160 : vector<16xf32>
        %mul3A_1162 = arith.mulf %gather3A_1025, %get3A_1153 : vector<16xf32>
        %mul3A_1163 = arith.mulf %gather3A_1028, %get3A_1158 : vector<16xf32>
        %add3A_1164 = arith.addf %mul3A_1162, %mul3A_1163 : vector<16xf32>
        %add3A_1165 = arith.addf %add3A_1161, %add3A_1164 : vector<16xf32>
        %swap3A_1166 = arith.index_cast %add3A_1014 : i32 to index
        %swap3A_1167 = arith.constant 64 : index
        %swap3A_1168 = tpu.vector_load %arg26[%swap3A_1166, %swap3A_1167] {strides = array<i32>} : memref<128x96xf32, #tpu.memory_space<vmem>>, vector<16xf32>,
        tpu.vector_store %arg26[%swap3A_1166, %swap3A_1167], %add3A_1165 {strides = array<i32>} : memref<128x96xf32, #tpu.memory_space<vmem>>, vector<16xf32>,
        %get3A_1169 = arith.index_cast %add3A_1014 : i32 to index
        %get3A_1170 = arith.constant 80 : index
        %get3A_1171 = tpu.vector_load %arg24[%get3A_1169, %get3A_1170] {strides = array<i32>} : memref<512x96xf32, #tpu.memory_space<vmem>>, vector<16xf32>,
        %add3A_1172 = arith.constant 128 : i32
        %add3A_1173 = arith.addi %add3A_1172, %add3A_1014 : i32
        %get3A_1174 = arith.index_cast %add3A_1173 : i32 to index
        %get3A_1175 = arith.constant 80 : index
        %get3A_1176 = tpu.vector_load %arg24[%get3A_1174, %get3A_1175] {strides = array<i32>} : memref<512x96xf32, #tpu.memory_space<vmem>>, vector<16xf32>,
        %add3A_1177 = arith.constant 256 : i32
        %add3A_1178 = arith.addi %add3A_1177, %add3A_1014 : i32
        %get3A_1179 = arith.index_cast %add3A_1178 : i32 to index
        %get3A_1180 = arith.constant 80 : index
        %get3A_1181 = tpu.vector_load %arg24[%get3A_1179, %get3A_1180] {strides = array<i32>} : memref<512x96xf32, #tpu.memory_space<vmem>>, vector<16xf32>,
        %add3A_1182 = arith.constant 384 : i32
        %add3A_1183 = arith.addi %add3A_1182, %add3A_1014 : i32
        %get3A_1184 = arith.index_cast %add3A_1183 : i32 to index
        %get3A_1185 = arith.constant 80 : index
        %get3A_1186 = tpu.vector_load %arg24[%get3A_1184, %get3A_1185] {strides = array<i32>} : memref<512x96xf32, #tpu.memory_space<vmem>>, vector<16xf32>,
        %mul3A_1187 = arith.mulf %gather3A_1019, %get3A_1171 : vector<16xf32>
        %mul3A_1188 = arith.mulf %gather3A_1022, %get3A_1176 : vector<16xf32>
        %add3A_1189 = arith.addf %mul3A_1187, %mul3A_1188 : vector<16xf32>
        %mul3A_1190 = arith.mulf %gather3A_1025, %get3A_1181 : vector<16xf32>
        %mul3A_1191 = arith.mulf %gather3A_1028, %get3A_1186 : vector<16xf32>
        %add3A_1192 = arith.addf %mul3A_1190, %mul3A_1191 : vector<16xf32>
        %add3A_1193 = arith.addf %add3A_1189, %add3A_1192 : vector<16xf32>
        %swap3A_1194 = arith.index_cast %add3A_1014 : i32 to index
        %swap3A_1195 = arith.constant 80 : index
        %swap3A_1196 = tpu.vector_load %arg26[%swap3A_1194, %swap3A_1195] {strides = array<i32>} : memref<128x96xf32, #tpu.memory_space<vmem>>, vector<16xf32>,
        tpu.vector_store %arg26[%swap3A_1194, %swap3A_1195], %add3A_1193 {strides = array<i32>} : memref<128x96xf32, #tpu.memory_space<vmem>>, vector<16xf32>,
        %add3A_1197 = arith.constant 5 : i32
        %add3A_1198 = arith.addi %mul3A_266, %add3A_1197 : i32
        %add3A_1199 = arith.constant 5 : i32
        %add3A_1200 = arith.addi %and3A_268, %add3A_1199 : i32
        %broadcast_in_dim3A_1201 = vector.broadcast %add3A_1200 : i32 to vector<16x1xi32>
        %gather3A_1202 = vector.shape_cast %broadcast_in_dim3A_1201 : vector<16x1xi32> to vector<16xi32>
        %gather3A_1203 = tpu.dynamic_gather %get3A_272[%gather3A_1202] in [0] : vector<16xf32>, vector<16xi32> -> vector<16xf32>
        %broadcast_in_dim3A_1204 = vector.broadcast %add3A_1200 : i32 to vector<16x1xi32>
        %gather3A_1205 = vector.shape_cast %broadcast_in_dim3A_1204 : vector<16x1xi32> to vector<16xi32>
        %gather3A_1206 = tpu.dynamic_gather %get3A_274[%gather3A_1205] in [0] : vector<16xf32>, vector<16xi32> -> vector<16xf32>
        %broadcast_in_dim3A_1207 = vector.broadcast %add3A_1200 : i32 to vector<16x1xi32>
        %gather3A_1208 = vector.shape_cast %broadcast_in_dim3A_1207 : vector<16x1xi32> to vector<16xi32>
        %gather3A_1209 = tpu.dynamic_gather %get3A_276[%gather3A_1208] in [0] : vector<16xf32>, vector<16xi32> -> vector<16xf32>
        %broadcast_in_dim3A_1210 = vector.broadcast %add3A_1200 : i32 to vector<16x1xi32>
        %gather3A_1211 = vector.shape_cast %broadcast_in_dim3A_1210 : vector<16x1xi32> to vector<16xi32>
        %gather3A_1212 = tpu.dynamic_gather %get3A_278[%gather3A_1211] in [0] : vector<16xf32>, vector<16xi32> -> vector<16xf32>
        %get3A_1213 = arith.index_cast %add3A_1198 : i32 to index
        %get3A_1214 = arith.constant 0 : index
        %get3A_1215 = tpu.vector_load %arg24[%get3A_1213, %get3A_1214] {strides = array<i32>} : memref<512x96xf32, #tpu.memory_space<vmem>>, vector<16xf32>,
        %add3A_1216 = arith.constant 128 : i32
        %add3A_1217 = arith.addi %add3A_1216, %add3A_1198 : i32
        %get3A_1218 = arith.index_cast %add3A_1217 : i32 to index
        %get3A_1219 = arith.constant 0 : index
        %get3A_1220 = tpu.vector_load %arg24[%get3A_1218, %get3A_1219] {strides = array<i32>} : memref<512x96xf32, #tpu.memory_space<vmem>>, vector<16xf32>,
        %add3A_1221 = arith.constant 256 : i32
        %add3A_1222 = arith.addi %add3A_1221, %add3A_1198 : i32
        %get3A_1223 = arith.index_cast %add3A_1222 : i32 to index
        %get3A_1224 = arith.constant 0 : index
        %get3A_1225 = tpu.vector_load %arg24[%get3A_1223, %get3A_1224] {strides = array<i32>} : memref<512x96xf32, #tpu.memory_space<vmem>>, vector<16xf32>,
        %add3A_1226 = arith.constant 384 : i32
        %add3A_1227 = arith.addi %add3A_1226, %add3A_1198 : i32
        %get3A_1228 = arith.index_cast %add3A_1227 : i32 to index
        %get3A_1229 = arith.constant 0 : index
        %get3A_1230 = tpu.vector_load %arg24[%get3A_1228, %get3A_1229] {strides = array<i32>} : memref<512x96xf32, #tpu.memory_space<vmem>>, vector<16xf32>,
        %mul3A_1231 = arith.mulf %gather3A_1203, %get3A_1215 : vector<16xf32>
        %mul3A_1232 = arith.mulf %gather3A_1206, %get3A_1220 : vector<16xf32>
        %add3A_1233 = arith.addf %mul3A_1231, %mul3A_1232 : vector<16xf32>
        %mul3A_1234 = arith.mulf %gather3A_1209, %get3A_1225 : vector<16xf32>
        %mul3A_1235 = arith.mulf %gather3A_1212, %get3A_1230 : vector<16xf32>
        %add3A_1236 = arith.addf %mul3A_1234, %mul3A_1235 : vector<16xf32>
        %add3A_1237 = arith.addf %add3A_1233, %add3A_1236 : vector<16xf32>
        %swap3A_1238 = arith.index_cast %add3A_1198 : i32 to index
        %swap3A_1239 = arith.constant 0 : index
        %swap3A_1240 = tpu.vector_load %arg26[%swap3A_1238, %swap3A_1239] {strides = array<i32>} : memref<128x96xf32, #tpu.memory_space<vmem>>, vector<16xf32>,
        tpu.vector_store %arg26[%swap3A_1238, %swap3A_1239], %add3A_1237 {strides = array<i32>} : memref<128x96xf32, #tpu.memory_space<vmem>>, vector<16xf32>,
        %get3A_1241 = arith.index_cast %add3A_1198 : i32 to index
        %get3A_1242 = arith.constant 16 : index
        %get3A_1243 = tpu.vector_load %arg24[%get3A_1241, %get3A_1242] {strides = array<i32>} : memref<512x96xf32, #tpu.memory_space<vmem>>, vector<16xf32>,
        %add3A_1244 = arith.constant 128 : i32
        %add3A_1245 = arith.addi %add3A_1244, %add3A_1198 : i32
        %get3A_1246 = arith.index_cast %add3A_1245 : i32 to index
        %get3A_1247 = arith.constant 16 : index
        %get3A_1248 = tpu.vector_load %arg24[%get3A_1246, %get3A_1247] {strides = array<i32>} : memref<512x96xf32, #tpu.memory_space<vmem>>, vector<16xf32>,
        %add3A_1249 = arith.constant 256 : i32
        %add3A_1250 = arith.addi %add3A_1249, %add3A_1198 : i32
        %get3A_1251 = arith.index_cast %add3A_1250 : i32 to index
        %get3A_1252 = arith.constant 16 : index
        %get3A_1253 = tpu.vector_load %arg24[%get3A_1251, %get3A_1252] {strides = array<i32>} : memref<512x96xf32, #tpu.memory_space<vmem>>, vector<16xf32>,
        %add3A_1254 = arith.constant 384 : i32
        %add3A_1255 = arith.addi %add3A_1254, %add3A_1198 : i32
        %get3A_1256 = arith.index_cast %add3A_1255 : i32 to index
        %get3A_1257 = arith.constant 16 : index
        %get3A_1258 = tpu.vector_load %arg24[%get3A_1256, %get3A_1257] {strides = array<i32>} : memref<512x96xf32, #tpu.memory_space<vmem>>, vector<16xf32>,
        %mul3A_1259 = arith.mulf %gather3A_1203, %get3A_1243 : vector<16xf32>
        %mul3A_1260 = arith.mulf %gather3A_1206, %get3A_1248 : vector<16xf32>
        %add3A_1261 = arith.addf %mul3A_1259, %mul3A_1260 : vector<16xf32>
        %mul3A_1262 = arith.mulf %gather3A_1209, %get3A_1253 : vector<16xf32>
        %mul3A_1263 = arith.mulf %gather3A_1212, %get3A_1258 : vector<16xf32>
        %add3A_1264 = arith.addf %mul3A_1262, %mul3A_1263 : vector<16xf32>
        %add3A_1265 = arith.addf %add3A_1261, %add3A_1264 : vector<16xf32>
        %swap3A_1266 = arith.index_cast %add3A_1198 : i32 to index
        %swap3A_1267 = arith.constant 16 : index
        %swap3A_1268 = tpu.vector_load %arg26[%swap3A_1266, %swap3A_1267] {strides = array<i32>} : memref<128x96xf32, #tpu.memory_space<vmem>>, vector<16xf32>,
        tpu.vector_store %arg26[%swap3A_1266, %swap3A_1267], %add3A_1265 {strides = array<i32>} : memref<128x96xf32, #tpu.memory_space<vmem>>, vector<16xf32>,
        %get3A_1269 = arith.index_cast %add3A_1198 : i32 to index
        %get3A_1270 = arith.constant 32 : index
        %get3A_1271 = tpu.vector_load %arg24[%get3A_1269, %get3A_1270] {strides = array<i32>} : memref<512x96xf32, #tpu.memory_space<vmem>>, vector<16xf32>,
        %add3A_1272 = arith.constant 128 : i32
        %add3A_1273 = arith.addi %add3A_1272, %add3A_1198 : i32
        %get3A_1274 = arith.index_cast %add3A_1273 : i32 to index
        %get3A_1275 = arith.constant 32 : index
        %get3A_1276 = tpu.vector_load %arg24[%get3A_1274, %get3A_1275] {strides = array<i32>} : memref<512x96xf32, #tpu.memory_space<vmem>>, vector<16xf32>,
        %add3A_1277 = arith.constant 256 : i32
        %add3A_1278 = arith.addi %add3A_1277, %add3A_1198 : i32
        %get3A_1279 = arith.index_cast %add3A_1278 : i32 to index
        %get3A_1280 = arith.constant 32 : index
        %get3A_1281 = tpu.vector_load %arg24[%get3A_1279, %get3A_1280] {strides = array<i32>} : memref<512x96xf32, #tpu.memory_space<vmem>>, vector<16xf32>,
        %add3A_1282 = arith.constant 384 : i32
        %add3A_1283 = arith.addi %add3A_1282, %add3A_1198 : i32
        %get3A_1284 = arith.index_cast %add3A_1283 : i32 to index
        %get3A_1285 = arith.constant 32 : index
        %get3A_1286 = tpu.vector_load %arg24[%get3A_1284, %get3A_1285] {strides = array<i32>} : memref<512x96xf32, #tpu.memory_space<vmem>>, vector<16xf32>,
        %mul3A_1287 = arith.mulf %gather3A_1203, %get3A_1271 : vector<16xf32>
        %mul3A_1288 = arith.mulf %gather3A_1206, %get3A_1276 : vector<16xf32>
        %add3A_1289 = arith.addf %mul3A_1287, %mul3A_1288 : vector<16xf32>
        %mul3A_1290 = arith.mulf %gather3A_1209, %get3A_1281 : vector<16xf32>
        %mul3A_1291 = arith.mulf %gather3A_1212, %get3A_1286 : vector<16xf32>
        %add3A_1292 = arith.addf %mul3A_1290, %mul3A_1291 : vector<16xf32>
        %add3A_1293 = arith.addf %add3A_1289, %add3A_1292 : vector<16xf32>
        %swap3A_1294 = arith.index_cast %add3A_1198 : i32 to index
        %swap3A_1295 = arith.constant 32 : index
        %swap3A_1296 = tpu.vector_load %arg26[%swap3A_1294, %swap3A_1295] {strides = array<i32>} : memref<128x96xf32, #tpu.memory_space<vmem>>, vector<16xf32>,
        tpu.vector_store %arg26[%swap3A_1294, %swap3A_1295], %add3A_1293 {strides = array<i32>} : memref<128x96xf32, #tpu.memory_space<vmem>>, vector<16xf32>,
        %get3A_1297 = arith.index_cast %add3A_1198 : i32 to index
        %get3A_1298 = arith.constant 48 : index
        %get3A_1299 = tpu.vector_load %arg24[%get3A_1297, %get3A_1298] {strides = array<i32>} : memref<512x96xf32, #tpu.memory_space<vmem>>, vector<16xf32>,
        %add3A_1300 = arith.constant 128 : i32
        %add3A_1301 = arith.addi %add3A_1300, %add3A_1198 : i32
        %get3A_1302 = arith.index_cast %add3A_1301 : i32 to index
        %get3A_1303 = arith.constant 48 : index
        %get3A_1304 = tpu.vector_load %arg24[%get3A_1302, %get3A_1303] {strides = array<i32>} : memref<512x96xf32, #tpu.memory_space<vmem>>, vector<16xf32>,
        %add3A_1305 = arith.constant 256 : i32
        %add3A_1306 = arith.addi %add3A_1305, %add3A_1198 : i32
        %get3A_1307 = arith.index_cast %add3A_1306 : i32 to index
        %get3A_1308 = arith.constant 48 : index
        %get3A_1309 = tpu.vector_load %arg24[%get3A_1307, %get3A_1308] {strides = array<i32>} : memref<512x96xf32, #tpu.memory_space<vmem>>, vector<16xf32>,
        %add3A_1310 = arith.constant 384 : i32
        %add3A_1311 = arith.addi %add3A_1310, %add3A_1198 : i32
        %get3A_1312 = arith.index_cast %add3A_1311 : i32 to index
        %get3A_1313 = arith.constant 48 : index
        %get3A_1314 = tpu.vector_load %arg24[%get3A_1312, %get3A_1313] {strides = array<i32>} : memref<512x96xf32, #tpu.memory_space<vmem>>, vector<16xf32>,
        %mul3A_1315 = arith.mulf %gather3A_1203, %get3A_1299 : vector<16xf32>
        %mul3A_1316 = arith.mulf %gather3A_1206, %get3A_1304 : vector<16xf32>
        %add3A_1317 = arith.addf %mul3A_1315, %mul3A_1316 : vector<16xf32>
        %mul3A_1318 = arith.mulf %gather3A_1209, %get3A_1309 : vector<16xf32>
        %mul3A_1319 = arith.mulf %gather3A_1212, %get3A_1314 : vector<16xf32>
        %add3A_1320 = arith.addf %mul3A_1318, %mul3A_1319 : vector<16xf32>
        %add3A_1321 = arith.addf %add3A_1317, %add3A_1320 : vector<16xf32>
        %swap3A_1322 = arith.index_cast %add3A_1198 : i32 to index
        %swap3A_1323 = arith.constant 48 : index
        %swap3A_1324 = tpu.vector_load %arg26[%swap3A_1322, %swap3A_1323] {strides = array<i32>} : memref<128x96xf32, #tpu.memory_space<vmem>>, vector<16xf32>,
        tpu.vector_store %arg26[%swap3A_1322, %swap3A_1323], %add3A_1321 {strides = array<i32>} : memref<128x96xf32, #tpu.memory_space<vmem>>, vector<16xf32>,
        %get3A_1325 = arith.index_cast %add3A_1198 : i32 to index
        %get3A_1326 = arith.constant 64 : index
        %get3A_1327 = tpu.vector_load %arg24[%get3A_1325, %get3A_1326] {strides = array<i32>} : memref<512x96xf32, #tpu.memory_space<vmem>>, vector<16xf32>,
        %add3A_1328 = arith.constant 128 : i32
        %add3A_1329 = arith.addi %add3A_1328, %add3A_1198 : i32
        %get3A_1330 = arith.index_cast %add3A_1329 : i32 to index
        %get3A_1331 = arith.constant 64 : index
        %get3A_1332 = tpu.vector_load %arg24[%get3A_1330, %get3A_1331] {strides = array<i32>} : memref<512x96xf32, #tpu.memory_space<vmem>>, vector<16xf32>,
        %add3A_1333 = arith.constant 256 : i32
        %add3A_1334 = arith.addi %add3A_1333, %add3A_1198 : i32
        %get3A_1335 = arith.index_cast %add3A_1334 : i32 to index
        %get3A_1336 = arith.constant 64 : index
        %get3A_1337 = tpu.vector_load %arg24[%get3A_1335, %get3A_1336] {strides = array<i32>} : memref<512x96xf32, #tpu.memory_space<vmem>>, vector<16xf32>,
        %add3A_1338 = arith.constant 384 : i32
        %add3A_1339 = arith.addi %add3A_1338, %add3A_1198 : i32
        %get3A_1340 = arith.index_cast %add3A_1339 : i32 to index
        %get3A_1341 = arith.constant 64 : index
        %get3A_1342 = tpu.vector_load %arg24[%get3A_1340, %get3A_1341] {strides = array<i32>} : memref<512x96xf32, #tpu.memory_space<vmem>>, vector<16xf32>,
        %mul3A_1343 = arith.mulf %gather3A_1203, %get3A_1327 : vector<16xf32>
        %mul3A_1344 = arith.mulf %gather3A_1206, %get3A_1332 : vector<16xf32>
        %add3A_1345 = arith.addf %mul3A_1343, %mul3A_1344 : vector<16xf32>
        %mul3A_1346 = arith.mulf %gather3A_1209, %get3A_1337 : vector<16xf32>
        %mul3A_1347 = arith.mulf %gather3A_1212, %get3A_1342 : vector<16xf32>
        %add3A_1348 = arith.addf %mul3A_1346, %mul3A_1347 : vector<16xf32>
        %add3A_1349 = arith.addf %add3A_1345, %add3A_1348 : vector<16xf32>
        %swap3A_1350 = arith.index_cast %add3A_1198 : i32 to index
        %swap3A_1351 = arith.constant 64 : index
        %swap3A_1352 = tpu.vector_load %arg26[%swap3A_1350, %swap3A_1351] {strides = array<i32>} : memref<128x96xf32, #tpu.memory_space<vmem>>, vector<16xf32>,
        tpu.vector_store %arg26[%swap3A_1350, %swap3A_1351], %add3A_1349 {strides = array<i32>} : memref<128x96xf32, #tpu.memory_space<vmem>>, vector<16xf32>,
        %get3A_1353 = arith.index_cast %add3A_1198 : i32 to index
        %get3A_1354 = arith.constant 80 : index
        %get3A_1355 = tpu.vector_load %arg24[%get3A_1353, %get3A_1354] {strides = array<i32>} : memref<512x96xf32, #tpu.memory_space<vmem>>, vector<16xf32>,
        %add3A_1356 = arith.constant 128 : i32
        %add3A_1357 = arith.addi %add3A_1356, %add3A_1198 : i32
        %get3A_1358 = arith.index_cast %add3A_1357 : i32 to index
        %get3A_1359 = arith.constant 80 : index
        %get3A_1360 = tpu.vector_load %arg24[%get3A_1358, %get3A_1359] {strides = array<i32>} : memref<512x96xf32, #tpu.memory_space<vmem>>, vector<16xf32>,
        %add3A_1361 = arith.constant 256 : i32
        %add3A_1362 = arith.addi %add3A_1361, %add3A_1198 : i32
        %get3A_1363 = arith.index_cast %add3A_1362 : i32 to index
        %get3A_1364 = arith.constant 80 : index
        %get3A_1365 = tpu.vector_load %arg24[%get3A_1363, %get3A_1364] {strides = array<i32>} : memref<512x96xf32, #tpu.memory_space<vmem>>, vector<16xf32>,
        %add3A_1366 = arith.constant 384 : i32
        %add3A_1367 = arith.addi %add3A_1366, %add3A_1198 : i32
        %get3A_1368 = arith.index_cast %add3A_1367 : i32 to index
        %get3A_1369 = arith.constant 80 : index
        %get3A_1370 = tpu.vector_load %arg24[%get3A_1368, %get3A_1369] {strides = array<i32>} : memref<512x96xf32, #tpu.memory_space<vmem>>, vector<16xf32>,
        %mul3A_1371 = arith.mulf %gather3A_1203, %get3A_1355 : vector<16xf32>
        %mul3A_1372 = arith.mulf %gather3A_1206, %get3A_1360 : vector<16xf32>
        %add3A_1373 = arith.addf %mul3A_1371, %mul3A_1372 : vector<16xf32>
        %mul3A_1374 = arith.mulf %gather3A_1209, %get3A_1365 : vector<16xf32>
        %mul3A_1375 = arith.mulf %gather3A_1212, %get3A_1370 : vector<16xf32>
        %add3A_1376 = arith.addf %mul3A_1374, %mul3A_1375 : vector<16xf32>
        %add3A_1377 = arith.addf %add3A_1373, %add3A_1376 : vector<16xf32>
        %swap3A_1378 = arith.index_cast %add3A_1198 : i32 to index
        %swap3A_1379 = arith.constant 80 : index
        %swap3A_1380 = tpu.vector_load %arg26[%swap3A_1378, %swap3A_1379] {strides = array<i32>} : memref<128x96xf32, #tpu.memory_space<vmem>>, vector<16xf32>,
        tpu.vector_store %arg26[%swap3A_1378, %swap3A_1379], %add3A_1377 {strides = array<i32>} : memref<128x96xf32, #tpu.memory_space<vmem>>, vector<16xf32>,
        %add3A_1381 = arith.constant 6 : i32
        %add3A_1382 = arith.addi %mul3A_266, %add3A_1381 : i32
        %add3A_1383 = arith.constant 6 : i32
        %add3A_1384 = arith.addi %and3A_268, %add3A_1383 : i32
        %broadcast_in_dim3A_1385 = vector.broadcast %add3A_1384 : i32 to vector<16x1xi32>
        %gather3A_1386 = vector.shape_cast %broadcast_in_dim3A_1385 : vector<16x1xi32> to vector<16xi32>
        %gather3A_1387 = tpu.dynamic_gather %get3A_272[%gather3A_1386] in [0] : vector<16xf32>, vector<16xi32> -> vector<16xf32>
        %broadcast_in_dim3A_1388 = vector.broadcast %add3A_1384 : i32 to vector<16x1xi32>
        %gather3A_1389 = vector.shape_cast %broadcast_in_dim3A_1388 : vector<16x1xi32> to vector<16xi32>
        %gather3A_1390 = tpu.dynamic_gather %get3A_274[%gather3A_1389] in [0] : vector<16xf32>, vector<16xi32> -> vector<16xf32>
        %broadcast_in_dim3A_1391 = vector.broadcast %add3A_1384 : i32 to vector<16x1xi32>
        %gather3A_1392 = vector.shape_cast %broadcast_in_dim3A_1391 : vector<16x1xi32> to vector<16xi32>
        %gather3A_1393 = tpu.dynamic_gather %get3A_276[%gather3A_1392] in [0] : vector<16xf32>, vector<16xi32> -> vector<16xf32>
        %broadcast_in_dim3A_1394 = vector.broadcast %add3A_1384 : i32 to vector<16x1xi32>
        %gather3A_1395 = vector.shape_cast %broadcast_in_dim3A_1394 : vector<16x1xi32> to vector<16xi32>
        %gather3A_1396 = tpu.dynamic_gather %get3A_278[%gather3A_1395] in [0] : vector<16xf32>, vector<16xi32> -> vector<16xf32>
        %get3A_1397 = arith.index_cast %add3A_1382 : i32 to index
        %get3A_1398 = arith.constant 0 : index
        %get3A_1399 = tpu.vector_load %arg24[%get3A_1397, %get3A_1398] {strides = array<i32>} : memref<512x96xf32, #tpu.memory_space<vmem>>, vector<16xf32>,
        %add3A_1400 = arith.constant 128 : i32
        %add3A_1401 = arith.addi %add3A_1400, %add3A_1382 : i32
        %get3A_1402 = arith.index_cast %add3A_1401 : i32 to index
        %get3A_1403 = arith.constant 0 : index
        %get3A_1404 = tpu.vector_load %arg24[%get3A_1402, %get3A_1403] {strides = array<i32>} : memref<512x96xf32, #tpu.memory_space<vmem>>, vector<16xf32>,
        %add3A_1405 = arith.constant 256 : i32
        %add3A_1406 = arith.addi %add3A_1405, %add3A_1382 : i32
        %get3A_1407 = arith.index_cast %add3A_1406 : i32 to index
        %get3A_1408 = arith.constant 0 : index
        %get3A_1409 = tpu.vector_load %arg24[%get3A_1407, %get3A_1408] {strides = array<i32>} : memref<512x96xf32, #tpu.memory_space<vmem>>, vector<16xf32>,
        %add3A_1410 = arith.constant 384 : i32
        %add3A_1411 = arith.addi %add3A_1410, %add3A_1382 : i32
        %get3A_1412 = arith.index_cast %add3A_1411 : i32 to index
        %get3A_1413 = arith.constant 0 : index
        %get3A_1414 = tpu.vector_load %arg24[%get3A_1412, %get3A_1413] {strides = array<i32>} : memref<512x96xf32, #tpu.memory_space<vmem>>, vector<16xf32>,
        %mul3A_1415 = arith.mulf %gather3A_1387, %get3A_1399 : vector<16xf32>
        %mul3A_1416 = arith.mulf %gather3A_1390, %get3A_1404 : vector<16xf32>
        %add3A_1417 = arith.addf %mul3A_1415, %mul3A_1416 : vector<16xf32>
        %mul3A_1418 = arith.mulf %gather3A_1393, %get3A_1409 : vector<16xf32>
        %mul3A_1419 = arith.mulf %gather3A_1396, %get3A_1414 : vector<16xf32>
        %add3A_1420 = arith.addf %mul3A_1418, %mul3A_1419 : vector<16xf32>
        %add3A_1421 = arith.addf %add3A_1417, %add3A_1420 : vector<16xf32>
        %swap3A_1422 = arith.index_cast %add3A_1382 : i32 to index
        %swap3A_1423 = arith.constant 0 : index
        %swap3A_1424 = tpu.vector_load %arg26[%swap3A_1422, %swap3A_1423] {strides = array<i32>} : memref<128x96xf32, #tpu.memory_space<vmem>>, vector<16xf32>,
        tpu.vector_store %arg26[%swap3A_1422, %swap3A_1423], %add3A_1421 {strides = array<i32>} : memref<128x96xf32, #tpu.memory_space<vmem>>, vector<16xf32>,
        %get3A_1425 = arith.index_cast %add3A_1382 : i32 to index
        %get3A_1426 = arith.constant 16 : index
        %get3A_1427 = tpu.vector_load %arg24[%get3A_1425, %get3A_1426] {strides = array<i32>} : memref<512x96xf32, #tpu.memory_space<vmem>>, vector<16xf32>,
        %add3A_1428 = arith.constant 128 : i32
        %add3A_1429 = arith.addi %add3A_1428, %add3A_1382 : i32
        %get3A_1430 = arith.index_cast %add3A_1429 : i32 to index
        %get3A_1431 = arith.constant 16 : index
        %get3A_1432 = tpu.vector_load %arg24[%get3A_1430, %get3A_1431] {strides = array<i32>} : memref<512x96xf32, #tpu.memory_space<vmem>>, vector<16xf32>,
        %add3A_1433 = arith.constant 256 : i32
        %add3A_1434 = arith.addi %add3A_1433, %add3A_1382 : i32
        %get3A_1435 = arith.index_cast %add3A_1434 : i32 to index
        %get3A_1436 = arith.constant 16 : index
        %get3A_1437 = tpu.vector_load %arg24[%get3A_1435, %get3A_1436] {strides = array<i32>} : memref<512x96xf32, #tpu.memory_space<vmem>>, vector<16xf32>,
        %add3A_1438 = arith.constant 384 : i32
        %add3A_1439 = arith.addi %add3A_1438, %add3A_1382 : i32
        %get3A_1440 = arith.index_cast %add3A_1439 : i32 to index
        %get3A_1441 = arith.constant 16 : index
        %get3A_1442 = tpu.vector_load %arg24[%get3A_1440, %get3A_1441] {strides = array<i32>} : memref<512x96xf32, #tpu.memory_space<vmem>>, vector<16xf32>,
        %mul3A_1443 = arith.mulf %gather3A_1387, %get3A_1427 : vector<16xf32>
        %mul3A_1444 = arith.mulf %gather3A_1390, %get3A_1432 : vector<16xf32>
        %add3A_1445 = arith.addf %mul3A_1443, %mul3A_1444 : vector<16xf32>
        %mul3A_1446 = arith.mulf %gather3A_1393, %get3A_1437 : vector<16xf32>
        %mul3A_1447 = arith.mulf %gather3A_1396, %get3A_1442 : vector<16xf32>
        %add3A_1448 = arith.addf %mul3A_1446, %mul3A_1447 : vector<16xf32>
        %add3A_1449 = arith.addf %add3A_1445, %add3A_1448 : vector<16xf32>
        %swap3A_1450 = arith.index_cast %add3A_1382 : i32 to index
        %swap3A_1451 = arith.constant 16 : index
        %swap3A_1452 = tpu.vector_load %arg26[%swap3A_1450, %swap3A_1451] {strides = array<i32>} : memref<128x96xf32, #tpu.memory_space<vmem>>, vector<16xf32>,
        tpu.vector_store %arg26[%swap3A_1450, %swap3A_1451], %add3A_1449 {strides = array<i32>} : memref<128x96xf32, #tpu.memory_space<vmem>>, vector<16xf32>,
        %get3A_1453 = arith.index_cast %add3A_1382 : i32 to index
        %get3A_1454 = arith.constant 32 : index
        %get3A_1455 = tpu.vector_load %arg24[%get3A_1453, %get3A_1454] {strides = array<i32>} : memref<512x96xf32, #tpu.memory_space<vmem>>, vector<16xf32>,
        %add3A_1456 = arith.constant 128 : i32
        %add3A_1457 = arith.addi %add3A_1456, %add3A_1382 : i32
        %get3A_1458 = arith.index_cast %add3A_1457 : i32 to index
        %get3A_1459 = arith.constant 32 : index
        %get3A_1460 = tpu.vector_load %arg24[%get3A_1458, %get3A_1459] {strides = array<i32>} : memref<512x96xf32, #tpu.memory_space<vmem>>, vector<16xf32>,
        %add3A_1461 = arith.constant 256 : i32
        %add3A_1462 = arith.addi %add3A_1461, %add3A_1382 : i32
        %get3A_1463 = arith.index_cast %add3A_1462 : i32 to index
        %get3A_1464 = arith.constant 32 : index
        %get3A_1465 = tpu.vector_load %arg24[%get3A_1463, %get3A_1464] {strides = array<i32>} : memref<512x96xf32, #tpu.memory_space<vmem>>, vector<16xf32>,
        %add3A_1466 = arith.constant 384 : i32
        %add3A_1467 = arith.addi %add3A_1466, %add3A_1382 : i32
        %get3A_1468 = arith.index_cast %add3A_1467 : i32 to index
        %get3A_1469 = arith.constant 32 : index
        %get3A_1470 = tpu.vector_load %arg24[%get3A_1468, %get3A_1469] {strides = array<i32>} : memref<512x96xf32, #tpu.memory_space<vmem>>, vector<16xf32>,
        %mul3A_1471 = arith.mulf %gather3A_1387, %get3A_1455 : vector<16xf32>
        %mul3A_1472 = arith.mulf %gather3A_1390, %get3A_1460 : vector<16xf32>
        %add3A_1473 = arith.addf %mul3A_1471, %mul3A_1472 : vector<16xf32>
        %mul3A_1474 = arith.mulf %gather3A_1393, %get3A_1465 : vector<16xf32>
        %mul3A_1475 = arith.mulf %gather3A_1396, %get3A_1470 : vector<16xf32>
        %add3A_1476 = arith.addf %mul3A_1474, %mul3A_1475 : vector<16xf32>
        %add3A_1477 = arith.addf %add3A_1473, %add3A_1476 : vector<16xf32>
        %swap3A_1478 = arith.index_cast %add3A_1382 : i32 to index
        %swap3A_1479 = arith.constant 32 : index
        %swap3A_1480 = tpu.vector_load %arg26[%swap3A_1478, %swap3A_1479] {strides = array<i32>} : memref<128x96xf32, #tpu.memory_space<vmem>>, vector<16xf32>,
        tpu.vector_store %arg26[%swap3A_1478, %swap3A_1479], %add3A_1477 {strides = array<i32>} : memref<128x96xf32, #tpu.memory_space<vmem>>, vector<16xf32>,
        %get3A_1481 = arith.index_cast %add3A_1382 : i32 to index
        %get3A_1482 = arith.constant 48 : index
        %get3A_1483 = tpu.vector_load %arg24[%get3A_1481, %get3A_1482] {strides = array<i32>} : memref<512x96xf32, #tpu.memory_space<vmem>>, vector<16xf32>,
        %add3A_1484 = arith.constant 128 : i32
        %add3A_1485 = arith.addi %add3A_1484, %add3A_1382 : i32
        %get3A_1486 = arith.index_cast %add3A_1485 : i32 to index
        %get3A_1487 = arith.constant 48 : index
        %get3A_1488 = tpu.vector_load %arg24[%get3A_1486, %get3A_1487] {strides = array<i32>} : memref<512x96xf32, #tpu.memory_space<vmem>>, vector<16xf32>,
        %add3A_1489 = arith.constant 256 : i32
        %add3A_1490 = arith.addi %add3A_1489, %add3A_1382 : i32
        %get3A_1491 = arith.index_cast %add3A_1490 : i32 to index
        %get3A_1492 = arith.constant 48 : index
        %get3A_1493 = tpu.vector_load %arg24[%get3A_1491, %get3A_1492] {strides = array<i32>} : memref<512x96xf32, #tpu.memory_space<vmem>>, vector<16xf32>,
        %add3A_1494 = arith.constant 384 : i32
        %add3A_1495 = arith.addi %add3A_1494, %add3A_1382 : i32
        %get3A_1496 = arith.index_cast %add3A_1495 : i32 to index
        %get3A_1497 = arith.constant 48 : index
        %get3A_1498 = tpu.vector_load %arg24[%get3A_1496, %get3A_1497] {strides = array<i32>} : memref<512x96xf32, #tpu.memory_space<vmem>>, vector<16xf32>,
        %mul3A_1499 = arith.mulf %gather3A_1387, %get3A_1483 : vector<16xf32>
        %mul3A_1500 = arith.mulf %gather3A_1390, %get3A_1488 : vector<16xf32>
        %add3A_1501 = arith.addf %mul3A_1499, %mul3A_1500 : vector<16xf32>
        %mul3A_1502 = arith.mulf %gather3A_1393, %get3A_1493 : vector<16xf32>
        %mul3A_1503 = arith.mulf %gather3A_1396, %get3A_1498 : vector<16xf32>
        %add3A_1504 = arith.addf %mul3A_1502, %mul3A_1503 : vector<16xf32>
        %add3A_1505 = arith.addf %add3A_1501, %add3A_1504 : vector<16xf32>
        %swap3A_1506 = arith.index_cast %add3A_1382 : i32 to index
        %swap3A_1507 = arith.constant 48 : index
        %swap3A_1508 = tpu.vector_load %arg26[%swap3A_1506, %swap3A_1507] {strides = array<i32>} : memref<128x96xf32, #tpu.memory_space<vmem>>, vector<16xf32>,
        tpu.vector_store %arg26[%swap3A_1506, %swap3A_1507], %add3A_1505 {strides = array<i32>} : memref<128x96xf32, #tpu.memory_space<vmem>>, vector<16xf32>,
        %get3A_1509 = arith.index_cast %add3A_1382 : i32 to index
        %get3A_1510 = arith.constant 64 : index
        %get3A_1511 = tpu.vector_load %arg24[%get3A_1509, %get3A_1510] {strides = array<i32>} : memref<512x96xf32, #tpu.memory_space<vmem>>, vector<16xf32>,
        %add3A_1512 = arith.constant 128 : i32
        %add3A_1513 = arith.addi %add3A_1512, %add3A_1382 : i32
        %get3A_1514 = arith.index_cast %add3A_1513 : i32 to index
        %get3A_1515 = arith.constant 64 : index
        %get3A_1516 = tpu.vector_load %arg24[%get3A_1514, %get3A_1515] {strides = array<i32>} : memref<512x96xf32, #tpu.memory_space<vmem>>, vector<16xf32>,
        %add3A_1517 = arith.constant 256 : i32
        %add3A_1518 = arith.addi %add3A_1517, %add3A_1382 : i32
        %get3A_1519 = arith.index_cast %add3A_1518 : i32 to index
        %get3A_1520 = arith.constant 64 : index
        %get3A_1521 = tpu.vector_load %arg24[%get3A_1519, %get3A_1520] {strides = array<i32>} : memref<512x96xf32, #tpu.memory_space<vmem>>, vector<16xf32>,
        %add3A_1522 = arith.constant 384 : i32
        %add3A_1523 = arith.addi %add3A_1522, %add3A_1382 : i32
        %get3A_1524 = arith.index_cast %add3A_1523 : i32 to index
        %get3A_1525 = arith.constant 64 : index
        %get3A_1526 = tpu.vector_load %arg24[%get3A_1524, %get3A_1525] {strides = array<i32>} : memref<512x96xf32, #tpu.memory_space<vmem>>, vector<16xf32>,
        %mul3A_1527 = arith.mulf %gather3A_1387, %get3A_1511 : vector<16xf32>
        %mul3A_1528 = arith.mulf %gather3A_1390, %get3A_1516 : vector<16xf32>
        %add3A_1529 = arith.addf %mul3A_1527, %mul3A_1528 : vector<16xf32>
        %mul3A_1530 = arith.mulf %gather3A_1393, %get3A_1521 : vector<16xf32>
        %mul3A_1531 = arith.mulf %gather3A_1396, %get3A_1526 : vector<16xf32>
        %add3A_1532 = arith.addf %mul3A_1530, %mul3A_1531 : vector<16xf32>
        %add3A_1533 = arith.addf %add3A_1529, %add3A_1532 : vector<16xf32>
        %swap3A_1534 = arith.index_cast %add3A_1382 : i32 to index
        %swap3A_1535 = arith.constant 64 : index
        %swap3A_1536 = tpu.vector_load %arg26[%swap3A_1534, %swap3A_1535] {strides = array<i32>} : memref<128x96xf32, #tpu.memory_space<vmem>>, vector<16xf32>,
        tpu.vector_store %arg26[%swap3A_1534, %swap3A_1535], %add3A_1533 {strides = array<i32>} : memref<128x96xf32, #tpu.memory_space<vmem>>, vector<16xf32>,
        %get3A_1537 = arith.index_cast %add3A_1382 : i32 to index
        %get3A_1538 = arith.constant 80 : index
        %get3A_1539 = tpu.vector_load %arg24[%get3A_1537, %get3A_1538] {strides = array<i32>} : memref<512x96xf32, #tpu.memory_space<vmem>>, vector<16xf32>,
        %add3A_1540 = arith.constant 128 : i32
        %add3A_1541 = arith.addi %add3A_1540, %add3A_1382 : i32
        %get3A_1542 = arith.index_cast %add3A_1541 : i32 to index
        %get3A_1543 = arith.constant 80 : index
        %get3A_1544 = tpu.vector_load %arg24[%get3A_1542, %get3A_1543] {strides = array<i32>} : memref<512x96xf32, #tpu.memory_space<vmem>>, vector<16xf32>,
        %add3A_1545 = arith.constant 256 : i32
        %add3A_1546 = arith.addi %add3A_1545, %add3A_1382 : i32
        %get3A_1547 = arith.index_cast %add3A_1546 : i32 to index
        %get3A_1548 = arith.constant 80 : index
        %get3A_1549 = tpu.vector_load %arg24[%get3A_1547, %get3A_1548] {strides = array<i32>} : memref<512x96xf32, #tpu.memory_space<vmem>>, vector<16xf32>,
        %add3A_1550 = arith.constant 384 : i32
        %add3A_1551 = arith.addi %add3A_1550, %add3A_1382 : i32
        %get3A_1552 = arith.index_cast %add3A_1551 : i32 to index
        %get3A_1553 = arith.constant 80 : index
        %get3A_1554 = tpu.vector_load %arg24[%get3A_1552, %get3A_1553] {strides = array<i32>} : memref<512x96xf32, #tpu.memory_space<vmem>>, vector<16xf32>,
        %mul3A_1555 = arith.mulf %gather3A_1387, %get3A_1539 : vector<16xf32>
        %mul3A_1556 = arith.mulf %gather3A_1390, %get3A_1544 : vector<16xf32>
        %add3A_1557 = arith.addf %mul3A_1555, %mul3A_1556 : vector<16xf32>
        %mul3A_1558 = arith.mulf %gather3A_1393, %get3A_1549 : vector<16xf32>
        %mul3A_1559 = arith.mulf %gather3A_1396, %get3A_1554 : vector<16xf32>
        %add3A_1560 = arith.addf %mul3A_1558, %mul3A_1559 : vector<16xf32>
        %add3A_1561 = arith.addf %add3A_1557, %add3A_1560 : vector<16xf32>
        %swap3A_1562 = arith.index_cast %add3A_1382 : i32 to index
        %swap3A_1563 = arith.constant 80 : index
        %swap3A_1564 = tpu.vector_load %arg26[%swap3A_1562, %swap3A_1563] {strides = array<i32>} : memref<128x96xf32, #tpu.memory_space<vmem>>, vector<16xf32>,
        tpu.vector_store %arg26[%swap3A_1562, %swap3A_1563], %add3A_1561 {strides = array<i32>} : memref<128x96xf32, #tpu.memory_space<vmem>>, vector<16xf32>,
        %add3A_1565 = arith.constant 7 : i32
        %add3A_1566 = arith.addi %mul3A_266, %add3A_1565 : i32
        %add3A_1567 = arith.constant 7 : i32
        %add3A_1568 = arith.addi %and3A_268, %add3A_1567 : i32
        %broadcast_in_dim3A_1569 = vector.broadcast %add3A_1568 : i32 to vector<16x1xi32>
        %gather3A_1570 = vector.shape_cast %broadcast_in_dim3A_1569 : vector<16x1xi32> to vector<16xi32>
        %gather3A_1571 = tpu.dynamic_gather %get3A_272[%gather3A_1570] in [0] : vector<16xf32>, vector<16xi32> -> vector<16xf32>
        %broadcast_in_dim3A_1572 = vector.broadcast %add3A_1568 : i32 to vector<16x1xi32>
        %gather3A_1573 = vector.shape_cast %broadcast_in_dim3A_1572 : vector<16x1xi32> to vector<16xi32>
        %gather3A_1574 = tpu.dynamic_gather %get3A_274[%gather3A_1573] in [0] : vector<16xf32>, vector<16xi32> -> vector<16xf32>
        %broadcast_in_dim3A_1575 = vector.broadcast %add3A_1568 : i32 to vector<16x1xi32>
        %gather3A_1576 = vector.shape_cast %broadcast_in_dim3A_1575 : vector<16x1xi32> to vector<16xi32>
        %gather3A_1577 = tpu.dynamic_gather %get3A_276[%gather3A_1576] in [0] : vector<16xf32>, vector<16xi32> -> vector<16xf32>
        %broadcast_in_dim3A_1578 = vector.broadcast %add3A_1568 : i32 to vector<16x1xi32>
        %gather3A_1579 = vector.shape_cast %broadcast_in_dim3A_1578 : vector<16x1xi32> to vector<16xi32>
        %gather3A_1580 = tpu.dynamic_gather %get3A_278[%gather3A_1579] in [0] : vector<16xf32>, vector<16xi32> -> vector<16xf32>
        %get3A_1581 = arith.index_cast %add3A_1566 : i32 to index
        %get3A_1582 = arith.constant 0 : index
        %get3A_1583 = tpu.vector_load %arg24[%get3A_1581, %get3A_1582] {strides = array<i32>} : memref<512x96xf32, #tpu.memory_space<vmem>>, vector<16xf32>,
        %add3A_1584 = arith.constant 128 : i32
        %add3A_1585 = arith.addi %add3A_1584, %add3A_1566 : i32
        %get3A_1586 = arith.index_cast %add3A_1585 : i32 to index
        %get3A_1587 = arith.constant 0 : index
        %get3A_1588 = tpu.vector_load %arg24[%get3A_1586, %get3A_1587] {strides = array<i32>} : memref<512x96xf32, #tpu.memory_space<vmem>>, vector<16xf32>,
        %add3A_1589 = arith.constant 256 : i32
        %add3A_1590 = arith.addi %add3A_1589, %add3A_1566 : i32
        %get3A_1591 = arith.index_cast %add3A_1590 : i32 to index
        %get3A_1592 = arith.constant 0 : index
        %get3A_1593 = tpu.vector_load %arg24[%get3A_1591, %get3A_1592] {strides = array<i32>} : memref<512x96xf32, #tpu.memory_space<vmem>>, vector<16xf32>,
        %add3A_1594 = arith.constant 384 : i32
        %add3A_1595 = arith.addi %add3A_1594, %add3A_1566 : i32
        %get3A_1596 = arith.index_cast %add3A_1595 : i32 to index
        %get3A_1597 = arith.constant 0 : index
        %get3A_1598 = tpu.vector_load %arg24[%get3A_1596, %get3A_1597] {strides = array<i32>} : memref<512x96xf32, #tpu.memory_space<vmem>>, vector<16xf32>,
        %mul3A_1599 = arith.mulf %gather3A_1571, %get3A_1583 : vector<16xf32>
        %mul3A_1600 = arith.mulf %gather3A_1574, %get3A_1588 : vector<16xf32>
        %add3A_1601 = arith.addf %mul3A_1599, %mul3A_1600 : vector<16xf32>
        %mul3A_1602 = arith.mulf %gather3A_1577, %get3A_1593 : vector<16xf32>
        %mul3A_1603 = arith.mulf %gather3A_1580, %get3A_1598 : vector<16xf32>
        %add3A_1604 = arith.addf %mul3A_1602, %mul3A_1603 : vector<16xf32>
        %add3A_1605 = arith.addf %add3A_1601, %add3A_1604 : vector<16xf32>
        %swap3A_1606 = arith.index_cast %add3A_1566 : i32 to index
        %swap3A_1607 = arith.constant 0 : index
        %swap3A_1608 = tpu.vector_load %arg26[%swap3A_1606, %swap3A_1607] {strides = array<i32>} : memref<128x96xf32, #tpu.memory_space<vmem>>, vector<16xf32>,
        tpu.vector_store %arg26[%swap3A_1606, %swap3A_1607], %add3A_1605 {strides = array<i32>} : memref<128x96xf32, #tpu.memory_space<vmem>>, vector<16xf32>,
        %get3A_1609 = arith.index_cast %add3A_1566 : i32 to index
        %get3A_1610 = arith.constant 16 : index
        %get3A_1611 = tpu.vector_load %arg24[%get3A_1609, %get3A_1610] {strides = array<i32>} : memref<512x96xf32, #tpu.memory_space<vmem>>, vector<16xf32>,
        %add3A_1612 = arith.constant 128 : i32
        %add3A_1613 = arith.addi %add3A_1612, %add3A_1566 : i32
        %get3A_1614 = arith.index_cast %add3A_1613 : i32 to index
        %get3A_1615 = arith.constant 16 : index
        %get3A_1616 = tpu.vector_load %arg24[%get3A_1614, %get3A_1615] {strides = array<i32>} : memref<512x96xf32, #tpu.memory_space<vmem>>, vector<16xf32>,
        %add3A_1617 = arith.constant 256 : i32
        %add3A_1618 = arith.addi %add3A_1617, %add3A_1566 : i32
        %get3A_1619 = arith.index_cast %add3A_1618 : i32 to index
        %get3A_1620 = arith.constant 16 : index
        %get3A_1621 = tpu.vector_load %arg24[%get3A_1619, %get3A_1620] {strides = array<i32>} : memref<512x96xf32, #tpu.memory_space<vmem>>, vector<16xf32>,
        %add3A_1622 = arith.constant 384 : i32
        %add3A_1623 = arith.addi %add3A_1622, %add3A_1566 : i32
        %get3A_1624 = arith.index_cast %add3A_1623 : i32 to index
        %get3A_1625 = arith.constant 16 : index
        %get3A_1626 = tpu.vector_load %arg24[%get3A_1624, %get3A_1625] {strides = array<i32>} : memref<512x96xf32, #tpu.memory_space<vmem>>, vector<16xf32>,
        %mul3A_1627 = arith.mulf %gather3A_1571, %get3A_1611 : vector<16xf32>
        %mul3A_1628 = arith.mulf %gather3A_1574, %get3A_1616 : vector<16xf32>
        %add3A_1629 = arith.addf %mul3A_1627, %mul3A_1628 : vector<16xf32>
        %mul3A_1630 = arith.mulf %gather3A_1577, %get3A_1621 : vector<16xf32>
        %mul3A_1631 = arith.mulf %gather3A_1580, %get3A_1626 : vector<16xf32>
        %add3A_1632 = arith.addf %mul3A_1630, %mul3A_1631 : vector<16xf32>
        %add3A_1633 = arith.addf %add3A_1629, %add3A_1632 : vector<16xf32>
        %swap3A_1634 = arith.index_cast %add3A_1566 : i32 to index
        %swap3A_1635 = arith.constant 16 : index
        %swap3A_1636 = tpu.vector_load %arg26[%swap3A_1634, %swap3A_1635] {strides = array<i32>} : memref<128x96xf32, #tpu.memory_space<vmem>>, vector<16xf32>,
        tpu.vector_store %arg26[%swap3A_1634, %swap3A_1635], %add3A_1633 {strides = array<i32>} : memref<128x96xf32, #tpu.memory_space<vmem>>, vector<16xf32>,
        %get3A_1637 = arith.index_cast %add3A_1566 : i32 to index
        %get3A_1638 = arith.constant 32 : index
        %get3A_1639 = tpu.vector_load %arg24[%get3A_1637, %get3A_1638] {strides = array<i32>} : memref<512x96xf32, #tpu.memory_space<vmem>>, vector<16xf32>,
        %add3A_1640 = arith.constant 128 : i32
        %add3A_1641 = arith.addi %add3A_1640, %add3A_1566 : i32
        %get3A_1642 = arith.index_cast %add3A_1641 : i32 to index
        %get3A_1643 = arith.constant 32 : index
        %get3A_1644 = tpu.vector_load %arg24[%get3A_1642, %get3A_1643] {strides = array<i32>} : memref<512x96xf32, #tpu.memory_space<vmem>>, vector<16xf32>,
        %add3A_1645 = arith.constant 256 : i32
        %add3A_1646 = arith.addi %add3A_1645, %add3A_1566 : i32
        %get3A_1647 = arith.index_cast %add3A_1646 : i32 to index
        %get3A_1648 = arith.constant 32 : index
        %get3A_1649 = tpu.vector_load %arg24[%get3A_1647, %get3A_1648] {strides = array<i32>} : memref<512x96xf32, #tpu.memory_space<vmem>>, vector<16xf32>,
        %add3A_1650 = arith.constant 384 : i32
        %add3A_1651 = arith.addi %add3A_1650, %add3A_1566 : i32
        %get3A_1652 = arith.index_cast %add3A_1651 : i32 to index
        %get3A_1653 = arith.constant 32 : index
        %get3A_1654 = tpu.vector_load %arg24[%get3A_1652, %get3A_1653] {strides = array<i32>} : memref<512x96xf32, #tpu.memory_space<vmem>>, vector<16xf32>,
        %mul3A_1655 = arith.mulf %gather3A_1571, %get3A_1639 : vector<16xf32>
        %mul3A_1656 = arith.mulf %gather3A_1574, %get3A_1644 : vector<16xf32>
        %add3A_1657 = arith.addf %mul3A_1655, %mul3A_1656 : vector<16xf32>
        %mul3A_1658 = arith.mulf %gather3A_1577, %get3A_1649 : vector<16xf32>
        %mul3A_1659 = arith.mulf %gather3A_1580, %get3A_1654 : vector<16xf32>
        %add3A_1660 = arith.addf %mul3A_1658, %mul3A_1659 : vector<16xf32>
        %add3A_1661 = arith.addf %add3A_1657, %add3A_1660 : vector<16xf32>
        %swap3A_1662 = arith.index_cast %add3A_1566 : i32 to index
        %swap3A_1663 = arith.constant 32 : index
        %swap3A_1664 = tpu.vector_load %arg26[%swap3A_1662, %swap3A_1663] {strides = array<i32>} : memref<128x96xf32, #tpu.memory_space<vmem>>, vector<16xf32>,
        tpu.vector_store %arg26[%swap3A_1662, %swap3A_1663], %add3A_1661 {strides = array<i32>} : memref<128x96xf32, #tpu.memory_space<vmem>>, vector<16xf32>,
        %get3A_1665 = arith.index_cast %add3A_1566 : i32 to index
        %get3A_1666 = arith.constant 48 : index
        %get3A_1667 = tpu.vector_load %arg24[%get3A_1665, %get3A_1666] {strides = array<i32>} : memref<512x96xf32, #tpu.memory_space<vmem>>, vector<16xf32>,
        %add3A_1668 = arith.constant 128 : i32
        %add3A_1669 = arith.addi %add3A_1668, %add3A_1566 : i32
        %get3A_1670 = arith.index_cast %add3A_1669 : i32 to index
        %get3A_1671 = arith.constant 48 : index
        %get3A_1672 = tpu.vector_load %arg24[%get3A_1670, %get3A_1671] {strides = array<i32>} : memref<512x96xf32, #tpu.memory_space<vmem>>, vector<16xf32>,
        %add3A_1673 = arith.constant 256 : i32
        %add3A_1674 = arith.addi %add3A_1673, %add3A_1566 : i32
        %get3A_1675 = arith.index_cast %add3A_1674 : i32 to index
        %get3A_1676 = arith.constant 48 : index
        %get3A_1677 = tpu.vector_load %arg24[%get3A_1675, %get3A_1676] {strides = array<i32>} : memref<512x96xf32, #tpu.memory_space<vmem>>, vector<16xf32>,
        %add3A_1678 = arith.constant 384 : i32
        %add3A_1679 = arith.addi %add3A_1678, %add3A_1566 : i32
        %get3A_1680 = arith.index_cast %add3A_1679 : i32 to index
        %get3A_1681 = arith.constant 48 : index
        %get3A_1682 = tpu.vector_load %arg24[%get3A_1680, %get3A_1681] {strides = array<i32>} : memref<512x96xf32, #tpu.memory_space<vmem>>, vector<16xf32>,
        %mul3A_1683 = arith.mulf %gather3A_1571, %get3A_1667 : vector<16xf32>
        %mul3A_1684 = arith.mulf %gather3A_1574, %get3A_1672 : vector<16xf32>
        %add3A_1685 = arith.addf %mul3A_1683, %mul3A_1684 : vector<16xf32>
        %mul3A_1686 = arith.mulf %gather3A_1577, %get3A_1677 : vector<16xf32>
        %mul3A_1687 = arith.mulf %gather3A_1580, %get3A_1682 : vector<16xf32>
        %add3A_1688 = arith.addf %mul3A_1686, %mul3A_1687 : vector<16xf32>
        %add3A_1689 = arith.addf %add3A_1685, %add3A_1688 : vector<16xf32>
        %swap3A_1690 = arith.index_cast %add3A_1566 : i32 to index
        %swap3A_1691 = arith.constant 48 : index
        %swap3A_1692 = tpu.vector_load %arg26[%swap3A_1690, %swap3A_1691] {strides = array<i32>} : memref<128x96xf32, #tpu.memory_space<vmem>>, vector<16xf32>,
        tpu.vector_store %arg26[%swap3A_1690, %swap3A_1691], %add3A_1689 {strides = array<i32>} : memref<128x96xf32, #tpu.memory_space<vmem>>, vector<16xf32>,
        %get3A_1693 = arith.index_cast %add3A_1566 : i32 to index
        %get3A_1694 = arith.constant 64 : index
        %get3A_1695 = tpu.vector_load %arg24[%get3A_1693, %get3A_1694] {strides = array<i32>} : memref<512x96xf32, #tpu.memory_space<vmem>>, vector<16xf32>,
        %add3A_1696 = arith.constant 128 : i32
        %add3A_1697 = arith.addi %add3A_1696, %add3A_1566 : i32
        %get3A_1698 = arith.index_cast %add3A_1697 : i32 to index
        %get3A_1699 = arith.constant 64 : index
        %get3A_1700 = tpu.vector_load %arg24[%get3A_1698, %get3A_1699] {strides = array<i32>} : memref<512x96xf32, #tpu.memory_space<vmem>>, vector<16xf32>,
        %add3A_1701 = arith.constant 256 : i32
        %add3A_1702 = arith.addi %add3A_1701, %add3A_1566 : i32
        %get3A_1703 = arith.index_cast %add3A_1702 : i32 to index
        %get3A_1704 = arith.constant 64 : index
        %get3A_1705 = tpu.vector_load %arg24[%get3A_1703, %get3A_1704] {strides = array<i32>} : memref<512x96xf32, #tpu.memory_space<vmem>>, vector<16xf32>,
        %add3A_1706 = arith.constant 384 : i32
        %add3A_1707 = arith.addi %add3A_1706, %add3A_1566 : i32
        %get3A_1708 = arith.index_cast %add3A_1707 : i32 to index
        %get3A_1709 = arith.constant 64 : index
        %get3A_1710 = tpu.vector_load %arg24[%get3A_1708, %get3A_1709] {strides = array<i32>} : memref<512x96xf32, #tpu.memory_space<vmem>>, vector<16xf32>,
        %mul3A_1711 = arith.mulf %gather3A_1571, %get3A_1695 : vector<16xf32>
        %mul3A_1712 = arith.mulf %gather3A_1574, %get3A_1700 : vector<16xf32>
        %add3A_1713 = arith.addf %mul3A_1711, %mul3A_1712 : vector<16xf32>
        %mul3A_1714 = arith.mulf %gather3A_1577, %get3A_1705 : vector<16xf32>
        %mul3A_1715 = arith.mulf %gather3A_1580, %get3A_1710 : vector<16xf32>
        %add3A_1716 = arith.addf %mul3A_1714, %mul3A_1715 : vector<16xf32>
        %add3A_1717 = arith.addf %add3A_1713, %add3A_1716 : vector<16xf32>
        %swap3A_1718 = arith.index_cast %add3A_1566 : i32 to index
        %swap3A_1719 = arith.constant 64 : index
        %swap3A_1720 = tpu.vector_load %arg26[%swap3A_1718, %swap3A_1719] {strides = array<i32>} : memref<128x96xf32, #tpu.memory_space<vmem>>, vector<16xf32>,
        tpu.vector_store %arg26[%swap3A_1718, %swap3A_1719], %add3A_1717 {strides = array<i32>} : memref<128x96xf32, #tpu.memory_space<vmem>>, vector<16xf32>,
        %get3A_1721 = arith.index_cast %add3A_1566 : i32 to index
        %get3A_1722 = arith.constant 80 : index
        %get3A_1723 = tpu.vector_load %arg24[%get3A_1721, %get3A_1722] {strides = array<i32>} : memref<512x96xf32, #tpu.memory_space<vmem>>, vector<16xf32>,
        %add3A_1724 = arith.constant 128 : i32
        %add3A_1725 = arith.addi %add3A_1724, %add3A_1566 : i32
        %get3A_1726 = arith.index_cast %add3A_1725 : i32 to index
        %get3A_1727 = arith.constant 80 : index
        %get3A_1728 = tpu.vector_load %arg24[%get3A_1726, %get3A_1727] {strides = array<i32>} : memref<512x96xf32, #tpu.memory_space<vmem>>, vector<16xf32>,
        %add3A_1729 = arith.constant 256 : i32
        %add3A_1730 = arith.addi %add3A_1729, %add3A_1566 : i32
        %get3A_1731 = arith.index_cast %add3A_1730 : i32 to index
        %get3A_1732 = arith.constant 80 : index
        %get3A_1733 = tpu.vector_load %arg24[%get3A_1731, %get3A_1732] {strides = array<i32>} : memref<512x96xf32, #tpu.memory_space<vmem>>, vector<16xf32>,
        %add3A_1734 = arith.constant 384 : i32
        %add3A_1735 = arith.addi %add3A_1734, %add3A_1566 : i32
        %get3A_1736 = arith.index_cast %add3A_1735 : i32 to index
        %get3A_1737 = arith.constant 80 : index
        %get3A_1738 = tpu.vector_load %arg24[%get3A_1736, %get3A_1737] {strides = array<i32>} : memref<512x96xf32, #tpu.memory_space<vmem>>, vector<16xf32>,
        %mul3A_1739 = arith.mulf %gather3A_1571, %get3A_1723 : vector<16xf32>
        %mul3A_1740 = arith.mulf %gather3A_1574, %get3A_1728 : vector<16xf32>
        %add3A_1741 = arith.addf %mul3A_1739, %mul3A_1740 : vector<16xf32>
        %mul3A_1742 = arith.mulf %gather3A_1577, %get3A_1733 : vector<16xf32>
        %mul3A_1743 = arith.mulf %gather3A_1580, %get3A_1738 : vector<16xf32>
        %add3A_1744 = arith.addf %mul3A_1742, %mul3A_1743 : vector<16xf32>
        %add3A_1745 = arith.addf %add3A_1741, %add3A_1744 : vector<16xf32>
        %swap3A_1746 = arith.index_cast %add3A_1566 : i32 to index
        %swap3A_1747 = arith.constant 80 : index
        %swap3A_1748 = tpu.vector_load %arg26[%swap3A_1746, %swap3A_1747] {strides = array<i32>} : memref<128x96xf32, #tpu.memory_space<vmem>>, vector<16xf32>,
        tpu.vector_store %arg26[%swap3A_1746, %swap3A_1747], %add3A_1745 {strides = array<i32>} : memref<128x96xf32, #tpu.memory_space<vmem>>, vector<16xf32>,
      }
      %scan3A_223 = arith.constant 16 : i32
      %mul3A_224 = arith.constant 128 : i32
      %mul3A_225 = arith.muli %mul3A_108, %mul3A_224 : i32
      %add3A_226 = arith.addi %mul3A_2, %mul3A_225 : i32
      %dma_start3A_227 = arith.constant 0 : i32
      %dma_start3A_228 = tpu.memref_slice %arg5[%add3A_226, %dma_start3A_227] : memref<294912x96xf32, #tpu.memory_space<hbm>> -> memref<128x96xf32, #tpu.memory_space<hbm>>
      %dma_start3A_229 = arith.constant 0 : i32
      %dma_start3A_230 = tpu.memref_slice %arg5[%add3A_226, %dma_start3A_229] : memref<294912x96xf32, #tpu.memory_space<hbm>> -> memref<128x96xf32, #tpu.memory_space<hbm>>
      tpu.enqueue_dma source(%arg26 : memref<128x96xf32, #tpu.memory_space<vmem>>) target(%dma_start3A_230 : memref<128x96xf32, #tpu.memory_space<hbm>>) target_semaphore(%arg30 : memref<!tpu.dma_semaphore, #tpu.memory_space<semaphore_mem>>)
      %lt3A_231 = arith.constant 35 : i32
      %lt3A_232 = arith.cmpi slt, %scan3A_106, %lt3A_231 : i32
      %convert_element_type3A_233 = arith.extui %lt3A_232 : i1 to i32
      %cond3A_234 = arith.constant 0 : i32
      %cond3A_235 = arith.cmpi ne, %convert_element_type3A_233, %cond3A_234 : i32
      scf.if %cond3A_235 {
        %add3A_264 = arith.constant 2 : i32
        %add3A_265 = arith.addi %mul3A_108, %add3A_264 : i32
        %jit3A_266 = arith.constant 3 : i32
        %div3A_267 = arith.divsi %add3A_265, %jit3A_266 : i32
        %sign3A_268 = arith.constant 0 : i32
        %sign3A_269 = arith.cmpi sgt, %add3A_265, %sign3A_268 : i32
        %sign3A_270 = arith.extui %sign3A_269 : i1 to i32
        %sign3A_271 = arith.constant 0 : i32
        %sign3A_272 = arith.cmpi slt, %add3A_265, %sign3A_271 : i32
        %sign3A_273 = arith.extui %sign3A_272 : i1 to i32
        %sign3A_274 = arith.subi %sign3A_270, %sign3A_273 : i32
        %sign3A_275 = arith.constant 0 : i32
        %sign3A_276 = arith.cmpi sgt, %jit3A_266, %sign3A_275 : i32
        %sign3A_277 = arith.extui %sign3A_276 : i1 to i32
        %sign3A_278 = arith.constant 0 : i32
        %sign3A_279 = arith.cmpi slt, %jit3A_266, %sign3A_278 : i32
        %sign3A_280 = arith.extui %sign3A_279 : i1 to i32
        %sign3A_281 = arith.subi %sign3A_277, %sign3A_280 : i32
        %ne3A_282 = arith.cmpi ne, %sign3A_274, %sign3A_281 : i32
        %rem3A_283 = arith.remsi %add3A_265, %jit3A_266 : i32
        %ne3A_284 = arith.constant 0 : i32
        %ne3A_285 = arith.cmpi ne, %rem3A_283, %ne3A_284 : i32
        %and3A_286 = arith.andi %ne3A_282, %ne3A_285 : i1
        %sub3A_287 = arith.constant 1 : i32
        %sub3A_288 = arith.subi %div3A_267, %sub3A_287 : i32
        %select_n3A_289 = arith.select %and3A_286, %sub3A_288, %div3A_267 : i32
        %add3A_290 = arith.addi %mul3A_34, %select_n3A_289 : i32
        %jit3A_291 = arith.constant 3 : i32
        %eq3A_292 = arith.constant 0 : i32
        %eq3A_293 = arith.cmpi eq, %jit3A_291, %eq3A_292 : i32
        %jit3A_294 = arith.constant 1 : i32
        %select_n3A_295 = arith.select %eq3A_293, %jit3A_294, %jit3A_291 : i32
        %rem3A_296 = arith.remsi %add3A_265, %select_n3A_295 : i32
        %ne3A_297 = arith.constant 0 : i32
        %ne3A_298 = arith.cmpi ne, %rem3A_296, %ne3A_297 : i32
        %lt3A_299 = arith.constant 0 : i32
        %lt3A_300 = arith.cmpi slt, %rem3A_296, %lt3A_299 : i32
        %lt3A_301 = arith.constant 0 : i32
        %lt3A_302 = arith.cmpi slt, %select_n3A_295, %lt3A_301 : i32
        %ne3A_303 = arith.xori %lt3A_300, %lt3A_302 : i1
        %and3A_304 = arith.andi %ne3A_303, %ne3A_298 : i1
        %add3A_305 = arith.addi %rem3A_296, %select_n3A_295 : i32
        %select_n3A_306 = arith.select %and3A_304, %add3A_305, %rem3A_296 : i32
        %mul3A_307 = arith.constant 128 : i32
        %mul3A_308 = arith.muli %select_n3A_306, %mul3A_307 : i32
        %broadcast_in_dim3A_309 = vector.broadcast %add3A_290 : i32 to vector<16xi32>
        %convert_element_type3A_310 = arith.sitofp %broadcast_in_dim3A_309 : vector<16xi32> to vector<16xf32>
        %scan3A_311 = arith.constant 0 : i32
        %scan3A_312 = arith.constant 0 : i32
        %scan3A_313 = arith.constant 8 : i32
        %scan3A_314 = arith.addi %scan3A_312, %scan3A_313 : i32
        %scan3A_315 = arith.constant 1 : i32
        scf.for %scan3A_362 = %scan3A_312 to %scan3A_314 step %scan3A_315  : i32 {
          %mul3A_363 = arith.constant 16 : i32
          %mul3A_364 = arith.muli %scan3A_362, %mul3A_363 : i32
          %broadcast_in_dim3A_365 = vector.broadcast %mul3A_308 : i32 to vector<16xi32>
          %mul3A_366 = arith.constant 16 : i32
          %mul3A_367 = arith.muli %scan3A_362, %mul3A_366 : i32
          %add3A_368 = vector.broadcast %mul3A_367 : i32 to vector<16xi32>
          %add3A_369 = arith.addi %broadcast_in_dim3A_365, %add3A_368 : vector<16xi32>
          %add3A_370 = arith.addi %add3A_369, %iota3A : vector<16xi32>
          %mul3A_371 = arith.constant 16 : i32
          %mul3A_372 = arith.muli %scan3A_362, %mul3A_371 : i32
          %get3A = arith.index_cast %mul3A_372 : i32 to index
          %get3A_373 = tpu.vector_load %arg6[%get3A] {strides = array<i32>} : memref<256xf32, #tpu.memory_space<vmem>>, vector<16xf32>,
          %mul3A_374 = arith.constant 16 : i32
          %mul3A_375 = arith.muli %scan3A_362, %mul3A_374 : i32
          %add3A_376 = arith.constant 128 : i32
          %add3A_377 = arith.addi %add3A_376, %mul3A_375 : i32
          %get3A_378 = arith.index_cast %add3A_377 : i32 to index
          %get3A_379 = tpu.vector_load %arg6[%get3A_378] {strides = array<i32>} : memref<256xf32, #tpu.memory_space<vmem>>, vector<16xf32>,
          %convert_element_type3A_380 = arith.sitofp %add3A_370 : vector<16xi32> to vector<16xf32>
          %add3A_381 = arith.addf %get3A_373, %convert_element_type3A_380 : vector<16xf32>
          %add3A_382 = arith.constant 1.000000e+00 : f32
          %add3A_383 = vector.broadcast %add3A_382 : f32 to vector<16xf32>
          %add3A_384 = arith.addf %add3A_381, %add3A_383 : vector<16xf32>
          %add3A_385 = arith.addf %get3A_379, %convert_element_type3A_310 : vector<16xf32>
          %add3A_386 = arith.constant 1.000000e+00 : f32
          %add3A_387 = vector.broadcast %add3A_386 : f32 to vector<16xf32>
          %add3A_388 = arith.addf %add3A_385, %add3A_387 : vector<16xf32>
          %convert_element_type3A_389 = arith.fptosi %add3A_384 : vector<16xf32> to vector<16xi32>
          %convert_element_type3A_390 = arith.sitofp %convert_element_type3A_389 : vector<16xi32> to vector<16xf32>
          %gt3A_391 = arith.cmpf ogt, %convert_element_type3A_390, %add3A_384 : vector<16xf32>
          %sub3A_392 = arith.constant 1 : i32
          %sub3A_393 = vector.broadcast %sub3A_392 : i32 to vector<16xi32>
          %sub3A_394 = arith.subi %convert_element_type3A_389, %sub3A_393 : vector<16xi32>
          %select_n3A_395 = arith.select %gt3A_391, %sub3A_394, %convert_element_type3A_389 : vector<16xi1>, vector<16xi32>
          %convert_element_type3A_396 = arith.fptosi %add3A_388 : vector<16xf32> to vector<16xi32>
          %convert_element_type3A_397 = arith.sitofp %convert_element_type3A_396 : vector<16xi32> to vector<16xf32>
          %gt3A_398 = arith.cmpf ogt, %convert_element_type3A_397, %add3A_388 : vector<16xf32>
          %sub3A_399 = arith.constant 1 : i32
          %sub3A_400 = vector.broadcast %sub3A_399 : i32 to vector<16xi32>
          %sub3A_401 = arith.subi %convert_element_type3A_396, %sub3A_400 : vector<16xi32>
          %select_n3A_402 = arith.select %gt3A_398, %sub3A_401, %convert_element_type3A_396 : vector<16xi1>, vector<16xi32>
          %jit3A_403 = arith.constant 0 : i32
          %jit3A_404 = arith.constant 385 : i32
          %max3A = vector.broadcast %jit3A_403 : i32 to vector<16xi32>
          %max3A_405 = arith.maxsi %max3A, %select_n3A_395 : vector<16xi32>
          %min3A_406 = vector.broadcast %jit3A_404 : i32 to vector<16xi32>
          %min3A_407 = arith.minsi %min3A_406, %max3A_405 : vector<16xi32>
          %add3A_408 = arith.constant 1 : i32
          %add3A_409 = vector.broadcast %add3A_408 : i32 to vector<16xi32>
          %add3A_410 = arith.addi %select_n3A_395, %add3A_409 : vector<16xi32>
          %jit3A_411 = arith.constant 0 : i32
          %jit3A_412 = arith.constant 385 : i32
          %max3A_413 = vector.broadcast %jit3A_411 : i32 to vector<16xi32>
          %max3A_414 = arith.maxsi %max3A_413, %add3A_410 : vector<16xi32>
          %min3A_415 = vector.broadcast %jit3A_412 : i32 to vector<16xi32>
          %min3A_416 = arith.minsi %min3A_415, %max3A_414 : vector<16xi32>
          %jit3A_417 = arith.constant 0 : i32
          %jit3A_418 = arith.constant 385 : i32
          %max3A_419 = vector.broadcast %jit3A_417 : i32 to vector<16xi32>
          %max3A_420 = arith.maxsi %max3A_419, %select_n3A_402 : vector<16xi32>
          %min3A_421 = vector.broadcast %jit3A_418 : i32 to vector<16xi32>
          %min3A_422 = arith.minsi %min3A_421, %max3A_420 : vector<16xi32>
          %add3A_423 = arith.constant 1 : i32
          %add3A_424 = vector.broadcast %add3A_423 : i32 to vector<16xi32>
          %add3A_425 = arith.addi %select_n3A_402, %add3A_424 : vector<16xi32>
          %jit3A_426 = arith.constant 0 : i32
          %jit3A_427 = arith.constant 385 : i32
          %max3A_428 = vector.broadcast %jit3A_426 : i32 to vector<16xi32>
          %max3A_429 = arith.maxsi %max3A_428, %add3A_425 : vector<16xi32>
          %min3A_430 = vector.broadcast %jit3A_427 : i32 to vector<16xi32>
          %min3A_431 = arith.minsi %min3A_430, %max3A_429 : vector<16xi32>
          %convert_element_type3A_432 = arith.sitofp %min3A_416 : vector<16xi32> to vector<16xf32>
          %sub3A_433 = arith.subf %convert_element_type3A_432, %add3A_384 : vector<16xf32>
          %convert_element_type3A_434 = arith.sitofp %min3A_431 : vector<16xi32> to vector<16xf32>
          %sub3A_435 = arith.subf %convert_element_type3A_434, %add3A_388 : vector<16xf32>
          %sub3A_436 = arith.constant 1.000000e+00 : f32
          %sub3A_437 = vector.broadcast %sub3A_436 : f32 to vector<16xf32>
          %sub3A_438 = arith.subf %sub3A_437, %sub3A_433 : vector<16xf32>
          %sub3A_439 = arith.constant 1.000000e+00 : f32
          %sub3A_440 = vector.broadcast %sub3A_439 : f32 to vector<16xf32>
          %sub3A_441 = arith.subf %sub3A_440, %sub3A_435 : vector<16xf32>
          %mul3A_442 = arith.mulf %sub3A_433, %sub3A_435 : vector<16xf32>
          %mul3A_443 = arith.mulf %sub3A_433, %sub3A_441 : vector<16xf32>
          %mul3A_444 = arith.mulf %sub3A_438, %sub3A_435 : vector<16xf32>
          %mul3A_445 = arith.mulf %sub3A_438, %sub3A_441 : vector<16xf32>
          %ge3A = arith.constant 1 : i32
          %ge3A_446 = vector.broadcast %ge3A : i32 to vector<16xi32>
          %ge3A_447 = arith.cmpi sge, %min3A_407, %ge3A_446 : vector<16xi32>
          %le3A = arith.constant 384 : i32
          %le3A_448 = vector.broadcast %le3A : i32 to vector<16xi32>
          %le3A_449 = arith.cmpi sle, %min3A_407, %le3A_448 : vector<16xi32>
          %and3A_450 = arith.andi %ge3A_447, %le3A_449 : vector<16xi1>
          %ge3A_451 = arith.constant 1 : i32
          %ge3A_452 = vector.broadcast %ge3A_451 : i32 to vector<16xi32>
          %ge3A_453 = arith.cmpi sge, %min3A_416, %ge3A_452 : vector<16xi32>
          %le3A_454 = arith.constant 384 : i32
          %le3A_455 = vector.broadcast %le3A_454 : i32 to vector<16xi32>
          %le3A_456 = arith.cmpi sle, %min3A_416, %le3A_455 : vector<16xi32>
          %and3A_457 = arith.andi %ge3A_453, %le3A_456 : vector<16xi1>
          %ge3A_458 = arith.constant 1 : i32
          %ge3A_459 = vector.broadcast %ge3A_458 : i32 to vector<16xi32>
          %ge3A_460 = arith.cmpi sge, %min3A_422, %ge3A_459 : vector<16xi32>
          %le3A_461 = arith.constant 384 : i32
          %le3A_462 = vector.broadcast %le3A_461 : i32 to vector<16xi32>
          %le3A_463 = arith.cmpi sle, %min3A_422, %le3A_462 : vector<16xi32>
          %and3A_464 = arith.andi %ge3A_460, %le3A_463 : vector<16xi1>
          %ge3A_465 = arith.constant 1 : i32
          %ge3A_466 = vector.broadcast %ge3A_465 : i32 to vector<16xi32>
          %ge3A_467 = arith.cmpi sge, %min3A_431, %ge3A_466 : vector<16xi32>
          %le3A_468 = arith.constant 384 : i32
          %le3A_469 = vector.broadcast %le3A_468 : i32 to vector<16xi32>
          %le3A_470 = arith.cmpi sle, %min3A_431, %le3A_469 : vector<16xi32>
          %and3A_471 = arith.andi %ge3A_467, %le3A_470 : vector<16xi1>
          %broadcast_in_dim3A_472 = arith.constant 0.000000e+00 : f32
          %broadcast_in_dim3A_473 = vector.broadcast %broadcast_in_dim3A_472 : f32 to vector<16xf32>
          %and3A_474 = arith.andi %and3A_464, %and3A_450 : vector<16xi1>
          %select_n3A_475 = arith.select %and3A_474, %mul3A_442, %broadcast_in_dim3A_473 : vector<16xi1>, vector<16xf32>
          %and3A_476 = arith.andi %and3A_471, %and3A_450 : vector<16xi1>
          %select_n3A_477 = arith.select %and3A_476, %mul3A_443, %broadcast_in_dim3A_473 : vector<16xi1>, vector<16xf32>
          %and3A_478 = arith.andi %and3A_464, %and3A_457 : vector<16xi1>
          %select_n3A_479 = arith.select %and3A_478, %mul3A_444, %broadcast_in_dim3A_473 : vector<16xi1>, vector<16xf32>
          %and3A_480 = arith.andi %and3A_471, %and3A_457 : vector<16xi1>
          %select_n3A_481 = arith.select %and3A_480, %mul3A_445, %broadcast_in_dim3A_473 : vector<16xi1>, vector<16xf32>
          %sub3A_482 = arith.constant 1 : i32
          %sub3A_483 = vector.broadcast %sub3A_482 : i32 to vector<16xi32>
          %sub3A_484 = arith.subi %min3A_407, %sub3A_483 : vector<16xi32>
          %jit3A_485 = arith.constant 0 : i32
          %jit3A_486 = arith.constant 383 : i32
          %max3A_487 = vector.broadcast %jit3A_485 : i32 to vector<16xi32>
          %max3A_488 = arith.maxsi %max3A_487, %sub3A_484 : vector<16xi32>
          %min3A_489 = vector.broadcast %jit3A_486 : i32 to vector<16xi32>
          %min3A_490 = arith.minsi %min3A_489, %max3A_488 : vector<16xi32>
          %sub3A_491 = arith.constant 1 : i32
          %sub3A_492 = vector.broadcast %sub3A_491 : i32 to vector<16xi32>
          %sub3A_493 = arith.subi %min3A_416, %sub3A_492 : vector<16xi32>
          %jit3A_494 = arith.constant 0 : i32
          %jit3A_495 = arith.constant 383 : i32
          %max3A_496 = vector.broadcast %jit3A_494 : i32 to vector<16xi32>
          %max3A_497 = arith.maxsi %max3A_496, %sub3A_493 : vector<16xi32>
          %min3A_498 = vector.broadcast %jit3A_495 : i32 to vector<16xi32>
          %min3A_499 = arith.minsi %min3A_498, %max3A_497 : vector<16xi32>
          %sub3A_500 = arith.constant 1 : i32
          %sub3A_501 = vector.broadcast %sub3A_500 : i32 to vector<16xi32>
          %sub3A_502 = arith.subi %min3A_422, %sub3A_501 : vector<16xi32>
          %jit3A_503 = arith.constant 0 : i32
          %jit3A_504 = arith.constant 383 : i32
          %max3A_505 = vector.broadcast %jit3A_503 : i32 to vector<16xi32>
          %max3A_506 = arith.maxsi %max3A_505, %sub3A_502 : vector<16xi32>
          %min3A_507 = vector.broadcast %jit3A_504 : i32 to vector<16xi32>
          %min3A_508 = arith.minsi %min3A_507, %max3A_506 : vector<16xi32>
          %sub3A_509 = arith.constant 1 : i32
          %sub3A_510 = vector.broadcast %sub3A_509 : i32 to vector<16xi32>
          %sub3A_511 = arith.subi %min3A_431, %sub3A_510 : vector<16xi32>
          %jit3A_512 = arith.constant 0 : i32
          %jit3A_513 = arith.constant 383 : i32
          %max3A_514 = vector.broadcast %jit3A_512 : i32 to vector<16xi32>
          %max3A_515 = arith.maxsi %max3A_514, %sub3A_511 : vector<16xi32>
          %min3A_516 = vector.broadcast %jit3A_513 : i32 to vector<16xi32>
          %min3A_517 = arith.minsi %min3A_516, %max3A_515 : vector<16xi32>
          %mul3A_518 = arith.constant 384 : i32
          %mul3A_519 = vector.broadcast %mul3A_518 : i32 to vector<16xi32>
          %mul3A_520 = arith.muli %min3A_508, %mul3A_519 : vector<16xi32>
          %add3A_521 = arith.addi %broadcast_in_dim3A, %mul3A_520 : vector<16xi32>
          %add3A_522 = arith.addi %add3A_521, %min3A_490 : vector<16xi32>
          %swap3A = arith.index_cast %mul3A_364 : i32 to index
          %swap3A_523 = tpu.vector_load %arg8[%swap3A] {strides = array<i32>} : memref<128xi32, #tpu.memory_space<vmem>>, vector<16xi32>,
          tpu.vector_store %arg8[%swap3A], %add3A_522 {strides = array<i32>} : memref<128xi32, #tpu.memory_space<vmem>>, vector<16xi32>,
          %mul3A_524 = arith.constant 384 : i32
          %mul3A_525 = vector.broadcast %mul3A_524 : i32 to vector<16xi32>
          %mul3A_526 = arith.muli %min3A_517, %mul3A_525 : vector<16xi32>
          %add3A_527 = arith.addi %broadcast_in_dim3A, %mul3A_526 : vector<16xi32>
          %add3A_528 = arith.addi %add3A_527, %min3A_490 : vector<16xi32>
          %swap3A_529 = arith.index_cast %mul3A_364 : i32 to index
          %swap3A_530 = tpu.vector_load %arg9[%swap3A_529] {strides = array<i32>} : memref<128xi32, #tpu.memory_space<vmem>>, vector<16xi32>,
          tpu.vector_store %arg9[%swap3A_529], %add3A_528 {strides = array<i32>} : memref<128xi32, #tpu.memory_space<vmem>>, vector<16xi32>,
          %mul3A_531 = arith.constant 384 : i32
          %mul3A_532 = vector.broadcast %mul3A_531 : i32 to vector<16xi32>
          %mul3A_533 = arith.muli %min3A_508, %mul3A_532 : vector<16xi32>
          %add3A_534 = arith.addi %broadcast_in_dim3A, %mul3A_533 : vector<16xi32>
          %add3A_535 = arith.addi %add3A_534, %min3A_499 : vector<16xi32>
          %swap3A_536 = arith.index_cast %mul3A_364 : i32 to index
          %swap3A_537 = tpu.vector_load %arg10[%swap3A_536] {strides = array<i32>} : memref<128xi32, #tpu.memory_space<vmem>>, vector<16xi32>,
          tpu.vector_store %arg10[%swap3A_536], %add3A_535 {strides = array<i32>} : memref<128xi32, #tpu.memory_space<vmem>>, vector<16xi32>,
          %mul3A_538 = arith.constant 384 : i32
          %mul3A_539 = vector.broadcast %mul3A_538 : i32 to vector<16xi32>
          %mul3A_540 = arith.muli %min3A_517, %mul3A_539 : vector<16xi32>
          %add3A_541 = arith.addi %broadcast_in_dim3A, %mul3A_540 : vector<16xi32>
          %add3A_542 = arith.addi %add3A_541, %min3A_499 : vector<16xi32>
          %swap3A_543 = arith.index_cast %mul3A_364 : i32 to index
          %swap3A_544 = tpu.vector_load %arg11[%swap3A_543] {strides = array<i32>} : memref<128xi32, #tpu.memory_space<vmem>>, vector<16xi32>,
          tpu.vector_store %arg11[%swap3A_543], %add3A_542 {strides = array<i32>} : memref<128xi32, #tpu.memory_space<vmem>>, vector<16xi32>,
          %swap3A_545 = arith.index_cast %mul3A_364 : i32 to index
          %swap3A_546 = tpu.vector_load %arg16[%swap3A_545] {strides = array<i32>} : memref<128xf32, #tpu.memory_space<vmem>>, vector<16xf32>,
          tpu.vector_store %arg16[%swap3A_545], %select_n3A_475 {strides = array<i32>} : memref<128xf32, #tpu.memory_space<vmem>>, vector<16xf32>,
          %swap3A_547 = arith.index_cast %mul3A_364 : i32 to index
          %swap3A_548 = tpu.vector_load %arg17[%swap3A_547] {strides = array<i32>} : memref<128xf32, #tpu.memory_space<vmem>>, vector<16xf32>,
          tpu.vector_store %arg17[%swap3A_547], %select_n3A_477 {strides = array<i32>} : memref<128xf32, #tpu.memory_space<vmem>>, vector<16xf32>,
          %swap3A_549 = arith.index_cast %mul3A_364 : i32 to index
          %swap3A_550 = tpu.vector_load %arg18[%swap3A_549] {strides = array<i32>} : memref<128xf32, #tpu.memory_space<vmem>>, vector<16xf32>,
          tpu.vector_store %arg18[%swap3A_549], %select_n3A_479 {strides = array<i32>} : memref<128xf32, #tpu.memory_space<vmem>>, vector<16xf32>,
          %swap3A_551 = arith.index_cast %mul3A_364 : i32 to index
          %swap3A_552 = tpu.vector_load %arg19[%swap3A_551] {strides = array<i32>} : memref<128xf32, #tpu.memory_space<vmem>>, vector<16xf32>,
          tpu.vector_store %arg19[%swap3A_551], %select_n3A_481 {strides = array<i32>} : memref<128xf32, #tpu.memory_space<vmem>>, vector<16xf32>,
        }
        %scan3A_316 = arith.constant 8 : i32
        %add3A_317 = arith.constant 2 : i32
        %add3A_318 = arith.addi %mul3A_108, %add3A_317 : i32
        %dma_start3A_319 = arith.constant 0 : i32
        %dma_start3A_320 = arith.constant 0 : i32
        %dma_start3A_321 = tpu.memref_slice %arg24[%dma_start3A_319, %dma_start3A_320] : memref<512x96xf32, #tpu.memory_space<vmem>> -> memref<128x96xf32, #tpu.memory_space<vmem>>
        %dma_start3A_322 = arith.constant 0 : i32
        %dma_start3A_323 = arith.constant 0 : i32
        %dma_start3A_324 = tpu.memref_slice %arg2[%dma_start3A_322, %dma_start3A_323] : memref<294912x96xf32, #tpu.memory_space<hbm>> -> memref<294912x96xf32, #tpu.memory_space<hbm>>
        tpu.enqueue_indirect_dma source(%dma_start3A_324 : memref<294912x96xf32, #tpu.memory_space<hbm>>) target(%dma_start3A_321 : memref<128x96xf32, #tpu.memory_space<vmem>>) offsets(%arg8 : memref<128xi32, #tpu.memory_space<vmem>>) semaphore(%arg28 : memref<!tpu.dma_semaphore, #tpu.memory_space<semaphore_mem>>)
        %dma_start3A_325 = arith.constant 128 : i32
        %dma_start3A_326 = arith.constant 0 : i32
        %dma_start3A_327 = tpu.memref_slice %arg24[%dma_start3A_325, %dma_start3A_326] : memref<512x96xf32, #tpu.memory_space<vmem>> -> memref<128x96xf32, #tpu.memory_space<vmem>>
        %dma_start3A_328 = arith.constant 0 : i32
        %dma_start3A_329 = arith.constant 0 : i32
        %dma_start3A_330 = tpu.memref_slice %arg2[%dma_start3A_328, %dma_start3A_329] : memref<294912x96xf32, #tpu.memory_space<hbm>> -> memref<294912x96xf32, #tpu.memory_space<hbm>>
        tpu.enqueue_indirect_dma source(%dma_start3A_330 : memref<294912x96xf32, #tpu.memory_space<hbm>>) target(%dma_start3A_327 : memref<128x96xf32, #tpu.memory_space<vmem>>) offsets(%arg9 : memref<128xi32, #tpu.memory_space<vmem>>) semaphore(%arg28 : memref<!tpu.dma_semaphore, #tpu.memory_space<semaphore_mem>>)
        %dma_start3A_331 = arith.constant 256 : i32
        %dma_start3A_332 = arith.constant 0 : i32
        %dma_start3A_333 = tpu.memref_slice %arg24[%dma_start3A_331, %dma_start3A_332] : memref<512x96xf32, #tpu.memory_space<vmem>> -> memref<128x96xf32, #tpu.memory_space<vmem>>
        %dma_start3A_334 = arith.constant 0 : i32
        %dma_start3A_335 = arith.constant 0 : i32
        %dma_start3A_336 = tpu.memref_slice %arg2[%dma_start3A_334, %dma_start3A_335] : memref<294912x96xf32, #tpu.memory_space<hbm>> -> memref<294912x96xf32, #tpu.memory_space<hbm>>
        tpu.enqueue_indirect_dma source(%dma_start3A_336 : memref<294912x96xf32, #tpu.memory_space<hbm>>) target(%dma_start3A_333 : memref<128x96xf32, #tpu.memory_space<vmem>>) offsets(%arg10 : memref<128xi32, #tpu.memory_space<vmem>>) semaphore(%arg28 : memref<!tpu.dma_semaphore, #tpu.memory_space<semaphore_mem>>)
        %dma_start3A_337 = arith.constant 384 : i32
        %dma_start3A_338 = arith.constant 0 : i32
        %dma_start3A_339 = tpu.memref_slice %arg24[%dma_start3A_337, %dma_start3A_338] : memref<512x96xf32, #tpu.memory_space<vmem>> -> memref<128x96xf32, #tpu.memory_space<vmem>>
        %dma_start3A_340 = arith.constant 0 : i32
        %dma_start3A_341 = arith.constant 0 : i32
        %dma_start3A_342 = tpu.memref_slice %arg2[%dma_start3A_340, %dma_start3A_341] : memref<294912x96xf32, #tpu.memory_space<hbm>> -> memref<294912x96xf32, #tpu.memory_space<hbm>>
        tpu.enqueue_indirect_dma source(%dma_start3A_342 : memref<294912x96xf32, #tpu.memory_space<hbm>>) target(%dma_start3A_339 : memref<128x96xf32, #tpu.memory_space<vmem>>) offsets(%arg11 : memref<128xi32, #tpu.memory_space<vmem>>) semaphore(%arg28 : memref<!tpu.dma_semaphore, #tpu.memory_space<semaphore_mem>>)
        %add3A_343 = arith.constant 2 : i32
        %add3A_344 = arith.addi %add3A_318, %add3A_343 : i32
        %min3A_345 = arith.constant 71 : i32
        %min3A_346 = arith.minsi %add3A_344, %min3A_345 : i32
        %mul3A_347 = arith.constant 128 : i32
        %mul3A_348 = arith.muli %min3A_346, %mul3A_347 : i32
        %add3A_349 = arith.addi %mul3A_2, %mul3A_348 : i32
        %dma_start3A_350 = arith.constant 0 : i32
        %dma_start3A_351 = tpu.memref_slice %arg6[%dma_start3A_350] : memref<256xf32, #tpu.memory_space<vmem>> -> memref<128xf32, #tpu.memory_space<vmem>>
        %dma_start3A_352 = tpu.memref_slice %arg3[%add3A_349] : memref<294912xf32, #tpu.memory_space<hbm>> -> memref<128xf32, #tpu.memory_space<hbm>>
        %dma_start3A_353 = arith.constant 0 : i32
        %dma_start3A_354 = tpu.memref_slice %arg6[%dma_start3A_353] : memref<256xf32, #tpu.memory_space<vmem>> -> memref<128xf32, #tpu.memory_space<vmem>>
        %dma_start3A_355 = tpu.memref_slice %arg3[%add3A_349] : memref<294912xf32, #tpu.memory_space<hbm>> -> memref<128xf32, #tpu.memory_space<hbm>>
        tpu.enqueue_dma source(%dma_start3A_355 : memref<128xf32, #tpu.memory_space<hbm>>) target(%dma_start3A_354 : memref<128xf32, #tpu.memory_space<vmem>>) target_semaphore(%arg28 : memref<!tpu.dma_semaphore, #tpu.memory_space<semaphore_mem>>)
        %dma_start3A_356 = arith.constant 128 : i32
        %dma_start3A_357 = tpu.memref_slice %arg6[%dma_start3A_356] : memref<256xf32, #tpu.memory_space<vmem>> -> memref<128xf32, #tpu.memory_space<vmem>>
        %dma_start3A_358 = tpu.memref_slice %arg4[%add3A_349] : memref<294912xf32, #tpu.memory_space<hbm>> -> memref<128xf32, #tpu.memory_space<hbm>>
        %dma_start3A_359 = arith.constant 128 : i32
        %dma_start3A_360 = tpu.memref_slice %arg6[%dma_start3A_359] : memref<256xf32, #tpu.memory_space<vmem>> -> memref<128xf32, #tpu.memory_space<vmem>>
        %dma_start3A_361 = tpu.memref_slice %arg4[%add3A_349] : memref<294912xf32, #tpu.memory_space<hbm>> -> memref<128xf32, #tpu.memory_space<hbm>>
        tpu.enqueue_dma source(%dma_start3A_361 : memref<128xf32, #tpu.memory_space<hbm>>) target(%dma_start3A_360 : memref<128xf32, #tpu.memory_space<vmem>>) target_semaphore(%arg28 : memref<!tpu.dma_semaphore, #tpu.memory_space<semaphore_mem>>)
      } else {
      }
      %dma_wait3A_236 = arith.constant 0 : i32
      %dma_wait3A_237 = arith.constant 0 : i32
      %dma_wait3A_238 = tpu.memref_slice %arg2[%dma_wait3A_236, %dma_wait3A_237] : memref<294912x96xf32, #tpu.memory_space<hbm>> -> memref<512x96xf32, #tpu.memory_space<hbm>>
      %dma_wait3A_239 = arith.constant 0 : i32
      %dma_wait3A_240 = arith.constant 0 : i32
      %dma_wait3A_241 = tpu.memref_slice %arg2[%dma_wait3A_239, %dma_wait3A_240] : memref<294912x96xf32, #tpu.memory_space<hbm>> -> memref<512x96xf32, #tpu.memory_space<hbm>>
      tpu.wait_dma2 semaphore(%arg29 : memref<!tpu.dma_semaphore, #tpu.memory_space<semaphore_mem>>) src(%dma_wait3A_241 : memref<512x96xf32, #tpu.memory_space<hbm>>) dst(%arg25 : memref<512x96xf32, #tpu.memory_space<vmem>>)
      %dma_wait3A_242 = arith.constant 0 : i32
      %dma_wait3A_243 = tpu.memref_slice %arg3[%dma_wait3A_242] : memref<294912xf32, #tpu.memory_space<hbm>> -> memref<256xf32, #tpu.memory_space<hbm>>
      %dma_wait3A_244 = arith.constant 0 : i32
      %dma_wait3A_245 = tpu.memref_slice %arg3[%dma_wait3A_244] : memref<294912xf32, #tpu.memory_space<hbm>> -> memref<256xf32, #tpu.memory_space<hbm>>
      tpu.wait_dma2 semaphore(%arg29 : memref<!tpu.dma_semaphore, #tpu.memory_space<semaphore_mem>>) src(%dma_wait3A_245 : memref<256xf32, #tpu.memory_space<hbm>>) dst(%arg7 : memref<256xf32, #tpu.memory_space<vmem>>)
      %gt3A_246 = arith.constant 0 : i32
      %gt3A_247 = arith.cmpi sgt, %scan3A_106, %gt3A_246 : i32
      %convert_element_type3A_248 = arith.extui %gt3A_247 : i1 to i32
      %cond3A_249 = arith.constant 0 : i32
      %cond3A_250 = arith.cmpi ne, %convert_element_type3A_248, %cond3A_249 : i32
      scf.if %cond3A_250 {
        %sub3A_264 = arith.constant 2 : i32
        %sub3A_265 = arith.subi %add3A_110, %sub3A_264 : i32
        %mul3A_266 = arith.constant 128 : i32
        %mul3A_267 = arith.muli %sub3A_265, %mul3A_266 : i32
        %add3A_268 = arith.addi %mul3A_2, %mul3A_267 : i32
        %dma_wait3A_269 = arith.constant 0 : i32
        %dma_wait3A_270 = tpu.memref_slice %arg5[%add3A_268, %dma_wait3A_269] : memref<294912x96xf32, #tpu.memory_space<hbm>> -> memref<128x96xf32, #tpu.memory_space<hbm>>
        %dma_wait3A_271 = arith.constant 0 : i32
        %dma_wait3A_272 = tpu.memref_slice %arg5[%add3A_268, %dma_wait3A_271] : memref<294912x96xf32, #tpu.memory_space<hbm>> -> memref<128x96xf32, #tpu.memory_space<hbm>>
        tpu.wait_dma2 semaphore(%arg31 : memref<!tpu.dma_semaphore, #tpu.memory_space<semaphore_mem>>) src(%arg27 : memref<128x96xf32, #tpu.memory_space<vmem>>) dst(%dma_wait3A_272 : memref<128x96xf32, #tpu.memory_space<hbm>>)
      } else {
      }
      %scan3A_251 = arith.constant 0 : i32
      %scan3A_252 = arith.constant 0 : i32
      %scan3A_253 = arith.constant 16 : i32
      %scan3A_254 = arith.addi %scan3A_252, %scan3A_253 : i32
      %scan3A_255 = arith.constant 1 : i32
      scf.for %scan3A_264 = %scan3A_252 to %scan3A_254 step %scan3A_255  : i32 {
        %mul3A_265 = arith.constant 8 : i32
        %mul3A_266 = arith.muli %scan3A_264, %mul3A_265 : i32
        %and3A_267 = arith.constant 15 : i32
        %and3A_268 = arith.andi %mul3A_266, %and3A_267 : i32
        %shift_right_arithmetic3A = arith.constant 1 : i32
        %shift_right_arithmetic3A_269 = arith.shrsi %scan3A_264, %shift_right_arithmetic3A : i32
        %mul3A_270 = arith.constant 16 : i32
        %mul3A_271 = arith.muli %shift_right_arithmetic3A_269, %mul3A_270 : i32
        %get3A = arith.index_cast %mul3A_271 : i32 to index
        %get3A_272 = tpu.vector_load %arg20[%get3A] {strides = array<i32>} : memref<128xf32, #tpu.memory_space<vmem>>, vector<16xf32>,
        %get3A_273 = arith.index_cast %mul3A_271 : i32 to index
        %get3A_274 = tpu.vector_load %arg21[%get3A_273] {strides = array<i32>} : memref<128xf32, #tpu.memory_space<vmem>>, vector<16xf32>,
        %get3A_275 = arith.index_cast %mul3A_271 : i32 to index
        %get3A_276 = tpu.vector_load %arg22[%get3A_275] {strides = array<i32>} : memref<128xf32, #tpu.memory_space<vmem>>, vector<16xf32>,
        %get3A_277 = arith.index_cast %mul3A_271 : i32 to index
        %get3A_278 = tpu.vector_load %arg23[%get3A_277] {strides = array<i32>} : memref<128xf32, #tpu.memory_space<vmem>>, vector<16xf32>,
        %add3A_279 = arith.constant 0 : i32
        %add3A_280 = arith.addi %mul3A_266, %add3A_279 : i32
        %add3A_281 = arith.constant 0 : i32
        %add3A_282 = arith.addi %and3A_268, %add3A_281 : i32
        %broadcast_in_dim3A_283 = vector.broadcast %add3A_282 : i32 to vector<16x1xi32>
        %gather3A = vector.shape_cast %broadcast_in_dim3A_283 : vector<16x1xi32> to vector<16xi32>
        %gather3A_284 = tpu.dynamic_gather %get3A_272[%gather3A] in [0] : vector<16xf32>, vector<16xi32> -> vector<16xf32>
        %broadcast_in_dim3A_285 = vector.broadcast %add3A_282 : i32 to vector<16x1xi32>
        %gather3A_286 = vector.shape_cast %broadcast_in_dim3A_285 : vector<16x1xi32> to vector<16xi32>
        %gather3A_287 = tpu.dynamic_gather %get3A_274[%gather3A_286] in [0] : vector<16xf32>, vector<16xi32> -> vector<16xf32>
        %broadcast_in_dim3A_288 = vector.broadcast %add3A_282 : i32 to vector<16x1xi32>
        %gather3A_289 = vector.shape_cast %broadcast_in_dim3A_288 : vector<16x1xi32> to vector<16xi32>
        %gather3A_290 = tpu.dynamic_gather %get3A_276[%gather3A_289] in [0] : vector<16xf32>, vector<16xi32> -> vector<16xf32>
        %broadcast_in_dim3A_291 = vector.broadcast %add3A_282 : i32 to vector<16x1xi32>
        %gather3A_292 = vector.shape_cast %broadcast_in_dim3A_291 : vector<16x1xi32> to vector<16xi32>
        %gather3A_293 = tpu.dynamic_gather %get3A_278[%gather3A_292] in [0] : vector<16xf32>, vector<16xi32> -> vector<16xf32>
        %get3A_294 = arith.index_cast %add3A_280 : i32 to index
        %get3A_295 = arith.constant 0 : index
        %get3A_296 = tpu.vector_load %arg25[%get3A_294, %get3A_295] {strides = array<i32>} : memref<512x96xf32, #tpu.memory_space<vmem>>, vector<16xf32>,
        %add3A_297 = arith.constant 128 : i32
        %add3A_298 = arith.addi %add3A_297, %add3A_280 : i32
        %get3A_299 = arith.index_cast %add3A_298 : i32 to index
        %get3A_300 = arith.constant 0 : index
        %get3A_301 = tpu.vector_load %arg25[%get3A_299, %get3A_300] {strides = array<i32>} : memref<512x96xf32, #tpu.memory_space<vmem>>, vector<16xf32>,
        %add3A_302 = arith.constant 256 : i32
        %add3A_303 = arith.addi %add3A_302, %add3A_280 : i32
        %get3A_304 = arith.index_cast %add3A_303 : i32 to index
        %get3A_305 = arith.constant 0 : index
        %get3A_306 = tpu.vector_load %arg25[%get3A_304, %get3A_305] {strides = array<i32>} : memref<512x96xf32, #tpu.memory_space<vmem>>, vector<16xf32>,
        %add3A_307 = arith.constant 384 : i32
        %add3A_308 = arith.addi %add3A_307, %add3A_280 : i32
        %get3A_309 = arith.index_cast %add3A_308 : i32 to index
        %get3A_310 = arith.constant 0 : index
        %get3A_311 = tpu.vector_load %arg25[%get3A_309, %get3A_310] {strides = array<i32>} : memref<512x96xf32, #tpu.memory_space<vmem>>, vector<16xf32>,
        %mul3A_312 = arith.mulf %gather3A_284, %get3A_296 : vector<16xf32>
        %mul3A_313 = arith.mulf %gather3A_287, %get3A_301 : vector<16xf32>
        %add3A_314 = arith.addf %mul3A_312, %mul3A_313 : vector<16xf32>
        %mul3A_315 = arith.mulf %gather3A_290, %get3A_306 : vector<16xf32>
        %mul3A_316 = arith.mulf %gather3A_293, %get3A_311 : vector<16xf32>
        %add3A_317 = arith.addf %mul3A_315, %mul3A_316 : vector<16xf32>
        %add3A_318 = arith.addf %add3A_314, %add3A_317 : vector<16xf32>
        %swap3A = arith.index_cast %add3A_280 : i32 to index
        %swap3A_319 = arith.constant 0 : index
        %swap3A_320 = tpu.vector_load %arg27[%swap3A, %swap3A_319] {strides = array<i32>} : memref<128x96xf32, #tpu.memory_space<vmem>>, vector<16xf32>,
        tpu.vector_store %arg27[%swap3A, %swap3A_319], %add3A_318 {strides = array<i32>} : memref<128x96xf32, #tpu.memory_space<vmem>>, vector<16xf32>,
        %get3A_321 = arith.index_cast %add3A_280 : i32 to index
        %get3A_322 = arith.constant 16 : index
        %get3A_323 = tpu.vector_load %arg25[%get3A_321, %get3A_322] {strides = array<i32>} : memref<512x96xf32, #tpu.memory_space<vmem>>, vector<16xf32>,
        %add3A_324 = arith.constant 128 : i32
        %add3A_325 = arith.addi %add3A_324, %add3A_280 : i32
        %get3A_326 = arith.index_cast %add3A_325 : i32 to index
        %get3A_327 = arith.constant 16 : index
        %get3A_328 = tpu.vector_load %arg25[%get3A_326, %get3A_327] {strides = array<i32>} : memref<512x96xf32, #tpu.memory_space<vmem>>, vector<16xf32>,
        %add3A_329 = arith.constant 256 : i32
        %add3A_330 = arith.addi %add3A_329, %add3A_280 : i32
        %get3A_331 = arith.index_cast %add3A_330 : i32 to index
        %get3A_332 = arith.constant 16 : index
        %get3A_333 = tpu.vector_load %arg25[%get3A_331, %get3A_332] {strides = array<i32>} : memref<512x96xf32, #tpu.memory_space<vmem>>, vector<16xf32>,
        %add3A_334 = arith.constant 384 : i32
        %add3A_335 = arith.addi %add3A_334, %add3A_280 : i32
        %get3A_336 = arith.index_cast %add3A_335 : i32 to index
        %get3A_337 = arith.constant 16 : index
        %get3A_338 = tpu.vector_load %arg25[%get3A_336, %get3A_337] {strides = array<i32>} : memref<512x96xf32, #tpu.memory_space<vmem>>, vector<16xf32>,
        %mul3A_339 = arith.mulf %gather3A_284, %get3A_323 : vector<16xf32>
        %mul3A_340 = arith.mulf %gather3A_287, %get3A_328 : vector<16xf32>
        %add3A_341 = arith.addf %mul3A_339, %mul3A_340 : vector<16xf32>
        %mul3A_342 = arith.mulf %gather3A_290, %get3A_333 : vector<16xf32>
        %mul3A_343 = arith.mulf %gather3A_293, %get3A_338 : vector<16xf32>
        %add3A_344 = arith.addf %mul3A_342, %mul3A_343 : vector<16xf32>
        %add3A_345 = arith.addf %add3A_341, %add3A_344 : vector<16xf32>
        %swap3A_346 = arith.index_cast %add3A_280 : i32 to index
        %swap3A_347 = arith.constant 16 : index
        %swap3A_348 = tpu.vector_load %arg27[%swap3A_346, %swap3A_347] {strides = array<i32>} : memref<128x96xf32, #tpu.memory_space<vmem>>, vector<16xf32>,
        tpu.vector_store %arg27[%swap3A_346, %swap3A_347], %add3A_345 {strides = array<i32>} : memref<128x96xf32, #tpu.memory_space<vmem>>, vector<16xf32>,
        %get3A_349 = arith.index_cast %add3A_280 : i32 to index
        %get3A_350 = arith.constant 32 : index
        %get3A_351 = tpu.vector_load %arg25[%get3A_349, %get3A_350] {strides = array<i32>} : memref<512x96xf32, #tpu.memory_space<vmem>>, vector<16xf32>,
        %add3A_352 = arith.constant 128 : i32
        %add3A_353 = arith.addi %add3A_352, %add3A_280 : i32
        %get3A_354 = arith.index_cast %add3A_353 : i32 to index
        %get3A_355 = arith.constant 32 : index
        %get3A_356 = tpu.vector_load %arg25[%get3A_354, %get3A_355] {strides = array<i32>} : memref<512x96xf32, #tpu.memory_space<vmem>>, vector<16xf32>,
        %add3A_357 = arith.constant 256 : i32
        %add3A_358 = arith.addi %add3A_357, %add3A_280 : i32
        %get3A_359 = arith.index_cast %add3A_358 : i32 to index
        %get3A_360 = arith.constant 32 : index
        %get3A_361 = tpu.vector_load %arg25[%get3A_359, %get3A_360] {strides = array<i32>} : memref<512x96xf32, #tpu.memory_space<vmem>>, vector<16xf32>,
        %add3A_362 = arith.constant 384 : i32
        %add3A_363 = arith.addi %add3A_362, %add3A_280 : i32
        %get3A_364 = arith.index_cast %add3A_363 : i32 to index
        %get3A_365 = arith.constant 32 : index
        %get3A_366 = tpu.vector_load %arg25[%get3A_364, %get3A_365] {strides = array<i32>} : memref<512x96xf32, #tpu.memory_space<vmem>>, vector<16xf32>,
        %mul3A_367 = arith.mulf %gather3A_284, %get3A_351 : vector<16xf32>
        %mul3A_368 = arith.mulf %gather3A_287, %get3A_356 : vector<16xf32>
        %add3A_369 = arith.addf %mul3A_367, %mul3A_368 : vector<16xf32>
        %mul3A_370 = arith.mulf %gather3A_290, %get3A_361 : vector<16xf32>
        %mul3A_371 = arith.mulf %gather3A_293, %get3A_366 : vector<16xf32>
        %add3A_372 = arith.addf %mul3A_370, %mul3A_371 : vector<16xf32>
        %add3A_373 = arith.addf %add3A_369, %add3A_372 : vector<16xf32>
        %swap3A_374 = arith.index_cast %add3A_280 : i32 to index
        %swap3A_375 = arith.constant 32 : index
        %swap3A_376 = tpu.vector_load %arg27[%swap3A_374, %swap3A_375] {strides = array<i32>} : memref<128x96xf32, #tpu.memory_space<vmem>>, vector<16xf32>,
        tpu.vector_store %arg27[%swap3A_374, %swap3A_375], %add3A_373 {strides = array<i32>} : memref<128x96xf32, #tpu.memory_space<vmem>>, vector<16xf32>,
        %get3A_377 = arith.index_cast %add3A_280 : i32 to index
        %get3A_378 = arith.constant 48 : index
        %get3A_379 = tpu.vector_load %arg25[%get3A_377, %get3A_378] {strides = array<i32>} : memref<512x96xf32, #tpu.memory_space<vmem>>, vector<16xf32>,
        %add3A_380 = arith.constant 128 : i32
        %add3A_381 = arith.addi %add3A_380, %add3A_280 : i32
        %get3A_382 = arith.index_cast %add3A_381 : i32 to index
        %get3A_383 = arith.constant 48 : index
        %get3A_384 = tpu.vector_load %arg25[%get3A_382, %get3A_383] {strides = array<i32>} : memref<512x96xf32, #tpu.memory_space<vmem>>, vector<16xf32>,
        %add3A_385 = arith.constant 256 : i32
        %add3A_386 = arith.addi %add3A_385, %add3A_280 : i32
        %get3A_387 = arith.index_cast %add3A_386 : i32 to index
        %get3A_388 = arith.constant 48 : index
        %get3A_389 = tpu.vector_load %arg25[%get3A_387, %get3A_388] {strides = array<i32>} : memref<512x96xf32, #tpu.memory_space<vmem>>, vector<16xf32>,
        %add3A_390 = arith.constant 384 : i32
        %add3A_391 = arith.addi %add3A_390, %add3A_280 : i32
        %get3A_392 = arith.index_cast %add3A_391 : i32 to index
        %get3A_393 = arith.constant 48 : index
        %get3A_394 = tpu.vector_load %arg25[%get3A_392, %get3A_393] {strides = array<i32>} : memref<512x96xf32, #tpu.memory_space<vmem>>, vector<16xf32>,
        %mul3A_395 = arith.mulf %gather3A_284, %get3A_379 : vector<16xf32>
        %mul3A_396 = arith.mulf %gather3A_287, %get3A_384 : vector<16xf32>
        %add3A_397 = arith.addf %mul3A_395, %mul3A_396 : vector<16xf32>
        %mul3A_398 = arith.mulf %gather3A_290, %get3A_389 : vector<16xf32>
        %mul3A_399 = arith.mulf %gather3A_293, %get3A_394 : vector<16xf32>
        %add3A_400 = arith.addf %mul3A_398, %mul3A_399 : vector<16xf32>
        %add3A_401 = arith.addf %add3A_397, %add3A_400 : vector<16xf32>
        %swap3A_402 = arith.index_cast %add3A_280 : i32 to index
        %swap3A_403 = arith.constant 48 : index
        %swap3A_404 = tpu.vector_load %arg27[%swap3A_402, %swap3A_403] {strides = array<i32>} : memref<128x96xf32, #tpu.memory_space<vmem>>, vector<16xf32>,
        tpu.vector_store %arg27[%swap3A_402, %swap3A_403], %add3A_401 {strides = array<i32>} : memref<128x96xf32, #tpu.memory_space<vmem>>, vector<16xf32>,
        %get3A_405 = arith.index_cast %add3A_280 : i32 to index
        %get3A_406 = arith.constant 64 : index
        %get3A_407 = tpu.vector_load %arg25[%get3A_405, %get3A_406] {strides = array<i32>} : memref<512x96xf32, #tpu.memory_space<vmem>>, vector<16xf32>,
        %add3A_408 = arith.constant 128 : i32
        %add3A_409 = arith.addi %add3A_408, %add3A_280 : i32
        %get3A_410 = arith.index_cast %add3A_409 : i32 to index
        %get3A_411 = arith.constant 64 : index
        %get3A_412 = tpu.vector_load %arg25[%get3A_410, %get3A_411] {strides = array<i32>} : memref<512x96xf32, #tpu.memory_space<vmem>>, vector<16xf32>,
        %add3A_413 = arith.constant 256 : i32
        %add3A_414 = arith.addi %add3A_413, %add3A_280 : i32
        %get3A_415 = arith.index_cast %add3A_414 : i32 to index
        %get3A_416 = arith.constant 64 : index
        %get3A_417 = tpu.vector_load %arg25[%get3A_415, %get3A_416] {strides = array<i32>} : memref<512x96xf32, #tpu.memory_space<vmem>>, vector<16xf32>,
        %add3A_418 = arith.constant 384 : i32
        %add3A_419 = arith.addi %add3A_418, %add3A_280 : i32
        %get3A_420 = arith.index_cast %add3A_419 : i32 to index
        %get3A_421 = arith.constant 64 : index
        %get3A_422 = tpu.vector_load %arg25[%get3A_420, %get3A_421] {strides = array<i32>} : memref<512x96xf32, #tpu.memory_space<vmem>>, vector<16xf32>,
        %mul3A_423 = arith.mulf %gather3A_284, %get3A_407 : vector<16xf32>
        %mul3A_424 = arith.mulf %gather3A_287, %get3A_412 : vector<16xf32>
        %add3A_425 = arith.addf %mul3A_423, %mul3A_424 : vector<16xf32>
        %mul3A_426 = arith.mulf %gather3A_290, %get3A_417 : vector<16xf32>
        %mul3A_427 = arith.mulf %gather3A_293, %get3A_422 : vector<16xf32>
        %add3A_428 = arith.addf %mul3A_426, %mul3A_427 : vector<16xf32>
        %add3A_429 = arith.addf %add3A_425, %add3A_428 : vector<16xf32>
        %swap3A_430 = arith.index_cast %add3A_280 : i32 to index
        %swap3A_431 = arith.constant 64 : index
        %swap3A_432 = tpu.vector_load %arg27[%swap3A_430, %swap3A_431] {strides = array<i32>} : memref<128x96xf32, #tpu.memory_space<vmem>>, vector<16xf32>,
        tpu.vector_store %arg27[%swap3A_430, %swap3A_431], %add3A_429 {strides = array<i32>} : memref<128x96xf32, #tpu.memory_space<vmem>>, vector<16xf32>,
        %get3A_433 = arith.index_cast %add3A_280 : i32 to index
        %get3A_434 = arith.constant 80 : index
        %get3A_435 = tpu.vector_load %arg25[%get3A_433, %get3A_434] {strides = array<i32>} : memref<512x96xf32, #tpu.memory_space<vmem>>, vector<16xf32>,
        %add3A_436 = arith.constant 128 : i32
        %add3A_437 = arith.addi %add3A_436, %add3A_280 : i32
        %get3A_438 = arith.index_cast %add3A_437 : i32 to index
        %get3A_439 = arith.constant 80 : index
        %get3A_440 = tpu.vector_load %arg25[%get3A_438, %get3A_439] {strides = array<i32>} : memref<512x96xf32, #tpu.memory_space<vmem>>, vector<16xf32>,
        %add3A_441 = arith.constant 256 : i32
        %add3A_442 = arith.addi %add3A_441, %add3A_280 : i32
        %get3A_443 = arith.index_cast %add3A_442 : i32 to index
        %get3A_444 = arith.constant 80 : index
        %get3A_445 = tpu.vector_load %arg25[%get3A_443, %get3A_444] {strides = array<i32>} : memref<512x96xf32, #tpu.memory_space<vmem>>, vector<16xf32>,
        %add3A_446 = arith.constant 384 : i32
        %add3A_447 = arith.addi %add3A_446, %add3A_280 : i32
        %get3A_448 = arith.index_cast %add3A_447 : i32 to index
        %get3A_449 = arith.constant 80 : index
        %get3A_450 = tpu.vector_load %arg25[%get3A_448, %get3A_449] {strides = array<i32>} : memref<512x96xf32, #tpu.memory_space<vmem>>, vector<16xf32>,
        %mul3A_451 = arith.mulf %gather3A_284, %get3A_435 : vector<16xf32>
        %mul3A_452 = arith.mulf %gather3A_287, %get3A_440 : vector<16xf32>
        %add3A_453 = arith.addf %mul3A_451, %mul3A_452 : vector<16xf32>
        %mul3A_454 = arith.mulf %gather3A_290, %get3A_445 : vector<16xf32>
        %mul3A_455 = arith.mulf %gather3A_293, %get3A_450 : vector<16xf32>
        %add3A_456 = arith.addf %mul3A_454, %mul3A_455 : vector<16xf32>
        %add3A_457 = arith.addf %add3A_453, %add3A_456 : vector<16xf32>
        %swap3A_458 = arith.index_cast %add3A_280 : i32 to index
        %swap3A_459 = arith.constant 80 : index
        %swap3A_460 = tpu.vector_load %arg27[%swap3A_458, %swap3A_459] {strides = array<i32>} : memref<128x96xf32, #tpu.memory_space<vmem>>, vector<16xf32>,
        tpu.vector_store %arg27[%swap3A_458, %swap3A_459], %add3A_457 {strides = array<i32>} : memref<128x96xf32, #tpu.memory_space<vmem>>, vector<16xf32>,
        %add3A_461 = arith.constant 1 : i32
        %add3A_462 = arith.addi %mul3A_266, %add3A_461 : i32
        %add3A_463 = arith.constant 1 : i32
        %add3A_464 = arith.addi %and3A_268, %add3A_463 : i32
        %broadcast_in_dim3A_465 = vector.broadcast %add3A_464 : i32 to vector<16x1xi32>
        %gather3A_466 = vector.shape_cast %broadcast_in_dim3A_465 : vector<16x1xi32> to vector<16xi32>
        %gather3A_467 = tpu.dynamic_gather %get3A_272[%gather3A_466] in [0] : vector<16xf32>, vector<16xi32> -> vector<16xf32>
        %broadcast_in_dim3A_468 = vector.broadcast %add3A_464 : i32 to vector<16x1xi32>
        %gather3A_469 = vector.shape_cast %broadcast_in_dim3A_468 : vector<16x1xi32> to vector<16xi32>
        %gather3A_470 = tpu.dynamic_gather %get3A_274[%gather3A_469] in [0] : vector<16xf32>, vector<16xi32> -> vector<16xf32>
        %broadcast_in_dim3A_471 = vector.broadcast %add3A_464 : i32 to vector<16x1xi32>
        %gather3A_472 = vector.shape_cast %broadcast_in_dim3A_471 : vector<16x1xi32> to vector<16xi32>
        %gather3A_473 = tpu.dynamic_gather %get3A_276[%gather3A_472] in [0] : vector<16xf32>, vector<16xi32> -> vector<16xf32>
        %broadcast_in_dim3A_474 = vector.broadcast %add3A_464 : i32 to vector<16x1xi32>
        %gather3A_475 = vector.shape_cast %broadcast_in_dim3A_474 : vector<16x1xi32> to vector<16xi32>
        %gather3A_476 = tpu.dynamic_gather %get3A_278[%gather3A_475] in [0] : vector<16xf32>, vector<16xi32> -> vector<16xf32>
        %get3A_477 = arith.index_cast %add3A_462 : i32 to index
        %get3A_478 = arith.constant 0 : index
        %get3A_479 = tpu.vector_load %arg25[%get3A_477, %get3A_478] {strides = array<i32>} : memref<512x96xf32, #tpu.memory_space<vmem>>, vector<16xf32>,
        %add3A_480 = arith.constant 128 : i32
        %add3A_481 = arith.addi %add3A_480, %add3A_462 : i32
        %get3A_482 = arith.index_cast %add3A_481 : i32 to index
        %get3A_483 = arith.constant 0 : index
        %get3A_484 = tpu.vector_load %arg25[%get3A_482, %get3A_483] {strides = array<i32>} : memref<512x96xf32, #tpu.memory_space<vmem>>, vector<16xf32>,
        %add3A_485 = arith.constant 256 : i32
        %add3A_486 = arith.addi %add3A_485, %add3A_462 : i32
        %get3A_487 = arith.index_cast %add3A_486 : i32 to index
        %get3A_488 = arith.constant 0 : index
        %get3A_489 = tpu.vector_load %arg25[%get3A_487, %get3A_488] {strides = array<i32>} : memref<512x96xf32, #tpu.memory_space<vmem>>, vector<16xf32>,
        %add3A_490 = arith.constant 384 : i32
        %add3A_491 = arith.addi %add3A_490, %add3A_462 : i32
        %get3A_492 = arith.index_cast %add3A_491 : i32 to index
        %get3A_493 = arith.constant 0 : index
        %get3A_494 = tpu.vector_load %arg25[%get3A_492, %get3A_493] {strides = array<i32>} : memref<512x96xf32, #tpu.memory_space<vmem>>, vector<16xf32>,
        %mul3A_495 = arith.mulf %gather3A_467, %get3A_479 : vector<16xf32>
        %mul3A_496 = arith.mulf %gather3A_470, %get3A_484 : vector<16xf32>
        %add3A_497 = arith.addf %mul3A_495, %mul3A_496 : vector<16xf32>
        %mul3A_498 = arith.mulf %gather3A_473, %get3A_489 : vector<16xf32>
        %mul3A_499 = arith.mulf %gather3A_476, %get3A_494 : vector<16xf32>
        %add3A_500 = arith.addf %mul3A_498, %mul3A_499 : vector<16xf32>
        %add3A_501 = arith.addf %add3A_497, %add3A_500 : vector<16xf32>
        %swap3A_502 = arith.index_cast %add3A_462 : i32 to index
        %swap3A_503 = arith.constant 0 : index
        %swap3A_504 = tpu.vector_load %arg27[%swap3A_502, %swap3A_503] {strides = array<i32>} : memref<128x96xf32, #tpu.memory_space<vmem>>, vector<16xf32>,
        tpu.vector_store %arg27[%swap3A_502, %swap3A_503], %add3A_501 {strides = array<i32>} : memref<128x96xf32, #tpu.memory_space<vmem>>, vector<16xf32>,
        %get3A_505 = arith.index_cast %add3A_462 : i32 to index
        %get3A_506 = arith.constant 16 : index
        %get3A_507 = tpu.vector_load %arg25[%get3A_505, %get3A_506] {strides = array<i32>} : memref<512x96xf32, #tpu.memory_space<vmem>>, vector<16xf32>,
        %add3A_508 = arith.constant 128 : i32
        %add3A_509 = arith.addi %add3A_508, %add3A_462 : i32
        %get3A_510 = arith.index_cast %add3A_509 : i32 to index
        %get3A_511 = arith.constant 16 : index
        %get3A_512 = tpu.vector_load %arg25[%get3A_510, %get3A_511] {strides = array<i32>} : memref<512x96xf32, #tpu.memory_space<vmem>>, vector<16xf32>,
        %add3A_513 = arith.constant 256 : i32
        %add3A_514 = arith.addi %add3A_513, %add3A_462 : i32
        %get3A_515 = arith.index_cast %add3A_514 : i32 to index
        %get3A_516 = arith.constant 16 : index
        %get3A_517 = tpu.vector_load %arg25[%get3A_515, %get3A_516] {strides = array<i32>} : memref<512x96xf32, #tpu.memory_space<vmem>>, vector<16xf32>,
        %add3A_518 = arith.constant 384 : i32
        %add3A_519 = arith.addi %add3A_518, %add3A_462 : i32
        %get3A_520 = arith.index_cast %add3A_519 : i32 to index
        %get3A_521 = arith.constant 16 : index
        %get3A_522 = tpu.vector_load %arg25[%get3A_520, %get3A_521] {strides = array<i32>} : memref<512x96xf32, #tpu.memory_space<vmem>>, vector<16xf32>,
        %mul3A_523 = arith.mulf %gather3A_467, %get3A_507 : vector<16xf32>
        %mul3A_524 = arith.mulf %gather3A_470, %get3A_512 : vector<16xf32>
        %add3A_525 = arith.addf %mul3A_523, %mul3A_524 : vector<16xf32>
        %mul3A_526 = arith.mulf %gather3A_473, %get3A_517 : vector<16xf32>
        %mul3A_527 = arith.mulf %gather3A_476, %get3A_522 : vector<16xf32>
        %add3A_528 = arith.addf %mul3A_526, %mul3A_527 : vector<16xf32>
        %add3A_529 = arith.addf %add3A_525, %add3A_528 : vector<16xf32>
        %swap3A_530 = arith.index_cast %add3A_462 : i32 to index
        %swap3A_531 = arith.constant 16 : index
        %swap3A_532 = tpu.vector_load %arg27[%swap3A_530, %swap3A_531] {strides = array<i32>} : memref<128x96xf32, #tpu.memory_space<vmem>>, vector<16xf32>,
        tpu.vector_store %arg27[%swap3A_530, %swap3A_531], %add3A_529 {strides = array<i32>} : memref<128x96xf32, #tpu.memory_space<vmem>>, vector<16xf32>,
        %get3A_533 = arith.index_cast %add3A_462 : i32 to index
        %get3A_534 = arith.constant 32 : index
        %get3A_535 = tpu.vector_load %arg25[%get3A_533, %get3A_534] {strides = array<i32>} : memref<512x96xf32, #tpu.memory_space<vmem>>, vector<16xf32>,
        %add3A_536 = arith.constant 128 : i32
        %add3A_537 = arith.addi %add3A_536, %add3A_462 : i32
        %get3A_538 = arith.index_cast %add3A_537 : i32 to index
        %get3A_539 = arith.constant 32 : index
        %get3A_540 = tpu.vector_load %arg25[%get3A_538, %get3A_539] {strides = array<i32>} : memref<512x96xf32, #tpu.memory_space<vmem>>, vector<16xf32>,
        %add3A_541 = arith.constant 256 : i32
        %add3A_542 = arith.addi %add3A_541, %add3A_462 : i32
        %get3A_543 = arith.index_cast %add3A_542 : i32 to index
        %get3A_544 = arith.constant 32 : index
        %get3A_545 = tpu.vector_load %arg25[%get3A_543, %get3A_544] {strides = array<i32>} : memref<512x96xf32, #tpu.memory_space<vmem>>, vector<16xf32>,
        %add3A_546 = arith.constant 384 : i32
        %add3A_547 = arith.addi %add3A_546, %add3A_462 : i32
        %get3A_548 = arith.index_cast %add3A_547 : i32 to index
        %get3A_549 = arith.constant 32 : index
        %get3A_550 = tpu.vector_load %arg25[%get3A_548, %get3A_549] {strides = array<i32>} : memref<512x96xf32, #tpu.memory_space<vmem>>, vector<16xf32>,
        %mul3A_551 = arith.mulf %gather3A_467, %get3A_535 : vector<16xf32>
        %mul3A_552 = arith.mulf %gather3A_470, %get3A_540 : vector<16xf32>
        %add3A_553 = arith.addf %mul3A_551, %mul3A_552 : vector<16xf32>
        %mul3A_554 = arith.mulf %gather3A_473, %get3A_545 : vector<16xf32>
        %mul3A_555 = arith.mulf %gather3A_476, %get3A_550 : vector<16xf32>
        %add3A_556 = arith.addf %mul3A_554, %mul3A_555 : vector<16xf32>
        %add3A_557 = arith.addf %add3A_553, %add3A_556 : vector<16xf32>
        %swap3A_558 = arith.index_cast %add3A_462 : i32 to index
        %swap3A_559 = arith.constant 32 : index
        %swap3A_560 = tpu.vector_load %arg27[%swap3A_558, %swap3A_559] {strides = array<i32>} : memref<128x96xf32, #tpu.memory_space<vmem>>, vector<16xf32>,
        tpu.vector_store %arg27[%swap3A_558, %swap3A_559], %add3A_557 {strides = array<i32>} : memref<128x96xf32, #tpu.memory_space<vmem>>, vector<16xf32>,
        %get3A_561 = arith.index_cast %add3A_462 : i32 to index
        %get3A_562 = arith.constant 48 : index
        %get3A_563 = tpu.vector_load %arg25[%get3A_561, %get3A_562] {strides = array<i32>} : memref<512x96xf32, #tpu.memory_space<vmem>>, vector<16xf32>,
        %add3A_564 = arith.constant 128 : i32
        %add3A_565 = arith.addi %add3A_564, %add3A_462 : i32
        %get3A_566 = arith.index_cast %add3A_565 : i32 to index
        %get3A_567 = arith.constant 48 : index
        %get3A_568 = tpu.vector_load %arg25[%get3A_566, %get3A_567] {strides = array<i32>} : memref<512x96xf32, #tpu.memory_space<vmem>>, vector<16xf32>,
        %add3A_569 = arith.constant 256 : i32
        %add3A_570 = arith.addi %add3A_569, %add3A_462 : i32
        %get3A_571 = arith.index_cast %add3A_570 : i32 to index
        %get3A_572 = arith.constant 48 : index
        %get3A_573 = tpu.vector_load %arg25[%get3A_571, %get3A_572] {strides = array<i32>} : memref<512x96xf32, #tpu.memory_space<vmem>>, vector<16xf32>,
        %add3A_574 = arith.constant 384 : i32
        %add3A_575 = arith.addi %add3A_574, %add3A_462 : i32
        %get3A_576 = arith.index_cast %add3A_575 : i32 to index
        %get3A_577 = arith.constant 48 : index
        %get3A_578 = tpu.vector_load %arg25[%get3A_576, %get3A_577] {strides = array<i32>} : memref<512x96xf32, #tpu.memory_space<vmem>>, vector<16xf32>,
        %mul3A_579 = arith.mulf %gather3A_467, %get3A_563 : vector<16xf32>
        %mul3A_580 = arith.mulf %gather3A_470, %get3A_568 : vector<16xf32>
        %add3A_581 = arith.addf %mul3A_579, %mul3A_580 : vector<16xf32>
        %mul3A_582 = arith.mulf %gather3A_473, %get3A_573 : vector<16xf32>
        %mul3A_583 = arith.mulf %gather3A_476, %get3A_578 : vector<16xf32>
        %add3A_584 = arith.addf %mul3A_582, %mul3A_583 : vector<16xf32>
        %add3A_585 = arith.addf %add3A_581, %add3A_584 : vector<16xf32>
        %swap3A_586 = arith.index_cast %add3A_462 : i32 to index
        %swap3A_587 = arith.constant 48 : index
        %swap3A_588 = tpu.vector_load %arg27[%swap3A_586, %swap3A_587] {strides = array<i32>} : memref<128x96xf32, #tpu.memory_space<vmem>>, vector<16xf32>,
        tpu.vector_store %arg27[%swap3A_586, %swap3A_587], %add3A_585 {strides = array<i32>} : memref<128x96xf32, #tpu.memory_space<vmem>>, vector<16xf32>,
        %get3A_589 = arith.index_cast %add3A_462 : i32 to index
        %get3A_590 = arith.constant 64 : index
        %get3A_591 = tpu.vector_load %arg25[%get3A_589, %get3A_590] {strides = array<i32>} : memref<512x96xf32, #tpu.memory_space<vmem>>, vector<16xf32>,
        %add3A_592 = arith.constant 128 : i32
        %add3A_593 = arith.addi %add3A_592, %add3A_462 : i32
        %get3A_594 = arith.index_cast %add3A_593 : i32 to index
        %get3A_595 = arith.constant 64 : index
        %get3A_596 = tpu.vector_load %arg25[%get3A_594, %get3A_595] {strides = array<i32>} : memref<512x96xf32, #tpu.memory_space<vmem>>, vector<16xf32>,
        %add3A_597 = arith.constant 256 : i32
        %add3A_598 = arith.addi %add3A_597, %add3A_462 : i32
        %get3A_599 = arith.index_cast %add3A_598 : i32 to index
        %get3A_600 = arith.constant 64 : index
        %get3A_601 = tpu.vector_load %arg25[%get3A_599, %get3A_600] {strides = array<i32>} : memref<512x96xf32, #tpu.memory_space<vmem>>, vector<16xf32>,
        %add3A_602 = arith.constant 384 : i32
        %add3A_603 = arith.addi %add3A_602, %add3A_462 : i32
        %get3A_604 = arith.index_cast %add3A_603 : i32 to index
        %get3A_605 = arith.constant 64 : index
        %get3A_606 = tpu.vector_load %arg25[%get3A_604, %get3A_605] {strides = array<i32>} : memref<512x96xf32, #tpu.memory_space<vmem>>, vector<16xf32>,
        %mul3A_607 = arith.mulf %gather3A_467, %get3A_591 : vector<16xf32>
        %mul3A_608 = arith.mulf %gather3A_470, %get3A_596 : vector<16xf32>
        %add3A_609 = arith.addf %mul3A_607, %mul3A_608 : vector<16xf32>
        %mul3A_610 = arith.mulf %gather3A_473, %get3A_601 : vector<16xf32>
        %mul3A_611 = arith.mulf %gather3A_476, %get3A_606 : vector<16xf32>
        %add3A_612 = arith.addf %mul3A_610, %mul3A_611 : vector<16xf32>
        %add3A_613 = arith.addf %add3A_609, %add3A_612 : vector<16xf32>
        %swap3A_614 = arith.index_cast %add3A_462 : i32 to index
        %swap3A_615 = arith.constant 64 : index
        %swap3A_616 = tpu.vector_load %arg27[%swap3A_614, %swap3A_615] {strides = array<i32>} : memref<128x96xf32, #tpu.memory_space<vmem>>, vector<16xf32>,
        tpu.vector_store %arg27[%swap3A_614, %swap3A_615], %add3A_613 {strides = array<i32>} : memref<128x96xf32, #tpu.memory_space<vmem>>, vector<16xf32>,
        %get3A_617 = arith.index_cast %add3A_462 : i32 to index
        %get3A_618 = arith.constant 80 : index
        %get3A_619 = tpu.vector_load %arg25[%get3A_617, %get3A_618] {strides = array<i32>} : memref<512x96xf32, #tpu.memory_space<vmem>>, vector<16xf32>,
        %add3A_620 = arith.constant 128 : i32
        %add3A_621 = arith.addi %add3A_620, %add3A_462 : i32
        %get3A_622 = arith.index_cast %add3A_621 : i32 to index
        %get3A_623 = arith.constant 80 : index
        %get3A_624 = tpu.vector_load %arg25[%get3A_622, %get3A_623] {strides = array<i32>} : memref<512x96xf32, #tpu.memory_space<vmem>>, vector<16xf32>,
        %add3A_625 = arith.constant 256 : i32
        %add3A_626 = arith.addi %add3A_625, %add3A_462 : i32
        %get3A_627 = arith.index_cast %add3A_626 : i32 to index
        %get3A_628 = arith.constant 80 : index
        %get3A_629 = tpu.vector_load %arg25[%get3A_627, %get3A_628] {strides = array<i32>} : memref<512x96xf32, #tpu.memory_space<vmem>>, vector<16xf32>,
        %add3A_630 = arith.constant 384 : i32
        %add3A_631 = arith.addi %add3A_630, %add3A_462 : i32
        %get3A_632 = arith.index_cast %add3A_631 : i32 to index
        %get3A_633 = arith.constant 80 : index
        %get3A_634 = tpu.vector_load %arg25[%get3A_632, %get3A_633] {strides = array<i32>} : memref<512x96xf32, #tpu.memory_space<vmem>>, vector<16xf32>,
        %mul3A_635 = arith.mulf %gather3A_467, %get3A_619 : vector<16xf32>
        %mul3A_636 = arith.mulf %gather3A_470, %get3A_624 : vector<16xf32>
        %add3A_637 = arith.addf %mul3A_635, %mul3A_636 : vector<16xf32>
        %mul3A_638 = arith.mulf %gather3A_473, %get3A_629 : vector<16xf32>
        %mul3A_639 = arith.mulf %gather3A_476, %get3A_634 : vector<16xf32>
        %add3A_640 = arith.addf %mul3A_638, %mul3A_639 : vector<16xf32>
        %add3A_641 = arith.addf %add3A_637, %add3A_640 : vector<16xf32>
        %swap3A_642 = arith.index_cast %add3A_462 : i32 to index
        %swap3A_643 = arith.constant 80 : index
        %swap3A_644 = tpu.vector_load %arg27[%swap3A_642, %swap3A_643] {strides = array<i32>} : memref<128x96xf32, #tpu.memory_space<vmem>>, vector<16xf32>,
        tpu.vector_store %arg27[%swap3A_642, %swap3A_643], %add3A_641 {strides = array<i32>} : memref<128x96xf32, #tpu.memory_space<vmem>>, vector<16xf32>,
        %add3A_645 = arith.constant 2 : i32
        %add3A_646 = arith.addi %mul3A_266, %add3A_645 : i32
        %add3A_647 = arith.constant 2 : i32
        %add3A_648 = arith.addi %and3A_268, %add3A_647 : i32
        %broadcast_in_dim3A_649 = vector.broadcast %add3A_648 : i32 to vector<16x1xi32>
        %gather3A_650 = vector.shape_cast %broadcast_in_dim3A_649 : vector<16x1xi32> to vector<16xi32>
        %gather3A_651 = tpu.dynamic_gather %get3A_272[%gather3A_650] in [0] : vector<16xf32>, vector<16xi32> -> vector<16xf32>
        %broadcast_in_dim3A_652 = vector.broadcast %add3A_648 : i32 to vector<16x1xi32>
        %gather3A_653 = vector.shape_cast %broadcast_in_dim3A_652 : vector<16x1xi32> to vector<16xi32>
        %gather3A_654 = tpu.dynamic_gather %get3A_274[%gather3A_653] in [0] : vector<16xf32>, vector<16xi32> -> vector<16xf32>
        %broadcast_in_dim3A_655 = vector.broadcast %add3A_648 : i32 to vector<16x1xi32>
        %gather3A_656 = vector.shape_cast %broadcast_in_dim3A_655 : vector<16x1xi32> to vector<16xi32>
        %gather3A_657 = tpu.dynamic_gather %get3A_276[%gather3A_656] in [0] : vector<16xf32>, vector<16xi32> -> vector<16xf32>
        %broadcast_in_dim3A_658 = vector.broadcast %add3A_648 : i32 to vector<16x1xi32>
        %gather3A_659 = vector.shape_cast %broadcast_in_dim3A_658 : vector<16x1xi32> to vector<16xi32>
        %gather3A_660 = tpu.dynamic_gather %get3A_278[%gather3A_659] in [0] : vector<16xf32>, vector<16xi32> -> vector<16xf32>
        %get3A_661 = arith.index_cast %add3A_646 : i32 to index
        %get3A_662 = arith.constant 0 : index
        %get3A_663 = tpu.vector_load %arg25[%get3A_661, %get3A_662] {strides = array<i32>} : memref<512x96xf32, #tpu.memory_space<vmem>>, vector<16xf32>,
        %add3A_664 = arith.constant 128 : i32
        %add3A_665 = arith.addi %add3A_664, %add3A_646 : i32
        %get3A_666 = arith.index_cast %add3A_665 : i32 to index
        %get3A_667 = arith.constant 0 : index
        %get3A_668 = tpu.vector_load %arg25[%get3A_666, %get3A_667] {strides = array<i32>} : memref<512x96xf32, #tpu.memory_space<vmem>>, vector<16xf32>,
        %add3A_669 = arith.constant 256 : i32
        %add3A_670 = arith.addi %add3A_669, %add3A_646 : i32
        %get3A_671 = arith.index_cast %add3A_670 : i32 to index
        %get3A_672 = arith.constant 0 : index
        %get3A_673 = tpu.vector_load %arg25[%get3A_671, %get3A_672] {strides = array<i32>} : memref<512x96xf32, #tpu.memory_space<vmem>>, vector<16xf32>,
        %add3A_674 = arith.constant 384 : i32
        %add3A_675 = arith.addi %add3A_674, %add3A_646 : i32
        %get3A_676 = arith.index_cast %add3A_675 : i32 to index
        %get3A_677 = arith.constant 0 : index
        %get3A_678 = tpu.vector_load %arg25[%get3A_676, %get3A_677] {strides = array<i32>} : memref<512x96xf32, #tpu.memory_space<vmem>>, vector<16xf32>,
        %mul3A_679 = arith.mulf %gather3A_651, %get3A_663 : vector<16xf32>
        %mul3A_680 = arith.mulf %gather3A_654, %get3A_668 : vector<16xf32>
        %add3A_681 = arith.addf %mul3A_679, %mul3A_680 : vector<16xf32>
        %mul3A_682 = arith.mulf %gather3A_657, %get3A_673 : vector<16xf32>
        %mul3A_683 = arith.mulf %gather3A_660, %get3A_678 : vector<16xf32>
        %add3A_684 = arith.addf %mul3A_682, %mul3A_683 : vector<16xf32>
        %add3A_685 = arith.addf %add3A_681, %add3A_684 : vector<16xf32>
        %swap3A_686 = arith.index_cast %add3A_646 : i32 to index
        %swap3A_687 = arith.constant 0 : index
        %swap3A_688 = tpu.vector_load %arg27[%swap3A_686, %swap3A_687] {strides = array<i32>} : memref<128x96xf32, #tpu.memory_space<vmem>>, vector<16xf32>,
        tpu.vector_store %arg27[%swap3A_686, %swap3A_687], %add3A_685 {strides = array<i32>} : memref<128x96xf32, #tpu.memory_space<vmem>>, vector<16xf32>,
        %get3A_689 = arith.index_cast %add3A_646 : i32 to index
        %get3A_690 = arith.constant 16 : index
        %get3A_691 = tpu.vector_load %arg25[%get3A_689, %get3A_690] {strides = array<i32>} : memref<512x96xf32, #tpu.memory_space<vmem>>, vector<16xf32>,
        %add3A_692 = arith.constant 128 : i32
        %add3A_693 = arith.addi %add3A_692, %add3A_646 : i32
        %get3A_694 = arith.index_cast %add3A_693 : i32 to index
        %get3A_695 = arith.constant 16 : index
        %get3A_696 = tpu.vector_load %arg25[%get3A_694, %get3A_695] {strides = array<i32>} : memref<512x96xf32, #tpu.memory_space<vmem>>, vector<16xf32>,
        %add3A_697 = arith.constant 256 : i32
        %add3A_698 = arith.addi %add3A_697, %add3A_646 : i32
        %get3A_699 = arith.index_cast %add3A_698 : i32 to index
        %get3A_700 = arith.constant 16 : index
        %get3A_701 = tpu.vector_load %arg25[%get3A_699, %get3A_700] {strides = array<i32>} : memref<512x96xf32, #tpu.memory_space<vmem>>, vector<16xf32>,
        %add3A_702 = arith.constant 384 : i32
        %add3A_703 = arith.addi %add3A_702, %add3A_646 : i32
        %get3A_704 = arith.index_cast %add3A_703 : i32 to index
        %get3A_705 = arith.constant 16 : index
        %get3A_706 = tpu.vector_load %arg25[%get3A_704, %get3A_705] {strides = array<i32>} : memref<512x96xf32, #tpu.memory_space<vmem>>, vector<16xf32>,
        %mul3A_707 = arith.mulf %gather3A_651, %get3A_691 : vector<16xf32>
        %mul3A_708 = arith.mulf %gather3A_654, %get3A_696 : vector<16xf32>
        %add3A_709 = arith.addf %mul3A_707, %mul3A_708 : vector<16xf32>
        %mul3A_710 = arith.mulf %gather3A_657, %get3A_701 : vector<16xf32>
        %mul3A_711 = arith.mulf %gather3A_660, %get3A_706 : vector<16xf32>
        %add3A_712 = arith.addf %mul3A_710, %mul3A_711 : vector<16xf32>
        %add3A_713 = arith.addf %add3A_709, %add3A_712 : vector<16xf32>
        %swap3A_714 = arith.index_cast %add3A_646 : i32 to index
        %swap3A_715 = arith.constant 16 : index
        %swap3A_716 = tpu.vector_load %arg27[%swap3A_714, %swap3A_715] {strides = array<i32>} : memref<128x96xf32, #tpu.memory_space<vmem>>, vector<16xf32>,
        tpu.vector_store %arg27[%swap3A_714, %swap3A_715], %add3A_713 {strides = array<i32>} : memref<128x96xf32, #tpu.memory_space<vmem>>, vector<16xf32>,
        %get3A_717 = arith.index_cast %add3A_646 : i32 to index
        %get3A_718 = arith.constant 32 : index
        %get3A_719 = tpu.vector_load %arg25[%get3A_717, %get3A_718] {strides = array<i32>} : memref<512x96xf32, #tpu.memory_space<vmem>>, vector<16xf32>,
        %add3A_720 = arith.constant 128 : i32
        %add3A_721 = arith.addi %add3A_720, %add3A_646 : i32
        %get3A_722 = arith.index_cast %add3A_721 : i32 to index
        %get3A_723 = arith.constant 32 : index
        %get3A_724 = tpu.vector_load %arg25[%get3A_722, %get3A_723] {strides = array<i32>} : memref<512x96xf32, #tpu.memory_space<vmem>>, vector<16xf32>,
        %add3A_725 = arith.constant 256 : i32
        %add3A_726 = arith.addi %add3A_725, %add3A_646 : i32
        %get3A_727 = arith.index_cast %add3A_726 : i32 to index
        %get3A_728 = arith.constant 32 : index
        %get3A_729 = tpu.vector_load %arg25[%get3A_727, %get3A_728] {strides = array<i32>} : memref<512x96xf32, #tpu.memory_space<vmem>>, vector<16xf32>,
        %add3A_730 = arith.constant 384 : i32
        %add3A_731 = arith.addi %add3A_730, %add3A_646 : i32
        %get3A_732 = arith.index_cast %add3A_731 : i32 to index
        %get3A_733 = arith.constant 32 : index
        %get3A_734 = tpu.vector_load %arg25[%get3A_732, %get3A_733] {strides = array<i32>} : memref<512x96xf32, #tpu.memory_space<vmem>>, vector<16xf32>,
        %mul3A_735 = arith.mulf %gather3A_651, %get3A_719 : vector<16xf32>
        %mul3A_736 = arith.mulf %gather3A_654, %get3A_724 : vector<16xf32>
        %add3A_737 = arith.addf %mul3A_735, %mul3A_736 : vector<16xf32>
        %mul3A_738 = arith.mulf %gather3A_657, %get3A_729 : vector<16xf32>
        %mul3A_739 = arith.mulf %gather3A_660, %get3A_734 : vector<16xf32>
        %add3A_740 = arith.addf %mul3A_738, %mul3A_739 : vector<16xf32>
        %add3A_741 = arith.addf %add3A_737, %add3A_740 : vector<16xf32>
        %swap3A_742 = arith.index_cast %add3A_646 : i32 to index
        %swap3A_743 = arith.constant 32 : index
        %swap3A_744 = tpu.vector_load %arg27[%swap3A_742, %swap3A_743] {strides = array<i32>} : memref<128x96xf32, #tpu.memory_space<vmem>>, vector<16xf32>,
        tpu.vector_store %arg27[%swap3A_742, %swap3A_743], %add3A_741 {strides = array<i32>} : memref<128x96xf32, #tpu.memory_space<vmem>>, vector<16xf32>,
        %get3A_745 = arith.index_cast %add3A_646 : i32 to index
        %get3A_746 = arith.constant 48 : index
        %get3A_747 = tpu.vector_load %arg25[%get3A_745, %get3A_746] {strides = array<i32>} : memref<512x96xf32, #tpu.memory_space<vmem>>, vector<16xf32>,
        %add3A_748 = arith.constant 128 : i32
        %add3A_749 = arith.addi %add3A_748, %add3A_646 : i32
        %get3A_750 = arith.index_cast %add3A_749 : i32 to index
        %get3A_751 = arith.constant 48 : index
        %get3A_752 = tpu.vector_load %arg25[%get3A_750, %get3A_751] {strides = array<i32>} : memref<512x96xf32, #tpu.memory_space<vmem>>, vector<16xf32>,
        %add3A_753 = arith.constant 256 : i32
        %add3A_754 = arith.addi %add3A_753, %add3A_646 : i32
        %get3A_755 = arith.index_cast %add3A_754 : i32 to index
        %get3A_756 = arith.constant 48 : index
        %get3A_757 = tpu.vector_load %arg25[%get3A_755, %get3A_756] {strides = array<i32>} : memref<512x96xf32, #tpu.memory_space<vmem>>, vector<16xf32>,
        %add3A_758 = arith.constant 384 : i32
        %add3A_759 = arith.addi %add3A_758, %add3A_646 : i32
        %get3A_760 = arith.index_cast %add3A_759 : i32 to index
        %get3A_761 = arith.constant 48 : index
        %get3A_762 = tpu.vector_load %arg25[%get3A_760, %get3A_761] {strides = array<i32>} : memref<512x96xf32, #tpu.memory_space<vmem>>, vector<16xf32>,
        %mul3A_763 = arith.mulf %gather3A_651, %get3A_747 : vector<16xf32>
        %mul3A_764 = arith.mulf %gather3A_654, %get3A_752 : vector<16xf32>
        %add3A_765 = arith.addf %mul3A_763, %mul3A_764 : vector<16xf32>
        %mul3A_766 = arith.mulf %gather3A_657, %get3A_757 : vector<16xf32>
        %mul3A_767 = arith.mulf %gather3A_660, %get3A_762 : vector<16xf32>
        %add3A_768 = arith.addf %mul3A_766, %mul3A_767 : vector<16xf32>
        %add3A_769 = arith.addf %add3A_765, %add3A_768 : vector<16xf32>
        %swap3A_770 = arith.index_cast %add3A_646 : i32 to index
        %swap3A_771 = arith.constant 48 : index
        %swap3A_772 = tpu.vector_load %arg27[%swap3A_770, %swap3A_771] {strides = array<i32>} : memref<128x96xf32, #tpu.memory_space<vmem>>, vector<16xf32>,
        tpu.vector_store %arg27[%swap3A_770, %swap3A_771], %add3A_769 {strides = array<i32>} : memref<128x96xf32, #tpu.memory_space<vmem>>, vector<16xf32>,
        %get3A_773 = arith.index_cast %add3A_646 : i32 to index
        %get3A_774 = arith.constant 64 : index
        %get3A_775 = tpu.vector_load %arg25[%get3A_773, %get3A_774] {strides = array<i32>} : memref<512x96xf32, #tpu.memory_space<vmem>>, vector<16xf32>,
        %add3A_776 = arith.constant 128 : i32
        %add3A_777 = arith.addi %add3A_776, %add3A_646 : i32
        %get3A_778 = arith.index_cast %add3A_777 : i32 to index
        %get3A_779 = arith.constant 64 : index
        %get3A_780 = tpu.vector_load %arg25[%get3A_778, %get3A_779] {strides = array<i32>} : memref<512x96xf32, #tpu.memory_space<vmem>>, vector<16xf32>,
        %add3A_781 = arith.constant 256 : i32
        %add3A_782 = arith.addi %add3A_781, %add3A_646 : i32
        %get3A_783 = arith.index_cast %add3A_782 : i32 to index
        %get3A_784 = arith.constant 64 : index
        %get3A_785 = tpu.vector_load %arg25[%get3A_783, %get3A_784] {strides = array<i32>} : memref<512x96xf32, #tpu.memory_space<vmem>>, vector<16xf32>,
        %add3A_786 = arith.constant 384 : i32
        %add3A_787 = arith.addi %add3A_786, %add3A_646 : i32
        %get3A_788 = arith.index_cast %add3A_787 : i32 to index
        %get3A_789 = arith.constant 64 : index
        %get3A_790 = tpu.vector_load %arg25[%get3A_788, %get3A_789] {strides = array<i32>} : memref<512x96xf32, #tpu.memory_space<vmem>>, vector<16xf32>,
        %mul3A_791 = arith.mulf %gather3A_651, %get3A_775 : vector<16xf32>
        %mul3A_792 = arith.mulf %gather3A_654, %get3A_780 : vector<16xf32>
        %add3A_793 = arith.addf %mul3A_791, %mul3A_792 : vector<16xf32>
        %mul3A_794 = arith.mulf %gather3A_657, %get3A_785 : vector<16xf32>
        %mul3A_795 = arith.mulf %gather3A_660, %get3A_790 : vector<16xf32>
        %add3A_796 = arith.addf %mul3A_794, %mul3A_795 : vector<16xf32>
        %add3A_797 = arith.addf %add3A_793, %add3A_796 : vector<16xf32>
        %swap3A_798 = arith.index_cast %add3A_646 : i32 to index
        %swap3A_799 = arith.constant 64 : index
        %swap3A_800 = tpu.vector_load %arg27[%swap3A_798, %swap3A_799] {strides = array<i32>} : memref<128x96xf32, #tpu.memory_space<vmem>>, vector<16xf32>,
        tpu.vector_store %arg27[%swap3A_798, %swap3A_799], %add3A_797 {strides = array<i32>} : memref<128x96xf32, #tpu.memory_space<vmem>>, vector<16xf32>,
        %get3A_801 = arith.index_cast %add3A_646 : i32 to index
        %get3A_802 = arith.constant 80 : index
        %get3A_803 = tpu.vector_load %arg25[%get3A_801, %get3A_802] {strides = array<i32>} : memref<512x96xf32, #tpu.memory_space<vmem>>, vector<16xf32>,
        %add3A_804 = arith.constant 128 : i32
        %add3A_805 = arith.addi %add3A_804, %add3A_646 : i32
        %get3A_806 = arith.index_cast %add3A_805 : i32 to index
        %get3A_807 = arith.constant 80 : index
        %get3A_808 = tpu.vector_load %arg25[%get3A_806, %get3A_807] {strides = array<i32>} : memref<512x96xf32, #tpu.memory_space<vmem>>, vector<16xf32>,
        %add3A_809 = arith.constant 256 : i32
        %add3A_810 = arith.addi %add3A_809, %add3A_646 : i32
        %get3A_811 = arith.index_cast %add3A_810 : i32 to index
        %get3A_812 = arith.constant 80 : index
        %get3A_813 = tpu.vector_load %arg25[%get3A_811, %get3A_812] {strides = array<i32>} : memref<512x96xf32, #tpu.memory_space<vmem>>, vector<16xf32>,
        %add3A_814 = arith.constant 384 : i32
        %add3A_815 = arith.addi %add3A_814, %add3A_646 : i32
        %get3A_816 = arith.index_cast %add3A_815 : i32 to index
        %get3A_817 = arith.constant 80 : index
        %get3A_818 = tpu.vector_load %arg25[%get3A_816, %get3A_817] {strides = array<i32>} : memref<512x96xf32, #tpu.memory_space<vmem>>, vector<16xf32>,
        %mul3A_819 = arith.mulf %gather3A_651, %get3A_803 : vector<16xf32>
        %mul3A_820 = arith.mulf %gather3A_654, %get3A_808 : vector<16xf32>
        %add3A_821 = arith.addf %mul3A_819, %mul3A_820 : vector<16xf32>
        %mul3A_822 = arith.mulf %gather3A_657, %get3A_813 : vector<16xf32>
        %mul3A_823 = arith.mulf %gather3A_660, %get3A_818 : vector<16xf32>
        %add3A_824 = arith.addf %mul3A_822, %mul3A_823 : vector<16xf32>
        %add3A_825 = arith.addf %add3A_821, %add3A_824 : vector<16xf32>
        %swap3A_826 = arith.index_cast %add3A_646 : i32 to index
        %swap3A_827 = arith.constant 80 : index
        %swap3A_828 = tpu.vector_load %arg27[%swap3A_826, %swap3A_827] {strides = array<i32>} : memref<128x96xf32, #tpu.memory_space<vmem>>, vector<16xf32>,
        tpu.vector_store %arg27[%swap3A_826, %swap3A_827], %add3A_825 {strides = array<i32>} : memref<128x96xf32, #tpu.memory_space<vmem>>, vector<16xf32>,
        %add3A_829 = arith.constant 3 : i32
        %add3A_830 = arith.addi %mul3A_266, %add3A_829 : i32
        %add3A_831 = arith.constant 3 : i32
        %add3A_832 = arith.addi %and3A_268, %add3A_831 : i32
        %broadcast_in_dim3A_833 = vector.broadcast %add3A_832 : i32 to vector<16x1xi32>
        %gather3A_834 = vector.shape_cast %broadcast_in_dim3A_833 : vector<16x1xi32> to vector<16xi32>
        %gather3A_835 = tpu.dynamic_gather %get3A_272[%gather3A_834] in [0] : vector<16xf32>, vector<16xi32> -> vector<16xf32>
        %broadcast_in_dim3A_836 = vector.broadcast %add3A_832 : i32 to vector<16x1xi32>
        %gather3A_837 = vector.shape_cast %broadcast_in_dim3A_836 : vector<16x1xi32> to vector<16xi32>
        %gather3A_838 = tpu.dynamic_gather %get3A_274[%gather3A_837] in [0] : vector<16xf32>, vector<16xi32> -> vector<16xf32>
        %broadcast_in_dim3A_839 = vector.broadcast %add3A_832 : i32 to vector<16x1xi32>
        %gather3A_840 = vector.shape_cast %broadcast_in_dim3A_839 : vector<16x1xi32> to vector<16xi32>
        %gather3A_841 = tpu.dynamic_gather %get3A_276[%gather3A_840] in [0] : vector<16xf32>, vector<16xi32> -> vector<16xf32>
        %broadcast_in_dim3A_842 = vector.broadcast %add3A_832 : i32 to vector<16x1xi32>
        %gather3A_843 = vector.shape_cast %broadcast_in_dim3A_842 : vector<16x1xi32> to vector<16xi32>
        %gather3A_844 = tpu.dynamic_gather %get3A_278[%gather3A_843] in [0] : vector<16xf32>, vector<16xi32> -> vector<16xf32>
        %get3A_845 = arith.index_cast %add3A_830 : i32 to index
        %get3A_846 = arith.constant 0 : index
        %get3A_847 = tpu.vector_load %arg25[%get3A_845, %get3A_846] {strides = array<i32>} : memref<512x96xf32, #tpu.memory_space<vmem>>, vector<16xf32>,
        %add3A_848 = arith.constant 128 : i32
        %add3A_849 = arith.addi %add3A_848, %add3A_830 : i32
        %get3A_850 = arith.index_cast %add3A_849 : i32 to index
        %get3A_851 = arith.constant 0 : index
        %get3A_852 = tpu.vector_load %arg25[%get3A_850, %get3A_851] {strides = array<i32>} : memref<512x96xf32, #tpu.memory_space<vmem>>, vector<16xf32>,
        %add3A_853 = arith.constant 256 : i32
        %add3A_854 = arith.addi %add3A_853, %add3A_830 : i32
        %get3A_855 = arith.index_cast %add3A_854 : i32 to index
        %get3A_856 = arith.constant 0 : index
        %get3A_857 = tpu.vector_load %arg25[%get3A_855, %get3A_856] {strides = array<i32>} : memref<512x96xf32, #tpu.memory_space<vmem>>, vector<16xf32>,
        %add3A_858 = arith.constant 384 : i32
        %add3A_859 = arith.addi %add3A_858, %add3A_830 : i32
        %get3A_860 = arith.index_cast %add3A_859 : i32 to index
        %get3A_861 = arith.constant 0 : index
        %get3A_862 = tpu.vector_load %arg25[%get3A_860, %get3A_861] {strides = array<i32>} : memref<512x96xf32, #tpu.memory_space<vmem>>, vector<16xf32>,
        %mul3A_863 = arith.mulf %gather3A_835, %get3A_847 : vector<16xf32>
        %mul3A_864 = arith.mulf %gather3A_838, %get3A_852 : vector<16xf32>
        %add3A_865 = arith.addf %mul3A_863, %mul3A_864 : vector<16xf32>
        %mul3A_866 = arith.mulf %gather3A_841, %get3A_857 : vector<16xf32>
        %mul3A_867 = arith.mulf %gather3A_844, %get3A_862 : vector<16xf32>
        %add3A_868 = arith.addf %mul3A_866, %mul3A_867 : vector<16xf32>
        %add3A_869 = arith.addf %add3A_865, %add3A_868 : vector<16xf32>
        %swap3A_870 = arith.index_cast %add3A_830 : i32 to index
        %swap3A_871 = arith.constant 0 : index
        %swap3A_872 = tpu.vector_load %arg27[%swap3A_870, %swap3A_871] {strides = array<i32>} : memref<128x96xf32, #tpu.memory_space<vmem>>, vector<16xf32>,
        tpu.vector_store %arg27[%swap3A_870, %swap3A_871], %add3A_869 {strides = array<i32>} : memref<128x96xf32, #tpu.memory_space<vmem>>, vector<16xf32>,
        %get3A_873 = arith.index_cast %add3A_830 : i32 to index
        %get3A_874 = arith.constant 16 : index
        %get3A_875 = tpu.vector_load %arg25[%get3A_873, %get3A_874] {strides = array<i32>} : memref<512x96xf32, #tpu.memory_space<vmem>>, vector<16xf32>,
        %add3A_876 = arith.constant 128 : i32
        %add3A_877 = arith.addi %add3A_876, %add3A_830 : i32
        %get3A_878 = arith.index_cast %add3A_877 : i32 to index
        %get3A_879 = arith.constant 16 : index
        %get3A_880 = tpu.vector_load %arg25[%get3A_878, %get3A_879] {strides = array<i32>} : memref<512x96xf32, #tpu.memory_space<vmem>>, vector<16xf32>,
        %add3A_881 = arith.constant 256 : i32
        %add3A_882 = arith.addi %add3A_881, %add3A_830 : i32
        %get3A_883 = arith.index_cast %add3A_882 : i32 to index
        %get3A_884 = arith.constant 16 : index
        %get3A_885 = tpu.vector_load %arg25[%get3A_883, %get3A_884] {strides = array<i32>} : memref<512x96xf32, #tpu.memory_space<vmem>>, vector<16xf32>,
        %add3A_886 = arith.constant 384 : i32
        %add3A_887 = arith.addi %add3A_886, %add3A_830 : i32
        %get3A_888 = arith.index_cast %add3A_887 : i32 to index
        %get3A_889 = arith.constant 16 : index
        %get3A_890 = tpu.vector_load %arg25[%get3A_888, %get3A_889] {strides = array<i32>} : memref<512x96xf32, #tpu.memory_space<vmem>>, vector<16xf32>,
        %mul3A_891 = arith.mulf %gather3A_835, %get3A_875 : vector<16xf32>
        %mul3A_892 = arith.mulf %gather3A_838, %get3A_880 : vector<16xf32>
        %add3A_893 = arith.addf %mul3A_891, %mul3A_892 : vector<16xf32>
        %mul3A_894 = arith.mulf %gather3A_841, %get3A_885 : vector<16xf32>
        %mul3A_895 = arith.mulf %gather3A_844, %get3A_890 : vector<16xf32>
        %add3A_896 = arith.addf %mul3A_894, %mul3A_895 : vector<16xf32>
        %add3A_897 = arith.addf %add3A_893, %add3A_896 : vector<16xf32>
        %swap3A_898 = arith.index_cast %add3A_830 : i32 to index
        %swap3A_899 = arith.constant 16 : index
        %swap3A_900 = tpu.vector_load %arg27[%swap3A_898, %swap3A_899] {strides = array<i32>} : memref<128x96xf32, #tpu.memory_space<vmem>>, vector<16xf32>,
        tpu.vector_store %arg27[%swap3A_898, %swap3A_899], %add3A_897 {strides = array<i32>} : memref<128x96xf32, #tpu.memory_space<vmem>>, vector<16xf32>,
        %get3A_901 = arith.index_cast %add3A_830 : i32 to index
        %get3A_902 = arith.constant 32 : index
        %get3A_903 = tpu.vector_load %arg25[%get3A_901, %get3A_902] {strides = array<i32>} : memref<512x96xf32, #tpu.memory_space<vmem>>, vector<16xf32>,
        %add3A_904 = arith.constant 128 : i32
        %add3A_905 = arith.addi %add3A_904, %add3A_830 : i32
        %get3A_906 = arith.index_cast %add3A_905 : i32 to index
        %get3A_907 = arith.constant 32 : index
        %get3A_908 = tpu.vector_load %arg25[%get3A_906, %get3A_907] {strides = array<i32>} : memref<512x96xf32, #tpu.memory_space<vmem>>, vector<16xf32>,
        %add3A_909 = arith.constant 256 : i32
        %add3A_910 = arith.addi %add3A_909, %add3A_830 : i32
        %get3A_911 = arith.index_cast %add3A_910 : i32 to index
        %get3A_912 = arith.constant 32 : index
        %get3A_913 = tpu.vector_load %arg25[%get3A_911, %get3A_912] {strides = array<i32>} : memref<512x96xf32, #tpu.memory_space<vmem>>, vector<16xf32>,
        %add3A_914 = arith.constant 384 : i32
        %add3A_915 = arith.addi %add3A_914, %add3A_830 : i32
        %get3A_916 = arith.index_cast %add3A_915 : i32 to index
        %get3A_917 = arith.constant 32 : index
        %get3A_918 = tpu.vector_load %arg25[%get3A_916, %get3A_917] {strides = array<i32>} : memref<512x96xf32, #tpu.memory_space<vmem>>, vector<16xf32>,
        %mul3A_919 = arith.mulf %gather3A_835, %get3A_903 : vector<16xf32>
        %mul3A_920 = arith.mulf %gather3A_838, %get3A_908 : vector<16xf32>
        %add3A_921 = arith.addf %mul3A_919, %mul3A_920 : vector<16xf32>
        %mul3A_922 = arith.mulf %gather3A_841, %get3A_913 : vector<16xf32>
        %mul3A_923 = arith.mulf %gather3A_844, %get3A_918 : vector<16xf32>
        %add3A_924 = arith.addf %mul3A_922, %mul3A_923 : vector<16xf32>
        %add3A_925 = arith.addf %add3A_921, %add3A_924 : vector<16xf32>
        %swap3A_926 = arith.index_cast %add3A_830 : i32 to index
        %swap3A_927 = arith.constant 32 : index
        %swap3A_928 = tpu.vector_load %arg27[%swap3A_926, %swap3A_927] {strides = array<i32>} : memref<128x96xf32, #tpu.memory_space<vmem>>, vector<16xf32>,
        tpu.vector_store %arg27[%swap3A_926, %swap3A_927], %add3A_925 {strides = array<i32>} : memref<128x96xf32, #tpu.memory_space<vmem>>, vector<16xf32>,
        %get3A_929 = arith.index_cast %add3A_830 : i32 to index
        %get3A_930 = arith.constant 48 : index
        %get3A_931 = tpu.vector_load %arg25[%get3A_929, %get3A_930] {strides = array<i32>} : memref<512x96xf32, #tpu.memory_space<vmem>>, vector<16xf32>,
        %add3A_932 = arith.constant 128 : i32
        %add3A_933 = arith.addi %add3A_932, %add3A_830 : i32
        %get3A_934 = arith.index_cast %add3A_933 : i32 to index
        %get3A_935 = arith.constant 48 : index
        %get3A_936 = tpu.vector_load %arg25[%get3A_934, %get3A_935] {strides = array<i32>} : memref<512x96xf32, #tpu.memory_space<vmem>>, vector<16xf32>,
        %add3A_937 = arith.constant 256 : i32
        %add3A_938 = arith.addi %add3A_937, %add3A_830 : i32
        %get3A_939 = arith.index_cast %add3A_938 : i32 to index
        %get3A_940 = arith.constant 48 : index
        %get3A_941 = tpu.vector_load %arg25[%get3A_939, %get3A_940] {strides = array<i32>} : memref<512x96xf32, #tpu.memory_space<vmem>>, vector<16xf32>,
        %add3A_942 = arith.constant 384 : i32
        %add3A_943 = arith.addi %add3A_942, %add3A_830 : i32
        %get3A_944 = arith.index_cast %add3A_943 : i32 to index
        %get3A_945 = arith.constant 48 : index
        %get3A_946 = tpu.vector_load %arg25[%get3A_944, %get3A_945] {strides = array<i32>} : memref<512x96xf32, #tpu.memory_space<vmem>>, vector<16xf32>,
        %mul3A_947 = arith.mulf %gather3A_835, %get3A_931 : vector<16xf32>
        %mul3A_948 = arith.mulf %gather3A_838, %get3A_936 : vector<16xf32>
        %add3A_949 = arith.addf %mul3A_947, %mul3A_948 : vector<16xf32>
        %mul3A_950 = arith.mulf %gather3A_841, %get3A_941 : vector<16xf32>
        %mul3A_951 = arith.mulf %gather3A_844, %get3A_946 : vector<16xf32>
        %add3A_952 = arith.addf %mul3A_950, %mul3A_951 : vector<16xf32>
        %add3A_953 = arith.addf %add3A_949, %add3A_952 : vector<16xf32>
        %swap3A_954 = arith.index_cast %add3A_830 : i32 to index
        %swap3A_955 = arith.constant 48 : index
        %swap3A_956 = tpu.vector_load %arg27[%swap3A_954, %swap3A_955] {strides = array<i32>} : memref<128x96xf32, #tpu.memory_space<vmem>>, vector<16xf32>,
        tpu.vector_store %arg27[%swap3A_954, %swap3A_955], %add3A_953 {strides = array<i32>} : memref<128x96xf32, #tpu.memory_space<vmem>>, vector<16xf32>,
        %get3A_957 = arith.index_cast %add3A_830 : i32 to index
        %get3A_958 = arith.constant 64 : index
        %get3A_959 = tpu.vector_load %arg25[%get3A_957, %get3A_958] {strides = array<i32>} : memref<512x96xf32, #tpu.memory_space<vmem>>, vector<16xf32>,
        %add3A_960 = arith.constant 128 : i32
        %add3A_961 = arith.addi %add3A_960, %add3A_830 : i32
        %get3A_962 = arith.index_cast %add3A_961 : i32 to index
        %get3A_963 = arith.constant 64 : index
        %get3A_964 = tpu.vector_load %arg25[%get3A_962, %get3A_963] {strides = array<i32>} : memref<512x96xf32, #tpu.memory_space<vmem>>, vector<16xf32>,
        %add3A_965 = arith.constant 256 : i32
        %add3A_966 = arith.addi %add3A_965, %add3A_830 : i32
        %get3A_967 = arith.index_cast %add3A_966 : i32 to index
        %get3A_968 = arith.constant 64 : index
        %get3A_969 = tpu.vector_load %arg25[%get3A_967, %get3A_968] {strides = array<i32>} : memref<512x96xf32, #tpu.memory_space<vmem>>, vector<16xf32>,
        %add3A_970 = arith.constant 384 : i32
        %add3A_971 = arith.addi %add3A_970, %add3A_830 : i32
        %get3A_972 = arith.index_cast %add3A_971 : i32 to index
        %get3A_973 = arith.constant 64 : index
        %get3A_974 = tpu.vector_load %arg25[%get3A_972, %get3A_973] {strides = array<i32>} : memref<512x96xf32, #tpu.memory_space<vmem>>, vector<16xf32>,
        %mul3A_975 = arith.mulf %gather3A_835, %get3A_959 : vector<16xf32>
        %mul3A_976 = arith.mulf %gather3A_838, %get3A_964 : vector<16xf32>
        %add3A_977 = arith.addf %mul3A_975, %mul3A_976 : vector<16xf32>
        %mul3A_978 = arith.mulf %gather3A_841, %get3A_969 : vector<16xf32>
        %mul3A_979 = arith.mulf %gather3A_844, %get3A_974 : vector<16xf32>
        %add3A_980 = arith.addf %mul3A_978, %mul3A_979 : vector<16xf32>
        %add3A_981 = arith.addf %add3A_977, %add3A_980 : vector<16xf32>
        %swap3A_982 = arith.index_cast %add3A_830 : i32 to index
        %swap3A_983 = arith.constant 64 : index
        %swap3A_984 = tpu.vector_load %arg27[%swap3A_982, %swap3A_983] {strides = array<i32>} : memref<128x96xf32, #tpu.memory_space<vmem>>, vector<16xf32>,
        tpu.vector_store %arg27[%swap3A_982, %swap3A_983], %add3A_981 {strides = array<i32>} : memref<128x96xf32, #tpu.memory_space<vmem>>, vector<16xf32>,
        %get3A_985 = arith.index_cast %add3A_830 : i32 to index
        %get3A_986 = arith.constant 80 : index
        %get3A_987 = tpu.vector_load %arg25[%get3A_985, %get3A_986] {strides = array<i32>} : memref<512x96xf32, #tpu.memory_space<vmem>>, vector<16xf32>,
        %add3A_988 = arith.constant 128 : i32
        %add3A_989 = arith.addi %add3A_988, %add3A_830 : i32
        %get3A_990 = arith.index_cast %add3A_989 : i32 to index
        %get3A_991 = arith.constant 80 : index
        %get3A_992 = tpu.vector_load %arg25[%get3A_990, %get3A_991] {strides = array<i32>} : memref<512x96xf32, #tpu.memory_space<vmem>>, vector<16xf32>,
        %add3A_993 = arith.constant 256 : i32
        %add3A_994 = arith.addi %add3A_993, %add3A_830 : i32
        %get3A_995 = arith.index_cast %add3A_994 : i32 to index
        %get3A_996 = arith.constant 80 : index
        %get3A_997 = tpu.vector_load %arg25[%get3A_995, %get3A_996] {strides = array<i32>} : memref<512x96xf32, #tpu.memory_space<vmem>>, vector<16xf32>,
        %add3A_998 = arith.constant 384 : i32
        %add3A_999 = arith.addi %add3A_998, %add3A_830 : i32
        %get3A_1000 = arith.index_cast %add3A_999 : i32 to index
        %get3A_1001 = arith.constant 80 : index
        %get3A_1002 = tpu.vector_load %arg25[%get3A_1000, %get3A_1001] {strides = array<i32>} : memref<512x96xf32, #tpu.memory_space<vmem>>, vector<16xf32>,
        %mul3A_1003 = arith.mulf %gather3A_835, %get3A_987 : vector<16xf32>
        %mul3A_1004 = arith.mulf %gather3A_838, %get3A_992 : vector<16xf32>
        %add3A_1005 = arith.addf %mul3A_1003, %mul3A_1004 : vector<16xf32>
        %mul3A_1006 = arith.mulf %gather3A_841, %get3A_997 : vector<16xf32>
        %mul3A_1007 = arith.mulf %gather3A_844, %get3A_1002 : vector<16xf32>
        %add3A_1008 = arith.addf %mul3A_1006, %mul3A_1007 : vector<16xf32>
        %add3A_1009 = arith.addf %add3A_1005, %add3A_1008 : vector<16xf32>
        %swap3A_1010 = arith.index_cast %add3A_830 : i32 to index
        %swap3A_1011 = arith.constant 80 : index
        %swap3A_1012 = tpu.vector_load %arg27[%swap3A_1010, %swap3A_1011] {strides = array<i32>} : memref<128x96xf32, #tpu.memory_space<vmem>>, vector<16xf32>,
        tpu.vector_store %arg27[%swap3A_1010, %swap3A_1011], %add3A_1009 {strides = array<i32>} : memref<128x96xf32, #tpu.memory_space<vmem>>, vector<16xf32>,
        %add3A_1013 = arith.constant 4 : i32
        %add3A_1014 = arith.addi %mul3A_266, %add3A_1013 : i32
        %add3A_1015 = arith.constant 4 : i32
        %add3A_1016 = arith.addi %and3A_268, %add3A_1015 : i32
        %broadcast_in_dim3A_1017 = vector.broadcast %add3A_1016 : i32 to vector<16x1xi32>
        %gather3A_1018 = vector.shape_cast %broadcast_in_dim3A_1017 : vector<16x1xi32> to vector<16xi32>
        %gather3A_1019 = tpu.dynamic_gather %get3A_272[%gather3A_1018] in [0] : vector<16xf32>, vector<16xi32> -> vector<16xf32>
        %broadcast_in_dim3A_1020 = vector.broadcast %add3A_1016 : i32 to vector<16x1xi32>
        %gather3A_1021 = vector.shape_cast %broadcast_in_dim3A_1020 : vector<16x1xi32> to vector<16xi32>
        %gather3A_1022 = tpu.dynamic_gather %get3A_274[%gather3A_1021] in [0] : vector<16xf32>, vector<16xi32> -> vector<16xf32>
        %broadcast_in_dim3A_1023 = vector.broadcast %add3A_1016 : i32 to vector<16x1xi32>
        %gather3A_1024 = vector.shape_cast %broadcast_in_dim3A_1023 : vector<16x1xi32> to vector<16xi32>
        %gather3A_1025 = tpu.dynamic_gather %get3A_276[%gather3A_1024] in [0] : vector<16xf32>, vector<16xi32> -> vector<16xf32>
        %broadcast_in_dim3A_1026 = vector.broadcast %add3A_1016 : i32 to vector<16x1xi32>
        %gather3A_1027 = vector.shape_cast %broadcast_in_dim3A_1026 : vector<16x1xi32> to vector<16xi32>
        %gather3A_1028 = tpu.dynamic_gather %get3A_278[%gather3A_1027] in [0] : vector<16xf32>, vector<16xi32> -> vector<16xf32>
        %get3A_1029 = arith.index_cast %add3A_1014 : i32 to index
        %get3A_1030 = arith.constant 0 : index
        %get3A_1031 = tpu.vector_load %arg25[%get3A_1029, %get3A_1030] {strides = array<i32>} : memref<512x96xf32, #tpu.memory_space<vmem>>, vector<16xf32>,
        %add3A_1032 = arith.constant 128 : i32
        %add3A_1033 = arith.addi %add3A_1032, %add3A_1014 : i32
        %get3A_1034 = arith.index_cast %add3A_1033 : i32 to index
        %get3A_1035 = arith.constant 0 : index
        %get3A_1036 = tpu.vector_load %arg25[%get3A_1034, %get3A_1035] {strides = array<i32>} : memref<512x96xf32, #tpu.memory_space<vmem>>, vector<16xf32>,
        %add3A_1037 = arith.constant 256 : i32
        %add3A_1038 = arith.addi %add3A_1037, %add3A_1014 : i32
        %get3A_1039 = arith.index_cast %add3A_1038 : i32 to index
        %get3A_1040 = arith.constant 0 : index
        %get3A_1041 = tpu.vector_load %arg25[%get3A_1039, %get3A_1040] {strides = array<i32>} : memref<512x96xf32, #tpu.memory_space<vmem>>, vector<16xf32>,
        %add3A_1042 = arith.constant 384 : i32
        %add3A_1043 = arith.addi %add3A_1042, %add3A_1014 : i32
        %get3A_1044 = arith.index_cast %add3A_1043 : i32 to index
        %get3A_1045 = arith.constant 0 : index
        %get3A_1046 = tpu.vector_load %arg25[%get3A_1044, %get3A_1045] {strides = array<i32>} : memref<512x96xf32, #tpu.memory_space<vmem>>, vector<16xf32>,
        %mul3A_1047 = arith.mulf %gather3A_1019, %get3A_1031 : vector<16xf32>
        %mul3A_1048 = arith.mulf %gather3A_1022, %get3A_1036 : vector<16xf32>
        %add3A_1049 = arith.addf %mul3A_1047, %mul3A_1048 : vector<16xf32>
        %mul3A_1050 = arith.mulf %gather3A_1025, %get3A_1041 : vector<16xf32>
        %mul3A_1051 = arith.mulf %gather3A_1028, %get3A_1046 : vector<16xf32>
        %add3A_1052 = arith.addf %mul3A_1050, %mul3A_1051 : vector<16xf32>
        %add3A_1053 = arith.addf %add3A_1049, %add3A_1052 : vector<16xf32>
        %swap3A_1054 = arith.index_cast %add3A_1014 : i32 to index
        %swap3A_1055 = arith.constant 0 : index
        %swap3A_1056 = tpu.vector_load %arg27[%swap3A_1054, %swap3A_1055] {strides = array<i32>} : memref<128x96xf32, #tpu.memory_space<vmem>>, vector<16xf32>,
        tpu.vector_store %arg27[%swap3A_1054, %swap3A_1055], %add3A_1053 {strides = array<i32>} : memref<128x96xf32, #tpu.memory_space<vmem>>, vector<16xf32>,
        %get3A_1057 = arith.index_cast %add3A_1014 : i32 to index
        %get3A_1058 = arith.constant 16 : index
        %get3A_1059 = tpu.vector_load %arg25[%get3A_1057, %get3A_1058] {strides = array<i32>} : memref<512x96xf32, #tpu.memory_space<vmem>>, vector<16xf32>,
        %add3A_1060 = arith.constant 128 : i32
        %add3A_1061 = arith.addi %add3A_1060, %add3A_1014 : i32
        %get3A_1062 = arith.index_cast %add3A_1061 : i32 to index
        %get3A_1063 = arith.constant 16 : index
        %get3A_1064 = tpu.vector_load %arg25[%get3A_1062, %get3A_1063] {strides = array<i32>} : memref<512x96xf32, #tpu.memory_space<vmem>>, vector<16xf32>,
        %add3A_1065 = arith.constant 256 : i32
        %add3A_1066 = arith.addi %add3A_1065, %add3A_1014 : i32
        %get3A_1067 = arith.index_cast %add3A_1066 : i32 to index
        %get3A_1068 = arith.constant 16 : index
        %get3A_1069 = tpu.vector_load %arg25[%get3A_1067, %get3A_1068] {strides = array<i32>} : memref<512x96xf32, #tpu.memory_space<vmem>>, vector<16xf32>,
        %add3A_1070 = arith.constant 384 : i32
        %add3A_1071 = arith.addi %add3A_1070, %add3A_1014 : i32
        %get3A_1072 = arith.index_cast %add3A_1071 : i32 to index
        %get3A_1073 = arith.constant 16 : index
        %get3A_1074 = tpu.vector_load %arg25[%get3A_1072, %get3A_1073] {strides = array<i32>} : memref<512x96xf32, #tpu.memory_space<vmem>>, vector<16xf32>,
        %mul3A_1075 = arith.mulf %gather3A_1019, %get3A_1059 : vector<16xf32>
        %mul3A_1076 = arith.mulf %gather3A_1022, %get3A_1064 : vector<16xf32>
        %add3A_1077 = arith.addf %mul3A_1075, %mul3A_1076 : vector<16xf32>
        %mul3A_1078 = arith.mulf %gather3A_1025, %get3A_1069 : vector<16xf32>
        %mul3A_1079 = arith.mulf %gather3A_1028, %get3A_1074 : vector<16xf32>
        %add3A_1080 = arith.addf %mul3A_1078, %mul3A_1079 : vector<16xf32>
        %add3A_1081 = arith.addf %add3A_1077, %add3A_1080 : vector<16xf32>
        %swap3A_1082 = arith.index_cast %add3A_1014 : i32 to index
        %swap3A_1083 = arith.constant 16 : index
        %swap3A_1084 = tpu.vector_load %arg27[%swap3A_1082, %swap3A_1083] {strides = array<i32>} : memref<128x96xf32, #tpu.memory_space<vmem>>, vector<16xf32>,
        tpu.vector_store %arg27[%swap3A_1082, %swap3A_1083], %add3A_1081 {strides = array<i32>} : memref<128x96xf32, #tpu.memory_space<vmem>>, vector<16xf32>,
        %get3A_1085 = arith.index_cast %add3A_1014 : i32 to index
        %get3A_1086 = arith.constant 32 : index
        %get3A_1087 = tpu.vector_load %arg25[%get3A_1085, %get3A_1086] {strides = array<i32>} : memref<512x96xf32, #tpu.memory_space<vmem>>, vector<16xf32>,
        %add3A_1088 = arith.constant 128 : i32
        %add3A_1089 = arith.addi %add3A_1088, %add3A_1014 : i32
        %get3A_1090 = arith.index_cast %add3A_1089 : i32 to index
        %get3A_1091 = arith.constant 32 : index
        %get3A_1092 = tpu.vector_load %arg25[%get3A_1090, %get3A_1091] {strides = array<i32>} : memref<512x96xf32, #tpu.memory_space<vmem>>, vector<16xf32>,
        %add3A_1093 = arith.constant 256 : i32
        %add3A_1094 = arith.addi %add3A_1093, %add3A_1014 : i32
        %get3A_1095 = arith.index_cast %add3A_1094 : i32 to index
        %get3A_1096 = arith.constant 32 : index
        %get3A_1097 = tpu.vector_load %arg25[%get3A_1095, %get3A_1096] {strides = array<i32>} : memref<512x96xf32, #tpu.memory_space<vmem>>, vector<16xf32>,
        %add3A_1098 = arith.constant 384 : i32
        %add3A_1099 = arith.addi %add3A_1098, %add3A_1014 : i32
        %get3A_1100 = arith.index_cast %add3A_1099 : i32 to index
        %get3A_1101 = arith.constant 32 : index
        %get3A_1102 = tpu.vector_load %arg25[%get3A_1100, %get3A_1101] {strides = array<i32>} : memref<512x96xf32, #tpu.memory_space<vmem>>, vector<16xf32>,
        %mul3A_1103 = arith.mulf %gather3A_1019, %get3A_1087 : vector<16xf32>
        %mul3A_1104 = arith.mulf %gather3A_1022, %get3A_1092 : vector<16xf32>
        %add3A_1105 = arith.addf %mul3A_1103, %mul3A_1104 : vector<16xf32>
        %mul3A_1106 = arith.mulf %gather3A_1025, %get3A_1097 : vector<16xf32>
        %mul3A_1107 = arith.mulf %gather3A_1028, %get3A_1102 : vector<16xf32>
        %add3A_1108 = arith.addf %mul3A_1106, %mul3A_1107 : vector<16xf32>
        %add3A_1109 = arith.addf %add3A_1105, %add3A_1108 : vector<16xf32>
        %swap3A_1110 = arith.index_cast %add3A_1014 : i32 to index
        %swap3A_1111 = arith.constant 32 : index
        %swap3A_1112 = tpu.vector_load %arg27[%swap3A_1110, %swap3A_1111] {strides = array<i32>} : memref<128x96xf32, #tpu.memory_space<vmem>>, vector<16xf32>,
        tpu.vector_store %arg27[%swap3A_1110, %swap3A_1111], %add3A_1109 {strides = array<i32>} : memref<128x96xf32, #tpu.memory_space<vmem>>, vector<16xf32>,
        %get3A_1113 = arith.index_cast %add3A_1014 : i32 to index
        %get3A_1114 = arith.constant 48 : index
        %get3A_1115 = tpu.vector_load %arg25[%get3A_1113, %get3A_1114] {strides = array<i32>} : memref<512x96xf32, #tpu.memory_space<vmem>>, vector<16xf32>,
        %add3A_1116 = arith.constant 128 : i32
        %add3A_1117 = arith.addi %add3A_1116, %add3A_1014 : i32
        %get3A_1118 = arith.index_cast %add3A_1117 : i32 to index
        %get3A_1119 = arith.constant 48 : index
        %get3A_1120 = tpu.vector_load %arg25[%get3A_1118, %get3A_1119] {strides = array<i32>} : memref<512x96xf32, #tpu.memory_space<vmem>>, vector<16xf32>,
        %add3A_1121 = arith.constant 256 : i32
        %add3A_1122 = arith.addi %add3A_1121, %add3A_1014 : i32
        %get3A_1123 = arith.index_cast %add3A_1122 : i32 to index
        %get3A_1124 = arith.constant 48 : index
        %get3A_1125 = tpu.vector_load %arg25[%get3A_1123, %get3A_1124] {strides = array<i32>} : memref<512x96xf32, #tpu.memory_space<vmem>>, vector<16xf32>,
        %add3A_1126 = arith.constant 384 : i32
        %add3A_1127 = arith.addi %add3A_1126, %add3A_1014 : i32
        %get3A_1128 = arith.index_cast %add3A_1127 : i32 to index
        %get3A_1129 = arith.constant 48 : index
        %get3A_1130 = tpu.vector_load %arg25[%get3A_1128, %get3A_1129] {strides = array<i32>} : memref<512x96xf32, #tpu.memory_space<vmem>>, vector<16xf32>,
        %mul3A_1131 = arith.mulf %gather3A_1019, %get3A_1115 : vector<16xf32>
        %mul3A_1132 = arith.mulf %gather3A_1022, %get3A_1120 : vector<16xf32>
        %add3A_1133 = arith.addf %mul3A_1131, %mul3A_1132 : vector<16xf32>
        %mul3A_1134 = arith.mulf %gather3A_1025, %get3A_1125 : vector<16xf32>
        %mul3A_1135 = arith.mulf %gather3A_1028, %get3A_1130 : vector<16xf32>
        %add3A_1136 = arith.addf %mul3A_1134, %mul3A_1135 : vector<16xf32>
        %add3A_1137 = arith.addf %add3A_1133, %add3A_1136 : vector<16xf32>
        %swap3A_1138 = arith.index_cast %add3A_1014 : i32 to index
        %swap3A_1139 = arith.constant 48 : index
        %swap3A_1140 = tpu.vector_load %arg27[%swap3A_1138, %swap3A_1139] {strides = array<i32>} : memref<128x96xf32, #tpu.memory_space<vmem>>, vector<16xf32>,
        tpu.vector_store %arg27[%swap3A_1138, %swap3A_1139], %add3A_1137 {strides = array<i32>} : memref<128x96xf32, #tpu.memory_space<vmem>>, vector<16xf32>,
        %get3A_1141 = arith.index_cast %add3A_1014 : i32 to index
        %get3A_1142 = arith.constant 64 : index
        %get3A_1143 = tpu.vector_load %arg25[%get3A_1141, %get3A_1142] {strides = array<i32>} : memref<512x96xf32, #tpu.memory_space<vmem>>, vector<16xf32>,
        %add3A_1144 = arith.constant 128 : i32
        %add3A_1145 = arith.addi %add3A_1144, %add3A_1014 : i32
        %get3A_1146 = arith.index_cast %add3A_1145 : i32 to index
        %get3A_1147 = arith.constant 64 : index
        %get3A_1148 = tpu.vector_load %arg25[%get3A_1146, %get3A_1147] {strides = array<i32>} : memref<512x96xf32, #tpu.memory_space<vmem>>, vector<16xf32>,
        %add3A_1149 = arith.constant 256 : i32
        %add3A_1150 = arith.addi %add3A_1149, %add3A_1014 : i32
        %get3A_1151 = arith.index_cast %add3A_1150 : i32 to index
        %get3A_1152 = arith.constant 64 : index
        %get3A_1153 = tpu.vector_load %arg25[%get3A_1151, %get3A_1152] {strides = array<i32>} : memref<512x96xf32, #tpu.memory_space<vmem>>, vector<16xf32>,
        %add3A_1154 = arith.constant 384 : i32
        %add3A_1155 = arith.addi %add3A_1154, %add3A_1014 : i32
        %get3A_1156 = arith.index_cast %add3A_1155 : i32 to index
        %get3A_1157 = arith.constant 64 : index
        %get3A_1158 = tpu.vector_load %arg25[%get3A_1156, %get3A_1157] {strides = array<i32>} : memref<512x96xf32, #tpu.memory_space<vmem>>, vector<16xf32>,
        %mul3A_1159 = arith.mulf %gather3A_1019, %get3A_1143 : vector<16xf32>
        %mul3A_1160 = arith.mulf %gather3A_1022, %get3A_1148 : vector<16xf32>
        %add3A_1161 = arith.addf %mul3A_1159, %mul3A_1160 : vector<16xf32>
        %mul3A_1162 = arith.mulf %gather3A_1025, %get3A_1153 : vector<16xf32>
        %mul3A_1163 = arith.mulf %gather3A_1028, %get3A_1158 : vector<16xf32>
        %add3A_1164 = arith.addf %mul3A_1162, %mul3A_1163 : vector<16xf32>
        %add3A_1165 = arith.addf %add3A_1161, %add3A_1164 : vector<16xf32>
        %swap3A_1166 = arith.index_cast %add3A_1014 : i32 to index
        %swap3A_1167 = arith.constant 64 : index
        %swap3A_1168 = tpu.vector_load %arg27[%swap3A_1166, %swap3A_1167] {strides = array<i32>} : memref<128x96xf32, #tpu.memory_space<vmem>>, vector<16xf32>,
        tpu.vector_store %arg27[%swap3A_1166, %swap3A_1167], %add3A_1165 {strides = array<i32>} : memref<128x96xf32, #tpu.memory_space<vmem>>, vector<16xf32>,
        %get3A_1169 = arith.index_cast %add3A_1014 : i32 to index
        %get3A_1170 = arith.constant 80 : index
        %get3A_1171 = tpu.vector_load %arg25[%get3A_1169, %get3A_1170] {strides = array<i32>} : memref<512x96xf32, #tpu.memory_space<vmem>>, vector<16xf32>,
        %add3A_1172 = arith.constant 128 : i32
        %add3A_1173 = arith.addi %add3A_1172, %add3A_1014 : i32
        %get3A_1174 = arith.index_cast %add3A_1173 : i32 to index
        %get3A_1175 = arith.constant 80 : index
        %get3A_1176 = tpu.vector_load %arg25[%get3A_1174, %get3A_1175] {strides = array<i32>} : memref<512x96xf32, #tpu.memory_space<vmem>>, vector<16xf32>,
        %add3A_1177 = arith.constant 256 : i32
        %add3A_1178 = arith.addi %add3A_1177, %add3A_1014 : i32
        %get3A_1179 = arith.index_cast %add3A_1178 : i32 to index
        %get3A_1180 = arith.constant 80 : index
        %get3A_1181 = tpu.vector_load %arg25[%get3A_1179, %get3A_1180] {strides = array<i32>} : memref<512x96xf32, #tpu.memory_space<vmem>>, vector<16xf32>,
        %add3A_1182 = arith.constant 384 : i32
        %add3A_1183 = arith.addi %add3A_1182, %add3A_1014 : i32
        %get3A_1184 = arith.index_cast %add3A_1183 : i32 to index
        %get3A_1185 = arith.constant 80 : index
        %get3A_1186 = tpu.vector_load %arg25[%get3A_1184, %get3A_1185] {strides = array<i32>} : memref<512x96xf32, #tpu.memory_space<vmem>>, vector<16xf32>,
        %mul3A_1187 = arith.mulf %gather3A_1019, %get3A_1171 : vector<16xf32>
        %mul3A_1188 = arith.mulf %gather3A_1022, %get3A_1176 : vector<16xf32>
        %add3A_1189 = arith.addf %mul3A_1187, %mul3A_1188 : vector<16xf32>
        %mul3A_1190 = arith.mulf %gather3A_1025, %get3A_1181 : vector<16xf32>
        %mul3A_1191 = arith.mulf %gather3A_1028, %get3A_1186 : vector<16xf32>
        %add3A_1192 = arith.addf %mul3A_1190, %mul3A_1191 : vector<16xf32>
        %add3A_1193 = arith.addf %add3A_1189, %add3A_1192 : vector<16xf32>
        %swap3A_1194 = arith.index_cast %add3A_1014 : i32 to index
        %swap3A_1195 = arith.constant 80 : index
        %swap3A_1196 = tpu.vector_load %arg27[%swap3A_1194, %swap3A_1195] {strides = array<i32>} : memref<128x96xf32, #tpu.memory_space<vmem>>, vector<16xf32>,
        tpu.vector_store %arg27[%swap3A_1194, %swap3A_1195], %add3A_1193 {strides = array<i32>} : memref<128x96xf32, #tpu.memory_space<vmem>>, vector<16xf32>,
        %add3A_1197 = arith.constant 5 : i32
        %add3A_1198 = arith.addi %mul3A_266, %add3A_1197 : i32
        %add3A_1199 = arith.constant 5 : i32
        %add3A_1200 = arith.addi %and3A_268, %add3A_1199 : i32
        %broadcast_in_dim3A_1201 = vector.broadcast %add3A_1200 : i32 to vector<16x1xi32>
        %gather3A_1202 = vector.shape_cast %broadcast_in_dim3A_1201 : vector<16x1xi32> to vector<16xi32>
        %gather3A_1203 = tpu.dynamic_gather %get3A_272[%gather3A_1202] in [0] : vector<16xf32>, vector<16xi32> -> vector<16xf32>
        %broadcast_in_dim3A_1204 = vector.broadcast %add3A_1200 : i32 to vector<16x1xi32>
        %gather3A_1205 = vector.shape_cast %broadcast_in_dim3A_1204 : vector<16x1xi32> to vector<16xi32>
        %gather3A_1206 = tpu.dynamic_gather %get3A_274[%gather3A_1205] in [0] : vector<16xf32>, vector<16xi32> -> vector<16xf32>
        %broadcast_in_dim3A_1207 = vector.broadcast %add3A_1200 : i32 to vector<16x1xi32>
        %gather3A_1208 = vector.shape_cast %broadcast_in_dim3A_1207 : vector<16x1xi32> to vector<16xi32>
        %gather3A_1209 = tpu.dynamic_gather %get3A_276[%gather3A_1208] in [0] : vector<16xf32>, vector<16xi32> -> vector<16xf32>
        %broadcast_in_dim3A_1210 = vector.broadcast %add3A_1200 : i32 to vector<16x1xi32>
        %gather3A_1211 = vector.shape_cast %broadcast_in_dim3A_1210 : vector<16x1xi32> to vector<16xi32>
        %gather3A_1212 = tpu.dynamic_gather %get3A_278[%gather3A_1211] in [0] : vector<16xf32>, vector<16xi32> -> vector<16xf32>
        %get3A_1213 = arith.index_cast %add3A_1198 : i32 to index
        %get3A_1214 = arith.constant 0 : index
        %get3A_1215 = tpu.vector_load %arg25[%get3A_1213, %get3A_1214] {strides = array<i32>} : memref<512x96xf32, #tpu.memory_space<vmem>>, vector<16xf32>,
        %add3A_1216 = arith.constant 128 : i32
        %add3A_1217 = arith.addi %add3A_1216, %add3A_1198 : i32
        %get3A_1218 = arith.index_cast %add3A_1217 : i32 to index
        %get3A_1219 = arith.constant 0 : index
        %get3A_1220 = tpu.vector_load %arg25[%get3A_1218, %get3A_1219] {strides = array<i32>} : memref<512x96xf32, #tpu.memory_space<vmem>>, vector<16xf32>,
        %add3A_1221 = arith.constant 256 : i32
        %add3A_1222 = arith.addi %add3A_1221, %add3A_1198 : i32
        %get3A_1223 = arith.index_cast %add3A_1222 : i32 to index
        %get3A_1224 = arith.constant 0 : index
        %get3A_1225 = tpu.vector_load %arg25[%get3A_1223, %get3A_1224] {strides = array<i32>} : memref<512x96xf32, #tpu.memory_space<vmem>>, vector<16xf32>,
        %add3A_1226 = arith.constant 384 : i32
        %add3A_1227 = arith.addi %add3A_1226, %add3A_1198 : i32
        %get3A_1228 = arith.index_cast %add3A_1227 : i32 to index
        %get3A_1229 = arith.constant 0 : index
        %get3A_1230 = tpu.vector_load %arg25[%get3A_1228, %get3A_1229] {strides = array<i32>} : memref<512x96xf32, #tpu.memory_space<vmem>>, vector<16xf32>,
        %mul3A_1231 = arith.mulf %gather3A_1203, %get3A_1215 : vector<16xf32>
        %mul3A_1232 = arith.mulf %gather3A_1206, %get3A_1220 : vector<16xf32>
        %add3A_1233 = arith.addf %mul3A_1231, %mul3A_1232 : vector<16xf32>
        %mul3A_1234 = arith.mulf %gather3A_1209, %get3A_1225 : vector<16xf32>
        %mul3A_1235 = arith.mulf %gather3A_1212, %get3A_1230 : vector<16xf32>
        %add3A_1236 = arith.addf %mul3A_1234, %mul3A_1235 : vector<16xf32>
        %add3A_1237 = arith.addf %add3A_1233, %add3A_1236 : vector<16xf32>
        %swap3A_1238 = arith.index_cast %add3A_1198 : i32 to index
        %swap3A_1239 = arith.constant 0 : index
        %swap3A_1240 = tpu.vector_load %arg27[%swap3A_1238, %swap3A_1239] {strides = array<i32>} : memref<128x96xf32, #tpu.memory_space<vmem>>, vector<16xf32>,
        tpu.vector_store %arg27[%swap3A_1238, %swap3A_1239], %add3A_1237 {strides = array<i32>} : memref<128x96xf32, #tpu.memory_space<vmem>>, vector<16xf32>,
        %get3A_1241 = arith.index_cast %add3A_1198 : i32 to index
        %get3A_1242 = arith.constant 16 : index
        %get3A_1243 = tpu.vector_load %arg25[%get3A_1241, %get3A_1242] {strides = array<i32>} : memref<512x96xf32, #tpu.memory_space<vmem>>, vector<16xf32>,
        %add3A_1244 = arith.constant 128 : i32
        %add3A_1245 = arith.addi %add3A_1244, %add3A_1198 : i32
        %get3A_1246 = arith.index_cast %add3A_1245 : i32 to index
        %get3A_1247 = arith.constant 16 : index
        %get3A_1248 = tpu.vector_load %arg25[%get3A_1246, %get3A_1247] {strides = array<i32>} : memref<512x96xf32, #tpu.memory_space<vmem>>, vector<16xf32>,
        %add3A_1249 = arith.constant 256 : i32
        %add3A_1250 = arith.addi %add3A_1249, %add3A_1198 : i32
        %get3A_1251 = arith.index_cast %add3A_1250 : i32 to index
        %get3A_1252 = arith.constant 16 : index
        %get3A_1253 = tpu.vector_load %arg25[%get3A_1251, %get3A_1252] {strides = array<i32>} : memref<512x96xf32, #tpu.memory_space<vmem>>, vector<16xf32>,
        %add3A_1254 = arith.constant 384 : i32
        %add3A_1255 = arith.addi %add3A_1254, %add3A_1198 : i32
        %get3A_1256 = arith.index_cast %add3A_1255 : i32 to index
        %get3A_1257 = arith.constant 16 : index
        %get3A_1258 = tpu.vector_load %arg25[%get3A_1256, %get3A_1257] {strides = array<i32>} : memref<512x96xf32, #tpu.memory_space<vmem>>, vector<16xf32>,
        %mul3A_1259 = arith.mulf %gather3A_1203, %get3A_1243 : vector<16xf32>
        %mul3A_1260 = arith.mulf %gather3A_1206, %get3A_1248 : vector<16xf32>
        %add3A_1261 = arith.addf %mul3A_1259, %mul3A_1260 : vector<16xf32>
        %mul3A_1262 = arith.mulf %gather3A_1209, %get3A_1253 : vector<16xf32>
        %mul3A_1263 = arith.mulf %gather3A_1212, %get3A_1258 : vector<16xf32>
        %add3A_1264 = arith.addf %mul3A_1262, %mul3A_1263 : vector<16xf32>
        %add3A_1265 = arith.addf %add3A_1261, %add3A_1264 : vector<16xf32>
        %swap3A_1266 = arith.index_cast %add3A_1198 : i32 to index
        %swap3A_1267 = arith.constant 16 : index
        %swap3A_1268 = tpu.vector_load %arg27[%swap3A_1266, %swap3A_1267] {strides = array<i32>} : memref<128x96xf32, #tpu.memory_space<vmem>>, vector<16xf32>,
        tpu.vector_store %arg27[%swap3A_1266, %swap3A_1267], %add3A_1265 {strides = array<i32>} : memref<128x96xf32, #tpu.memory_space<vmem>>, vector<16xf32>,
        %get3A_1269 = arith.index_cast %add3A_1198 : i32 to index
        %get3A_1270 = arith.constant 32 : index
        %get3A_1271 = tpu.vector_load %arg25[%get3A_1269, %get3A_1270] {strides = array<i32>} : memref<512x96xf32, #tpu.memory_space<vmem>>, vector<16xf32>,
        %add3A_1272 = arith.constant 128 : i32
        %add3A_1273 = arith.addi %add3A_1272, %add3A_1198 : i32
        %get3A_1274 = arith.index_cast %add3A_1273 : i32 to index
        %get3A_1275 = arith.constant 32 : index
        %get3A_1276 = tpu.vector_load %arg25[%get3A_1274, %get3A_1275] {strides = array<i32>} : memref<512x96xf32, #tpu.memory_space<vmem>>, vector<16xf32>,
        %add3A_1277 = arith.constant 256 : i32
        %add3A_1278 = arith.addi %add3A_1277, %add3A_1198 : i32
        %get3A_1279 = arith.index_cast %add3A_1278 : i32 to index
        %get3A_1280 = arith.constant 32 : index
        %get3A_1281 = tpu.vector_load %arg25[%get3A_1279, %get3A_1280] {strides = array<i32>} : memref<512x96xf32, #tpu.memory_space<vmem>>, vector<16xf32>,
        %add3A_1282 = arith.constant 384 : i32
        %add3A_1283 = arith.addi %add3A_1282, %add3A_1198 : i32
        %get3A_1284 = arith.index_cast %add3A_1283 : i32 to index
        %get3A_1285 = arith.constant 32 : index
        %get3A_1286 = tpu.vector_load %arg25[%get3A_1284, %get3A_1285] {strides = array<i32>} : memref<512x96xf32, #tpu.memory_space<vmem>>, vector<16xf32>,
        %mul3A_1287 = arith.mulf %gather3A_1203, %get3A_1271 : vector<16xf32>
        %mul3A_1288 = arith.mulf %gather3A_1206, %get3A_1276 : vector<16xf32>
        %add3A_1289 = arith.addf %mul3A_1287, %mul3A_1288 : vector<16xf32>
        %mul3A_1290 = arith.mulf %gather3A_1209, %get3A_1281 : vector<16xf32>
        %mul3A_1291 = arith.mulf %gather3A_1212, %get3A_1286 : vector<16xf32>
        %add3A_1292 = arith.addf %mul3A_1290, %mul3A_1291 : vector<16xf32>
        %add3A_1293 = arith.addf %add3A_1289, %add3A_1292 : vector<16xf32>
        %swap3A_1294 = arith.index_cast %add3A_1198 : i32 to index
        %swap3A_1295 = arith.constant 32 : index
        %swap3A_1296 = tpu.vector_load %arg27[%swap3A_1294, %swap3A_1295] {strides = array<i32>} : memref<128x96xf32, #tpu.memory_space<vmem>>, vector<16xf32>,
        tpu.vector_store %arg27[%swap3A_1294, %swap3A_1295], %add3A_1293 {strides = array<i32>} : memref<128x96xf32, #tpu.memory_space<vmem>>, vector<16xf32>,
        %get3A_1297 = arith.index_cast %add3A_1198 : i32 to index
        %get3A_1298 = arith.constant 48 : index
        %get3A_1299 = tpu.vector_load %arg25[%get3A_1297, %get3A_1298] {strides = array<i32>} : memref<512x96xf32, #tpu.memory_space<vmem>>, vector<16xf32>,
        %add3A_1300 = arith.constant 128 : i32
        %add3A_1301 = arith.addi %add3A_1300, %add3A_1198 : i32
        %get3A_1302 = arith.index_cast %add3A_1301 : i32 to index
        %get3A_1303 = arith.constant 48 : index
        %get3A_1304 = tpu.vector_load %arg25[%get3A_1302, %get3A_1303] {strides = array<i32>} : memref<512x96xf32, #tpu.memory_space<vmem>>, vector<16xf32>,
        %add3A_1305 = arith.constant 256 : i32
        %add3A_1306 = arith.addi %add3A_1305, %add3A_1198 : i32
        %get3A_1307 = arith.index_cast %add3A_1306 : i32 to index
        %get3A_1308 = arith.constant 48 : index
        %get3A_1309 = tpu.vector_load %arg25[%get3A_1307, %get3A_1308] {strides = array<i32>} : memref<512x96xf32, #tpu.memory_space<vmem>>, vector<16xf32>,
        %add3A_1310 = arith.constant 384 : i32
        %add3A_1311 = arith.addi %add3A_1310, %add3A_1198 : i32
        %get3A_1312 = arith.index_cast %add3A_1311 : i32 to index
        %get3A_1313 = arith.constant 48 : index
        %get3A_1314 = tpu.vector_load %arg25[%get3A_1312, %get3A_1313] {strides = array<i32>} : memref<512x96xf32, #tpu.memory_space<vmem>>, vector<16xf32>,
        %mul3A_1315 = arith.mulf %gather3A_1203, %get3A_1299 : vector<16xf32>
        %mul3A_1316 = arith.mulf %gather3A_1206, %get3A_1304 : vector<16xf32>
        %add3A_1317 = arith.addf %mul3A_1315, %mul3A_1316 : vector<16xf32>
        %mul3A_1318 = arith.mulf %gather3A_1209, %get3A_1309 : vector<16xf32>
        %mul3A_1319 = arith.mulf %gather3A_1212, %get3A_1314 : vector<16xf32>
        %add3A_1320 = arith.addf %mul3A_1318, %mul3A_1319 : vector<16xf32>
        %add3A_1321 = arith.addf %add3A_1317, %add3A_1320 : vector<16xf32>
        %swap3A_1322 = arith.index_cast %add3A_1198 : i32 to index
        %swap3A_1323 = arith.constant 48 : index
        %swap3A_1324 = tpu.vector_load %arg27[%swap3A_1322, %swap3A_1323] {strides = array<i32>} : memref<128x96xf32, #tpu.memory_space<vmem>>, vector<16xf32>,
        tpu.vector_store %arg27[%swap3A_1322, %swap3A_1323], %add3A_1321 {strides = array<i32>} : memref<128x96xf32, #tpu.memory_space<vmem>>, vector<16xf32>,
        %get3A_1325 = arith.index_cast %add3A_1198 : i32 to index
        %get3A_1326 = arith.constant 64 : index
        %get3A_1327 = tpu.vector_load %arg25[%get3A_1325, %get3A_1326] {strides = array<i32>} : memref<512x96xf32, #tpu.memory_space<vmem>>, vector<16xf32>,
        %add3A_1328 = arith.constant 128 : i32
        %add3A_1329 = arith.addi %add3A_1328, %add3A_1198 : i32
        %get3A_1330 = arith.index_cast %add3A_1329 : i32 to index
        %get3A_1331 = arith.constant 64 : index
        %get3A_1332 = tpu.vector_load %arg25[%get3A_1330, %get3A_1331] {strides = array<i32>} : memref<512x96xf32, #tpu.memory_space<vmem>>, vector<16xf32>,
        %add3A_1333 = arith.constant 256 : i32
        %add3A_1334 = arith.addi %add3A_1333, %add3A_1198 : i32
        %get3A_1335 = arith.index_cast %add3A_1334 : i32 to index
        %get3A_1336 = arith.constant 64 : index
        %get3A_1337 = tpu.vector_load %arg25[%get3A_1335, %get3A_1336] {strides = array<i32>} : memref<512x96xf32, #tpu.memory_space<vmem>>, vector<16xf32>,
        %add3A_1338 = arith.constant 384 : i32
        %add3A_1339 = arith.addi %add3A_1338, %add3A_1198 : i32
        %get3A_1340 = arith.index_cast %add3A_1339 : i32 to index
        %get3A_1341 = arith.constant 64 : index
        %get3A_1342 = tpu.vector_load %arg25[%get3A_1340, %get3A_1341] {strides = array<i32>} : memref<512x96xf32, #tpu.memory_space<vmem>>, vector<16xf32>,
        %mul3A_1343 = arith.mulf %gather3A_1203, %get3A_1327 : vector<16xf32>
        %mul3A_1344 = arith.mulf %gather3A_1206, %get3A_1332 : vector<16xf32>
        %add3A_1345 = arith.addf %mul3A_1343, %mul3A_1344 : vector<16xf32>
        %mul3A_1346 = arith.mulf %gather3A_1209, %get3A_1337 : vector<16xf32>
        %mul3A_1347 = arith.mulf %gather3A_1212, %get3A_1342 : vector<16xf32>
        %add3A_1348 = arith.addf %mul3A_1346, %mul3A_1347 : vector<16xf32>
        %add3A_1349 = arith.addf %add3A_1345, %add3A_1348 : vector<16xf32>
        %swap3A_1350 = arith.index_cast %add3A_1198 : i32 to index
        %swap3A_1351 = arith.constant 64 : index
        %swap3A_1352 = tpu.vector_load %arg27[%swap3A_1350, %swap3A_1351] {strides = array<i32>} : memref<128x96xf32, #tpu.memory_space<vmem>>, vector<16xf32>,
        tpu.vector_store %arg27[%swap3A_1350, %swap3A_1351], %add3A_1349 {strides = array<i32>} : memref<128x96xf32, #tpu.memory_space<vmem>>, vector<16xf32>,
        %get3A_1353 = arith.index_cast %add3A_1198 : i32 to index
        %get3A_1354 = arith.constant 80 : index
        %get3A_1355 = tpu.vector_load %arg25[%get3A_1353, %get3A_1354] {strides = array<i32>} : memref<512x96xf32, #tpu.memory_space<vmem>>, vector<16xf32>,
        %add3A_1356 = arith.constant 128 : i32
        %add3A_1357 = arith.addi %add3A_1356, %add3A_1198 : i32
        %get3A_1358 = arith.index_cast %add3A_1357 : i32 to index
        %get3A_1359 = arith.constant 80 : index
        %get3A_1360 = tpu.vector_load %arg25[%get3A_1358, %get3A_1359] {strides = array<i32>} : memref<512x96xf32, #tpu.memory_space<vmem>>, vector<16xf32>,
        %add3A_1361 = arith.constant 256 : i32
        %add3A_1362 = arith.addi %add3A_1361, %add3A_1198 : i32
        %get3A_1363 = arith.index_cast %add3A_1362 : i32 to index
        %get3A_1364 = arith.constant 80 : index
        %get3A_1365 = tpu.vector_load %arg25[%get3A_1363, %get3A_1364] {strides = array<i32>} : memref<512x96xf32, #tpu.memory_space<vmem>>, vector<16xf32>,
        %add3A_1366 = arith.constant 384 : i32
        %add3A_1367 = arith.addi %add3A_1366, %add3A_1198 : i32
        %get3A_1368 = arith.index_cast %add3A_1367 : i32 to index
        %get3A_1369 = arith.constant 80 : index
        %get3A_1370 = tpu.vector_load %arg25[%get3A_1368, %get3A_1369] {strides = array<i32>} : memref<512x96xf32, #tpu.memory_space<vmem>>, vector<16xf32>,
        %mul3A_1371 = arith.mulf %gather3A_1203, %get3A_1355 : vector<16xf32>
        %mul3A_1372 = arith.mulf %gather3A_1206, %get3A_1360 : vector<16xf32>
        %add3A_1373 = arith.addf %mul3A_1371, %mul3A_1372 : vector<16xf32>
        %mul3A_1374 = arith.mulf %gather3A_1209, %get3A_1365 : vector<16xf32>
        %mul3A_1375 = arith.mulf %gather3A_1212, %get3A_1370 : vector<16xf32>
        %add3A_1376 = arith.addf %mul3A_1374, %mul3A_1375 : vector<16xf32>
        %add3A_1377 = arith.addf %add3A_1373, %add3A_1376 : vector<16xf32>
        %swap3A_1378 = arith.index_cast %add3A_1198 : i32 to index
        %swap3A_1379 = arith.constant 80 : index
        %swap3A_1380 = tpu.vector_load %arg27[%swap3A_1378, %swap3A_1379] {strides = array<i32>} : memref<128x96xf32, #tpu.memory_space<vmem>>, vector<16xf32>,
        tpu.vector_store %arg27[%swap3A_1378, %swap3A_1379], %add3A_1377 {strides = array<i32>} : memref<128x96xf32, #tpu.memory_space<vmem>>, vector<16xf32>,
        %add3A_1381 = arith.constant 6 : i32
        %add3A_1382 = arith.addi %mul3A_266, %add3A_1381 : i32
        %add3A_1383 = arith.constant 6 : i32
        %add3A_1384 = arith.addi %and3A_268, %add3A_1383 : i32
        %broadcast_in_dim3A_1385 = vector.broadcast %add3A_1384 : i32 to vector<16x1xi32>
        %gather3A_1386 = vector.shape_cast %broadcast_in_dim3A_1385 : vector<16x1xi32> to vector<16xi32>
        %gather3A_1387 = tpu.dynamic_gather %get3A_272[%gather3A_1386] in [0] : vector<16xf32>, vector<16xi32> -> vector<16xf32>
        %broadcast_in_dim3A_1388 = vector.broadcast %add3A_1384 : i32 to vector<16x1xi32>
        %gather3A_1389 = vector.shape_cast %broadcast_in_dim3A_1388 : vector<16x1xi32> to vector<16xi32>
        %gather3A_1390 = tpu.dynamic_gather %get3A_274[%gather3A_1389] in [0] : vector<16xf32>, vector<16xi32> -> vector<16xf32>
        %broadcast_in_dim3A_1391 = vector.broadcast %add3A_1384 : i32 to vector<16x1xi32>
        %gather3A_1392 = vector.shape_cast %broadcast_in_dim3A_1391 : vector<16x1xi32> to vector<16xi32>
        %gather3A_1393 = tpu.dynamic_gather %get3A_276[%gather3A_1392] in [0] : vector<16xf32>, vector<16xi32> -> vector<16xf32>
        %broadcast_in_dim3A_1394 = vector.broadcast %add3A_1384 : i32 to vector<16x1xi32>
        %gather3A_1395 = vector.shape_cast %broadcast_in_dim3A_1394 : vector<16x1xi32> to vector<16xi32>
        %gather3A_1396 = tpu.dynamic_gather %get3A_278[%gather3A_1395] in [0] : vector<16xf32>, vector<16xi32> -> vector<16xf32>
        %get3A_1397 = arith.index_cast %add3A_1382 : i32 to index
        %get3A_1398 = arith.constant 0 : index
        %get3A_1399 = tpu.vector_load %arg25[%get3A_1397, %get3A_1398] {strides = array<i32>} : memref<512x96xf32, #tpu.memory_space<vmem>>, vector<16xf32>,
        %add3A_1400 = arith.constant 128 : i32
        %add3A_1401 = arith.addi %add3A_1400, %add3A_1382 : i32
        %get3A_1402 = arith.index_cast %add3A_1401 : i32 to index
        %get3A_1403 = arith.constant 0 : index
        %get3A_1404 = tpu.vector_load %arg25[%get3A_1402, %get3A_1403] {strides = array<i32>} : memref<512x96xf32, #tpu.memory_space<vmem>>, vector<16xf32>,
        %add3A_1405 = arith.constant 256 : i32
        %add3A_1406 = arith.addi %add3A_1405, %add3A_1382 : i32
        %get3A_1407 = arith.index_cast %add3A_1406 : i32 to index
        %get3A_1408 = arith.constant 0 : index
        %get3A_1409 = tpu.vector_load %arg25[%get3A_1407, %get3A_1408] {strides = array<i32>} : memref<512x96xf32, #tpu.memory_space<vmem>>, vector<16xf32>,
        %add3A_1410 = arith.constant 384 : i32
        %add3A_1411 = arith.addi %add3A_1410, %add3A_1382 : i32
        %get3A_1412 = arith.index_cast %add3A_1411 : i32 to index
        %get3A_1413 = arith.constant 0 : index
        %get3A_1414 = tpu.vector_load %arg25[%get3A_1412, %get3A_1413] {strides = array<i32>} : memref<512x96xf32, #tpu.memory_space<vmem>>, vector<16xf32>,
        %mul3A_1415 = arith.mulf %gather3A_1387, %get3A_1399 : vector<16xf32>
        %mul3A_1416 = arith.mulf %gather3A_1390, %get3A_1404 : vector<16xf32>
        %add3A_1417 = arith.addf %mul3A_1415, %mul3A_1416 : vector<16xf32>
        %mul3A_1418 = arith.mulf %gather3A_1393, %get3A_1409 : vector<16xf32>
        %mul3A_1419 = arith.mulf %gather3A_1396, %get3A_1414 : vector<16xf32>
        %add3A_1420 = arith.addf %mul3A_1418, %mul3A_1419 : vector<16xf32>
        %add3A_1421 = arith.addf %add3A_1417, %add3A_1420 : vector<16xf32>
        %swap3A_1422 = arith.index_cast %add3A_1382 : i32 to index
        %swap3A_1423 = arith.constant 0 : index
        %swap3A_1424 = tpu.vector_load %arg27[%swap3A_1422, %swap3A_1423] {strides = array<i32>} : memref<128x96xf32, #tpu.memory_space<vmem>>, vector<16xf32>,
        tpu.vector_store %arg27[%swap3A_1422, %swap3A_1423], %add3A_1421 {strides = array<i32>} : memref<128x96xf32, #tpu.memory_space<vmem>>, vector<16xf32>,
        %get3A_1425 = arith.index_cast %add3A_1382 : i32 to index
        %get3A_1426 = arith.constant 16 : index
        %get3A_1427 = tpu.vector_load %arg25[%get3A_1425, %get3A_1426] {strides = array<i32>} : memref<512x96xf32, #tpu.memory_space<vmem>>, vector<16xf32>,
        %add3A_1428 = arith.constant 128 : i32
        %add3A_1429 = arith.addi %add3A_1428, %add3A_1382 : i32
        %get3A_1430 = arith.index_cast %add3A_1429 : i32 to index
        %get3A_1431 = arith.constant 16 : index
        %get3A_1432 = tpu.vector_load %arg25[%get3A_1430, %get3A_1431] {strides = array<i32>} : memref<512x96xf32, #tpu.memory_space<vmem>>, vector<16xf32>,
        %add3A_1433 = arith.constant 256 : i32
        %add3A_1434 = arith.addi %add3A_1433, %add3A_1382 : i32
        %get3A_1435 = arith.index_cast %add3A_1434 : i32 to index
        %get3A_1436 = arith.constant 16 : index
        %get3A_1437 = tpu.vector_load %arg25[%get3A_1435, %get3A_1436] {strides = array<i32>} : memref<512x96xf32, #tpu.memory_space<vmem>>, vector<16xf32>,
        %add3A_1438 = arith.constant 384 : i32
        %add3A_1439 = arith.addi %add3A_1438, %add3A_1382 : i32
        %get3A_1440 = arith.index_cast %add3A_1439 : i32 to index
        %get3A_1441 = arith.constant 16 : index
        %get3A_1442 = tpu.vector_load %arg25[%get3A_1440, %get3A_1441] {strides = array<i32>} : memref<512x96xf32, #tpu.memory_space<vmem>>, vector<16xf32>,
        %mul3A_1443 = arith.mulf %gather3A_1387, %get3A_1427 : vector<16xf32>
        %mul3A_1444 = arith.mulf %gather3A_1390, %get3A_1432 : vector<16xf32>
        %add3A_1445 = arith.addf %mul3A_1443, %mul3A_1444 : vector<16xf32>
        %mul3A_1446 = arith.mulf %gather3A_1393, %get3A_1437 : vector<16xf32>
        %mul3A_1447 = arith.mulf %gather3A_1396, %get3A_1442 : vector<16xf32>
        %add3A_1448 = arith.addf %mul3A_1446, %mul3A_1447 : vector<16xf32>
        %add3A_1449 = arith.addf %add3A_1445, %add3A_1448 : vector<16xf32>
        %swap3A_1450 = arith.index_cast %add3A_1382 : i32 to index
        %swap3A_1451 = arith.constant 16 : index
        %swap3A_1452 = tpu.vector_load %arg27[%swap3A_1450, %swap3A_1451] {strides = array<i32>} : memref<128x96xf32, #tpu.memory_space<vmem>>, vector<16xf32>,
        tpu.vector_store %arg27[%swap3A_1450, %swap3A_1451], %add3A_1449 {strides = array<i32>} : memref<128x96xf32, #tpu.memory_space<vmem>>, vector<16xf32>,
        %get3A_1453 = arith.index_cast %add3A_1382 : i32 to index
        %get3A_1454 = arith.constant 32 : index
        %get3A_1455 = tpu.vector_load %arg25[%get3A_1453, %get3A_1454] {strides = array<i32>} : memref<512x96xf32, #tpu.memory_space<vmem>>, vector<16xf32>,
        %add3A_1456 = arith.constant 128 : i32
        %add3A_1457 = arith.addi %add3A_1456, %add3A_1382 : i32
        %get3A_1458 = arith.index_cast %add3A_1457 : i32 to index
        %get3A_1459 = arith.constant 32 : index
        %get3A_1460 = tpu.vector_load %arg25[%get3A_1458, %get3A_1459] {strides = array<i32>} : memref<512x96xf32, #tpu.memory_space<vmem>>, vector<16xf32>,
        %add3A_1461 = arith.constant 256 : i32
        %add3A_1462 = arith.addi %add3A_1461, %add3A_1382 : i32
        %get3A_1463 = arith.index_cast %add3A_1462 : i32 to index
        %get3A_1464 = arith.constant 32 : index
        %get3A_1465 = tpu.vector_load %arg25[%get3A_1463, %get3A_1464] {strides = array<i32>} : memref<512x96xf32, #tpu.memory_space<vmem>>, vector<16xf32>,
        %add3A_1466 = arith.constant 384 : i32
        %add3A_1467 = arith.addi %add3A_1466, %add3A_1382 : i32
        %get3A_1468 = arith.index_cast %add3A_1467 : i32 to index
        %get3A_1469 = arith.constant 32 : index
        %get3A_1470 = tpu.vector_load %arg25[%get3A_1468, %get3A_1469] {strides = array<i32>} : memref<512x96xf32, #tpu.memory_space<vmem>>, vector<16xf32>,
        %mul3A_1471 = arith.mulf %gather3A_1387, %get3A_1455 : vector<16xf32>
        %mul3A_1472 = arith.mulf %gather3A_1390, %get3A_1460 : vector<16xf32>
        %add3A_1473 = arith.addf %mul3A_1471, %mul3A_1472 : vector<16xf32>
        %mul3A_1474 = arith.mulf %gather3A_1393, %get3A_1465 : vector<16xf32>
        %mul3A_1475 = arith.mulf %gather3A_1396, %get3A_1470 : vector<16xf32>
        %add3A_1476 = arith.addf %mul3A_1474, %mul3A_1475 : vector<16xf32>
        %add3A_1477 = arith.addf %add3A_1473, %add3A_1476 : vector<16xf32>
        %swap3A_1478 = arith.index_cast %add3A_1382 : i32 to index
        %swap3A_1479 = arith.constant 32 : index
        %swap3A_1480 = tpu.vector_load %arg27[%swap3A_1478, %swap3A_1479] {strides = array<i32>} : memref<128x96xf32, #tpu.memory_space<vmem>>, vector<16xf32>,
        tpu.vector_store %arg27[%swap3A_1478, %swap3A_1479], %add3A_1477 {strides = array<i32>} : memref<128x96xf32, #tpu.memory_space<vmem>>, vector<16xf32>,
        %get3A_1481 = arith.index_cast %add3A_1382 : i32 to index
        %get3A_1482 = arith.constant 48 : index
        %get3A_1483 = tpu.vector_load %arg25[%get3A_1481, %get3A_1482] {strides = array<i32>} : memref<512x96xf32, #tpu.memory_space<vmem>>, vector<16xf32>,
        %add3A_1484 = arith.constant 128 : i32
        %add3A_1485 = arith.addi %add3A_1484, %add3A_1382 : i32
        %get3A_1486 = arith.index_cast %add3A_1485 : i32 to index
        %get3A_1487 = arith.constant 48 : index
        %get3A_1488 = tpu.vector_load %arg25[%get3A_1486, %get3A_1487] {strides = array<i32>} : memref<512x96xf32, #tpu.memory_space<vmem>>, vector<16xf32>,
        %add3A_1489 = arith.constant 256 : i32
        %add3A_1490 = arith.addi %add3A_1489, %add3A_1382 : i32
        %get3A_1491 = arith.index_cast %add3A_1490 : i32 to index
        %get3A_1492 = arith.constant 48 : index
        %get3A_1493 = tpu.vector_load %arg25[%get3A_1491, %get3A_1492] {strides = array<i32>} : memref<512x96xf32, #tpu.memory_space<vmem>>, vector<16xf32>,
        %add3A_1494 = arith.constant 384 : i32
        %add3A_1495 = arith.addi %add3A_1494, %add3A_1382 : i32
        %get3A_1496 = arith.index_cast %add3A_1495 : i32 to index
        %get3A_1497 = arith.constant 48 : index
        %get3A_1498 = tpu.vector_load %arg25[%get3A_1496, %get3A_1497] {strides = array<i32>} : memref<512x96xf32, #tpu.memory_space<vmem>>, vector<16xf32>,
        %mul3A_1499 = arith.mulf %gather3A_1387, %get3A_1483 : vector<16xf32>
        %mul3A_1500 = arith.mulf %gather3A_1390, %get3A_1488 : vector<16xf32>
        %add3A_1501 = arith.addf %mul3A_1499, %mul3A_1500 : vector<16xf32>
        %mul3A_1502 = arith.mulf %gather3A_1393, %get3A_1493 : vector<16xf32>
        %mul3A_1503 = arith.mulf %gather3A_1396, %get3A_1498 : vector<16xf32>
        %add3A_1504 = arith.addf %mul3A_1502, %mul3A_1503 : vector<16xf32>
        %add3A_1505 = arith.addf %add3A_1501, %add3A_1504 : vector<16xf32>
        %swap3A_1506 = arith.index_cast %add3A_1382 : i32 to index
        %swap3A_1507 = arith.constant 48 : index
        %swap3A_1508 = tpu.vector_load %arg27[%swap3A_1506, %swap3A_1507] {strides = array<i32>} : memref<128x96xf32, #tpu.memory_space<vmem>>, vector<16xf32>,
        tpu.vector_store %arg27[%swap3A_1506, %swap3A_1507], %add3A_1505 {strides = array<i32>} : memref<128x96xf32, #tpu.memory_space<vmem>>, vector<16xf32>,
        %get3A_1509 = arith.index_cast %add3A_1382 : i32 to index
        %get3A_1510 = arith.constant 64 : index
        %get3A_1511 = tpu.vector_load %arg25[%get3A_1509, %get3A_1510] {strides = array<i32>} : memref<512x96xf32, #tpu.memory_space<vmem>>, vector<16xf32>,
        %add3A_1512 = arith.constant 128 : i32
        %add3A_1513 = arith.addi %add3A_1512, %add3A_1382 : i32
        %get3A_1514 = arith.index_cast %add3A_1513 : i32 to index
        %get3A_1515 = arith.constant 64 : index
        %get3A_1516 = tpu.vector_load %arg25[%get3A_1514, %get3A_1515] {strides = array<i32>} : memref<512x96xf32, #tpu.memory_space<vmem>>, vector<16xf32>,
        %add3A_1517 = arith.constant 256 : i32
        %add3A_1518 = arith.addi %add3A_1517, %add3A_1382 : i32
        %get3A_1519 = arith.index_cast %add3A_1518 : i32 to index
        %get3A_1520 = arith.constant 64 : index
        %get3A_1521 = tpu.vector_load %arg25[%get3A_1519, %get3A_1520] {strides = array<i32>} : memref<512x96xf32, #tpu.memory_space<vmem>>, vector<16xf32>,
        %add3A_1522 = arith.constant 384 : i32
        %add3A_1523 = arith.addi %add3A_1522, %add3A_1382 : i32
        %get3A_1524 = arith.index_cast %add3A_1523 : i32 to index
        %get3A_1525 = arith.constant 64 : index
        %get3A_1526 = tpu.vector_load %arg25[%get3A_1524, %get3A_1525] {strides = array<i32>} : memref<512x96xf32, #tpu.memory_space<vmem>>, vector<16xf32>,
        %mul3A_1527 = arith.mulf %gather3A_1387, %get3A_1511 : vector<16xf32>
        %mul3A_1528 = arith.mulf %gather3A_1390, %get3A_1516 : vector<16xf32>
        %add3A_1529 = arith.addf %mul3A_1527, %mul3A_1528 : vector<16xf32>
        %mul3A_1530 = arith.mulf %gather3A_1393, %get3A_1521 : vector<16xf32>
        %mul3A_1531 = arith.mulf %gather3A_1396, %get3A_1526 : vector<16xf32>
        %add3A_1532 = arith.addf %mul3A_1530, %mul3A_1531 : vector<16xf32>
        %add3A_1533 = arith.addf %add3A_1529, %add3A_1532 : vector<16xf32>
        %swap3A_1534 = arith.index_cast %add3A_1382 : i32 to index
        %swap3A_1535 = arith.constant 64 : index
        %swap3A_1536 = tpu.vector_load %arg27[%swap3A_1534, %swap3A_1535] {strides = array<i32>} : memref<128x96xf32, #tpu.memory_space<vmem>>, vector<16xf32>,
        tpu.vector_store %arg27[%swap3A_1534, %swap3A_1535], %add3A_1533 {strides = array<i32>} : memref<128x96xf32, #tpu.memory_space<vmem>>, vector<16xf32>,
        %get3A_1537 = arith.index_cast %add3A_1382 : i32 to index
        %get3A_1538 = arith.constant 80 : index
        %get3A_1539 = tpu.vector_load %arg25[%get3A_1537, %get3A_1538] {strides = array<i32>} : memref<512x96xf32, #tpu.memory_space<vmem>>, vector<16xf32>,
        %add3A_1540 = arith.constant 128 : i32
        %add3A_1541 = arith.addi %add3A_1540, %add3A_1382 : i32
        %get3A_1542 = arith.index_cast %add3A_1541 : i32 to index
        %get3A_1543 = arith.constant 80 : index
        %get3A_1544 = tpu.vector_load %arg25[%get3A_1542, %get3A_1543] {strides = array<i32>} : memref<512x96xf32, #tpu.memory_space<vmem>>, vector<16xf32>,
        %add3A_1545 = arith.constant 256 : i32
        %add3A_1546 = arith.addi %add3A_1545, %add3A_1382 : i32
        %get3A_1547 = arith.index_cast %add3A_1546 : i32 to index
        %get3A_1548 = arith.constant 80 : index
        %get3A_1549 = tpu.vector_load %arg25[%get3A_1547, %get3A_1548] {strides = array<i32>} : memref<512x96xf32, #tpu.memory_space<vmem>>, vector<16xf32>,
        %add3A_1550 = arith.constant 384 : i32
        %add3A_1551 = arith.addi %add3A_1550, %add3A_1382 : i32
        %get3A_1552 = arith.index_cast %add3A_1551 : i32 to index
        %get3A_1553 = arith.constant 80 : index
        %get3A_1554 = tpu.vector_load %arg25[%get3A_1552, %get3A_1553] {strides = array<i32>} : memref<512x96xf32, #tpu.memory_space<vmem>>, vector<16xf32>,
        %mul3A_1555 = arith.mulf %gather3A_1387, %get3A_1539 : vector<16xf32>
        %mul3A_1556 = arith.mulf %gather3A_1390, %get3A_1544 : vector<16xf32>
        %add3A_1557 = arith.addf %mul3A_1555, %mul3A_1556 : vector<16xf32>
        %mul3A_1558 = arith.mulf %gather3A_1393, %get3A_1549 : vector<16xf32>
        %mul3A_1559 = arith.mulf %gather3A_1396, %get3A_1554 : vector<16xf32>
        %add3A_1560 = arith.addf %mul3A_1558, %mul3A_1559 : vector<16xf32>
        %add3A_1561 = arith.addf %add3A_1557, %add3A_1560 : vector<16xf32>
        %swap3A_1562 = arith.index_cast %add3A_1382 : i32 to index
        %swap3A_1563 = arith.constant 80 : index
        %swap3A_1564 = tpu.vector_load %arg27[%swap3A_1562, %swap3A_1563] {strides = array<i32>} : memref<128x96xf32, #tpu.memory_space<vmem>>, vector<16xf32>,
        tpu.vector_store %arg27[%swap3A_1562, %swap3A_1563], %add3A_1561 {strides = array<i32>} : memref<128x96xf32, #tpu.memory_space<vmem>>, vector<16xf32>,
        %add3A_1565 = arith.constant 7 : i32
        %add3A_1566 = arith.addi %mul3A_266, %add3A_1565 : i32
        %add3A_1567 = arith.constant 7 : i32
        %add3A_1568 = arith.addi %and3A_268, %add3A_1567 : i32
        %broadcast_in_dim3A_1569 = vector.broadcast %add3A_1568 : i32 to vector<16x1xi32>
        %gather3A_1570 = vector.shape_cast %broadcast_in_dim3A_1569 : vector<16x1xi32> to vector<16xi32>
        %gather3A_1571 = tpu.dynamic_gather %get3A_272[%gather3A_1570] in [0] : vector<16xf32>, vector<16xi32> -> vector<16xf32>
        %broadcast_in_dim3A_1572 = vector.broadcast %add3A_1568 : i32 to vector<16x1xi32>
        %gather3A_1573 = vector.shape_cast %broadcast_in_dim3A_1572 : vector<16x1xi32> to vector<16xi32>
        %gather3A_1574 = tpu.dynamic_gather %get3A_274[%gather3A_1573] in [0] : vector<16xf32>, vector<16xi32> -> vector<16xf32>
        %broadcast_in_dim3A_1575 = vector.broadcast %add3A_1568 : i32 to vector<16x1xi32>
        %gather3A_1576 = vector.shape_cast %broadcast_in_dim3A_1575 : vector<16x1xi32> to vector<16xi32>
        %gather3A_1577 = tpu.dynamic_gather %get3A_276[%gather3A_1576] in [0] : vector<16xf32>, vector<16xi32> -> vector<16xf32>
        %broadcast_in_dim3A_1578 = vector.broadcast %add3A_1568 : i32 to vector<16x1xi32>
        %gather3A_1579 = vector.shape_cast %broadcast_in_dim3A_1578 : vector<16x1xi32> to vector<16xi32>
        %gather3A_1580 = tpu.dynamic_gather %get3A_278[%gather3A_1579] in [0] : vector<16xf32>, vector<16xi32> -> vector<16xf32>
        %get3A_1581 = arith.index_cast %add3A_1566 : i32 to index
        %get3A_1582 = arith.constant 0 : index
        %get3A_1583 = tpu.vector_load %arg25[%get3A_1581, %get3A_1582] {strides = array<i32>} : memref<512x96xf32, #tpu.memory_space<vmem>>, vector<16xf32>,
        %add3A_1584 = arith.constant 128 : i32
        %add3A_1585 = arith.addi %add3A_1584, %add3A_1566 : i32
        %get3A_1586 = arith.index_cast %add3A_1585 : i32 to index
        %get3A_1587 = arith.constant 0 : index
        %get3A_1588 = tpu.vector_load %arg25[%get3A_1586, %get3A_1587] {strides = array<i32>} : memref<512x96xf32, #tpu.memory_space<vmem>>, vector<16xf32>,
        %add3A_1589 = arith.constant 256 : i32
        %add3A_1590 = arith.addi %add3A_1589, %add3A_1566 : i32
        %get3A_1591 = arith.index_cast %add3A_1590 : i32 to index
        %get3A_1592 = arith.constant 0 : index
        %get3A_1593 = tpu.vector_load %arg25[%get3A_1591, %get3A_1592] {strides = array<i32>} : memref<512x96xf32, #tpu.memory_space<vmem>>, vector<16xf32>,
        %add3A_1594 = arith.constant 384 : i32
        %add3A_1595 = arith.addi %add3A_1594, %add3A_1566 : i32
        %get3A_1596 = arith.index_cast %add3A_1595 : i32 to index
        %get3A_1597 = arith.constant 0 : index
        %get3A_1598 = tpu.vector_load %arg25[%get3A_1596, %get3A_1597] {strides = array<i32>} : memref<512x96xf32, #tpu.memory_space<vmem>>, vector<16xf32>,
        %mul3A_1599 = arith.mulf %gather3A_1571, %get3A_1583 : vector<16xf32>
        %mul3A_1600 = arith.mulf %gather3A_1574, %get3A_1588 : vector<16xf32>
        %add3A_1601 = arith.addf %mul3A_1599, %mul3A_1600 : vector<16xf32>
        %mul3A_1602 = arith.mulf %gather3A_1577, %get3A_1593 : vector<16xf32>
        %mul3A_1603 = arith.mulf %gather3A_1580, %get3A_1598 : vector<16xf32>
        %add3A_1604 = arith.addf %mul3A_1602, %mul3A_1603 : vector<16xf32>
        %add3A_1605 = arith.addf %add3A_1601, %add3A_1604 : vector<16xf32>
        %swap3A_1606 = arith.index_cast %add3A_1566 : i32 to index
        %swap3A_1607 = arith.constant 0 : index
        %swap3A_1608 = tpu.vector_load %arg27[%swap3A_1606, %swap3A_1607] {strides = array<i32>} : memref<128x96xf32, #tpu.memory_space<vmem>>, vector<16xf32>,
        tpu.vector_store %arg27[%swap3A_1606, %swap3A_1607], %add3A_1605 {strides = array<i32>} : memref<128x96xf32, #tpu.memory_space<vmem>>, vector<16xf32>,
        %get3A_1609 = arith.index_cast %add3A_1566 : i32 to index
        %get3A_1610 = arith.constant 16 : index
        %get3A_1611 = tpu.vector_load %arg25[%get3A_1609, %get3A_1610] {strides = array<i32>} : memref<512x96xf32, #tpu.memory_space<vmem>>, vector<16xf32>,
        %add3A_1612 = arith.constant 128 : i32
        %add3A_1613 = arith.addi %add3A_1612, %add3A_1566 : i32
        %get3A_1614 = arith.index_cast %add3A_1613 : i32 to index
        %get3A_1615 = arith.constant 16 : index
        %get3A_1616 = tpu.vector_load %arg25[%get3A_1614, %get3A_1615] {strides = array<i32>} : memref<512x96xf32, #tpu.memory_space<vmem>>, vector<16xf32>,
        %add3A_1617 = arith.constant 256 : i32
        %add3A_1618 = arith.addi %add3A_1617, %add3A_1566 : i32
        %get3A_1619 = arith.index_cast %add3A_1618 : i32 to index
        %get3A_1620 = arith.constant 16 : index
        %get3A_1621 = tpu.vector_load %arg25[%get3A_1619, %get3A_1620] {strides = array<i32>} : memref<512x96xf32, #tpu.memory_space<vmem>>, vector<16xf32>,
        %add3A_1622 = arith.constant 384 : i32
        %add3A_1623 = arith.addi %add3A_1622, %add3A_1566 : i32
        %get3A_1624 = arith.index_cast %add3A_1623 : i32 to index
        %get3A_1625 = arith.constant 16 : index
        %get3A_1626 = tpu.vector_load %arg25[%get3A_1624, %get3A_1625] {strides = array<i32>} : memref<512x96xf32, #tpu.memory_space<vmem>>, vector<16xf32>,
        %mul3A_1627 = arith.mulf %gather3A_1571, %get3A_1611 : vector<16xf32>
        %mul3A_1628 = arith.mulf %gather3A_1574, %get3A_1616 : vector<16xf32>
        %add3A_1629 = arith.addf %mul3A_1627, %mul3A_1628 : vector<16xf32>
        %mul3A_1630 = arith.mulf %gather3A_1577, %get3A_1621 : vector<16xf32>
        %mul3A_1631 = arith.mulf %gather3A_1580, %get3A_1626 : vector<16xf32>
        %add3A_1632 = arith.addf %mul3A_1630, %mul3A_1631 : vector<16xf32>
        %add3A_1633 = arith.addf %add3A_1629, %add3A_1632 : vector<16xf32>
        %swap3A_1634 = arith.index_cast %add3A_1566 : i32 to index
        %swap3A_1635 = arith.constant 16 : index
        %swap3A_1636 = tpu.vector_load %arg27[%swap3A_1634, %swap3A_1635] {strides = array<i32>} : memref<128x96xf32, #tpu.memory_space<vmem>>, vector<16xf32>,
        tpu.vector_store %arg27[%swap3A_1634, %swap3A_1635], %add3A_1633 {strides = array<i32>} : memref<128x96xf32, #tpu.memory_space<vmem>>, vector<16xf32>,
        %get3A_1637 = arith.index_cast %add3A_1566 : i32 to index
        %get3A_1638 = arith.constant 32 : index
        %get3A_1639 = tpu.vector_load %arg25[%get3A_1637, %get3A_1638] {strides = array<i32>} : memref<512x96xf32, #tpu.memory_space<vmem>>, vector<16xf32>,
        %add3A_1640 = arith.constant 128 : i32
        %add3A_1641 = arith.addi %add3A_1640, %add3A_1566 : i32
        %get3A_1642 = arith.index_cast %add3A_1641 : i32 to index
        %get3A_1643 = arith.constant 32 : index
        %get3A_1644 = tpu.vector_load %arg25[%get3A_1642, %get3A_1643] {strides = array<i32>} : memref<512x96xf32, #tpu.memory_space<vmem>>, vector<16xf32>,
        %add3A_1645 = arith.constant 256 : i32
        %add3A_1646 = arith.addi %add3A_1645, %add3A_1566 : i32
        %get3A_1647 = arith.index_cast %add3A_1646 : i32 to index
        %get3A_1648 = arith.constant 32 : index
        %get3A_1649 = tpu.vector_load %arg25[%get3A_1647, %get3A_1648] {strides = array<i32>} : memref<512x96xf32, #tpu.memory_space<vmem>>, vector<16xf32>,
        %add3A_1650 = arith.constant 384 : i32
        %add3A_1651 = arith.addi %add3A_1650, %add3A_1566 : i32
        %get3A_1652 = arith.index_cast %add3A_1651 : i32 to index
        %get3A_1653 = arith.constant 32 : index
        %get3A_1654 = tpu.vector_load %arg25[%get3A_1652, %get3A_1653] {strides = array<i32>} : memref<512x96xf32, #tpu.memory_space<vmem>>, vector<16xf32>,
        %mul3A_1655 = arith.mulf %gather3A_1571, %get3A_1639 : vector<16xf32>
        %mul3A_1656 = arith.mulf %gather3A_1574, %get3A_1644 : vector<16xf32>
        %add3A_1657 = arith.addf %mul3A_1655, %mul3A_1656 : vector<16xf32>
        %mul3A_1658 = arith.mulf %gather3A_1577, %get3A_1649 : vector<16xf32>
        %mul3A_1659 = arith.mulf %gather3A_1580, %get3A_1654 : vector<16xf32>
        %add3A_1660 = arith.addf %mul3A_1658, %mul3A_1659 : vector<16xf32>
        %add3A_1661 = arith.addf %add3A_1657, %add3A_1660 : vector<16xf32>
        %swap3A_1662 = arith.index_cast %add3A_1566 : i32 to index
        %swap3A_1663 = arith.constant 32 : index
        %swap3A_1664 = tpu.vector_load %arg27[%swap3A_1662, %swap3A_1663] {strides = array<i32>} : memref<128x96xf32, #tpu.memory_space<vmem>>, vector<16xf32>,
        tpu.vector_store %arg27[%swap3A_1662, %swap3A_1663], %add3A_1661 {strides = array<i32>} : memref<128x96xf32, #tpu.memory_space<vmem>>, vector<16xf32>,
        %get3A_1665 = arith.index_cast %add3A_1566 : i32 to index
        %get3A_1666 = arith.constant 48 : index
        %get3A_1667 = tpu.vector_load %arg25[%get3A_1665, %get3A_1666] {strides = array<i32>} : memref<512x96xf32, #tpu.memory_space<vmem>>, vector<16xf32>,
        %add3A_1668 = arith.constant 128 : i32
        %add3A_1669 = arith.addi %add3A_1668, %add3A_1566 : i32
        %get3A_1670 = arith.index_cast %add3A_1669 : i32 to index
        %get3A_1671 = arith.constant 48 : index
        %get3A_1672 = tpu.vector_load %arg25[%get3A_1670, %get3A_1671] {strides = array<i32>} : memref<512x96xf32, #tpu.memory_space<vmem>>, vector<16xf32>,
        %add3A_1673 = arith.constant 256 : i32
        %add3A_1674 = arith.addi %add3A_1673, %add3A_1566 : i32
        %get3A_1675 = arith.index_cast %add3A_1674 : i32 to index
        %get3A_1676 = arith.constant 48 : index
        %get3A_1677 = tpu.vector_load %arg25[%get3A_1675, %get3A_1676] {strides = array<i32>} : memref<512x96xf32, #tpu.memory_space<vmem>>, vector<16xf32>,
        %add3A_1678 = arith.constant 384 : i32
        %add3A_1679 = arith.addi %add3A_1678, %add3A_1566 : i32
        %get3A_1680 = arith.index_cast %add3A_1679 : i32 to index
        %get3A_1681 = arith.constant 48 : index
        %get3A_1682 = tpu.vector_load %arg25[%get3A_1680, %get3A_1681] {strides = array<i32>} : memref<512x96xf32, #tpu.memory_space<vmem>>, vector<16xf32>,
        %mul3A_1683 = arith.mulf %gather3A_1571, %get3A_1667 : vector<16xf32>
        %mul3A_1684 = arith.mulf %gather3A_1574, %get3A_1672 : vector<16xf32>
        %add3A_1685 = arith.addf %mul3A_1683, %mul3A_1684 : vector<16xf32>
        %mul3A_1686 = arith.mulf %gather3A_1577, %get3A_1677 : vector<16xf32>
        %mul3A_1687 = arith.mulf %gather3A_1580, %get3A_1682 : vector<16xf32>
        %add3A_1688 = arith.addf %mul3A_1686, %mul3A_1687 : vector<16xf32>
        %add3A_1689 = arith.addf %add3A_1685, %add3A_1688 : vector<16xf32>
        %swap3A_1690 = arith.index_cast %add3A_1566 : i32 to index
        %swap3A_1691 = arith.constant 48 : index
        %swap3A_1692 = tpu.vector_load %arg27[%swap3A_1690, %swap3A_1691] {strides = array<i32>} : memref<128x96xf32, #tpu.memory_space<vmem>>, vector<16xf32>,
        tpu.vector_store %arg27[%swap3A_1690, %swap3A_1691], %add3A_1689 {strides = array<i32>} : memref<128x96xf32, #tpu.memory_space<vmem>>, vector<16xf32>,
        %get3A_1693 = arith.index_cast %add3A_1566 : i32 to index
        %get3A_1694 = arith.constant 64 : index
        %get3A_1695 = tpu.vector_load %arg25[%get3A_1693, %get3A_1694] {strides = array<i32>} : memref<512x96xf32, #tpu.memory_space<vmem>>, vector<16xf32>,
        %add3A_1696 = arith.constant 128 : i32
        %add3A_1697 = arith.addi %add3A_1696, %add3A_1566 : i32
        %get3A_1698 = arith.index_cast %add3A_1697 : i32 to index
        %get3A_1699 = arith.constant 64 : index
        %get3A_1700 = tpu.vector_load %arg25[%get3A_1698, %get3A_1699] {strides = array<i32>} : memref<512x96xf32, #tpu.memory_space<vmem>>, vector<16xf32>,
        %add3A_1701 = arith.constant 256 : i32
        %add3A_1702 = arith.addi %add3A_1701, %add3A_1566 : i32
        %get3A_1703 = arith.index_cast %add3A_1702 : i32 to index
        %get3A_1704 = arith.constant 64 : index
        %get3A_1705 = tpu.vector_load %arg25[%get3A_1703, %get3A_1704] {strides = array<i32>} : memref<512x96xf32, #tpu.memory_space<vmem>>, vector<16xf32>,
        %add3A_1706 = arith.constant 384 : i32
        %add3A_1707 = arith.addi %add3A_1706, %add3A_1566 : i32
        %get3A_1708 = arith.index_cast %add3A_1707 : i32 to index
        %get3A_1709 = arith.constant 64 : index
        %get3A_1710 = tpu.vector_load %arg25[%get3A_1708, %get3A_1709] {strides = array<i32>} : memref<512x96xf32, #tpu.memory_space<vmem>>, vector<16xf32>,
        %mul3A_1711 = arith.mulf %gather3A_1571, %get3A_1695 : vector<16xf32>
        %mul3A_1712 = arith.mulf %gather3A_1574, %get3A_1700 : vector<16xf32>
        %add3A_1713 = arith.addf %mul3A_1711, %mul3A_1712 : vector<16xf32>
        %mul3A_1714 = arith.mulf %gather3A_1577, %get3A_1705 : vector<16xf32>
        %mul3A_1715 = arith.mulf %gather3A_1580, %get3A_1710 : vector<16xf32>
        %add3A_1716 = arith.addf %mul3A_1714, %mul3A_1715 : vector<16xf32>
        %add3A_1717 = arith.addf %add3A_1713, %add3A_1716 : vector<16xf32>
        %swap3A_1718 = arith.index_cast %add3A_1566 : i32 to index
        %swap3A_1719 = arith.constant 64 : index
        %swap3A_1720 = tpu.vector_load %arg27[%swap3A_1718, %swap3A_1719] {strides = array<i32>} : memref<128x96xf32, #tpu.memory_space<vmem>>, vector<16xf32>,
        tpu.vector_store %arg27[%swap3A_1718, %swap3A_1719], %add3A_1717 {strides = array<i32>} : memref<128x96xf32, #tpu.memory_space<vmem>>, vector<16xf32>,
        %get3A_1721 = arith.index_cast %add3A_1566 : i32 to index
        %get3A_1722 = arith.constant 80 : index
        %get3A_1723 = tpu.vector_load %arg25[%get3A_1721, %get3A_1722] {strides = array<i32>} : memref<512x96xf32, #tpu.memory_space<vmem>>, vector<16xf32>,
        %add3A_1724 = arith.constant 128 : i32
        %add3A_1725 = arith.addi %add3A_1724, %add3A_1566 : i32
        %get3A_1726 = arith.index_cast %add3A_1725 : i32 to index
        %get3A_1727 = arith.constant 80 : index
        %get3A_1728 = tpu.vector_load %arg25[%get3A_1726, %get3A_1727] {strides = array<i32>} : memref<512x96xf32, #tpu.memory_space<vmem>>, vector<16xf32>,
        %add3A_1729 = arith.constant 256 : i32
        %add3A_1730 = arith.addi %add3A_1729, %add3A_1566 : i32
        %get3A_1731 = arith.index_cast %add3A_1730 : i32 to index
        %get3A_1732 = arith.constant 80 : index
        %get3A_1733 = tpu.vector_load %arg25[%get3A_1731, %get3A_1732] {strides = array<i32>} : memref<512x96xf32, #tpu.memory_space<vmem>>, vector<16xf32>,
        %add3A_1734 = arith.constant 384 : i32
        %add3A_1735 = arith.addi %add3A_1734, %add3A_1566 : i32
        %get3A_1736 = arith.index_cast %add3A_1735 : i32 to index
        %get3A_1737 = arith.constant 80 : index
        %get3A_1738 = tpu.vector_load %arg25[%get3A_1736, %get3A_1737] {strides = array<i32>} : memref<512x96xf32, #tpu.memory_space<vmem>>, vector<16xf32>,
        %mul3A_1739 = arith.mulf %gather3A_1571, %get3A_1723 : vector<16xf32>
        %mul3A_1740 = arith.mulf %gather3A_1574, %get3A_1728 : vector<16xf32>
        %add3A_1741 = arith.addf %mul3A_1739, %mul3A_1740 : vector<16xf32>
        %mul3A_1742 = arith.mulf %gather3A_1577, %get3A_1733 : vector<16xf32>
        %mul3A_1743 = arith.mulf %gather3A_1580, %get3A_1738 : vector<16xf32>
        %add3A_1744 = arith.addf %mul3A_1742, %mul3A_1743 : vector<16xf32>
        %add3A_1745 = arith.addf %add3A_1741, %add3A_1744 : vector<16xf32>
        %swap3A_1746 = arith.index_cast %add3A_1566 : i32 to index
        %swap3A_1747 = arith.constant 80 : index
        %swap3A_1748 = tpu.vector_load %arg27[%swap3A_1746, %swap3A_1747] {strides = array<i32>} : memref<128x96xf32, #tpu.memory_space<vmem>>, vector<16xf32>,
        tpu.vector_store %arg27[%swap3A_1746, %swap3A_1747], %add3A_1745 {strides = array<i32>} : memref<128x96xf32, #tpu.memory_space<vmem>>, vector<16xf32>,
      }
      %scan3A_256 = arith.constant 16 : i32
      %mul3A_257 = arith.constant 128 : i32
      %mul3A_258 = arith.muli %add3A_110, %mul3A_257 : i32
      %add3A_259 = arith.addi %mul3A_2, %mul3A_258 : i32
      %dma_start3A_260 = arith.constant 0 : i32
      %dma_start3A_261 = tpu.memref_slice %arg5[%add3A_259, %dma_start3A_260] : memref<294912x96xf32, #tpu.memory_space<hbm>> -> memref<128x96xf32, #tpu.memory_space<hbm>>
      %dma_start3A_262 = arith.constant 0 : i32
      %dma_start3A_263 = tpu.memref_slice %arg5[%add3A_259, %dma_start3A_262] : memref<294912x96xf32, #tpu.memory_space<hbm>> -> memref<128x96xf32, #tpu.memory_space<hbm>>
      tpu.enqueue_dma source(%arg27 : memref<128x96xf32, #tpu.memory_space<vmem>>) target(%dma_start3A_263 : memref<128x96xf32, #tpu.memory_space<hbm>>) target_semaphore(%arg31 : memref<!tpu.dma_semaphore, #tpu.memory_space<semaphore_mem>>)
    }
    %scan3A_94 = arith.constant 36 : i32
    %add3A_95 = arith.constant 8960 : i32
    %add3A_96 = arith.addi %mul3A_2, %add3A_95 : i32
    %dma_wait3A = arith.constant 0 : i32
    %dma_wait3A_97 = tpu.memref_slice %arg5[%add3A_96, %dma_wait3A] : memref<294912x96xf32, #tpu.memory_space<hbm>> -> memref<128x96xf32, #tpu.memory_space<hbm>>
    %dma_wait3A_98 = arith.constant 0 : i32
    %dma_wait3A_99 = tpu.memref_slice %arg5[%add3A_96, %dma_wait3A_98] : memref<294912x96xf32, #tpu.memory_space<hbm>> -> memref<128x96xf32, #tpu.memory_space<hbm>>
    tpu.wait_dma2 semaphore(%arg30 : memref<!tpu.dma_semaphore, #tpu.memory_space<semaphore_mem>>) src(%arg26 : memref<128x96xf32, #tpu.memory_space<vmem>>) dst(%dma_wait3A_99 : memref<128x96xf32, #tpu.memory_space<hbm>>)
    %add3A_100 = arith.constant 9088 : i32
    %add3A_101 = arith.addi %mul3A_2, %add3A_100 : i32
    %dma_wait3A_102 = arith.constant 0 : i32
    %dma_wait3A_103 = tpu.memref_slice %arg5[%add3A_101, %dma_wait3A_102] : memref<294912x96xf32, #tpu.memory_space<hbm>> -> memref<128x96xf32, #tpu.memory_space<hbm>>
    %dma_wait3A_104 = arith.constant 0 : i32
    %dma_wait3A_105 = tpu.memref_slice %arg5[%add3A_101, %dma_wait3A_104] : memref<294912x96xf32, #tpu.memory_space<hbm>> -> memref<128x96xf32, #tpu.memory_space<hbm>>
    tpu.wait_dma2 semaphore(%arg31 : memref<!tpu.dma_semaphore, #tpu.memory_space<semaphore_mem>>) src(%arg27 : memref<128x96xf32, #tpu.memory_space<vmem>>) dst(%dma_wait3A_105 : memref<128x96xf32, #tpu.memory_space<hbm>>)
    return
  }
}

</mosaic_0001>

<sc_bundles>
// kernel: kernel.3.cloned.1.call-start
scs
__scs_entry_jumppad:
0x0: {  	(pc) =	sbr.rel $0x88, $3  }
0x1: {  	(tag) =	ssettag $0x0;
	lr =	simm.s32 $0x1  }
0x2: {  	[smem:$0x3F9F] =	sst lr;
	_ =	strace $0xD0000000  }
0x3: {  	_ = 	snop  }
0x4: {  	_ = 	snop  }
0x5: {  	_ = 	snop  }
0x6: {  	_ = 	snop  }
0x7: {  	_ = 	snop  }
__scs_overlays_trampoline_lowered:
0x8: {  	[smem:$0x3FAE] =	sst s0  }
0x9: {  	[smem:$0x3FAF] =	sst s1  }
0xa: {  	[smem:$0x3FB0] =	sst s2  }
0xb: {  	[smem:$0x3FB1] =	sst s3  }
0xc: {  	[smem:$0x3FB2] =	sst s4  }
0xd: {  	[smem:$0x3FB3] =	sst s5  }
0xe: {  	[smem:$0x3FB4] =	sst s6  }
0xf: {  	[smem:$0x3FB5] =	sst s7  }
0x10: {  	[smem:$0x3FB6] =	sst s8  }
0x11: {  	[smem:$0x3FB7] =	sst s9;
	s0 =	simm.s32 @!p0 $0x0  }
0x12: {  	s1 =	sld [smem:$0x3F9D];
	s0 =	simm.s32 @p0 $0x1  }
0x13: {  	[smem:$0x3FB8] =	sst s0;
	s0 =	simm.s32 @!p1 $0x0  }
0x14: {  	s2 =	sld [smem:$0x3F9C];
	s0 =	simm.s32 @p1 $0x1  }
0x15: {  	[smem:$0x3FB9] =	sst s0;
	s0 =	simm.s32 @!p2 $0x0  }
0x16: {  	s3 =	sld [smem:$0x3FDB];
	s0 =	simm.s32 @p2 $0x1  }
0x17: {  	s4 =	simm.s32 $0x1BF5;
	[smem:$0x3FBB] =	sst s0  }
0x18: {  	s0 =	sld [smem:$0x3F9E];
	_ =	swait.ge [sflag:s4], $0x0  }
0x19: {  	s7 =	sld [smem:$0x3F9F]  }
0x1a: {  	s8 =	sadd.s32 $0xFFFFE003, lr  }
0x1b: {  	s9 =	sadd.s32 $0xFFFFFEF7, lr;
	s5 =	simm.s32 $0xFFFFFFFF;
	p2 =	slt.u32 s8, $0xFFFFF086  }
0x1c: {  	p1 =	slt.u32 s9, $0xF7A;
	s5 =	simm.s32 @!p2 $0x0  }
0x1d: {  	s5 =	simm.s32 @p1 $0x1;
	p0 =	seq.s32 s7, s2  }
0x1e: {  	s7 =	smul.u32 @!p0 $0xF7A, s2;
	p2 =	seq.s32 @!p0 s5, $0x0  }
0x1f: {  	s9 =	smul.u32 $0xF7A, s1;
	s8 =	simm.s32 @!p0 $0x1BF5;
	p2 =	por !p2, p0  }
0x20: {  	[sflag:s8] =	ssyncset.s32 @!p0 $0xFFFFF086;
	s6 =	sadd.s32 @!p0 s3, s7;
	s7 =	simm.s32 @!p0 $0x108  }
0x21: {  	s3 =	sadd.s32 s3, s9;
	s6 =	sadd.s32 @!p0 $0x88, s6;
	s7 =	simm.s32 @p2 $0x1082  }
0x22: {  	[simem:s7], [sflag:s8] =	dma.local @!p0 [hbm:s6], $0xF7A  }
0x23: {  	s9 =	sor.u32 $0xD0000000, s2;
	s6 =	simm.s32 $0x108;
	_ =	swait.ge @!p0 [sflag:s8], $0x0  }
0x24: {  	s3 =	sadd.s32 $0x88, s3;
	s6 =	simm.s32 @!p1 $0x1082;
	[sflag:s4] =	ssyncset.s32 $0xFFFFF086  }
0x25: {  	[simem:s6], [sflag:s4] =	dma.local [hbm:s3], $0xF7A  }
0x26: {  	[smem:$0x3F9F] =	sst s1;
	(tag) =	ssettag s2;
	_ =	strace s9  }
0x27: {  	s1 =	sld [smem:$0x3FAF]  }
0x28: {  	s2 =	sld [smem:$0x3FB0]  }
0x29: {  	s4 =	sld [smem:$0x3FB2]  }
0x2a: {  	p0 =	seq.s32 s5, $0x0;
	s5 =	sld [smem:$0x3FB3]  }
0x2b: {  	s6 =	sld [smem:$0x3FB4]  }
0x2c: {  	s7 =	sld [smem:$0x3FB5]  }
0x2d: {  	s3 =	simm.s32 $0x108;
	s8 =	sld [smem:$0x3FB6]  }
0x2e: {  	s3 =	simm.s32 @!p0 $0x1082;
	s9 =	sld [smem:$0x3FB7]  }
0x2f: {  	lr =	sadd.s32 s0, s3;
	s0 =	sld [smem:$0x3FAE]  }
0x30: {  	s3 =	sld [smem:$0x3FB1]  }
0x31: {  	[smem:$0x3FBA] =	sst s10  }
0x32: {  	s10 =	sld [smem:$0x3FB8];
	_ =	sdelay $0x3  }
0x33: {  	p0 =	seq.s32 s10, $0x1;
	s10 =	sld [smem:$0x3FBA];
	_ =	sdelay $0x3  }
0x34: {  	[smem:$0x3FBA] =	sst s10  }
0x35: {  	s10 =	sld [smem:$0x3FB9];
	_ =	sdelay $0x3  }
0x36: {  	p1 =	seq.s32 s10, $0x1;
	s10 =	sld [smem:$0x3FBA];
	_ =	sdelay $0x3  }
0x37: {  	[smem:$0x3FBA] =	sst s10  }
0x38: {  	s10 =	sld [smem:$0x3FBB]  }
0x39: {  	_ = 	snop;
	(pc) =	sbr.ind lr, $3  }
0x3a: {  	_ = 	snop  }
0x3b: {  	_ = 	snop  }
0x3c: {  	p2 =	seq.s32 s10, $0x1;
	s10 =	sld [smem:$0x3FBA]  }
0x3d: {  	_ =	shalt  }
0x3e: {  	_ =	shalt  }
0x3f: {  	_ =	shalt  }
0x40: {  	_ =	shalt  }
0x41: {  	_ =	shalt  }
0x42: {  	_ =	shalt  }
0x43: {  	_ =	shalt  }
0x44: {  	_ =	shalt  }
0x45: {  	_ =	shalt  }
0x46: {  	_ =	shalt  }
0x47: {  	_ =	shalt  }
0x48: {  	_ =	shalt  }
0x49: {  	_ =	shalt  }
0x4a: {  	_ =	shalt  }
0x4b: {  	_ =	shalt  }
0x4c: {  	_ =	shalt  }
0x4d: {  	_ =	shalt  }
0x4e: {  	_ =	shalt  }
0x4f: {  	_ =	shalt  }
0x50: {  	_ =	shalt  }
0x51: {  	_ =	shalt  }
0x52: {  	_ =	shalt  }
0x53: {  	_ =	shalt  }
0x54: {  	_ =	shalt  }
0x55: {  	_ =	shalt  }
0x56: {  	_ =	shalt  }
0x57: {  	_ =	shalt  }
0x58: {  	_ =	shalt  }
0x59: {  	_ =	shalt  }
0x5a: {  	_ =	shalt  }
0x5b: {  	_ =	shalt  }
0x5c: {  	_ =	shalt  }
0x5d: {  	_ =	shalt  }
0x5e: {  	_ =	shalt  }
0x5f: {  	_ =	shalt  }
0x60: {  	_ =	shalt  }
0x61: {  	_ =	shalt  }
0x62: {  	_ =	shalt  }
0x63: {  	_ =	shalt  }
0x64: {  	_ =	shalt  }
0x65: {  	_ =	shalt  }
0x66: {  	_ =	shalt  }
0x67: {  	_ =	shalt  }
0x68: {  	_ =	shalt  }
0x69: {  	_ =	shalt  }
0x6a: {  	_ =	shalt  }
0x6b: {  	_ =	shalt  }
0x6c: {  	_ =	shalt  }
0x6d: {  	_ =	shalt  }
0x6e: {  	_ =	shalt  }
0x6f: {  	_ =	shalt  }
0x70: {  	_ =	shalt  }
0x71: {  	_ =	shalt  }
0x72: {  	_ =	shalt  }
0x73: {  	_ =	shalt  }
0x74: {  	_ =	shalt  }
0x75: {  	_ =	shalt  }
0x76: {  	_ =	shalt  }
0x77: {  	_ =	shalt  }
0x78: {  	_ =	shalt  }
0x79: {  	_ =	shalt  }
0x7a: {  	_ =	shalt  }
0x7b: {  	_ =	shalt  }
0x7c: {  	_ =	shalt  }
0x7d: {  	_ =	shalt  }
0x7e: {  	_ =	shalt  }
0x7f: {  	_ =	shalt  }
0x80: {  	_ =	shalt  }
0x81: {  	_ =	shalt  }
0x82: {  	_ =	shalt  }
0x83: {  	_ =	shalt  }
0x84: {  	_ =	shalt  }
0x85: {  	_ =	shalt  }
0x86: {  	_ =	shalt  }
0x87: {  	_ =	shalt  }
.Lfunc_end0:
.L_simem_size_0:
called_computation.1_lowered:
.L_overlay_start_0:
0x88: {  	s2 =	sld [smem:$0x3FD9]  }
0x89: {  	s3 =	sld [smem:$0x3FFE];
	_ =	sdelay $0x1  }
0x8a: {  	s1 =	srdreg.scid  }
0x8b: {  	s0 =	sand.u32 $0x1, s1  }
0x8c: {  	s17 =	sshll.u32 s0, $0xA;
	s2 =	sadd.s32 s3, s2  }
0x8d: {  	s2 =	sadd.s32 s2, s17  }
0x8e: {  	[smem:$0x3FC6] =	sst s2  }
0x8f: {  	_ = 	snop  }
0x90: {  	s2 =	sld [smem:$0x3FD0];
	(tm) =	ssettm $0x1  }
0x91: {  	s18 =	sld [smem:$0x3FFB];
	_ =	sdelay $0x3  }
0x92: {  	_ =	strace s18  }
0x93: {  	s3 =	sld [smem:$0x3FFC];
	_ =	sdelay $0x3  }
0x94: {  	_ =	strace s3  }
0x95: {  	s3 =	sld [smem:$0x3FFD];
	_ =	sdelay $0x3  }
0x96: {  	_ =	strace s3  }
0x97: {  	_ =	strace $0x8FFFFFFF  }
0x98: {  	s19 =	sld [smem:$0x3FDB];
	_ =	sdelay $0x1  }
0x99: {  	s4 =	simm.s32 $_scs_section_size  }
0x9a: {  	s5 =	simm.s32 $_size__tile_overlayer_lowered;
	s6 =	simm.s32 $_tile_overlayer_lowered  }
0x9b: {  	s22 =	simm.s32 $0x1BFF;
	s21 =	sshll.u32 s6, $0x1;
	s3 =	sadd.s32 s4, s19  }
0x9c: {  	s7 =	simm.s32 $0x0;
	s20 =	sshll.u32 s5, $0x1;
	s5 =	sadd.s32 s21, s3  }
0x9d: {  	[timem:s7], [sflag:s22] =	dma.local [hbm:s5], s20  }
0x9e: {  	_ =	swait.ge [sflag:s22], s20  }
0x9f: {  	s4 =	ssub.s32 $0x0, s20;
	[sflag:s22] =	ssyncset.done $0x0  }
0xa0: {  	[sflag:s22] =	ssyncadd.s32 s4;
	_ =	sdelay $0x1  }
0xa1: {  	s23 =	simm.s32 $0x1B8B  }
0xa2: {  	_ =	swait.ge [sflag:s23], $0x1  }
0xa3: {  	[sflag:s23] =	ssyncset.done $0x0  }
0xa4: {  	s25 =	simm.s32 $0x1B8E;
	s24 =	sld [smem:$0x3FFE];
	[sflag:s23] =	ssyncadd.s32 $0xFFFFFFFF  }
0xa5: {  	s26 =	simm.s32 $execute0_lowered;
	[smem:$0x3FD2] =	sst s25  }
0xa6: {  	s5 =	sshll.u32 s26, $0x1;
	_ =	strace $0x80000046;
	[dreg:$0x1] =	wrdreg $0xFFFFFFFF  }
0xa7: {  	s28 =	simm.s32 $_size_execute0_lowered;
	s3 =	sadd.s32 s3, s5;
	[dreg:$0x0] =	wrdreg $0x0  }
0xa8: {  	s5 =	sshll.u32 s28, $0x1;
	[dreg:$0x2] =	wrdreg s3  }
0xa9: {  	[dreg:$0x3] =	wrdreg s5  }
0xaa: {  	[dreg:$0x4] =	wrdreg $0xC0  }
0xab: {  	_ =	task [dreg:s7], $0x5FFFF  }
0xac: {  	[dreg:$0x1] =	wrdreg $0xFFFFFFFF  }
0xad: {  	[dreg:$0x0] =	wrdreg $0x60  }
0xae: {  	[dreg:$0x2] =	wrdreg s2  }
0xaf: {  	[dreg:$0x3] =	wrdreg s24  }
0xb0: {  	[dreg:$0x4] =	wrdreg $0x9  }
0xb1: {  	_ =	task.clear_ibuf [dreg:s7], $0x5FFFF;
	_ =	strace $0x90000046  }
0xb2: {  	s29 =	simm.s32 $0x9;
	_ =	strace $0x80000048  }
0xb3: {  	_ =	swait.ge [sflag:s29], $0x1  }
0xb4: {  	[sflag:s29] =	ssyncadd.s32 $0xFFFFFFFF  }
0xb5: {  	_ =	strace $0x90000048  }
0xb6: {  	_ =	sfence  }
0xb7: {  	s30 =	sld [smem:$0x0];
	_ =	sdelay $0x2  }
0xb8: {  	s31 =	sshll.u32 s1, $0xD;
	s1 =	sshrl.u32 s1, $0x2  }
0xb9: {  	s3 =	sand.u32 $0x4000, s31;
	s1 =	sadd.s32 s1, s30  }
0xba: {  	s0 =	sor.u32 s3, s0;
	s1 =	sshll.u32 s1, $0x11  }
0xbb: {  	s0 =	sor.u32 s1, s0  }
0xbc: {  	s0 =	sadd.s32 $0x8F2B, s0  }
0xbd: {  	[sflag:s0] =	ssyncadd.remote.s32 $0x1  }
0xbe: {  	_ =	sfence.sel $0xFFFF  }
0xbf: {  	[dreg:$0x0] =	wrdreg $0xFFFFFFFF;
	(pc) =	sbr.abs _section_cstart, $3  }
0xc0: {  	[dreg:$0x1] =	wrdreg $0xFFFFFFFF  }
0xc1: {  	_ =	task.clear_ibuf [dreg:s7], $0x2FFFF;
	_ =	strace $0x9FFFFFFF  }
0xc2: {  	(tm) =	ssettm $0x7FFFFFFF  }
0xc3: {  	_ =	shalt  }
tec
execute0_lowered:
.L_overlay_start_1:
0x0: {  	(tag) =	ssettag $0x1  }
0x1: {  	s1 =	rddreg [dreg:$0x0]  }
0x2: {  	s0 =	rddreg [dreg:$0x1]  }
0x3: {  	s3 =	simm.s32 $0x0;
	s2 =	srdreg.scid;
	s10 =	stileid.u32  }
0x4: {  	s19 =	simm.s32 $0x80;
	s20 =	simm.s32 $0x100;
	s21 =	simm.s32 $0x180  }
0x5: {  	s11 =	simm.s32 $0x12A00;
	s13 =	simm.s32 $0x15A00;
	s14 =	simm.s32 $0x1  }
0x6: {  	s17 =	simm.s32 $0x18A00;
	s18 =	simm.s32 $0x2;
	[smem:$0x7FF] =	sst s3  }
0x7: {  	s2 =	sand.u32 $0x1, s2;
	s5 =	sshll.u32 s10, $0x1;
	s4 =	sadd.s32 $0x9C00, s0  }
0x8: {  	s7 =	sadd.s32 $0x12C00, s0;
	s23 =	sshrl.u32 s10, $0x3;
	s10 =	simm.s32 $0x500  }
0x9: {  	s8 =	ssub.s32 $0x2, s2;
	s2 =	sor.u32 s2, s5;
	s12 =	smul.u32 $0x24000, s23  }
0xa: {  	_ =	strace $0x80000047;
	s9 =	sshrl.u32 s8, $0x1;
	s6 =	smul.u32 $0x2400, s2  }
0xb: {  	s5 =	sadd.s32 $0xC00, s0;
	s2 =	sand.u32 $0xF, s2;
	s22 =	ssub.s32 s8, s9  }
0xc: {  	s8 =	smul.u32 $0x18, s2;
	v1 =	vmov s12;
	s12 =	simm.s32 $0x580;
	s31 =	sor.u32 $0x200, s6  }
0xd: {  	s24 =	sshrl.u32 s6, $0x3;
	s0 =	smax.u32 s22, $0x1;
	[dreg:$0x9] =	wrdreg s31  }
0xe: {  	s15 =	sor.u32 $0x180, s6;
	s25 =	sadd.s32 s4, s24;
	[dreg:$0xa] =	wrdreg s0  }
0xf: {  	s26 =	sor.u32 $0x10, s24;
	s28 =	sadd.s32 s5, s24;
	v0 =	vmov s8;
	[dreg:$0x3] =	wrdreg s25  }
0x10: {  	s22 =	simm.s32 $0x1BA00;
	[dreg:$0x4] =	wrdreg s28;
	s29 =	sadd.s32 s4, s26;
	v0 =	vcvt.s32.f32 v0  }
0x11: {  	s2 =	sor.u32 $0x20, s24;
	s9 =	sadd.s32 s5, s26;
	[dreg:$0x5] =	wrdreg s29  }
0x12: {  	s0 =	simm.s32 $0xCA00;
	s30 =	sadd.s32 s4, s2;
	[dreg:$0x6] =	wrdreg s9;
	v3 =	vbroadcast v0, $0x0  }
0x13: {  	s24 =	simm.s32 $0x0;
	s2 =	sadd.s32 s5, s2;
	[dreg:$0x7] =	wrdreg s30;
	v0 =	vadd.s32 $0xFFFFFE80, v1  }
0x14: {  	v18 =	vlaneseq.u32;
	v41 =	vimm.s32 $0x0;
	[dreg:$0x8] =	wrdreg s2;
	s2 =	simm.s32 $0x480;
	s9 =	simm.s32 $0xFA00;
	v1 =	vbroadcast v0, $0x0;
	[tilespmem:$0x1FFF0] =	vst v3  }
.LBB2_1:
0x15: {  	[dreg:$0xb] =	wrdreg s24  }
0x16: {  	s16 =	rddreg [dreg:$0x3];
	s23 =	simm.s32 $0x5  }
0x17: {  	[tilespmem:s3], [sflag:$0x5] =	stream.linear.gather [hbm4b:s16+s3], $0x80, $0x38;
	[tilespmem:$0x1EA00] =	vst v63  }
0x18: {  	_ =	swait.ge [sflag:s23], $0x80  }
0x19: {  	[sflag:s23] =	ssyncset.done $0x0  }
0x1a: {  	s29 =	rddreg [dreg:$0x4];
	[sflag:s23] =	ssyncadd.s32 $0xFFFFFF80  }
0x1b: {  	[tilespmem:s19], [sflag:$0x5] =	stream.linear.gather [hbm4b:s29+s3], $0x80, $0x38;
	[tilespmem:$0x1EA00] =	vst v63  }
0x1c: {  	_ =	swait.ge [sflag:s23], $0x80  }
0x1d: {  	[sflag:s23] =	ssyncset.done $0x0  }
0x1e: {  	s30 =	rddreg [dreg:$0x5];
	[sflag:s23] =	ssyncadd.s32 $0xFFFFFF80  }
0x1f: {  	[tilespmem:s20], [sflag:$0x5] =	stream.linear.gather [hbm4b:s30+s3], $0x80, $0x38;
	[tilespmem:$0x1EA00] =	vst v63  }
0x20: {  	_ =	swait.ge [sflag:s23], $0x80  }
0x21: {  	[sflag:s23] =	ssyncset.done $0x0  }
0x22: {  	s31 =	rddreg [dreg:$0x6];
	[sflag:s23] =	ssyncadd.s32 $0xFFFFFF80  }
0x23: {  	[tilespmem:s21], [sflag:$0x5] =	stream.linear.gather [hbm4b:s31+s3], $0x80, $0x38;
	[tilespmem:$0x1EA00] =	vst v63  }
0x24: {  	_ =	swait.ge [sflag:s23], $0x80  }
0x25: {  	[sflag:s23] =	ssyncset.done $0x0  }
0x26: {  	[sflag:s23] =	ssyncadd.s32 $0xFFFFFF80;
	s23 =	simm.s32 $0x0  }
0x27: {  	v0 =	vld [tilespmem:s23+$0x0]  }
0x28: {  	v2 =	vld [tilespmem:s23+$0x80]  }
0x29: {  	v4 =	vor.u32 s3, v18  }
0x2a: {  	v4 =	vcvt.s32.f32 v4;
	_ =	sdelay $0x1  }
0x2b: {  	v0 =	vadd.f32 v4, v0  }
0x2c: {  	v2 =	vadd.f32 v2, v3  }
0x2d: {  	v5 =	vadd.f32 $1.000000000e+00, v0  }
0x2e: {  	v6 =	vadd.f32 $1.000000000e+00, v2  }
0x2f: {  	v0 =	vtrunc.f32 v5  }
0x30: {  	v4 =	vtrunc.f32 v6;
	v2 =	vcvt.f32.s32 v0  }
0x31: {  	vm0 =	vlt.f32 v5, v0;
	v7 =	vcvt.f32.s32 v4;
	vm1 =	vlt.f32 v6, v4  }
0x32: {  	v0 =	vsel vm0, $0xFFFFFFFF, v41;
	v4 =	vsel vm1, $0xFFFFFFFF, v41  }
0x33: {  	v0 =	vadd.s32 v2, v0;
	v2 =	vadd.s32 v7, v4  }
0x34: {  	v4 =	vadd.s32 $0x1, v0;
	v7 =	vadd.s32 $0x1, v2;
	vm0 =	vgt.s32 v2, $0x1  }
0x35: {  	vm1 =	vgt.s32 v4, $0x0;
	vm2 =	vgt.s32 v7, $0x0;
	v8 =	vnsel vm0, $0x1, v2  }
0x36: {  	vm0 =	vgt.s32 v0, $0x1;
	v4 =	vnsel vm1, $0x0, v4;
	v7 =	vnsel vm2, $0x0, v7  }
0x37: {  	v8 =	vmin.u32 v8, $0x180;
	v4 =	vmin.u32 v4, $0x181;
	v7 =	vmin.u32 v7, $0x181  }
0x38: {  	v15 =	vnsel vm0, $0x1, v0;
	v9 =	vcvt.s32.f32 v4;
	v10 =	vcvt.s32.f32 v7  }
0x39: {  	v7 =	vmax.u32 v7, $0x1;
	v14 =	vmax.u32 v4, $0x1;
	v4 =	vmul.u32 $0x180, v8  }
0x3a: {  	v11 =	vmin.u32 v7, $0x180;
	v9 =	vsub.f32 v9, v5;
	v7 =	vsub.f32 v10, v6  }
0x3b: {  	v8 =	vadd.s32 $0xFFFFFFFF, v2;
	v14 =	vmin.u32 v14, $0x180;
	v6 =	vmul.u32 $0x180, v11  }
0x3c: {  	s24 =	simm.s32 $0x10;
	v11 =	vadd.s32 $0xFFFFFFFF, v0;
	v12 =	vsub.f32 $1.000000000e+00, v9;
	v13 =	vsub.f32 $1.000000000e+00, v7  }
0x3d: {  	s25 =	simm.s32 $0x80;
	s26 =	simm.s32 $0x0;
	v10 =	vld [tilespmem:s24+$0x0];
	vm0 =	vlt.u32 v11, $0x180;
	v11 =	vmin.u32 v15, $0x180;
	v5 =	vmul.f32 v7, v9  }
.LBB2_2:
0x3e: {  	p0 =	sne.s32 s25, $0x1C0;
	v15 =	vld [tilespmem:s24+$0x80];
	v16 =	vmul.f32 v13, v12;
	vm1 =	vlt.u32 v0, $0x180;
	vm2 =	vlt.u32 v2, $0x180;
	s26 =	sadd.s32 $0x10, s26  }
0x3f: {  	v2 =	vmul.f32 v13, v9;
	v0 =	vor.u32 s26, v18;
	vm3 =	vmand vm1, vm2  }
0x40: {  	v7 =	vmul.f32 v7, v12;
	v0 =	vcvt.s32.f32 v0;
	v9 =	vnsel vm3, $0x0, v16  }
0x41: {  	v6 =	vadd.s32 v6, v1;
	vm3 =	vlt.u32 v8, $0x180;
	v8 =	vadd.s32 $0xFFFFFFFF, v14;
	[tilespmem:s23+$0x780] =	vst v9  }
0x42: {  	v4 =	vadd.s32 v4, v1;
	v9 =	vadd.s32 $0xFFFFFFFF, v11;
	v0 =	vadd.f32 v0, v10  }
0x43: {  	vm4 =	vmand vm0, vm3;
	vm0 =	vmand vm2, vm0;
	v10 =	vadd.f32 v15, v3  }
0x44: {  	v11 =	vadd.f32 $1.000000000e+00, v0;
	v0 =	vnsel vm0, $0x0, v2;
	vm0 =	vmand vm1, vm3  }
0x45: {  	v2 =	vnsel vm4, $0x0, v5;
	v10 =	vadd.f32 $1.000000000e+00, v10;
	v5 =	vnsel vm0, $0x0, v7;
	[tilespmem:s23+$0x680] =	vst v0  }
0x46: {  	v7 =	vadd.s32 v9, v6;
	v6 =	vadd.s32 v8, v6;
	v0 =	vtrunc.f32 v11;
	[tilespmem:s23+$0x700] =	vst v5  }
0x47: {  	v8 =	vadd.s32 v8, v4;
	v5 =	vcvt.f32.s32 v0;
	v12 =	vtrunc.f32 v10;
	[tilespmem:s23+$0x600] =	vst v2  }
0x48: {  	vm0 =	vlt.f32 v11, v0;
	v2 =	vcvt.f32.s32 v12;
	vm1 =	vlt.f32 v10, v12;
	[tilespmem:s23+$0x280] =	vst v7  }
0x49: {  	v4 =	vadd.s32 v9, v4;
	v0 =	vsel vm0, $0xFFFFFFFF, v41;
	v7 =	vsel vm1, $0xFFFFFFFF, v41;
	[tilespmem:s23+$0x380] =	vst v6  }
0x4a: {  	v0 =	vadd.s32 v5, v0;
	v2 =	vadd.s32 v2, v7;
	[tilespmem:s23+$0x300] =	vst v8  }
0x4b: {  	v5 =	vadd.s32 $0x1, v0;
	v6 =	vadd.s32 $0x1, v2;
	vm0 =	vgt.s32 v2, $0x1;
	[tilespmem:s23+$0x200] =	vst v4;
	s23 =	smov.u32 s24  }
0x4c: {  	vm1 =	vgt.s32 v5, $0x0;
	vm2 =	vgt.s32 v6, $0x0;
	v4 =	vnsel vm0, $0x1, v2  }
0x4d: {  	v5 =	vnsel vm1, $0x0, v5;
	v6 =	vnsel vm2, $0x0, v6;
	v4 =	vmin.u32 v4, $0x180  }
0x4e: {  	vm0 =	vgt.s32 v0, $0x1;
	v5 =	vmin.u32 v5, $0x181;
	v6 =	vmin.u32 v6, $0x181  }
0x4f: {  	v7 =	vcvt.s32.f32 v5;
	v8 =	vcvt.s32.f32 v6;
	v6 =	vmax.u32 v6, $0x1  }
.Ltmp0:
0x50: {  	v14 =	vmax.u32 v5, $0x1;
	v4 =	vmul.u32 $0x180, v4;
	v5 =	vmin.u32 v6, $0x180;
	(pc) =	sbr.rel @p0 .LBB2_2-.Ltmp0, $4  }
0x51: {  	v9 =	vsub.f32 v7, v11;
	v7 =	vsub.f32 v8, v10;
	v6 =	vmul.u32 $0x180, v5  }
0x52: {  	v15 =	vnsel vm0, $0x1, v0;
	v11 =	vadd.s32 $0xFFFFFFFF, v0;
	v8 =	vadd.s32 $0xFFFFFFFF, v2  }
0x53: {  	s24 =	sshra.s32 s25, $0x2;
	v12 =	vsub.f32 $1.000000000e+00, v9;
	v13 =	vsub.f32 $1.000000000e+00, v7;
	v5 =	vmul.f32 v7, v9  }
0x54: {  	s25 =	sadd.s32 $0x40, s25;
	v14 =	vmin.u32 v14, $0x180;
	vm0 =	vlt.u32 v11, $0x180;
	v11 =	vmin.u32 v15, $0x180;
	v10 =	vld [tilespmem:s24+$0x0]  }
0x55: {  	v15 =	vld [tilespmem:s24+$0x80];
	v16 =	vmul.f32 v13, v12;
	s16 =	sadd.s32 $0x10, s26;
	vm1 =	vlt.u32 v0, $0x180;
	vm2 =	vlt.u32 v2, $0x180  }
0x56: {  	v2 =	vmul.f32 v13, v9;
	v7 =	vmul.f32 v7, v12;
	v0 =	vor.u32 s16, v18  }
0x57: {  	vm15 =	vlt.u32 v8, $0x180;
	v35 =	vadd.s32 $0xFFFFFFFF, v14;
	v0 =	vcvt.s32.f32 v0  }
0x58: {  	v6 =	vadd.s32 v6, v1;
	v36 =	vadd.s32 $0xFFFFFFFF, v11;
	v4 =	vadd.s32 v4, v1  }
0x59: {  	vm3 =	vmand vm1, vm2;
	vm2 =	vmand vm2, vm0;
	v0 =	vadd.f32 v0, v10  }
0x5a: {  	vm4 =	vmand vm0, vm15;
	vm1 =	vmand vm1, vm15;
	v37 =	vadd.f32 v15, v3  }
0x5b: {  	v43 =	vadd.s32 v36, v6;
	v6 =	vadd.s32 v35, v6;
	v0 =	vadd.f32 $1.000000000e+00, v0  }
0x5c: {  	v8 =	vadd.s32 v35, v4;
	v4 =	vadd.s32 v36, v4;
	v11 =	vadd.f32 $1.000000000e+00, v37  }
0x5d: {  	v34 =	vnsel vm3, $0x0, v16;
	v2 =	vnsel vm2, $0x0, v2;
	v38 =	vtrunc.f32 v0  }
0x5e: {  	v39 =	vcvt.f32.s32 v38;
	v40 =	vtrunc.f32 v11;
	vm5 =	vlt.f32 v0, v38  }
0x5f: {  	v42 =	vcvt.f32.s32 v40;
	vm6 =	vlt.f32 v11, v40;
	v44 =	vsel vm5, $0xFFFFFFFF, v41  }
0x60: {  	v5 =	vnsel vm4, $0x0, v5;
	v16 =	vsel vm6, $0xFFFFFFFF, v41;
	v13 =	vadd.s32 v39, v44  }
0x61: {  	v7 =	vnsel vm1, $0x0, v7;
	v12 =	vadd.s32 v42, v16;
	v15 =	vadd.s32 $0x1, v13  }
0x62: {  	vm10 =	vgt.s32 v13, $0x1;
	v50 =	vadd.s32 $0xFFFFFFFF, v13;
	vm12 =	vlt.u32 v13, $0x180  }
0x63: {  	v16 =	vadd.s32 $0x1, v12;
	vm7 =	vgt.s32 v15, $0x0;
	vm9 =	vgt.s32 v12, $0x1  }
0x64: {  	v51 =	vadd.s32 $0xFFFFFFFF, v12;
	vm8 =	vgt.s32 v16, $0x0;
	v45 =	vnsel vm7, $0x0, v15  }
0x65: {  	v53 =	vnsel vm10, $0x1, v13;
	v46 =	vnsel vm8, $0x0, v16;
	v10 =	vmin.u32 v45, $0x181  }
0x66: {  	[tilespmem:s23+$0x280] =	vst v43;
	vm13 =	vlt.u32 v12, $0x180;
	v15 =	vmin.u32 v46, $0x181;
	v17 =	vcvt.s32.f32 v10  }
0x67: {  	[tilespmem:s23+$0x380] =	vst v6;
	vm11 =	vlt.u32 v50, $0x180;
	vm14 =	vmand vm12, vm13;
	v3 =	vcvt.s32.f32 v15  }
0x68: {  	[tilespmem:s23+$0x300] =	vst v8;
	vm15 =	vlt.u32 v51, $0x180;
	vm2 =	vmand vm13, vm11;
	v0 =	vsub.f32 v17, v0  }
0x69: {  	[tilespmem:s23+$0x200] =	vst v4;
	v16 =	vnsel vm9, $0x1, v12;
	vm1 =	vmand vm12, vm15;
	v48 =	vsub.f32 v3, v11  }
0x6a: {  	[tilespmem:s23+$0x780] =	vst v34;
	vm0 =	vmand vm11, vm15;
	v16 =	vmin.u32 v16, $0x180;
	v52 =	vsub.f32 $1.000000000e+00, v0  }
0x6b: {  	[tilespmem:s23+$0x680] =	vst v2;
	v49 =	vmul.u32 $0x180, v16;
	v16 =	vsub.f32 $1.000000000e+00, v48;
	v54 =	vmul.f32 v48, v0  }
0x6c: {  	[tilespmem:s23+$0x700] =	vst v7;
	v10 =	vmax.u32 v10, $0x1;
	v47 =	vmax.u32 v15, $0x1;
	v56 =	vmul.f32 v48, v52  }
0x6d: {  	[tilespmem:s23+$0x600] =	vst v5;
	v2 =	vmin.u32 v47, $0x180;
	v0 =	vmul.f32 v16, v0;
	v61 =	vnsel vm0, $0x0, v54  }
0x6e: {  	v2 =	vmul.u32 $0x180, v2;
	v55 =	vmul.f32 v16, v52;
	v60 =	vnsel vm1, $0x0, v56;
	[tilespmem:s24+$0x600] =	vst v61  }
0x6f: {  	v58 =	vmin.u32 v53, $0x180;
	v59 =	vmin.u32 v10, $0x180;
	v0 =	vnsel vm2, $0x0, v0;
	[tilespmem:s24+$0x700] =	vst v60  }
0x70: {  	v57 =	vnsel vm14, $0x0, v55;
	[tilespmem:s24+$0x680] =	vst v0;
	v0 =	vadd.s32 v2, v1;
	v2 =	vadd.s32 $0xFFFFFFFF, v58  }
0x71: {  	v4 =	vadd.s32 $0xFFFFFFFF, v59;
	[tilespmem:s24+$0x780] =	vst v57;
	v62 =	vadd.s32 v2, v0  }
0x72: {  	v63 =	vadd.s32 v49, v1;
	v0 =	vadd.s32 v4, v0;
	[tilespmem:s24+$0x280] =	vst v62  }
0x73: {  	v4 =	vadd.s32 v4, v63;
	[tilespmem:s24+$0x380] =	vst v0  }
0x74: {  	v0 =	vadd.s32 v2, v63;
	[tilespmem:s24+$0x300] =	vst v4  }
0x75: {  	s30 =	simm.s32 $0x200;
	s31 =	simm.s32 $0xA00;
	[tilespmem:s24+$0x200] =	vst v0  }
0x76: {  	[tilespmem:s31], [sflag:$0x1] =	stream.indirect.gather [hbm4b:s1+s19], $0x60, s30, s19, $0xb8;
	[tilespmem:$0x1EA00] =	vst v63  }
0x77: {  	s23 =	simm.s32 $0x280;
	s24 =	simm.s32 $0x3A00  }
0x78: {  	[tilespmem:s24], [sflag:$0x1] =	stream.indirect.gather [hbm4b:s1+s19], $0x60, s23, s19, $0xb8;
	[tilespmem:$0x1EA00] =	vst v63  }
0x79: {  	s25 =	simm.s32 $0x300;
	s26 =	simm.s32 $0x6A00  }
0x7a: {  	[tilespmem:s26], [sflag:$0x1] =	stream.indirect.gather [hbm4b:s1+s19], $0x60, s25, s19, $0xb8;
	[tilespmem:$0x1EA00] =	vst v63  }
0x7b: {  	s28 =	simm.s32 $0x380;
	s29 =	simm.s32 $0x9A00  }
0x7c: {  	[tilespmem:s29], [sflag:$0x1] =	stream.indirect.gather [hbm4b:s1+s19], $0x60, s28, s19, $0xb8;
	[tilespmem:$0x1EA00] =	vst v63  }
0x7d: {  	s30 =	rddreg [dreg:$0x7];
	s23 =	simm.s32 $0x0  }
0x7e: {  	[tilespmem:s23], [sflag:$0x1] =	stream.linear.gather [hbm4b:s30+s23], $0x80, $0x38;
	[tilespmem:$0x1EA00] =	vst v63  }
0x7f: {  	s31 =	rddreg [dreg:$0x8]  }
0x80: {  	[tilespmem:s19], [sflag:$0x1] =	stream.linear.gather [hbm4b:s31+s23], $0x80, $0x38;
	[tilespmem:$0x1EA00] =	vst v63  }
.LBB2_4:
0x81: {  	s24 =	sshllo.u32 s23, $0x1  }
0x82: {  	s16 =	smul.u32 $0xAB, s24;
	_ =	sdelay $0x1  }
0x83: {  	s16 =	sshrl.u32 s16, $0x9  }
0x84: {  	s16 =	sand.u32 $0x7F, s16  }
0x85: {  	s25 =	smul.u32 $0x3, s16;
	_ =	sdelay $0x1  }
0x86: {  	s25 =	ssub.s32 s24, s25  }
0x87: {  	s26 =	simm.s32 $0x0;
	s25 =	sand.u32 $0xFF, s25  }
0x88: {  	v0 =	vld [tilespmem:s26+$0x100];
	s16 =	sadd.s32 s16, s8;
	s29 =	sshll.u32 s25, $0x7  }
0x89: {  	v5 =	vld [tilespmem:s26+$0x180];
	v2 =	vmov s16;
	s31 =	sadd.s32 $0x0, s29  }
0x8a: {  	v2 =	vcvt.s32.f32 v2;
	v4 =	vor.u32 s31, v18  }
0x8b: {  	v6 =	vcvt.s32.f32 v4  }
0x8c: {  	v4 =	vbroadcast v2, $0x0  }
0x8d: {  	v0 =	vadd.f32 v6, v0  }
0x8e: {  	v2 =	vadd.f32 v5, v4  }
0x8f: {  	v6 =	vadd.f32 $1.000000000e+00, v0  }
0x90: {  	v7 =	vadd.f32 $1.000000000e+00, v2  }
0x91: {  	v0 =	vtrunc.f32 v6  }
0x92: {  	v5 =	vtrunc.f32 v7;
	v2 =	vcvt.f32.s32 v0  }
0x93: {  	vm0 =	vlt.f32 v6, v0;
	v8 =	vcvt.f32.s32 v5;
	vm1 =	vlt.f32 v7, v5  }
0x94: {  	v0 =	vsel vm0, $0xFFFFFFFF, v41;
	v5 =	vsel vm1, $0xFFFFFFFF, v41  }
0x95: {  	v0 =	vadd.s32 v2, v0;
	v2 =	vadd.s32 v8, v5  }
0x96: {  	v5 =	vadd.s32 $0x1, v0;
	v8 =	vadd.s32 $0x1, v2;
	vm0 =	vgt.s32 v2, $0x1  }
0x97: {  	vm1 =	vgt.s32 v5, $0x0;
	vm2 =	vgt.s32 v8, $0x0;
	v9 =	vnsel vm0, $0x1, v2  }
0x98: {  	vm0 =	vgt.s32 v0, $0x1;
	v5 =	vnsel vm1, $0x0, v5;
	v8 =	vnsel vm2, $0x0, v8  }
0x99: {  	v9 =	vmin.u32 v9, $0x180;
	v5 =	vmin.u32 v5, $0x181;
	v8 =	vmin.u32 v8, $0x181  }
0x9a: {  	v16 =	vnsel vm0, $0x1, v0;
	v10 =	vcvt.s32.f32 v5;
	v11 =	vcvt.s32.f32 v8  }
0x9b: {  	v8 =	vmax.u32 v8, $0x1;
	v15 =	vmax.u32 v5, $0x1;
	v5 =	vmul.u32 $0x180, v9  }
0x9c: {  	v12 =	vmin.u32 v8, $0x180;
	v10 =	vsub.f32 v10, v6;
	v8 =	vsub.f32 v11, v7  }
0x9d: {  	v9 =	vadd.s32 $0xFFFFFFFF, v2;
	v15 =	vmin.u32 v15, $0x180;
	v7 =	vmul.u32 $0x180, v12  }
0x9e: {  	s28 =	simm.s32 $0x10;
	v12 =	vadd.s32 $0xFFFFFFFF, v0;
	v13 =	vsub.f32 $1.000000000e+00, v10;
	v14 =	vsub.f32 $1.000000000e+00, v8  }
0x9f: {  	s30 =	simm.s32 $0x80;
	s16 =	simm.s32 $0x10;
	s25 =	sshll.u32 s23, $0x1;
	v11 =	vld [tilespmem:s28+$0x100];
	vm0 =	vlt.u32 v12, $0x180;
	v12 =	vmin.u32 v16, $0x180;
	v6 =	vmul.f32 v8, v10  }
.LBB2_5:
0xa0: {  	p0 =	sne.s32 s30, $0x1C0;
	s31 =	sadd.s32 s29, s16;
	v16 =	vld [tilespmem:s28+$0x180];
	v17 =	vmul.f32 v14, v13;
	vm1 =	vlt.u32 v0, $0x180;
	vm2 =	vlt.u32 v2, $0x180  }
0xa1: {  	v2 =	vmul.f32 v14, v10;
	v0 =	vor.u32 s31, v18;
	vm3 =	vmand vm1, vm2  }
0xa2: {  	v8 =	vmul.f32 v8, v13;
	v0 =	vcvt.s32.f32 v0;
	v10 =	vnsel vm3, $0x0, v17  }
0xa3: {  	v7 =	vadd.s32 v7, v1;
	vm3 =	vlt.u32 v9, $0x180;
	v9 =	vadd.s32 $0xFFFFFFFF, v15;
	[tilespmem:s26+$0x980] =	vst v10  }
0xa4: {  	v5 =	vadd.s32 v5, v1;
	v10 =	vadd.s32 $0xFFFFFFFF, v12;
	v0 =	vadd.f32 v0, v11  }
0xa5: {  	vm4 =	vmand vm0, vm3;
	vm0 =	vmand vm2, vm0;
	v11 =	vadd.f32 v16, v4  }
0xa6: {  	v12 =	vadd.f32 $1.000000000e+00, v0;
	v0 =	vnsel vm0, $0x0, v2;
	vm0 =	vmand vm1, vm3  }
0xa7: {  	v2 =	vnsel vm4, $0x0, v6;
	v11 =	vadd.f32 $1.000000000e+00, v11;
	v6 =	vnsel vm0, $0x0, v8;
	[tilespmem:s26+$0x880] =	vst v0  }
0xa8: {  	v8 =	vadd.s32 v10, v7;
	v7 =	vadd.s32 v9, v7;
	v0 =	vtrunc.f32 v12;
	[tilespmem:s26+$0x900] =	vst v6  }
0xa9: {  	v9 =	vadd.s32 v9, v5;
	v6 =	vcvt.f32.s32 v0;
	v13 =	vtrunc.f32 v11;
	[tilespmem:s26+$0x800] =	vst v2  }
0xaa: {  	vm0 =	vlt.f32 v12, v0;
	v2 =	vcvt.f32.s32 v13;
	vm1 =	vlt.f32 v11, v13;
	[tilespmem:s26+$0x480] =	vst v8  }
0xab: {  	v5 =	vadd.s32 v10, v5;
	v0 =	vsel vm0, $0xFFFFFFFF, v41;
	v8 =	vsel vm1, $0xFFFFFFFF, v41;
	[tilespmem:s26+$0x580] =	vst v7  }
0xac: {  	v0 =	vadd.s32 v6, v0;
	v2 =	vadd.s32 v2, v8;
	[tilespmem:s26+$0x500] =	vst v9  }
0xad: {  	v6 =	vadd.s32 $0x1, v0;
	v7 =	vadd.s32 $0x1, v2;
	vm0 =	vgt.s32 v2, $0x1;
	[tilespmem:s26+$0x400] =	vst v5;
	s26 =	smov.u32 s28  }
0xae: {  	vm1 =	vgt.s32 v6, $0x0;
	vm2 =	vgt.s32 v7, $0x0;
	v5 =	vnsel vm0, $0x1, v2  }
0xaf: {  	v6 =	vnsel vm1, $0x0, v6;
	v7 =	vnsel vm2, $0x0, v7;
	v5 =	vmin.u32 v5, $0x180  }
0xb0: {  	vm0 =	vgt.s32 v0, $0x1;
	v6 =	vmin.u32 v6, $0x181;
	v7 =	vmin.u32 v7, $0x181  }
0xb1: {  	v8 =	vcvt.s32.f32 v6;
	v9 =	vcvt.s32.f32 v7;
	v7 =	vmax.u32 v7, $0x1  }
.Ltmp1:
0xb2: {  	v15 =	vmax.u32 v6, $0x1;
	v5 =	vmul.u32 $0x180, v5;
	v6 =	vmin.u32 v7, $0x180;
	(pc) =	sbr.rel @p0 .LBB2_5-.Ltmp1, $4  }
0xb3: {  	v10 =	vsub.f32 v8, v12;
	v8 =	vsub.f32 v9, v11;
	v7 =	vmul.u32 $0x180, v6  }
0xb4: {  	v16 =	vnsel vm0, $0x1, v0;
	v12 =	vadd.s32 $0xFFFFFFFF, v0;
	v9 =	vadd.s32 $0xFFFFFFFF, v2  }
0xb5: {  	s28 =	sshra.s32 s30, $0x2;
	v13 =	vsub.f32 $1.000000000e+00, v10;
	v14 =	vsub.f32 $1.000000000e+00, v8;
	v6 =	vmul.f32 v8, v10  }
0xb6: {  	s16 =	sadd.s32 $0x10, s16;
	s30 =	sadd.s32 $0x40, s30;
	v15 =	vmin.u32 v15, $0x180;
	vm0 =	vlt.u32 v12, $0x180;
	v12 =	vmin.u32 v16, $0x180;
	v11 =	vld [tilespmem:s28+$0x100]  }
0xb7: {  	s16 =	sadd.s32 s29, s16;
	v16 =	vld [tilespmem:s28+$0x180];
	v17 =	vmul.f32 v14, v13;
	vm1 =	vlt.u32 v0, $0x180;
	vm2 =	vlt.u32 v2, $0x180  }
0xb8: {  	v2 =	vmul.f32 v14, v10;
	v8 =	vmul.f32 v8, v13;
	v0 =	vor.u32 s16, v18  }
0xb9: {  	vm15 =	vlt.u32 v9, $0x180;
	v35 =	vadd.s32 $0xFFFFFFFF, v15;
	v0 =	vcvt.s32.f32 v0  }
0xba: {  	v7 =	vadd.s32 v7, v1;
	v36 =	vadd.s32 $0xFFFFFFFF, v12;
	v5 =	vadd.s32 v5, v1  }
0xbb: {  	vm3 =	vmand vm1, vm2;
	vm2 =	vmand vm2, vm0;
	v0 =	vadd.f32 v0, v11  }
0xbc: {  	vm4 =	vmand vm0, vm15;
	vm1 =	vmand vm1, vm15;
	v4 =	vadd.f32 v16, v4  }
0xbd: {  	v42 =	vadd.s32 v36, v7;
	v7 =	vadd.s32 v35, v7;
	v0 =	vadd.f32 $1.000000000e+00, v0  }
0xbe: {  	v9 =	vadd.s32 v35, v5;
	v5 =	vadd.s32 v36, v5;
	v4 =	vadd.f32 $1.000000000e+00, v4  }
0xbf: {  	v34 =	vnsel vm3, $0x0, v17;
	v2 =	vnsel vm2, $0x0, v2;
	v37 =	vtrunc.f32 v0  }
0xc0: {  	v38 =	vcvt.f32.s32 v37;
	v39 =	vtrunc.f32 v4;
	vm5 =	vlt.f32 v0, v37  }
0xc1: {  	v40 =	vcvt.f32.s32 v39;
	vm6 =	vlt.f32 v4, v39;
	v43 =	vsel vm5, $0xFFFFFFFF, v41  }
0xc2: {  	v6 =	vnsel vm4, $0x0, v6;
	v44 =	vsel vm6, $0xFFFFFFFF, v41;
	v13 =	vadd.s32 v38, v43  }
0xc3: {  	v8 =	vnsel vm1, $0x0, v8;
	v12 =	vadd.s32 v40, v44;
	v15 =	vadd.s32 $0x1, v13  }
0xc4: {  	vm10 =	vgt.s32 v13, $0x1;
	v51 =	vadd.s32 $0xFFFFFFFF, v13;
	vm12 =	vlt.u32 v13, $0x180  }
0xc5: {  	v16 =	vadd.s32 $0x1, v12;
	vm7 =	vgt.s32 v15, $0x0;
	vm9 =	vgt.s32 v12, $0x1  }
0xc6: {  	v52 =	vadd.s32 $0xFFFFFFFF, v12;
	vm8 =	vgt.s32 v16, $0x0;
	v45 =	vnsel vm7, $0x0, v15  }
0xc7: {  	v55 =	vnsel vm10, $0x1, v13;
	v46 =	vnsel vm8, $0x0, v16;
	v11 =	vmin.u32 v45, $0x181  }
0xc8: {  	[tilespmem:s26+$0x480] =	vst v42;
	vm11 =	vlt.u32 v51, $0x180;
	v15 =	vmin.u32 v46, $0x181;
	v48 =	vcvt.s32.f32 v11  }
0xc9: {  	[tilespmem:s26+$0x580] =	vst v7;
	vm13 =	vlt.u32 v12, $0x180;
	v47 =	vnsel vm9, $0x1, v12;
	v3 =	vcvt.s32.f32 v15  }
0xca: {  	[tilespmem:s26+$0x500] =	vst v9;
	vm14 =	vmand vm12, vm13;
	vm15 =	vlt.u32 v52, $0x180;
	v0 =	vsub.f32 v48, v0  }
0xcb: {  	[tilespmem:s26+$0x400] =	vst v5;
	vm2 =	vmand vm13, vm11;
	v58 =	vmin.u32 v55, $0x180;
	v4 =	vsub.f32 v3, v4  }
0xcc: {  	[tilespmem:s26+$0x980] =	vst v34;
	v16 =	vmin.u32 v47, $0x180;
	vm1 =	vmand vm12, vm15;
	v53 =	vsub.f32 $1.000000000e+00, v0  }
0xcd: {  	[tilespmem:s26+$0x880] =	vst v2;
	vm0 =	vmand vm11, vm15;
	v54 =	vsub.f32 $1.000000000e+00, v4;
	v17 =	vmul.f32 v4, v0  }
0xce: {  	[tilespmem:s26+$0x900] =	vst v8;
	v11 =	vmax.u32 v11, $0x1;
	v50 =	vmul.u32 $0x180, v16;
	v4 =	vmul.f32 v4, v53  }
0xcf: {  	[tilespmem:s26+$0x800] =	vst v6;
	v49 =	vmax.u32 v15, $0x1;
	v56 =	vmul.f32 v54, v53;
	v60 =	vnsel vm0, $0x0, v17  }
0xd0: {  	v2 =	vmin.u32 v49, $0x180;
	v0 =	vmul.f32 v54, v0;
	v4 =	vnsel vm1, $0x0, v4;
	[tilespmem:s28+$0x800] =	vst v60  }
0xd1: {  	v59 =	vmin.u32 v11, $0x180;
	v2 =	vmul.u32 $0x180, v2;
	v57 =	vnsel vm14, $0x0, v56;
	[tilespmem:s28+$0x900] =	vst v4  }
0xd2: {  	v61 =	vadd.s32 $0xFFFFFFFF, v59;
	v63 =	vadd.s32 v50, v1;
	v0 =	vnsel vm2, $0x0, v0;
	[tilespmem:s28+$0x980] =	vst v57  }
0xd3: {  	v4 =	vadd.s32 v61, v63;
	[tilespmem:s28+$0x880] =	vst v0;
	v0 =	vadd.s32 v2, v1;
	v2 =	vadd.s32 $0xFFFFFFFF, v58  }
0xd4: {  	[tilespmem:s28+$0x500] =	vst v4;
	v62 =	vadd.s32 v2, v0  }
0xd5: {  	v0 =	vadd.s32 v61, v0;
	[tilespmem:s28+$0x480] =	vst v62  }
0xd6: {  	[tilespmem:s28+$0x580] =	vst v0;
	v0 =	vadd.s32 v2, v63  }
0xd7: {  	s29 =	simm.s32 $0x400;
	s30 =	smin.u32 s25, $0x44;
	[tilespmem:s28+$0x400] =	vst v0  }
0xd8: {  	[tilespmem:s0], [sflag:$0x2] =	stream.indirect.gather [hbm4b:s1+s19], $0x60, s29, s19, $0xb8;
	[tilespmem:$0x1EA00] =	vst v63  }
0xd9: {  	s16 =	sshll.u32 s30, $0x7  }
0xda: {  	[tilespmem:s9], [sflag:$0x2] =	stream.indirect.gather [hbm4b:s1+s19], $0x60, s2, s19, $0xb8;
	[tilespmem:$0x1EA00] =	vst v63  }
0xdb: {  	s16 =	sadd.s32 s16, s15  }
0xdc: {  	[tilespmem:s11], [sflag:$0x2] =	stream.indirect.gather [hbm4b:s1+s19], $0x60, s10, s19, $0xb8;
	[tilespmem:$0x1EA00] =	vst v63  }
0xdd: {  	s16 =	sshrl.u32 s16, $0x3  }
0xde: {  	[tilespmem:s13], [sflag:$0x2] =	stream.indirect.gather [hbm4b:s1+s19], $0x60, s12, s19, $0xb8;
	[tilespmem:$0x1EA00] =	vst v63  }
0xdf: {  	s31 =	sadd.s32 s4, s16  }
0xe0: {  	[tilespmem:s20], [sflag:$0x2] =	stream.linear.gather [hbm4b:s31+s3], $0x80, $0x38;
	[tilespmem:$0x1EA00] =	vst v63  }
0xe1: {  	s16 =	sadd.s32 s5, s16  }
0xe2: {  	[tilespmem:s21], [sflag:$0x2] =	stream.linear.gather [hbm4b:s16+s3], $0x80, $0x38;
	[tilespmem:$0x1EA00] =	vst v63  }
0xe3: {  	_ =	swait.ge [sflag:s14], $0xC000  }
0xe4: {  	[sflag:s14] =	ssyncset.done $0x0  }
0xe5: {  	[sflag:s14] =	ssyncadd.s32 $0xFFFF4000  }
0xe6: {  	_ =	swait.ge [sflag:s14], $0x100  }
0xe7: {  	p0 =	seq.s32 s23, $0x0;
	[sflag:s14] =	ssyncset.done $0x0  }
0xe8: {  	s16 =	simm.s32 @!p0 $0x3;
	[sflag:s14] =	ssyncadd.s32 $0xFFFFFF00  }
0xe9: {  	_ =	swait.ge @!p0 [sflag:s16], $0x3000  }
0xea: {  	[sflag:s16] =	ssyncset.done @!p0 $0x0  }
0xeb: {  	s26 =	simm.s32 $0x0;
	[sflag:s16] =	ssyncadd.s32 @!p0 $0xFFFFD000  }
.LBB2_7:
0xec: {  	s28 =	smul.u32 $0x300, s26;
	_ =	sdelay $0x1  }
0xed: {  	v0 =	vld [tilespmem:s28+$0xAD0];
	_ =	sdelay $0x4  }
0xee: {  	[tilespmem:$0x1FD70] =	vst v0;
	v0 =	vld [tilespmem:s28+$0x3AD0];
	_ =	sdelay $0x4  }
0xef: {  	[tilespmem:$0x1FD80] =	vst v0;
	v0 =	vld [tilespmem:s28+$0x6AD0];
	_ =	sdelay $0x4  }
0xf0: {  	[tilespmem:$0x1FD90] =	vst v0;
	v0 =	vld [tilespmem:s28+$0x9AD0];
	_ =	sdelay $0x4  }
0xf1: {  	[tilespmem:$0x1FDA0] =	vst v0;
	v0 =	vld [tilespmem:s28+$0xAE0];
	_ =	sdelay $0x4  }
0xf2: {  	[tilespmem:$0x1FDB0] =	vst v0;
	v0 =	vld [tilespmem:s28+$0x3AE0];
	_ =	sdelay $0x3  }
0xf3: {  	s16 =	sshll.u32 s26, $0x3  }
0xf4: {  	s29 =	sand.u32 $0x70, s16;
	[tilespmem:$0x1FDC0] =	vst v0;
	v0 =	vld [tilespmem:s28+$0x6AE0]  }
0xf5: {  	v6 =	vld [tilespmem:s29+$0x600]  }
0xf6: {  	v7 =	vld [tilespmem:s29+$0x680]  }
0xf7: {  	v4 =	vld [tilespmem:s29+$0x700]  }
0xf8: {  	v5 =	vld [tilespmem:s29+$0x780]  }
0xf9: {  	[tilespmem:$0x1FDD0] =	vst v0;
	v0 =	vld [tilespmem:s28+$0x9AE0]  }
0xfa: {  	v2 =	vld [tilespmem:s28+$0xA00]  }
0xfb: {  	v10 =	vld [tilespmem:s28+$0x3A00]  }
0xfc: {  	v11 =	vld [tilespmem:s28+$0x6A00]  }
0xfd: {  	v12 =	vld [tilespmem:s28+$0x9A00]  }
0xfe: {  	[tilespmem:$0x1FDE0] =	vst v0;
	v0 =	vld [tilespmem:s28+$0xAF0]  }
0xff: {  	v13 =	vld [tilespmem:s28+$0xA10]  }
0x100: {  	v16 =	vld [tilespmem:s28+$0x3A10]  }
0x101: {  	v17 =	vld [tilespmem:s28+$0x6A10]  }
0x102: {  	v27 =	vld [tilespmem:s28+$0x9A10]  }
0x103: {  	[tilespmem:$0x1FDF0] =	vst v0;
	v0 =	vld [tilespmem:s28+$0x3AF0]  }
0x104: {  	v32 =	vld [tilespmem:s28+$0xA20]  }
0x105: {  	v35 =	vld [tilespmem:s28+$0x3A20]  }
0x106: {  	v39 =	vld [tilespmem:s28+$0x6A20]  }
0x107: {  	v40 =	vld [tilespmem:s28+$0x9A20]  }
0x108: {  	[tilespmem:$0x1FE00] =	vst v0;
	v0 =	vld [tilespmem:s28+$0x6AF0]  }
0x109: {  	v43 =	vld [tilespmem:s28+$0xA30]  }
0x10a: {  	v44 =	vld [tilespmem:s28+$0x3A30]  }
0x10b: {  	v45 =	vld [tilespmem:s28+$0x6A30]  }
0x10c: {  	v48 =	vld [tilespmem:s28+$0x9A30]  }
0x10d: {  	[tilespmem:$0x1FE10] =	vst v0;
	v0 =	vld [tilespmem:s28+$0x9AF0]  }
0x10e: {  	v61 =	vld [tilespmem:s28+$0xA40]  }
0x10f: {  	v53 =	vld [tilespmem:s28+$0x3A40]  }
0x110: {  	v62 =	vld [tilespmem:s28+$0x6A40]  }
0x111: {  	v36 =	vld [tilespmem:s28+$0x9B00]  }
0x112: {  	[tilespmem:$0x1FE20] =	vst v0;
	v0 =	vld [tilespmem:s28+$0xB00]  }
0x113: {  	v3 =	vld [tilespmem:s28+$0x3B00]  }
0x114: {  	v56 =	vld [tilespmem:s28+$0x9A40]  }
0x115: {  	v57 =	vld [tilespmem:s28+$0xA50]  }
0x116: {  	s29 =	sand.u32 $0x8, s16;
	[tilespmem:$0x1FE60] =	vst v36;
	v36 =	vld [tilespmem:s28+$0xB10]  }
0x117: {  	v18 =	vld [tilespmem:s28+$0x6B00];
	[tilespmem:$0x1FE30] =	vst v0;
	v0 =	vmov s29  }
0x118: {  	v55 =	vld [tilespmem:s28+$0x3A50];
	[tilespmem:$0x1FE40] =	vst v3;
	v3 =	vperm.xlane v6, v0;
	v50 =	vperm.xlane v7, v0  }
0x119: {  	v58 =	vld [tilespmem:s28+$0x6A50];
	v37 =	vperm.xlane v4, v0;
	v0 =	vperm.xlane v5, v0  }
0x11a: {  	v60 =	vld [tilespmem:s28+$0x9A50];
	v2 =	vmul.f32 v2, v3;
	v10 =	vmul.f32 v10, v50  }
0x11b: {  	v59 =	vld [tilespmem:s28+$0xA60];
	[tilespmem:$0x1FE70] =	vst v36;
	v36 =	vmul.f32 v11, v37;
	v12 =	vmul.f32 v12, v0  }
0x11c: {  	v22 =	vld [tilespmem:s28+$0x3A60];
	[tilespmem:$0x1FE50] =	vst v18;
	v18 =	vmul.f32 v13, v3;
	v16 =	vmul.f32 v16, v50  }
0x11d: {  	v24 =	vld [tilespmem:s28+$0x6A60];
	v17 =	vmul.f32 v17, v37;
	v27 =	vmul.f32 v27, v0  }
0x11e: {  	v23 =	vld [tilespmem:s28+$0x9A60];
	v35 =	vmul.f32 v35, v50;
	v2 =	vadd.f32 v10, v2;
	v12 =	vadd.f32 v12, v36  }
0x11f: {  	v28 =	vld [tilespmem:s28+$0xA70];
	v16 =	vadd.f32 v16, v18;
	v18 =	vadd.f32 v27, v17;
	v27 =	vmul.f32 v32, v3  }
0x120: {  	v29 =	vld [tilespmem:s28+$0x3A70]  }
0x121: {  	v2 =	vadd.f32 v12, v2;
	v36 =	vadd.f32 v35, v27;
	v27 =	vmul.f32 v45, v37;
	v45 =	vld [tilespmem:s28+$0xB30]  }
0x122: {  	v30 =	vld [tilespmem:s28+$0x6A70];
	v58 =	vmul.f32 v58, v37;
	v35 =	vmul.f32 v48, v0  }
0x123: {  	v31 =	vld [tilespmem:s28+$0x9A70];
	v12 =	vmul.f32 v40, v0;
	v18 =	vadd.f32 v18, v16;
	[tilespmem:$0x1FF30] =	vst v2;
	v2 =	vmul.f32 v39, v37  }
0x124: {  	v33 =	vld [tilespmem:s28+$0xA80];
	v16 =	vmul.f32 v43, v3;
	v48 =	vadd.f32 v35, v27;
	v27 =	vmul.f32 v61, v3  }
0x125: {  	v34 =	vld [tilespmem:s28+$0x3A80];
	v3 =	vmul.f32 v57, v3;
	v57 =	vmul.f32 v55, v50;
	v2 =	vadd.f32 v12, v2  }
0x126: {  	v38 =	vld [tilespmem:s28+$0x6A80];
	[tilespmem:$0x1FEC0] =	vst v45;
	v45 =	vmul.f32 v56, v0;
	v0 =	vmul.f32 v60, v0  }
0x127: {  	v20 =	vld [tilespmem:s28+$0x9A80];
	s16 =	sor.u32 $0x1, s29;
	[tilespmem:$0x1FF40] =	vst v18;
	v18 =	vmul.f32 v44, v50;
	v35 =	vmul.f32 v53, v50;
	v2 =	vadd.f32 v2, v36  }
0x128: {  	v42 =	vld [tilespmem:s28+$0xA90];
	v61 =	vmov s16;
	v3 =	vadd.f32 v57, v3;
	v0 =	vadd.f32 v0, v58  }
0x129: {  	v21 =	vld [tilespmem:s28+$0x3A90];
	v50 =	vperm.xlane v7, v61;
	v12 =	vadd.f32 v18, v16;
	[tilespmem:$0x1FF50] =	vst v2;
	v2 =	vmul.f32 v62, v37  }
0x12a: {  	v9 =	vld [tilespmem:s28+$0x6A90];
	v18 =	vperm.xlane v4, v61;
	v36 =	vperm.xlane v5, v61;
	v0 =	vadd.f32 v0, v3  }
0x12b: {  	v8 =	vld [tilespmem:s28+$0x9A90];
	v53 =	vadd.f32 v35, v27;
	v37 =	vperm.xlane v6, v61;
	v2 =	vadd.f32 v45, v2  }
0x12c: {  	v14 =	vld [tilespmem:s28+$0xAA0];
	v3 =	vmul.f32 v23, v36;
	[tilespmem:$0x1FF80] =	vst v0;
	v0 =	vmul.f32 v24, v18  }
0x12d: {  	v15 =	vld [tilespmem:s28+$0x3AA0];
	v29 =	vmul.f32 v29, v50;
	v31 =	vmul.f32 v31, v36;
	v2 =	vadd.f32 v2, v53  }
0x12e: {  	v19 =	vld [tilespmem:s28+$0x9AA0];
	v28 =	vmul.f32 v28, v37;
	v0 =	vadd.f32 v3, v0;
	v3 =	vmul.f32 v30, v18  }
0x12f: {  	v26 =	vld [tilespmem:s28+$0x9AB0];
	v27 =	vmul.f32 v22, v50;
	v48 =	vadd.f32 v48, v12;
	[tilespmem:$0x1FF70] =	vst v2;
	v2 =	vmul.f32 v59, v37  }
0x130: {  	v51 =	vld [tilespmem:s28+$0x6AA0];
	v12 =	vadd.f32 v29, v28;
	v3 =	vadd.f32 v31, v3  }
0x131: {  	v44 =	vmul.f32 v34, v50;
	v62 =	vld [tilespmem:s28+$0x6B40];
	v20 =	vmul.f32 v20, v36;
	v2 =	vadd.f32 v27, v2  }
0x132: {  	v25 =	vld [tilespmem:s28+$0x3AB0];
	v8 =	vmul.f32 v8, v36;
	v40 =	vmul.f32 v33, v37;
	v3 =	vadd.f32 v3, v12  }
0x133: {  	v46 =	vld [tilespmem:s28+$0x6AB0];
	v34 =	vmul.f32 v19, v36;
	v53 =	vmul.f32 v38, v18;
	v0 =	vadd.f32 v0, v2  }
0x134: {  	v54 =	vld [tilespmem:s28+$0xAB0];
	v36 =	vmul.f32 v26, v36;
	v61 =	vadd.f32 v44, v40;
	[tilespmem:$0x1FFA0] =	vst v3;
	v3 =	vmul.f32 v9, v18  }
0x135: {  	v20 =	vadd.f32 v20, v53;
	v2 =	vmul.f32 v21, v50;
	[tilespmem:$0x1FF90] =	vst v0;
	v0 =	vmul.f32 v42, v37  }
0x136: {  	v33 =	vmul.f32 v51, v18;
	[tilespmem:$0x1FEF0] =	vst v62;
	v62 =	vmul.f32 v14, v37;
	v3 =	vadd.f32 v8, v3  }
0x137: {  	v12 =	vmul.f32 v15, v50;
	v2 =	vadd.f32 v2, v0;
	v0 =	vadd.f32 v20, v61  }
0x138: {  	v38 =	vadd.f32 v34, v33;
	v14 =	vmul.f32 v25, v50;
	v18 =	vmul.f32 v46, v18  }
0x139: {  	v15 =	vadd.f32 v12, v62;
	[tilespmem:$0x1FFB0] =	vst v0;
	v0 =	vadd.f32 v3, v2;
	v3 =	vmul.f32 v54, v37  }
0x13a: {  	v50 =	vadd.f32 v36, v18  }
0x13b: {  	[tilespmem:$0x1FFC0] =	vst v0;
	v3 =	vadd.f32 v14, v3;
	v0 =	vadd.f32 v38, v15;
	_ =	sdelay $0x1  }
0x13c: {  	[tilespmem:$0x1FFD0] =	vst v0;
	v0 =	vadd.f32 v50, v3;
	_ =	sdelay $0x1  }
0x13d: {  	[tilespmem:$0x1FFE0] =	vst v0;
	v0 =	vld [tilespmem:$0x1FD70]  }
0x13e: {  	s30 =	sor.u32 $0x2, s29  }
0x13f: {  	v37 =	vmov s30  }
0x140: {  	v29 =	vperm.xlane v6, v37;
	_ =	sdelay $0x1  }
0x141: {  	v3 =	vmul.f32 v0, v29;
	v0 =	vld [tilespmem:$0x1FD80];
	_ =	sdelay $0x2  }
0x142: {  	v30 =	vperm.xlane v7, v37;
	_ =	sdelay $0x1  }
0x143: {  	v14 =	vmul.f32 v0, v30;
	v0 =	vld [tilespmem:$0x1FD90];
	_ =	sdelay $0x2  }
0x144: {  	v17 =	vld [tilespmem:s28+$0x6B20];
	v31 =	vperm.xlane v4, v37  }
0x145: {  	v16 =	vld [tilespmem:s28+$0x9B40]  }
0x146: {  	v15 =	vmul.f32 v0, v31;
	v0 =	vld [tilespmem:$0x1FDA0];
	_ =	sdelay $0x2  }
0x147: {  	v33 =	vperm.xlane v5, v37  }
0x148: {  	[tilespmem:$0x1FEB0] =	vst v17;
	v17 =	vld [tilespmem:s28+$0xB50]  }
0x149: {  	[tilespmem:$0x1FF00] =	vst v16;
	v16 =	vmul.f32 v0, v33;
	v0 =	vld [tilespmem:$0x1FDB0];
	_ =	sdelay $0x1  }
0x14a: {  	v47 =	vld [tilespmem:s28+$0xAC0]  }
0x14b: {  	v63 =	vld [tilespmem:s28+$0x3AC0]  }
0x14c: {  	v49 =	vld [tilespmem:s28+$0x6AC0]  }
0x14d: {  	[tilespmem:$0x1FF10] =	vst v17;
	v17 =	vmul.f32 v0, v29;
	v0 =	vld [tilespmem:$0x1FDC0]  }
0x14e: {  	v52 =	vld [tilespmem:s28+$0x9AC0]  }
0x14f: {  	v13 =	vld [tilespmem:s28+$0x6B10]  }
0x150: {  	v11 =	vld [tilespmem:s28+$0x3B10]  }
0x151: {  	v32 =	vld [tilespmem:s28+$0x3B20]  }
0x152: {  	v18 =	vmul.f32 v0, v30;
	v0 =	vld [tilespmem:$0x1FDD0]  }
0x153: {  	v43 =	vld [tilespmem:s28+$0x6B30]  }
0x154: {  	[tilespmem:$0x1FE80] =	vst v13;
	v13 =	vld [tilespmem:s28+$0x9B10]  }
0x155: {  	v39 =	vld [tilespmem:s28+$0x3B30]  }
0x156: {  	v55 =	vld [tilespmem:s28+$0x6B50]  }
0x157: {  	v19 =	vmul.f32 v0, v31;
	v0 =	vld [tilespmem:$0x1FDE0]  }
0x158: {  	[tilespmem:$0x1FEA0] =	vst v32;
	v32 =	vld [tilespmem:s28+$0x9B20]  }
0x159: {  	v57 =	vld [tilespmem:s28+$0x3B50]  }
0x15a: {  	v35 =	vld [tilespmem:s28+$0xB60]  }
0x15b: {  	[tilespmem:$0x1FED0] =	vst v43;
	v43 =	vld [tilespmem:s28+$0x9B30]  }
0x15c: {  	v20 =	vmul.f32 v0, v33;
	v0 =	vld [tilespmem:$0x1FDF0]  }
0x15d: {  	v56 =	vld [tilespmem:s28+$0xB40]  }
0x15e: {  	v60 =	vld [tilespmem:s28+$0x9B60]  }
0x15f: {  	[tilespmem:$0x1FE90] =	vst v13;
	v13 =	vld [tilespmem:s28+$0xB20];
	v3 =	vadd.f32 v14, v3;
	v24 =	vadd.f32 v16, v15  }
0x160: {  	v58 =	vld [tilespmem:s28+$0x3B60]  }
0x161: {  	v28 =	vadd.f32 v24, v3;
	v3 =	vmul.f32 v0, v29;
	v0 =	vld [tilespmem:$0x1FE00]  }
0x162: {  	[tilespmem:$0x1FF60] =	vst v48;
	v48 =	vld [tilespmem:s28+$0xB70]  }
0x163: {  	[tilespmem:$0x1FF20] =	vst v35;
	v35 =	vld [tilespmem:s28+$0x3B70]  }
0x164: {  	v23 =	vld [tilespmem:s28+$0x3B90]  }
0x165: {  	v45 =	vld [tilespmem:s28+$0x3B40]  }
0x166: {  	v50 =	vmul.f32 v0, v30;
	v0 =	vld [tilespmem:$0x1FE10]  }
0x167: {  	[tilespmem:$0x1FEE0] =	vst v56;
	v56 =	vld [tilespmem:s28+$0x6B60]  }
0x168: {  	v51 =	vld [tilespmem:s28+$0x6BA0]  }
0x169: {  	v40 =	vld [tilespmem:s28+$0x9B70]  }
0x16a: {  	v44 =	vld [tilespmem:s28+$0x9B80]  }
0x16b: {  	v9 =	vmul.f32 v63, v30;
	v63 =	vmul.f32 v0, v31;
	v0 =	vld [tilespmem:$0x1FE20]  }
0x16c: {  	v34 =	vld [tilespmem:s28+$0x3BC0]  }
0x16d: {  	v59 =	vld [tilespmem:s28+$0x9B50]  }
0x16e: {  	v53 =	vld [tilespmem:s28+$0x6B70];
	v8 =	vmul.f32 v47, v29  }
0x16f: {  	v27 =	vld [tilespmem:s28+$0xB90]  }
0x170: {  	v22 =	vadd.f32 v9, v8;
	v8 =	vmul.f32 v0, v33;
	v0 =	vld [tilespmem:$0x1FE30]  }
0x171: {  	v62 =	vld [tilespmem:s28+$0x3B80]  }
0x172: {  	v46 =	vld [tilespmem:s28+$0xBA0]  }
0x173: {  	v42 =	vld [tilespmem:s28+$0x3BB0];
	v10 =	vmul.f32 v49, v31;
	v12 =	vmul.f32 v52, v33  }
0x174: {  	v2 =	vld [tilespmem:$0x1FE70]  }
0x175: {  	v25 =	vadd.f32 v12, v10;
	v10 =	vmul.f32 v0, v29;
	v0 =	vld [tilespmem:$0x1FE40]  }
0x176: {  	v36 =	vld [tilespmem:s28+$0x9BA0]  }
0x177: {  	v61 =	vld [tilespmem:s28+$0x6B80]  }
0x178: {  	v54 =	vld [tilespmem:s28+$0xB80]  }
0x179: {  	v9 =	vadd.f32 v8, v63;
	v63 =	vmul.f32 v2, v29;
	v2 =	vld [tilespmem:$0x1FE80]  }
0x17a: {  	v12 =	vmul.f32 v0, v30;
	v0 =	vld [tilespmem:$0x1FE50]  }
0x17b: {  	v37 =	vld [tilespmem:s28+$0xBB0];
	v21 =	vadd.f32 v25, v22;
	v26 =	vadd.f32 v18, v17  }
0x17c: {  	v38 =	vld [tilespmem:s28+$0x6BC0];
	v22 =	vadd.f32 v20, v19;
	v3 =	vadd.f32 v50, v3  }
0x17d: {  	v52 =	vld [tilespmem:s28+$0x6B90]  }
0x17e: {  	v24 =	vadd.f32 v22, v26;
	v26 =	vadd.f32 v9, v3;
	v9 =	vmul.f32 v2, v31;
	v2 =	vld [tilespmem:$0x1FE90]  }
0x17f: {  	v14 =	vmul.f32 v0, v31;
	v0 =	vld [tilespmem:$0x1FE60]  }
0x180: {  	v49 =	vld [tilespmem:s28+$0x9B90]  }
0x181: {  	v47 =	vld [tilespmem:s28+$0x3BA0]  }
0x182: {  	v16 =	vld [tilespmem:s28+$0x9BB0]  }
0x183: {  	v3 =	vadd.f32 v12, v10;
	v10 =	vmul.f32 v2, v33;
	v2 =	vld [tilespmem:$0x1FEA0]  }
0x184: {  	s31 =	sor.u32 $0x3, s29;
	v15 =	vld [tilespmem:s28+$0xBE0];
	v0 =	vmul.f32 v0, v33  }
0x185: {  	v17 =	vld [tilespmem:s28+$0xBC0];
	v8 =	vmul.f32 v11, v30;
	v11 =	vmov s31  }
0x186: {  	v50 =	vld [tilespmem:s28+$0x6BB0];
	v19 =	vperm.xlane v7, v11;
	v0 =	vadd.f32 v0, v14  }
0x187: {  	[tilespmem:s28+$0x18AE0] =	vst v24;
	v24 =	vld [tilespmem:s28+$0x9CA0];
	v22 =	vperm.xlane v6, v11  }
0x188: {  	v31 =	vadd.f32 v0, v3;
	v3 =	vmul.f32 v2, v19;
	v2 =	vld [tilespmem:$0x1FEB0]  }
0x189: {  	v0 =	vmul.f32 v13, v22;
	v13 =	vld [tilespmem:$0x1FED0]  }
0x18a: {  	[tilespmem:s28+$0x18AD0] =	vst v28;
	v28 =	vld [tilespmem:s28+$0x6CB0]  }
0x18b: {  	v30 =	vperm.xlane v5, v11;
	v0 =	vadd.f32 v3, v0;
	v3 =	vld [tilespmem:$0x1FEC0]  }
0x18c: {  	v25 =	vadd.f32 v8, v63;
	v8 =	vld [tilespmem:s28+$0xBF0];
	v29 =	vperm.xlane v4, v11  }
0x18d: {  	v11 =	vld [tilespmem:s28+$0x3BD0];
	v32 =	vmul.f32 v32, v30;
	v43 =	vmul.f32 v43, v30;
	v63 =	vadd.f32 v10, v9  }
0x18e: {  	v12 =	vld [tilespmem:s28+$0x6BE0];
	v9 =	vmul.f32 v2, v29;
	v18 =	vmul.f32 v13, v29  }
0x18f: {  	v39 =	vmul.f32 v39, v19;
	v20 =	vadd.f32 v63, v25;
	v63 =	vld [tilespmem:$0x1FEF0]  }
0x190: {  	v3 =	vmul.f32 v3, v22;
	v25 =	vadd.f32 v32, v9;
	v32 =	vadd.f32 v43, v18;
	v18 =	vld [tilespmem:$0x1FF00]  }
0x191: {  	v10 =	vld [tilespmem:s28+$0x6BD0]  }
0x192: {  	v3 =	vadd.f32 v39, v3;
	v39 =	vld [tilespmem:$0x1FEE0]  }
0x193: {  	v33 =	vld [tilespmem:s28+$0x9BC0]  }
0x194: {  	[tilespmem:s28+$0x18B10] =	vst v20;
	v20 =	vld [tilespmem:s28+$0xCB0]  }
0x195: {  	v43 =	vmul.f32 v63, v29;
	v63 =	vmul.f32 v18, v30;
	v18 =	vadd.f32 v25, v0;
	v0 =	vld [tilespmem:$0x1FF10]  }
0x196: {  	v14 =	vld [tilespmem:s28+$0xBD0]  }
0x197: {  	v45 =	vmul.f32 v45, v19;
	[tilespmem:s28+$0x18B00] =	vst v31;
	v31 =	vld [tilespmem:s28+$0x3CC0];
	v39 =	vmul.f32 v39, v22  }
0x198: {  	v57 =	vmul.f32 v57, v19;
	v2 =	vld [tilespmem:s28+$0x9BD0];
	v25 =	vadd.f32 v32, v3  }
0x199: {  	v13 =	vld [tilespmem:s28+$0x3BE0];
	v3 =	vmul.f32 v55, v29;
	v43 =	vadd.f32 v63, v43;
	v39 =	vadd.f32 v45, v39  }
0x19a: {  	v9 =	vld [tilespmem:s28+$0x9BE0];
	v32 =	vmul.f32 v59, v30;
	v0 =	vmul.f32 v0, v22  }
0x19b: {  	v56 =	vmul.f32 v56, v29;
	v60 =	vmul.f32 v60, v30;
	v45 =	vadd.f32 v43, v39;
	v43 =	vld [tilespmem:$0x1FF20]  }
0x19c: {  	v55 =	vld [tilespmem:s28+$0x3BF0];
	v29 =	vmul.f32 v53, v29;
	v3 =	vadd.f32 v32, v3;
	v0 =	vadd.f32 v57, v0  }
0x19d: {  	s30 =	sor.u32 $0x4, s29;
	v59 =	vld [tilespmem:s28+$0x6BF0];
	v30 =	vmul.f32 v40, v30;
	v63 =	vmul.f32 v58, v19  }
0x19e: {  	v40 =	vld [tilespmem:s28+$0x9C00];
	v39 =	vadd.f32 v3, v0;
	v3 =	vmul.f32 v35, v19;
	v35 =	vmov s30  }
0x19f: {  	v58 =	vld [tilespmem:s28+$0xC00];
	v29 =	vadd.f32 v30, v29;
	v0 =	vmul.f32 v48, v22;
	v53 =	vperm.xlane v6, v35  }
0x1a0: {  	[tilespmem:s28+$0x18B30] =	vst v25;
	v25 =	vld [tilespmem:s28+$0xCC0];
	v32 =	vmul.f32 v43, v22;
	v22 =	vadd.f32 v60, v56;
	v56 =	vperm.xlane v7, v35  }
0x1a1: {  	v57 =	vld [tilespmem:s28+$0x9BF0];
	v0 =	vadd.f32 v3, v0;
	v3 =	vperm.xlane v4, v35;
	v30 =	vmul.f32 v54, v53  }
0x1a2: {  	v48 =	vld [tilespmem:s28+$0x3C00];
	v14 =	vmul.f32 v14, v53;
	v19 =	vadd.f32 v63, v32;
	v63 =	vperm.xlane v5, v35  }
0x1a3: {  	v43 =	vld [tilespmem:s28+$0x6C00];
	v35 =	vmul.f32 v62, v56;
	v29 =	vadd.f32 v29, v0;
	v0 =	vmul.f32 v27, v53  }
0x1a4: {  	v60 =	vld [tilespmem:s28+$0xC10];
	v23 =	vmul.f32 v23, v56;
	v62 =	vmul.f32 v52, v3  }
0x1a5: {  	v54 =	vld [tilespmem:s28+$0x6C10];
	v34 =	vmul.f32 v34, v56;
	v11 =	vmul.f32 v11, v56;
	v19 =	vadd.f32 v22, v19  }
0x1a6: {  	v32 =	vld [tilespmem:s28+$0x3C10];
	v22 =	vmul.f32 v61, v3;
	v44 =	vmul.f32 v44, v63;
	v30 =	vadd.f32 v35, v30  }
0x1a7: {  	v27 =	vld [tilespmem:s28+$0xC20];
	v49 =	vmul.f32 v49, v63;
	v0 =	vadd.f32 v23, v0;
	v35 =	vmul.f32 v46, v53  }
0x1a8: {  	v52 =	vld [tilespmem:s28+$0x3C20];
	v36 =	vmul.f32 v36, v63;
	v16 =	vmul.f32 v16, v63;
	v22 =	vadd.f32 v44, v22  }
0x1a9: {  	v61 =	vld [tilespmem:s28+$0x9C10];
	v33 =	vmul.f32 v33, v63;
	v2 =	vmul.f32 v2, v63;
	v23 =	vadd.f32 v49, v62  }
0x1aa: {  	v46 =	vld [tilespmem:s28+$0xC40];
	v11 =	vadd.f32 v11, v14;
	v62 =	vmul.f32 v47, v56;
	v22 =	vadd.f32 v22, v30  }
0x1ab: {  	v63 =	vld [tilespmem:$0x1FF30];
	v30 =	vmul.f32 v51, v3;
	v23 =	vadd.f32 v23, v0;
	v0 =	vmul.f32 v37, v53  }
0x1ac: {  	s31 =	sor.u32 $0x5, s29;
	v44 =	vld [tilespmem:s28+$0x6C20];
	v37 =	vmul.f32 v42, v56;
	v35 =	vadd.f32 v62, v35;
	v62 =	vmul.f32 v50, v3  }
0x1ad: {  	v47 =	vld [tilespmem:s28+$0x9C20];
	v50 =	vmul.f32 v38, v3;
	v3 =	vmul.f32 v10, v3;
	v56 =	vmov s31  }
0x1ae: {  	v49 =	vld [tilespmem:s28+$0x6C30];
	v14 =	vperm.xlane v6, v56;
	v0 =	vadd.f32 v37, v0;
	v16 =	vadd.f32 v16, v62  }
0x1af: {  	v51 =	vld [tilespmem:s28+$0xC30];
	v10 =	vperm.xlane v5, v56;
	v30 =	vadd.f32 v36, v30;
	v62 =	vmul.f32 v17, v53  }
0x1b0: {  	v42 =	vld [tilespmem:s28+$0x3C30];
	v37 =	vperm.xlane v7, v56;
	v2 =	vadd.f32 v2, v3;
	v17 =	vadd.f32 v16, v0  }
0x1b1: {  	v38 =	vld [tilespmem:s28+$0x3C40];
	v53 =	vperm.xlane v4, v56;
	v0 =	vadd.f32 v34, v62;
	v62 =	vadd.f32 v33, v50  }
0x1b2: {  	[tilespmem:s28+$0x18A00] =	vst v63;
	v63 =	vld [tilespmem:$0x1FF50];
	v9 =	vmul.f32 v9, v10;
	v13 =	vmul.f32 v13, v37;
	v16 =	vadd.f32 v2, v11  }
0x1b3: {  	v36 =	vld [tilespmem:s28+$0x9C30];
	v2 =	vmul.f32 v12, v53;
	v3 =	vadd.f32 v62, v0;
	v0 =	vmul.f32 v15, v14  }
0x1b4: {  	v56 =	vld [tilespmem:s28+$0x6C50]  }
0x1b5: {  	v34 =	vld [tilespmem:s28+$0x6C40];
	v2 =	vadd.f32 v9, v2;
	v0 =	vadd.f32 v13, v0  }
0x1b6: {  	v35 =	vadd.f32 v30, v35;
	v30 =	vld [tilespmem:s28+$0x9C40]  }
0x1b7: {  	v8 =	vmul.f32 v8, v14;
	v57 =	vmul.f32 v57, v10;
	v0 =	vadd.f32 v2, v0;
	v2 =	vld [tilespmem:$0x1FF60]  }
0x1b8: {  	v33 =	vld [tilespmem:s28+$0xC50];
	v62 =	vmul.f32 v55, v37;
	v9 =	vmul.f32 v59, v53  }
0x1b9: {  	v50 =	vld [tilespmem:s28+$0x3C50]  }
0x1ba: {  	v11 =	vld [tilespmem:s28+$0xC60];
	v8 =	vadd.f32 v62, v8;
	v9 =	vadd.f32 v57, v9  }
0x1bb: {  	v62 =	vld [tilespmem:$0x1FF40]  }
0x1bc: {  	[tilespmem:s28+$0x18A30] =	vst v2;
	v2 =	vadd.f32 v9, v8;
	v9 =	vmul.f32 v61, v10;
	v61 =	vld [tilespmem:$0x1FF70]  }
0x1bd: {  	v12 =	vmul.f32 v58, v14;
	v58 =	vld [tilespmem:s28+$0x9C60]  }
0x1be: {  	v15 =	vld [tilespmem:s28+$0x9C50]  }
0x1bf: {  	v55 =	vld [tilespmem:s28+$0x6C60]  }
0x1c0: {  	[tilespmem:s28+$0x18A10] =	vst v62;
	v62 =	vld [tilespmem:$0x1FF90]  }
0x1c1: {  	v40 =	vmul.f32 v40, v10;
	v43 =	vmul.f32 v43, v53;
	[tilespmem:s28+$0x18A40] =	vst v61;
	v61 =	vld [tilespmem:$0x1FF80]  }
0x1c2: {  	v48 =	vmul.f32 v48, v37;
	v59 =	vld [tilespmem:s28+$0x3C70]  }
0x1c3: {  	v40 =	vadd.f32 v40, v43;
	v43 =	vld [tilespmem:s28+$0x9C70]  }
0x1c4: {  	v60 =	vmul.f32 v60, v14;
	v32 =	vmul.f32 v32, v37;
	[tilespmem:s28+$0x18A20] =	vst v63;
	v12 =	vadd.f32 v48, v12;
	v48 =	vld [tilespmem:s28+$0xC80]  }
0x1c5: {  	v8 =	vmul.f32 v54, v53;
	[tilespmem:s28+$0x18A60] =	vst v62;
	v62 =	vld [tilespmem:$0x1FFB0]  }
0x1c6: {  	v32 =	vadd.f32 v32, v60;
	v63 =	vmul.f32 v27, v14;
	v60 =	vmul.f32 v52, v37;
	[tilespmem:s28+$0x18A50] =	vst v61;
	v61 =	vld [tilespmem:$0x1FFA0]  }
0x1c7: {  	v14 =	vmul.f32 v51, v14;
	v51 =	vld [tilespmem:s28+$0x6C80];
	v9 =	vadd.f32 v9, v8  }
0x1c8: {  	v37 =	vmul.f32 v42, v37;
	v42 =	vld [tilespmem:s28+$0x9C80];
	v8 =	vadd.f32 v40, v12;
	v12 =	vadd.f32 v60, v63  }
0x1c9: {  	v52 =	vld [tilespmem:$0x1FFC0];
	v63 =	vmul.f32 v47, v10;
	v9 =	vadd.f32 v9, v32;
	v32 =	vmul.f32 v44, v53  }
0x1ca: {  	s30 =	sor.u32 $0x6, s29;
	v60 =	vmul.f32 v49, v53;
	[tilespmem:s28+$0x18A80] =	vst v62;
	v62 =	vld [tilespmem:$0x1FFD0]  }
0x1cb: {  	v10 =	vmul.f32 v36, v10;
	v27 =	vadd.f32 v63, v32;
	v63 =	vld [tilespmem:$0x1FFE0];
	[tilespmem:s28+$0x18A70] =	vst v61;
	v61 =	vmov s30  }
0x1cc: {  	v13 =	vld [tilespmem:s28+$0x3C60];
	v32 =	vperm.xlane v6, v61;
	v49 =	vperm.xlane v7, v61  }
0x1cd: {  	v57 =	vld [tilespmem:s28+$0xC70];
	v14 =	vadd.f32 v37, v14;
	v37 =	vperm.xlane v4, v61;
	v36 =	vperm.xlane v5, v61  }
0x1ce: {  	[tilespmem:s28+$0x18A90] =	vst v52;
	v52 =	vld [tilespmem:s28+$0x3C90];
	v10 =	vadd.f32 v10, v60;
	v60 =	vmul.f32 v46, v32;
	v38 =	vmul.f32 v38, v49  }
0x1cf: {  	v40 =	vld [tilespmem:s28+$0x3C80];
	[tilespmem:s28+$0x18AA0] =	vst v62;
	v61 =	vmul.f32 v34, v37;
	v62 =	vmul.f32 v30, v36  }
0x1d0: {  	v54 =	vld [tilespmem:s28+$0x6C70];
	[tilespmem:s28+$0x18AB0] =	vst v63;
	v63 =	vmul.f32 v33, v32;
	v46 =	vmul.f32 v50, v49  }
0x1d1: {  	v47 =	vld [tilespmem:s28+$0xC90];
	v50 =	vmul.f32 v56, v37;
	v15 =	vmul.f32 v15, v36  }
0x1d2: {  	v53 =	vld [tilespmem:s28+$0x6C90];
	v10 =	vadd.f32 v10, v14;
	v11 =	vmul.f32 v11, v32;
	v13 =	vmul.f32 v13, v49  }
0x1d3: {  	[tilespmem:s28+$0x18AC0] =	vst v21;
	v44 =	vld [tilespmem:s28+$0x9C90];
	v12 =	vadd.f32 v27, v12;
	v55 =	vmul.f32 v55, v37;
	v56 =	vmul.f32 v58, v36  }
0x1d4: {  	[tilespmem:s28+$0x18B40] =	vst v45;
	v30 =	vld [tilespmem:s28+$0xCA0];
	v58 =	vmul.f32 v57, v32;
	v45 =	vmul.f32 v40, v49;
	v21 =	vadd.f32 v38, v60  }
0x1d5: {  	[tilespmem:s28+$0x18AF0] =	vst v26;
	v33 =	vld [tilespmem:s28+$0x3CA0];
	v27 =	vadd.f32 v62, v61;
	v60 =	vmul.f32 v59, v49;
	v61 =	vmul.f32 v54, v37  }
0x1d6: {  	[tilespmem:s28+$0x18B20] =	vst v18;
	v34 =	vld [tilespmem:s28+$0x6CA0];
	v14 =	vadd.f32 v46, v63;
	v62 =	vmul.f32 v43, v36;
	v63 =	vmul.f32 v48, v32  }
0x1d7: {  	[tilespmem:s28+$0x18B50] =	vst v39;
	v57 =	vld [tilespmem:s28+$0x3CD0];
	v15 =	vadd.f32 v15, v50;
	v46 =	vmul.f32 v51, v37;
	v48 =	vmul.f32 v47, v32  }
0x1d8: {  	[tilespmem:s28+$0x18B70] =	vst v29;
	v11 =	vadd.f32 v13, v11;
	v38 =	vld [tilespmem:s28+$0x9CB0];
	v50 =	vmul.f32 v42, v36;
	v51 =	vmul.f32 v52, v49  }
0x1d9: {  	[tilespmem:s28+$0x18B60] =	vst v19;
	s31 =	sor.u32 $0x7, s29;
	v32 =	vld [tilespmem:s28+$0x6CC0];
	v54 =	vmul.f32 v53, v37;
	v36 =	vmul.f32 v44, v36;
	v18 =	vadd.f32 v27, v21  }
0x1da: {  	[tilespmem:s28+$0x18B80] =	vst v22;
	v52 =	vld [tilespmem:s28+$0x9CC0];
	v14 =	vadd.f32 v15, v14;
	v21 =	vadd.f32 v56, v55;
	v55 =	vmov s31  }
0x1db: {  	[tilespmem:s28+$0x18B90] =	vst v23;
	v44 =	vld [tilespmem:s28+$0x9CE0];
	v15 =	vadd.f32 v60, v58;
	v13 =	vadd.f32 v62, v61;
	v6 =	vperm.xlane v6, v55  }
0x1dc: {  	[tilespmem:s28+$0x18BA0] =	vst v35;
	v49 =	vld [tilespmem:s28+$0x3CF0];
	v19 =	vadd.f32 v45, v63;
	v7 =	vperm.xlane v7, v55;
	v4 =	vperm.xlane v4, v55  }
0x1dd: {  	[tilespmem:s28+$0x18BC0] =	vst v3;
	v27 =	vld [tilespmem:s28+$0x3CB0];
	v3 =	vadd.f32 v51, v48;
	v5 =	vperm.xlane v5, v55;
	v59 =	vmul.f32 v30, v6  }
0x1de: {  	[tilespmem:s28+$0x18BB0] =	vst v17;
	v56 =	vld [tilespmem:s28+$0xCD0];
	v62 =	vadd.f32 v36, v54;
	v60 =	vmul.f32 v33, v7;
	v63 =	vmul.f32 v34, v4  }
0x1df: {  	[tilespmem:s28+$0x18BD0] =	vst v16;
	v58 =	vld [tilespmem:s28+$0x6CD0];
	v24 =	vmul.f32 v24, v5;
	v34 =	vmul.f32 v20, v6  }
0x1e0: {  	[tilespmem:s28+$0x18BF0] =	vst v2;
	v61 =	vld [tilespmem:s28+$0x9CD0];
	v2 =	vadd.f32 v62, v3;
	v3 =	vmul.f32 v28, v4;
	v37 =	vmul.f32 v38, v5  }
0x1e1: {  	[tilespmem:s28+$0x18BE0] =	vst v0;
	v36 =	vld [tilespmem:s28+$0x3CE0];
	v13 =	vadd.f32 v13, v15;
	v47 =	vmul.f32 v25, v6;
	v48 =	vmul.f32 v31, v7  }
0x1e2: {  	[tilespmem:s28+$0x18C00] =	vst v8;
	v55 =	vld [tilespmem:s28+$0x9CF0];
	v15 =	vadd.f32 v50, v46;
	v50 =	vmul.f32 v32, v4;
	v51 =	vmul.f32 v52, v5  }
0x1e3: {  	[tilespmem:s28+$0x18C10] =	vst v9;
	v11 =	vadd.f32 v21, v11;
	v46 =	vld [tilespmem:s28+$0xCF0];
	v54 =	vmul.f32 v57, v7;
	v62 =	vmul.f32 v44, v5  }
0x1e4: {  	[tilespmem:s28+$0x18C30] =	vst v10;
	v33 =	vld [tilespmem:s28+$0xCE0];
	v0 =	vadd.f32 v15, v19;
	v35 =	vmul.f32 v27, v7;
	v42 =	vadd.f32 v60, v59  }
0x1e5: {  	[tilespmem:s28+$0x18C20] =	vst v12;
	v38 =	vld [tilespmem:s28+$0x6CE0];
	v43 =	vadd.f32 v24, v63;
	v3 =	vadd.f32 v37, v3;
	v53 =	vmul.f32 v56, v6  }
0x1e6: {  	[tilespmem:s28+$0x18C40] =	vst v18;
	v52 =	vld [tilespmem:s28+$0x6CF0];
	v12 =	vadd.f32 v48, v47;
	v56 =	vmul.f32 v58, v4;
	v57 =	vmul.f32 v61, v5  }
0x1e7: {  	[tilespmem:s28+$0x18C50] =	vst v14;
	v9 =	vadd.f32 v51, v50;
	v60 =	vmul.f32 v36, v7;
	v7 =	vmul.f32 v49, v7  }
0x1e8: {  	[tilespmem:s28+$0x18C60] =	vst v11;
	v5 =	vmul.f32 v55, v5;
	v45 =	vadd.f32 v35, v34;
	v8 =	vadd.f32 v43, v42  }
0x1e9: {  	[tilespmem:s28+$0x18C70] =	vst v13;
	v58 =	vadd.f32 v54, v53;
	v10 =	vadd.f32 v57, v56;
	v59 =	vmul.f32 v33, v6  }
0x1ea: {  	[tilespmem:s28+$0x18C80] =	vst v0;
	v0 =	vadd.f32 v9, v12;
	v6 =	vmul.f32 v46, v6;
	v61 =	vmul.f32 v38, v4  }
0x1eb: {  	[tilespmem:s28+$0x18C90] =	vst v2;
	v4 =	vmul.f32 v52, v4;
	v3 =	vadd.f32 v3, v45;
	v2 =	vadd.f32 v10, v58  }
0x1ec: {  	p1 =	sne.s32 s26, $0xF;
	[tilespmem:s28+$0x18CA0] =	vst v8;
	v63 =	vadd.f32 v60, v59;
	v9 =	vadd.f32 v62, v61  }
.Ltmp2:
0x1ed: {  	v4 =	vadd.f32 v5, v4;
	[tilespmem:s28+$0x18CB0] =	vst v3;
	v3 =	vadd.f32 v7, v6;
	(pc) =	sbr.rel @p1 .LBB2_7-.Ltmp2, $4  }
0x1ee: {  	[tilespmem:s28+$0x18CC0] =	vst v0;
	v0 =	vadd.f32 v9, v63  }
0x1ef: {  	[tilespmem:s28+$0x18CD0] =	vst v2;
	v2 =	vadd.f32 v4, v3  }
0x1f0: {  	[tilespmem:s28+$0x18CE0] =	vst v0  }
0x1f1: {  	s26 =	sadd.s32 $0x1, s26;
	[tilespmem:s28+$0x18CF0] =	vst v2  }
0x1f2: {  	s16 =	sshll.u32 s23, $0x8;
	p1 =	seq.s32 s23, $0x23  }
.Ltmp3:
0x1f3: {  	s16 =	sadd.s32 s6, s16;
	(pc) =	sbr.rel @p1 .LBB2_12-.Ltmp3, $3  }
0x1f4: {  	s16 =	smul.u32 $0xC, s16;
	_ =	sdelay $0x1  }
0x1f5: {  	s16 =	sadd.s32 s7, s16  }
0x1f6: {  	[hbm4b:s16+s3] =	stream.linear.scatter [tilespmem:s17], [sflag:$0x3], $0x3000, $0x38;
	[tilespmem:$0x1EA00] =	vst v63  }
0x1f7: {  	s16 =	sadd.s32 $0x2, s25  }
0x1f8: {  	s28 =	smulhi.u32 $0x55555556, s16;
	_ =	sdelay $0x1  }
0x1f9: {  	s26 =	smul.u32 $0x3, s28;
	_ =	sdelay $0x1  }
0x1fa: {  	s16 =	ssub.s32 s16, s26;
	s26 =	simm.s32 $0x0  }
0x1fb: {  	s28 =	sadd.s32 s8, s28;
	s29 =	sshll.u32 s16, $0x7;
	v0 =	vld [tilespmem:s26+$0x0]  }
0x1fc: {  	v17 =	vlaneseq.u32;
	v2 =	vmov s28;
	v3 =	vld [tilespmem:s26+$0x80];
	s16 =	sadd.s32 $0x0, s29  }
0x1fd: {  	v2 =	vcvt.s32.f32 v2;
	v4 =	vor.u32 s16, v17  }
0x1fe: {  	v5 =	vcvt.s32.f32 v4  }
0x1ff: {  	v4 =	vbroadcast v2, $0x0  }
0x200: {  	v0 =	vadd.f32 v5, v0  }
0x201: {  	v2 =	vadd.f32 v3, v4  }
0x202: {  	v3 =	vadd.f32 $1.000000000e+00, v0  }
0x203: {  	v6 =	vadd.f32 $1.000000000e+00, v2  }
0x204: {  	v0 =	vtrunc.f32 v3  }
0x205: {  	v5 =	vtrunc.f32 v6;
	v2 =	vcvt.f32.s32 v0  }
0x206: {  	vm0 =	vlt.f32 v3, v0;
	v7 =	vcvt.f32.s32 v5;
	vm1 =	vlt.f32 v6, v5  }
0x207: {  	v0 =	vsel vm0, $0xFFFFFFFF, v41;
	v5 =	vsel vm1, $0xFFFFFFFF, v41  }
0x208: {  	v0 =	vadd.s32 v2, v0;
	v2 =	vadd.s32 v7, v5  }
0x209: {  	v5 =	vadd.s32 $0x1, v0;
	v7 =	vadd.s32 $0x1, v2;
	vm0 =	vgt.s32 v2, $0x1  }
0x20a: {  	vm1 =	vgt.s32 v5, $0x0;
	vm2 =	vgt.s32 v7, $0x0;
	v8 =	vnsel vm0, $0x1, v2  }
0x20b: {  	vm0 =	vgt.s32 v0, $0x1;
	v5 =	vnsel vm1, $0x0, v5;
	v7 =	vnsel vm2, $0x0, v7  }
0x20c: {  	v8 =	vmin.u32 v8, $0x180;
	v5 =	vmin.u32 v5, $0x181;
	v7 =	vmin.u32 v7, $0x181  }
0x20d: {  	v12 =	vnsel vm0, $0x1, v0;
	v9 =	vcvt.s32.f32 v5;
	v11 =	vcvt.s32.f32 v7  }
0x20e: {  	v7 =	vmax.u32 v7, $0x1;
	v15 =	vmax.u32 v5, $0x1;
	v5 =	vmul.u32 $0x180, v8  }
0x20f: {  	v7 =	vmin.u32 v7, $0x180;
	v10 =	vsub.f32 v9, v3;
	v8 =	vsub.f32 v11, v6  }
0x210: {  	v12 =	vmin.u32 v12, $0x180;
	v15 =	vmin.u32 v15, $0x180;
	v7 =	vmul.u32 $0x180, v7  }
0x211: {  	s28 =	simm.s32 $0x10;
	v3 =	vadd.s32 $0xFFFFFFFF, v0;
	v13 =	vsub.f32 $1.000000000e+00, v10;
	v14 =	vsub.f32 $1.000000000e+00, v8  }
0x212: {  	s30 =	simm.s32 $0x80;
	s16 =	simm.s32 $0x10;
	v9 =	vadd.s32 $0xFFFFFFFF, v2;
	v11 =	vld [tilespmem:s28+$0x0];
	vm0 =	vlt.u32 v3, $0x180;
	v6 =	vmul.f32 v8, v10  }
.LBB2_10:
0x213: {  	p1 =	sne.s32 s30, $0x1C0;
	s31 =	sadd.s32 s29, s16;
	v3 =	vld [tilespmem:s28+$0x80];
	v16 =	vmul.f32 v14, v13;
	vm1 =	vlt.u32 v0, $0x180;
	vm2 =	vlt.u32 v2, $0x180  }
0x214: {  	v2 =	vmul.f32 v14, v10;
	v0 =	vor.u32 s31, v17;
	vm3 =	vmand vm1, vm2  }
0x215: {  	v8 =	vmul.f32 v8, v13;
	v0 =	vcvt.s32.f32 v0;
	v10 =	vnsel vm3, $0x0, v16  }
0x216: {  	v7 =	vadd.s32 v7, v1;
	vm3 =	vlt.u32 v9, $0x180;
	v9 =	vadd.s32 $0xFFFFFFFF, v15;
	[tilespmem:s26+$0x780] =	vst v10  }
0x217: {  	v5 =	vadd.s32 v5, v1;
	v10 =	vadd.s32 $0xFFFFFFFF, v12;
	v0 =	vadd.f32 v0, v11  }
0x218: {  	vm4 =	vmand vm0, vm3;
	vm0 =	vmand vm2, vm0;
	v3 =	vadd.f32 v3, v4  }
0x219: {  	v11 =	vadd.f32 $1.000000000e+00, v0;
	v0 =	vnsel vm0, $0x0, v2;
	vm0 =	vmand vm1, vm3  }
0x21a: {  	v2 =	vnsel vm4, $0x0, v6;
	v3 =	vadd.f32 $1.000000000e+00, v3;
	v6 =	vnsel vm0, $0x0, v8;
	[tilespmem:s26+$0x680] =	vst v0  }
0x21b: {  	v8 =	vadd.s32 v10, v7;
	v7 =	vadd.s32 v9, v7;
	v0 =	vtrunc.f32 v11;
	[tilespmem:s26+$0x700] =	vst v6  }
0x21c: {  	v9 =	vadd.s32 v9, v5;
	v6 =	vcvt.f32.s32 v0;
	v12 =	vtrunc.f32 v3;
	[tilespmem:s26+$0x600] =	vst v2  }
0x21d: {  	vm0 =	vlt.f32 v11, v0;
	v2 =	vcvt.f32.s32 v12;
	vm1 =	vlt.f32 v3, v12;
	[tilespmem:s26+$0x280] =	vst v8  }
0x21e: {  	v5 =	vadd.s32 v10, v5;
	v0 =	vsel vm0, $0xFFFFFFFF, v41;
	v8 =	vsel vm1, $0xFFFFFFFF, v41;
	[tilespmem:s26+$0x380] =	vst v7  }
0x21f: {  	v0 =	vadd.s32 v6, v0;
	v2 =	vadd.s32 v2, v8;
	[tilespmem:s26+$0x300] =	vst v9  }
0x220: {  	v6 =	vadd.s32 $0x1, v0;
	v7 =	vadd.s32 $0x1, v2;
	vm0 =	vgt.s32 v2, $0x1;
	[tilespmem:s26+$0x200] =	vst v5;
	s26 =	smov.u32 s28  }
0x221: {  	vm1 =	vgt.s32 v6, $0x0;
	vm2 =	vgt.s32 v7, $0x0;
	v5 =	vnsel vm0, $0x1, v2  }
0x222: {  	v6 =	vnsel vm1, $0x0, v6;
	v7 =	vnsel vm2, $0x0, v7;
	v5 =	vmin.u32 v5, $0x180  }
0x223: {  	vm0 =	vgt.s32 v0, $0x1;
	v6 =	vmin.u32 v6, $0x181;
	v7 =	vmin.u32 v7, $0x181  }
0x224: {  	v8 =	vcvt.s32.f32 v6;
	v9 =	vcvt.s32.f32 v7;
	v7 =	vmax.u32 v7, $0x1  }
.Ltmp4:
0x225: {  	v15 =	vmax.u32 v6, $0x1;
	v5 =	vmul.u32 $0x180, v5;
	v6 =	vmin.u32 v7, $0x180;
	(pc) =	sbr.rel @p1 .LBB2_10-.Ltmp4, $4  }
0x226: {  	v10 =	vsub.f32 v8, v11;
	v8 =	vsub.f32 v9, v3;
	v7 =	vmul.u32 $0x180, v6  }
0x227: {  	v12 =	vnsel vm0, $0x1, v0;
	v3 =	vadd.s32 $0xFFFFFFFF, v0;
	v9 =	vadd.s32 $0xFFFFFFFF, v2  }
0x228: {  	s28 =	sshra.s32 s30, $0x2;
	v13 =	vsub.f32 $1.000000000e+00, v10;
	v14 =	vsub.f32 $1.000000000e+00, v8;
	v6 =	vmul.f32 v8, v10  }
0x229: {  	s16 =	sadd.s32 $0x10, s16;
	s30 =	sadd.s32 $0x40, s30;
	v12 =	vmin.u32 v12, $0x180;
	v15 =	vmin.u32 v15, $0x180;
	vm0 =	vlt.u32 v3, $0x180;
	v11 =	vld [tilespmem:s28+$0x0]  }
0x22a: {  	s16 =	sadd.s32 s29, s16;
	v3 =	vld [tilespmem:s28+$0x80];
	v16 =	vmul.f32 v14, v13;
	vm1 =	vlt.u32 v0, $0x180;
	vm2 =	vlt.u32 v2, $0x180  }
0x22b: {  	v2 =	vmul.f32 v14, v10;
	v8 =	vmul.f32 v8, v13;
	v0 =	vor.u32 s16, v17  }
0x22c: {  	vm15 =	vlt.u32 v9, $0x180;
	v33 =	vadd.s32 $0xFFFFFFFF, v15;
	v0 =	vcvt.s32.f32 v0  }
0x22d: {  	v7 =	vadd.s32 v7, v1;
	v34 =	vadd.s32 $0xFFFFFFFF, v12;
	v35 =	vadd.s32 v5, v1  }
0x22e: {  	vm3 =	vmand vm1, vm2;
	vm2 =	vmand vm2, vm0;
	v0 =	vadd.f32 v0, v11  }
0x22f: {  	vm4 =	vmand vm0, vm15;
	vm1 =	vmand vm1, vm15;
	v3 =	vadd.f32 v3, v4  }
0x230: {  	v42 =	vadd.s32 v34, v7;
	v7 =	vadd.s32 v33, v7;
	v0 =	vadd.f32 $1.000000000e+00, v0  }
0x231: {  	v9 =	vadd.s32 v33, v35;
	v32 =	vnsel vm3, $0x0, v16;
	v3 =	vadd.f32 $1.000000000e+00, v3  }
0x232: {  	v2 =	vnsel vm2, $0x0, v2;
	v36 =	vnsel vm4, $0x0, v6;
	v37 =	vtrunc.f32 v0  }
0x233: {  	v38 =	vcvt.f32.s32 v37;
	v39 =	vtrunc.f32 v3;
	vm5 =	vlt.f32 v0, v37  }
0x234: {  	v40 =	vcvt.f32.s32 v39;
	vm6 =	vlt.f32 v3, v39;
	v43 =	vsel vm5, $0xFFFFFFFF, v41  }
0x235: {  	v8 =	vnsel vm1, $0x0, v8;
	v44 =	vsel vm6, $0xFFFFFFFF, v41;
	v12 =	vadd.s32 v38, v43  }
0x236: {  	v4 =	vadd.s32 v34, v35;
	v6 =	vadd.s32 v40, v44;
	v14 =	vadd.s32 $0x1, v12  }
0x237: {  	vm10 =	vgt.s32 v12, $0x1;
	v52 =	vadd.s32 $0xFFFFFFFF, v12;
	vm12 =	vlt.u32 v12, $0x180  }
0x238: {  	v15 =	vadd.s32 $0x1, v6;
	vm7 =	vgt.s32 v14, $0x0;
	vm9 =	vgt.s32 v6, $0x1  }
0x239: {  	v53 =	vadd.s32 $0xFFFFFFFF, v6;
	vm8 =	vgt.s32 v15, $0x0;
	v45 =	vnsel vm7, $0x0, v14  }
0x23a: {  	v56 =	vnsel vm10, $0x1, v12;
	v46 =	vnsel vm8, $0x0, v15;
	v11 =	vmin.u32 v45, $0x181  }
0x23b: {  	[tilespmem:s26+$0x280] =	vst v42;
	vm11 =	vlt.u32 v52, $0x180;
	v14 =	vmin.u32 v46, $0x181;
	v48 =	vcvt.s32.f32 v11  }
0x23c: {  	[tilespmem:s26+$0x380] =	vst v7;
	vm13 =	vlt.u32 v6, $0x180;
	v47 =	vnsel vm9, $0x1, v6;
	v49 =	vcvt.s32.f32 v14  }
0x23d: {  	[tilespmem:s26+$0x300] =	vst v9;
	vm14 =	vmand vm12, vm13;
	vm15 =	vlt.u32 v53, $0x180;
	v0 =	vsub.f32 v48, v0  }
0x23e: {  	[tilespmem:s26+$0x780] =	vst v32;
	vm2 =	vmand vm13, vm11;
	v59 =	vmin.u32 v56, $0x180;
	v3 =	vsub.f32 v49, v3  }
0x23f: {  	[tilespmem:s26+$0x680] =	vst v2;
	v15 =	vmin.u32 v47, $0x180;
	vm1 =	vmand vm12, vm15;
	v54 =	vsub.f32 $1.000000000e+00, v0  }
0x240: {  	[tilespmem:s26+$0x700] =	vst v8;
	vm0 =	vmand vm11, vm15;
	v55 =	vsub.f32 $1.000000000e+00, v3;
	v16 =	vmul.f32 v3, v0  }
0x241: {  	[tilespmem:s26+$0x600] =	vst v36;
	v11 =	vmax.u32 v11, $0x1;
	v50 =	vmax.u32 v14, $0x1;
	v3 =	vmul.f32 v3, v54  }
0x242: {  	[tilespmem:s26+$0x200] =	vst v4;
	v2 =	vmin.u32 v50, $0x180;
	v0 =	vmul.f32 v55, v0;
	v61 =	vnsel vm0, $0x0, v16  }
0x243: {  	v2 =	vmul.u32 $0x180, v2;
	v57 =	vmul.f32 v55, v54;
	v3 =	vnsel vm1, $0x0, v3;
	[tilespmem:s28+$0x600] =	vst v61  }
0x244: {  	v51 =	vmul.u32 $0x180, v15;
	v60 =	vmin.u32 v11, $0x180;
	v0 =	vnsel vm2, $0x0, v0;
	[tilespmem:s28+$0x700] =	vst v3  }
0x245: {  	v58 =	vnsel vm14, $0x0, v57;
	[tilespmem:s28+$0x680] =	vst v0;
	v0 =	vadd.s32 v2, v1;
	v2 =	vadd.s32 $0xFFFFFFFF, v59  }
0x246: {  	v3 =	vadd.s32 $0xFFFFFFFF, v60;
	[tilespmem:s28+$0x780] =	vst v58;
	v62 =	vadd.s32 v2, v0  }
0x247: {  	v63 =	vadd.s32 v51, v1;
	v0 =	vadd.s32 v3, v0;
	[tilespmem:s28+$0x280] =	vst v62  }
0x248: {  	v3 =	vadd.s32 v3, v63;
	[tilespmem:s28+$0x380] =	vst v0  }
0x249: {  	v0 =	vadd.s32 v2, v63;
	[tilespmem:s28+$0x300] =	vst v3  }
0x24a: {  	s30 =	simm.s32 $0x200;
	s31 =	simm.s32 $0xA00;
	[tilespmem:s28+$0x200] =	vst v0  }
0x24b: {  	[tilespmem:s31], [sflag:$0x1] =	stream.indirect.gather [hbm4b:s1+s19], $0x60, s30, s19, $0xb8;
	[tilespmem:$0x1EA00] =	vst v63  }
0x24c: {  	s29 =	simm.s32 $0x3A00;
	s28 =	simm.s32 $0x280  }
0x24d: {  	[tilespmem:s29], [sflag:$0x1] =	stream.indirect.gather [hbm4b:s1+s19], $0x60, s28, s19, $0xb8;
	[tilespmem:$0x1EA00] =	vst v63  }
0x24e: {  	s30 =	simm.s32 $0x300;
	s31 =	simm.s32 $0x6A00;
	s29 =	smin.u32 s25, $0x43  }
0x24f: {  	[tilespmem:s31], [sflag:$0x1] =	stream.indirect.gather [hbm4b:s1+s19], $0x60, s30, s19, $0xb8;
	[tilespmem:$0x1EA00] =	vst v63  }
0x250: {  	s16 =	sshll.u32 s29, $0x7;
	s30 =	rddreg [dreg:$0x9]  }
0x251: {  	s26 =	simm.s32 $0x380;
	s28 =	simm.s32 $0x9A00;
	s16 =	sadd.s32 s16, s30  }
0x252: {  	[tilespmem:s28], [sflag:$0x1] =	stream.indirect.gather [hbm4b:s1+s19], $0x60, s26, s19, $0xb8;
	[tilespmem:$0x1EA00] =	vst v63  }
0x253: {  	s16 =	sshrl.u32 s16, $0x3  }
0x254: {  	s31 =	sadd.s32 s4, s16  }
0x255: {  	[tilespmem:s3], [sflag:$0x1] =	stream.linear.gather [hbm4b:s31+s3], $0x80, $0x38;
	[tilespmem:$0x1EA00] =	vst v63  }
0x256: {  	s16 =	sadd.s32 s5, s16  }
0x257: {  	[tilespmem:s19], [sflag:$0x1] =	stream.linear.gather [hbm4b:s16+s3], $0x80, $0x38;
	[tilespmem:$0x1EA00] =	vst v63  }
.LBB2_12:
0x258: {  	_ =	swait.ge [sflag:s18], $0xC000  }
0x259: {  	[sflag:s18] =	ssyncset.done $0x0  }
0x25a: {  	[sflag:s18] =	ssyncadd.s32 $0xFFFF4000  }
0x25b: {  	_ =	swait.ge [sflag:s18], $0x100  }
0x25c: {  	[sflag:s18] =	ssyncset.done $0x0  }
0x25d: {  	s16 =	simm.s32 @!p0 $0x4;
	[sflag:s18] =	ssyncadd.s32 $0xFFFFFF00  }
0x25e: {  	_ =	swait.ge @!p0 [sflag:s16], $0x3000  }
0x25f: {  	[sflag:s16] =	ssyncset.done @!p0 $0x0  }
0x260: {  	s25 =	simm.s32 $0x0;
	[sflag:s16] =	ssyncadd.s32 @!p0 $0xFFFFD000  }
.LBB2_13:
0x261: {  	s26 =	smul.u32 $0x300, s25;
	_ =	sdelay $0x1  }
0x262: {  	v0 =	vld [tilespmem:s26+$0xFAD0];
	_ =	sdelay $0x4  }
0x263: {  	[tilespmem:$0x1FB00] =	vst v0;
	v0 =	vld [tilespmem:s26+$0x12AD0];
	_ =	sdelay $0x4  }
0x264: {  	[tilespmem:$0x1FB10] =	vst v0;
	v0 =	vld [tilespmem:s26+$0x15AD0];
	_ =	sdelay $0x4  }
0x265: {  	[tilespmem:$0x1FB20] =	vst v0;
	v0 =	vld [tilespmem:s26+$0xCAE0];
	_ =	sdelay $0x3  }
0x266: {  	s16 =	sshll.u32 s25, $0x3  }
0x267: {  	s28 =	sand.u32 $0x70, s16;
	[tilespmem:$0x1FB30] =	vst v0;
	v0 =	vld [tilespmem:s26+$0xFAE0]  }
0x268: {  	v6 =	vld [tilespmem:s28+$0x800]  }
0x269: {  	v7 =	vld [tilespmem:s28+$0x880]  }
0x26a: {  	v8 =	vld [tilespmem:s28+$0x900]  }
0x26b: {  	v5 =	vld [tilespmem:s28+$0x980]  }
0x26c: {  	[tilespmem:$0x1FB40] =	vst v0;
	v0 =	vld [tilespmem:s26+$0x12AE0]  }
0x26d: {  	v2 =	vld [tilespmem:s26+$0xCA00]  }
0x26e: {  	v12 =	vld [tilespmem:s26+$0xFA00]  }
0x26f: {  	v13 =	vld [tilespmem:s26+$0x12A00]  }
0x270: {  	v14 =	vld [tilespmem:s26+$0x15A00]  }
0x271: {  	[tilespmem:$0x1FB50] =	vst v0;
	v0 =	vld [tilespmem:s26+$0x15AE0]  }
0x272: {  	v16 =	vld [tilespmem:s26+$0xCA10]  }
0x273: {  	v17 =	vld [tilespmem:s26+$0xFA10]  }
0x274: {  	v25 =	vld [tilespmem:s26+$0x12A10]  }
0x275: {  	v27 =	vld [tilespmem:s26+$0x15A10]  }
0x276: {  	[tilespmem:$0x1FB60] =	vst v0;
	v0 =	vld [tilespmem:s26+$0xCAF0]  }
0x277: {  	v32 =	vld [tilespmem:s26+$0xCA20]  }
0x278: {  	v35 =	vld [tilespmem:s26+$0xFA20]  }
0x279: {  	v39 =	vld [tilespmem:s26+$0x12A20]  }
0x27a: {  	v40 =	vld [tilespmem:s26+$0x15A20]  }
0x27b: {  	[tilespmem:$0x1FB70] =	vst v0;
	v0 =	vld [tilespmem:s26+$0xFAF0]  }
0x27c: {  	v43 =	vld [tilespmem:s26+$0xCA30]  }
0x27d: {  	v44 =	vld [tilespmem:s26+$0xFA30]  }
0x27e: {  	v45 =	vld [tilespmem:s26+$0x12A30]  }
0x27f: {  	v48 =	vld [tilespmem:s26+$0x15A30]  }
0x280: {  	[tilespmem:$0x1FB80] =	vst v0;
	v0 =	vld [tilespmem:s26+$0x12AF0]  }
0x281: {  	v61 =	vld [tilespmem:s26+$0xCA40]  }
0x282: {  	v53 =	vld [tilespmem:s26+$0xFA40]  }
0x283: {  	v3 =	vld [tilespmem:s26+$0x12A40]  }
0x284: {  	v56 =	vld [tilespmem:s26+$0x15A40]  }
0x285: {  	[tilespmem:$0x1FB90] =	vst v0;
	v0 =	vld [tilespmem:s26+$0x15AF0]  }
0x286: {  	v57 =	vld [tilespmem:s26+$0xCA50]  }
0x287: {  	v4 =	vld [tilespmem:s26+$0xFA50]  }
0x288: {  	v9 =	vld [tilespmem:s26+$0x12A50]  }
0x289: {  	v58 =	vld [tilespmem:s26+$0x15B00]  }
0x28a: {  	[tilespmem:$0x1FBA0] =	vst v0;
	v0 =	vld [tilespmem:s26+$0xCB00]  }
0x28b: {  	v54 =	vld [tilespmem:s26+$0xFB00]  }
0x28c: {  	v55 =	vld [tilespmem:s26+$0x12B00]  }
0x28d: {  	v60 =	vld [tilespmem:s26+$0x15A50]  }
0x28e: {  	s28 =	sand.u32 $0x8, s16;
	[tilespmem:$0x1FBE0] =	vst v58;
	v58 =	vld [tilespmem:s26+$0xCB10]  }
0x28f: {  	v59 =	vld [tilespmem:s26+$0xCA60];
	[tilespmem:$0x1FBB0] =	vst v0;
	v0 =	vmov s28  }
0x290: {  	v63 =	vld [tilespmem:s26+$0xFA60];
	[tilespmem:$0x1FBC0] =	vst v54;
	v54 =	vperm.xlane v6, v0;
	v62 =	vperm.xlane v7, v0  }
0x291: {  	v10 =	vld [tilespmem:s26+$0x12A60];
	[tilespmem:$0x1FBD0] =	vst v55;
	v55 =	vperm.xlane v8, v0;
	v0 =	vperm.xlane v5, v0  }
0x292: {  	v11 =	vld [tilespmem:s26+$0x15A60];
	v2 =	vmul.f32 v2, v54;
	v12 =	vmul.f32 v12, v62  }
0x293: {  	v15 =	vld [tilespmem:s26+$0xCA70];
	[tilespmem:$0x1FBF0] =	vst v58;
	v13 =	vmul.f32 v13, v55;
	v58 =	vmul.f32 v14, v0  }
0x294: {  	v18 =	vld [tilespmem:s26+$0xFA70];
	v16 =	vmul.f32 v16, v54  }
0x295: {  	v19 =	vld [tilespmem:s26+$0x12A70];
	v17 =	vmul.f32 v17, v62;
	v2 =	vadd.f32 v12, v2;
	v13 =	vadd.f32 v58, v13  }
0x296: {  	v20 =	vld [tilespmem:s26+$0x15A70];
	v25 =	vmul.f32 v25, v55  }
0x297: {  	v27 =	vmul.f32 v27, v0;
	v17 =	vadd.f32 v17, v16;
	v16 =	vld [tilespmem:s26+$0xCB20];
	v2 =	vadd.f32 v13, v2  }
0x298: {  	v21 =	vld [tilespmem:s26+$0xCA80];
	v32 =	vmul.f32 v32, v54;
	v35 =	vmul.f32 v35, v62  }
0x299: {  	v25 =	vadd.f32 v27, v25;
	v27 =	vld [tilespmem:s26+$0xFB20];
	v13 =	vmul.f32 v40, v0;
	[tilespmem:$0x1FCA0] =	vst v2;
	v2 =	vmul.f32 v39, v55  }
0x29a: {  	v23 =	vld [tilespmem:s26+$0x12A80]  }
0x29b: {  	v24 =	vld [tilespmem:s26+$0x15A80];
	v32 =	vadd.f32 v35, v32;
	v2 =	vadd.f32 v13, v2  }
0x29c: {  	[tilespmem:$0x1FC30] =	vst v16;
	v16 =	vld [tilespmem:s26+$0x12B20]  }
0x29d: {  	v26 =	vld [tilespmem:s26+$0xCA90];
	v4 =	vmul.f32 v4, v62;
	v58 =	vmul.f32 v48, v0;
	v2 =	vadd.f32 v2, v32  }
0x29e: {  	v28 =	vld [tilespmem:s26+$0xFA90];
	v48 =	vmul.f32 v53, v62;
	[tilespmem:$0x1FC40] =	vst v27;
	v27 =	vmul.f32 v44, v62  }
0x29f: {  	v62 =	vld [tilespmem:s26+$0x15B40];
	[tilespmem:$0x1FCC0] =	vst v2;
	v2 =	vmul.f32 v3, v55;
	v3 =	vmul.f32 v56, v0  }
0x2a0: {  	v29 =	vld [tilespmem:s26+$0x12A90];
	v9 =	vmul.f32 v9, v55;
	v17 =	vadd.f32 v25, v17;
	v25 =	vmul.f32 v43, v54  }
0x2a1: {  	[tilespmem:$0x1FC50] =	vst v16;
	v16 =	vld [tilespmem:s26+$0xCB30];
	v0 =	vmul.f32 v60, v0;
	v2 =	vadd.f32 v3, v2;
	v3 =	vmul.f32 v57, v54  }
0x2a2: {  	v30 =	vld [tilespmem:s26+$0x15A90];
	s16 =	sor.u32 $0x1, s28;
	v45 =	vmul.f32 v45, v55;
	v39 =	vmul.f32 v61, v54;
	v25 =	vadd.f32 v27, v25  }
0x2a3: {  	v33 =	vld [tilespmem:s26+$0xFAA0];
	v57 =	vmov s16;
	v0 =	vadd.f32 v0, v9;
	v3 =	vadd.f32 v4, v3  }
0x2a4: {  	v42 =	vld [tilespmem:s26+$0x12AA0];
	v56 =	vadd.f32 v48, v39;
	[tilespmem:$0x1FC90] =	vst v62;
	v32 =	vperm.xlane v7, v57;
	v62 =	vperm.xlane v8, v57  }
0x2a5: {  	v36 =	vld [tilespmem:s26+$0xFAB0];
	v9 =	vperm.xlane v5, v57;
	v4 =	vperm.xlane v6, v57;
	v0 =	vadd.f32 v0, v3  }
0x2a6: {  	v27 =	vld [tilespmem:s26+$0xFB30];
	v2 =	vadd.f32 v2, v56;
	[tilespmem:$0x1FC70] =	vst v16;
	v16 =	vmul.f32 v63, v32;
	v18 =	vmul.f32 v18, v32  }
0x2a7: {  	v12 =	vld [tilespmem:s26+$0x15B10];
	v3 =	vmul.f32 v11, v9;
	[tilespmem:$0x1FCF0] =	vst v0;
	v0 =	vmul.f32 v10, v62  }
0x2a8: {  	v14 =	vld [tilespmem:s26+$0xFB10];
	v35 =	vadd.f32 v58, v45;
	v20 =	vmul.f32 v20, v9;
	[tilespmem:$0x1FCE0] =	vst v2;
	v2 =	vmul.f32 v59, v4  }
0x2a9: {  	v34 =	vld [tilespmem:s26+$0xCAA0];
	[tilespmem:$0x1FCB0] =	vst v17;
	v17 =	vmul.f32 v15, v4;
	v0 =	vadd.f32 v3, v0;
	v3 =	vmul.f32 v19, v62  }
0x2aa: {  	v51 =	vld [tilespmem:s26+$0x15AA0];
	v53 =	vadd.f32 v35, v25;
	v2 =	vadd.f32 v16, v2  }
0x2ab: {  	v31 =	vld [tilespmem:s26+$0xCAB0];
	[tilespmem:$0x1FC80] =	vst v27;
	v27 =	vmul.f32 v23, v62;
	v10 =	vadd.f32 v18, v17;
	v3 =	vadd.f32 v20, v3  }
0x2ac: {  	v38 =	vld [tilespmem:s26+$0x15AB0];
	[tilespmem:$0x1FC20] =	vst v12;
	v35 =	vmul.f32 v24, v9;
	v12 =	vmul.f32 v33, v32;
	v0 =	vadd.f32 v0, v2  }
0x2ad: {  	[tilespmem:$0x1FC00] =	vst v14;
	v14 =	vld [tilespmem:s26+$0x12B10];
	v13 =	vmul.f32 v36, v32;
	v42 =	vmul.f32 v42, v62;
	v3 =	vadd.f32 v3, v10  }
0x2ae: {  	v37 =	vld [tilespmem:s26+$0x12AB0];
	v59 =	vmul.f32 v30, v9;
	v2 =	vmul.f32 v28, v32;
	[tilespmem:$0x1FD00] =	vst v0  }
0x2af: {  	v0 =	vmul.f32 v26, v4;
	[tilespmem:$0x1FD10] =	vst v3;
	v3 =	vmul.f32 v29, v62  }
0x2b0: {  	v51 =	vmul.f32 v51, v9;
	v63 =	vmul.f32 v34, v4  }
0x2b1: {  	v11 =	vmul.f32 v21, v4;
	v0 =	vadd.f32 v2, v0;
	v3 =	vadd.f32 v59, v3  }
0x2b2: {  	v22 =	vld [tilespmem:s26+$0xFA80];
	[tilespmem:$0x1FC10] =	vst v14;
	v9 =	vmul.f32 v38, v9;
	v14 =	vadd.f32 v12, v63;
	v4 =	vmul.f32 v31, v4  }
0x2b3: {  	v59 =	vmul.f32 v37, v62;
	v62 =	vadd.f32 v51, v42;
	v0 =	vadd.f32 v3, v0  }
0x2b4: {  	v4 =	vadd.f32 v13, v4  }
0x2b5: {  	v9 =	vadd.f32 v9, v59;
	[tilespmem:$0x1FD30] =	vst v0;
	v0 =	vadd.f32 v62, v14;
	_ =	sdelay $0x1  }
0x2b6: {  	v25 =	vmul.f32 v22, v32;
	[tilespmem:$0x1FD40] =	vst v0;
	v0 =	vadd.f32 v9, v4;
	_ =	sdelay $0x1  }
0x2b7: {  	v61 =	vadd.f32 v35, v27;
	v11 =	vadd.f32 v25, v11;
	[tilespmem:$0x1FD50] =	vst v0;
	v0 =	vld [tilespmem:$0x1FB00]  }
0x2b8: {  	s29 =	sor.u32 $0x2, s28  }
0x2b9: {  	v2 =	vadd.f32 v61, v11;
	v61 =	vmov s29  }
0x2ba: {  	v29 =	vperm.xlane v7, v61;
	_ =	sdelay $0x1  }
0x2bb: {  	v18 =	vmul.f32 v0, v29;
	v0 =	vld [tilespmem:$0x1FB10];
	_ =	sdelay $0x2  }
0x2bc: {  	v30 =	vperm.xlane v8, v61;
	_ =	sdelay $0x1  }
0x2bd: {  	v37 =	vmul.f32 v0, v30;
	v0 =	vld [tilespmem:$0x1FB20];
	_ =	sdelay $0x1  }
0x2be: {  	v46 =	vld [tilespmem:s26+$0xCAC0]  }
0x2bf: {  	v50 =	vld [tilespmem:s26+$0xFAC0];
	v31 =	vperm.xlane v5, v61  }
0x2c0: {  	v47 =	vld [tilespmem:s26+$0x12AC0]  }
0x2c1: {  	v38 =	vmul.f32 v0, v31;
	v0 =	vld [tilespmem:$0x1FB30]  }
0x2c2: {  	v52 =	vld [tilespmem:s26+$0x15AC0]  }
0x2c3: {  	v49 =	vld [tilespmem:s26+$0xCAD0]  }
0x2c4: {  	v58 =	vld [tilespmem:s26+$0x12B30];
	v28 =	vperm.xlane v6, v61  }
0x2c5: {  	v44 =	vld [tilespmem:s26+$0x15B20]  }
0x2c6: {  	v51 =	vmul.f32 v0, v28;
	v0 =	vld [tilespmem:$0x1FB40]  }
0x2c7: {  	v43 =	vld [tilespmem:s26+$0x15B30]  }
0x2c8: {  	v45 =	vld [tilespmem:s26+$0xFB40]  }
0x2c9: {  	v40 =	vld [tilespmem:s26+$0xFB60]  }
0x2ca: {  	[tilespmem:$0x1FC60] =	vst v44;
	v44 =	vld [tilespmem:s26+$0xCB40]  }
0x2cb: {  	v59 =	vmul.f32 v0, v29;
	v0 =	vld [tilespmem:$0x1FB50]  }
0x2cc: {  	v48 =	vld [tilespmem:s26+$0x12B40]  }
0x2cd: {  	v55 =	vld [tilespmem:s26+$0x12B50]  }
0x2ce: {  	v39 =	vld [tilespmem:s26+$0x15B50]  }
0x2cf: {  	v60 =	vld [tilespmem:s26+$0x15B60]  }
0x2d0: {  	v62 =	vmul.f32 v0, v30;
	v0 =	vld [tilespmem:$0x1FB60]  }
0x2d1: {  	[tilespmem:$0x1FCD0] =	vst v53;
	v53 =	vld [tilespmem:s26+$0xCB50];
	v15 =	vmul.f32 v49, v28  }
0x2d2: {  	v54 =	vld [tilespmem:s26+$0xCB60];
	v63 =	vmul.f32 v46, v28  }
0x2d3: {  	v57 =	vld [tilespmem:s26+$0xFB50];
	v12 =	vmul.f32 v50, v29;
	v4 =	vadd.f32 v18, v15;
	v42 =	vadd.f32 v38, v37  }
0x2d4: {  	v56 =	vld [tilespmem:s26+$0x12B60]  }
0x2d5: {  	v36 =	vld [tilespmem:s26+$0xCB80];
	v23 =	vadd.f32 v12, v63;
	v12 =	vmul.f32 v0, v31;
	v0 =	vadd.f32 v42, v4  }
0x2d6: {  	v33 =	vld [tilespmem:s26+$0xCBB0]  }
0x2d7: {  	[tilespmem:$0x1FD60] =	vst v0;
	v0 =	vld [tilespmem:$0x1FB70]  }
0x2d8: {  	v21 =	vld [tilespmem:s26+$0xCB70]  }
0x2d9: {  	v34 =	vld [tilespmem:s26+$0xFBC0]  }
0x2da: {  	v35 =	vld [tilespmem:s26+$0xFB80];
	v13 =	vmul.f32 v47, v30;
	v14 =	vmul.f32 v52, v31  }
0x2db: {  	v27 =	vld [tilespmem:s26+$0x12B80]  }
0x2dc: {  	v22 =	vadd.f32 v14, v13;
	v13 =	vmul.f32 v0, v28;
	v0 =	vld [tilespmem:$0x1FB80]  }
0x2dd: {  	v17 =	vld [tilespmem:s26+$0xFB70]  }
0x2de: {  	v25 =	vld [tilespmem:s26+$0x12B70]  }
0x2df: {  	v16 =	vld [tilespmem:s26+$0xCB90]  }
0x2e0: {  	v19 =	vld [tilespmem:s26+$0x15B70]  }
0x2e1: {  	v14 =	vmul.f32 v0, v29;
	v0 =	vld [tilespmem:$0x1FB90]  }
0x2e2: {  	v20 =	vld [tilespmem:s26+$0x15B80]  }
0x2e3: {  	v32 =	vld [tilespmem:s26+$0x15BA0]  }
0x2e4: {  	[tilespmem:$0x1FD20] =	vst v2;
	v2 =	vld [tilespmem:$0x1FBF0]  }
0x2e5: {  	v50 =	vld [tilespmem:s26+$0xFB90]  }
0x2e6: {  	v18 =	vmul.f32 v0, v30;
	v0 =	vld [tilespmem:$0x1FBA0]  }
0x2e7: {  	v49 =	vld [tilespmem:s26+$0x15B90]  }
0x2e8: {  	v46 =	vld [tilespmem:s26+$0xCBA0]  }
0x2e9: {  	v11 =	vmul.f32 v2, v28;
	v2 =	vld [tilespmem:$0x1FC00]  }
0x2ea: {  	v47 =	vld [tilespmem:s26+$0xFBA0]  }
0x2eb: {  	v42 =	vmul.f32 v0, v31;
	v0 =	vld [tilespmem:$0x1FBB0]  }
0x2ec: {  	v3 =	vld [tilespmem:$0x1FC70]  }
0x2ed: {  	v52 =	vld [tilespmem:s26+$0x12B90]  }
0x2ee: {  	v24 =	vadd.f32 v59, v51;
	v51 =	vadd.f32 v42, v18;
	v18 =	vmul.f32 v2, v29;
	v2 =	vld [tilespmem:$0x1FC10]  }
0x2ef: {  	v15 =	vld [tilespmem:s26+$0x12BA0]  }
0x2f0: {  	v59 =	vmul.f32 v0, v28;
	v0 =	vld [tilespmem:$0x1FBC0]  }
0x2f1: {  	v63 =	vadd.f32 v22, v23;
	v37 =	vld [tilespmem:s26+$0xFBB0];
	v22 =	vadd.f32 v12, v62  }
0x2f2: {  	v12 =	vld [tilespmem:s26+$0x15BB0]  }
0x2f3: {  	v26 =	vadd.f32 v22, v24;
	v24 =	vmul.f32 v2, v30;
	v2 =	vld [tilespmem:$0x1FC20]  }
0x2f4: {  	v62 =	vld [tilespmem:s26+$0x15BC0]  }
0x2f5: {  	v9 =	vmul.f32 v0, v29;
	v0 =	vld [tilespmem:$0x1FBD0]  }
0x2f6: {  	v4 =	vadd.f32 v14, v13;
	v14 =	vld [tilespmem:s26+$0x12BB0]  }
0x2f7: {  	v13 =	vld [tilespmem:s26+$0xCBC0]  }
0x2f8: {  	s30 =	sor.u32 $0x3, s28;
	v42 =	vmul.f32 v2, v31;
	v2 =	vld [tilespmem:$0x1FC40]  }
0x2f9: {  	[tilespmem:s26+$0x1BAC0] =	vst v63;
	v63 =	vld [tilespmem:$0x1FD60];
	v38 =	vadd.f32 v51, v4;
	v51 =	vmov s30  }
0x2fa: {  	v22 =	vperm.xlane v6, v51;
	v10 =	vmul.f32 v0, v30;
	v0 =	vld [tilespmem:$0x1FBE0]  }
0x2fb: {  	[tilespmem:s26+$0x1BAF0] =	vst v38;
	v38 =	vld [tilespmem:s26+$0x12CA0];
	v4 =	vadd.f32 v9, v59;
	v59 =	vperm.xlane v7, v51  }
0x2fc: {  	v44 =	vmul.f32 v44, v22;
	v29 =	vld [tilespmem:s26+$0x12BC0]  }
0x2fd: {  	v23 =	vadd.f32 v18, v11;
	v45 =	vmul.f32 v45, v59;
	v11 =	vmul.f32 v2, v59;
	v2 =	vld [tilespmem:$0x1FC50]  }
0x2fe: {  	v9 =	vld [tilespmem:s26+$0xFBD0]  }
0x2ff: {  	v61 =	vperm.xlane v8, v51;
	v44 =	vadd.f32 v45, v44;
	v45 =	vld [tilespmem:s26+$0x12BF0];
	v0 =	vmul.f32 v0, v31  }
0x300: {  	v28 =	vadd.f32 v42, v24;
	v31 =	vperm.xlane v5, v51;
	v51 =	vmul.f32 v3, v22;
	v3 =	vld [tilespmem:$0x1FC80]  }
0x301: {  	v0 =	vadd.f32 v0, v10;
	v10 =	vld [tilespmem:s26+$0xCBD0]  }
0x302: {  	v24 =	vadd.f32 v28, v23;
	v23 =	vmul.f32 v2, v61;
	v2 =	vld [tilespmem:$0x1FC60]  }
0x303: {  	v30 =	vadd.f32 v0, v4;
	v0 =	vld [tilespmem:$0x1FC30]  }
0x304: {  	v4 =	vld [tilespmem:s26+$0x12BD0]  }
0x305: {  	v42 =	vmul.f32 v3, v59;
	v3 =	vld [tilespmem:$0x1FC90]  }
0x306: {  	[tilespmem:s26+$0x1BB00] =	vst v30;
	v30 =	vld [tilespmem:s26+$0xFCB0]  }
0x307: {  	v18 =	vmul.f32 v2, v31;
	v2 =	vld [tilespmem:s26+$0x15BD0]  }
0x308: {  	v42 =	vadd.f32 v42, v51;
	v51 =	vld [tilespmem:s26+$0x12BE0];
	v0 =	vmul.f32 v0, v22  }
0x309: {  	v43 =	vmul.f32 v43, v31;
	v23 =	vadd.f32 v18, v23;
	v18 =	vmul.f32 v58, v61;
	v58 =	vld [tilespmem:s26+$0xFBE0]  }
0x30a: {  	v0 =	vadd.f32 v11, v0;
	v11 =	vld [tilespmem:s26+$0xCBE0]  }
0x30b: {  	v48 =	vmul.f32 v48, v61;
	v28 =	vadd.f32 v43, v18;
	v43 =	vmul.f32 v3, v31;
	v3 =	vld [tilespmem:s26+$0x15BE0]  }
0x30c: {  	v39 =	vmul.f32 v39, v31;
	v18 =	vadd.f32 v23, v0;
	v0 =	vmul.f32 v53, v22;
	v53 =	vld [tilespmem:s26+$0xCBF0]  }
0x30d: {  	v23 =	vmul.f32 v57, v59;
	v57 =	vmul.f32 v55, v61;
	v55 =	vld [tilespmem:s26+$0xFBF0]  }
0x30e: {  	v25 =	vmul.f32 v25, v61;
	v43 =	vadd.f32 v43, v48;
	v48 =	vld [tilespmem:s26+$0xFC00]  }
0x30f: {  	v40 =	vmul.f32 v40, v59;
	v42 =	vadd.f32 v28, v42;
	v28 =	vadd.f32 v39, v57;
	v39 =	vld [tilespmem:s26+$0x15BF0]  }
0x310: {  	v17 =	vmul.f32 v17, v59;
	v0 =	vadd.f32 v23, v0;
	v23 =	vadd.f32 v43, v44;
	v44 =	vld [tilespmem:s26+$0xCC00]  }
0x311: {  	s31 =	sor.u32 $0x4, s28;
	v60 =	vmul.f32 v60, v31;
	v19 =	vmul.f32 v19, v31;
	v43 =	vld [tilespmem:s26+$0x12C00]  }
0x312: {  	v59 =	vmul.f32 v56, v61;
	v61 =	vmov s31;
	v57 =	vmul.f32 v54, v22;
	v54 =	vld [tilespmem:s26+$0x15C00]  }
0x313: {  	v56 =	vperm.xlane v7, v61;
	v31 =	vperm.xlane v5, v61;
	[tilespmem:s26+$0x1BB20] =	vst v18;
	v18 =	vld [tilespmem:s26+$0xCCC0]  }
0x314: {  	v28 =	vadd.f32 v28, v0;
	v0 =	vmul.f32 v21, v22;
	v21 =	vadd.f32 v40, v57;
	v57 =	vld [tilespmem:s26+$0xCC10]  }
0x315: {  	v35 =	vmul.f32 v35, v56;
	v22 =	vadd.f32 v60, v59;
	v40 =	vperm.xlane v6, v61;
	v60 =	vld [tilespmem:s26+$0xFC10]  }
0x316: {  	v20 =	vmul.f32 v20, v31;
	v59 =	vperm.xlane v8, v61;
	v61 =	vld [tilespmem:s26+$0x15C10]  }
0x317: {  	v0 =	vadd.f32 v17, v0;
	v17 =	vadd.f32 v19, v25;
	v19 =	vmul.f32 v36, v40;
	v36 =	vld [tilespmem:s26+$0x12C10]  }
0x318: {  	v12 =	vmul.f32 v12, v31;
	v22 =	vadd.f32 v22, v21;
	v27 =	vmul.f32 v27, v59;
	[tilespmem:s26+$0x1BB50] =	vst v28;
	v28 =	vld [tilespmem:s26+$0xFCC0]  }
0x319: {  	v21 =	vadd.f32 v17, v0;
	v0 =	vmul.f32 v16, v40;
	v16 =	vmul.f32 v50, v56;
	v50 =	vld [tilespmem:s26+$0xCC20]  }
0x31a: {  	v14 =	vmul.f32 v14, v59;
	v17 =	vadd.f32 v35, v19;
	v35 =	vmul.f32 v49, v31;
	v49 =	vld [tilespmem:s26+$0xFC20]  }
0x31b: {  	v37 =	vmul.f32 v37, v56;
	v20 =	vadd.f32 v20, v27;
	v27 =	vmul.f32 v46, v40;
	v46 =	vld [tilespmem:s26+$0x15C20]  }
0x31c: {  	v52 =	vmul.f32 v52, v59;
	v12 =	vadd.f32 v12, v14;
	v14 =	vmul.f32 v34, v56;
	v34 =	vld [tilespmem:s26+$0xCC40]  }
0x31d: {  	v62 =	vmul.f32 v62, v31;
	v9 =	vmul.f32 v9, v56;
	v0 =	vadd.f32 v16, v0;
	v16 =	vld [tilespmem:s26+$0x12C20]  }
0x31e: {  	v2 =	vmul.f32 v2, v31;
	v25 =	vadd.f32 v35, v52;
	v35 =	vmul.f32 v47, v56;
	v47 =	vld [tilespmem:s26+$0xCC30]  }
0x31f: {  	v15 =	vmul.f32 v15, v59;
	v4 =	vmul.f32 v4, v59;
	v56 =	vld [tilespmem:s26+$0x12C50]  }
0x320: {  	v13 =	vmul.f32 v13, v40;
	v52 =	vmul.f32 v32, v31;
	v32 =	vadd.f32 v25, v0;
	v25 =	vld [tilespmem:s26+$0xFC30]  }
0x321: {  	v10 =	vmul.f32 v10, v40;
	v2 =	vadd.f32 v2, v4;
	v0 =	vmul.f32 v33, v40;
	v33 =	vld [tilespmem:s26+$0x12C30]  }
0x322: {  	s29 =	sor.u32 $0x5, s28;
	v27 =	vadd.f32 v35, v27;
	v15 =	vadd.f32 v52, v15;
	v52 =	vmul.f32 v29, v59;
	v29 =	vld [tilespmem:s26+$0xCC50]  }
0x323: {  	v19 =	vadd.f32 v20, v17;
	v59 =	vmov s29;
	v0 =	vadd.f32 v37, v0;
	v37 =	vld [tilespmem:s26+$0x15C30]  }
0x324: {  	v31 =	vperm.xlane v6, v59;
	v40 =	vperm.xlane v7, v59;
	v35 =	vadd.f32 v15, v27;
	v27 =	vld [tilespmem:s26+$0xFC40]  }
0x325: {  	v4 =	vperm.xlane v8, v59;
	v20 =	vadd.f32 v62, v52;
	v52 =	vld [tilespmem:s26+$0xFC50];
	v15 =	vperm.xlane v5, v59  }
0x326: {  	v62 =	vmul.f32 v58, v40;
	v58 =	vmul.f32 v53, v31;
	v53 =	vld [tilespmem:s26+$0xFC60]  }
0x327: {  	v59 =	vmul.f32 v55, v40;
	v55 =	vmul.f32 v57, v31;
	v57 =	vld [tilespmem:$0x1FD00]  }
0x328: {  	v17 =	vadd.f32 v12, v0;
	v0 =	vadd.f32 v14, v13;
	v12 =	vld [tilespmem:s26+$0x12C40]  }
0x329: {  	v10 =	vadd.f32 v9, v10;
	v14 =	vld [tilespmem:s26+$0x15C40]  }
0x32a: {  	v13 =	vld [tilespmem:s26+$0x15C50];
	v9 =	vadd.f32 v20, v0  }
0x32b: {  	v0 =	vmul.f32 v11, v31;
	v20 =	vadd.f32 v2, v10;
	v2 =	vmul.f32 v51, v4;
	v51 =	vld [tilespmem:s26+$0xCC60]  }
0x32c: {  	v11 =	vmul.f32 v44, v31;
	v44 =	vmul.f32 v48, v40;
	v48 =	vld [tilespmem:s26+$0x15C60]  }
0x32d: {  	v3 =	vmul.f32 v3, v15;
	v10 =	vadd.f32 v59, v58;
	v58 =	vld [tilespmem:$0x1FCB0]  }
0x32e: {  	v59 =	vld [tilespmem:$0x1FCC0]  }
0x32f: {  	v2 =	vadd.f32 v3, v2;
	v3 =	vmul.f32 v45, v4;
	v45 =	vld [tilespmem:s26+$0x12C60]  }
0x330: {  	v0 =	vadd.f32 v62, v0;
	v62 =	vld [tilespmem:$0x1FCA0]  }
0x331: {  	v39 =	vmul.f32 v39, v15;
	v11 =	vadd.f32 v44, v11;
	v44 =	vld [tilespmem:s26+$0x12C80]  }
0x332: {  	[tilespmem:s26+$0x1BA60] =	vst v57;
	v57 =	vld [tilespmem:$0x1FD30]  }
0x333: {  	v3 =	vadd.f32 v39, v3;
	v39 =	vmul.f32 v43, v4;
	v43 =	vmul.f32 v54, v15;
	v54 =	vld [tilespmem:s26+$0xCC70]  }
0x334: {  	v0 =	vadd.f32 v2, v0;
	v2 =	vld [tilespmem:$0x1FCD0]  }
0x335: {  	[tilespmem:s26+$0x1BA10] =	vst v58;
	v58 =	vld [tilespmem:s26+$0xFC70]  }
0x336: {  	[tilespmem:s26+$0x1BA00] =	vst v62;
	v62 =	vmul.f32 v60, v40;
	v60 =	vld [tilespmem:$0x1FCE0]  }
0x337: {  	[tilespmem:s26+$0x1BA20] =	vst v59;
	v59 =	vmul.f32 v50, v31;
	v31 =	vmul.f32 v47, v31;
	v47 =	vld [tilespmem:s26+$0xFC90]  }
0x338: {  	v16 =	vmul.f32 v16, v4;
	v50 =	vmul.f32 v46, v15;
	v39 =	vadd.f32 v43, v39;
	v43 =	vld [tilespmem:s26+$0x15C70]  }
0x339: {  	[tilespmem:s26+$0x1BA30] =	vst v2;
	v2 =	vadd.f32 v3, v10;
	v10 =	vmul.f32 v61, v15;
	v61 =	vld [tilespmem:$0x1FCF0]  }
0x33a: {  	v16 =	vadd.f32 v50, v16;
	v50 =	vld [tilespmem:s26+$0x12C90];
	v3 =	vmul.f32 v36, v4  }
0x33b: {  	v25 =	vmul.f32 v25, v40;
	v36 =	vld [tilespmem:s26+$0x12C70];
	[tilespmem:s26+$0x1BA40] =	vst v60;
	v60 =	vmul.f32 v49, v40  }
0x33c: {  	s30 =	sor.u32 $0x6, s28;
	v62 =	vadd.f32 v62, v55;
	v55 =	vld [tilespmem:s26+$0xCC80];
	v15 =	vmul.f32 v37, v15;
	v3 =	vadd.f32 v10, v3  }
0x33d: {  	v37 =	vld [tilespmem:s26+$0xCC90];
	v10 =	vadd.f32 v39, v11;
	v11 =	vadd.f32 v60, v59;
	v59 =	vmov s30  }
0x33e: {  	v25 =	vadd.f32 v25, v31;
	v4 =	vmul.f32 v33, v4;
	[tilespmem:s26+$0x1BA50] =	vst v61;
	v61 =	vld [tilespmem:$0x1FD10];
	v46 =	vperm.xlane v7, v59  }
0x33f: {  	v3 =	vadd.f32 v3, v62;
	v62 =	vld [tilespmem:$0x1FD20];
	v31 =	vperm.xlane v8, v59;
	v33 =	vperm.xlane v5, v59  }
0x340: {  	[tilespmem:s26+$0x1BAE0] =	vst v26;
	v60 =	vld [tilespmem:$0x1FD40];
	v39 =	vperm.xlane v6, v59;
	v27 =	vmul.f32 v27, v46  }
0x341: {  	[tilespmem:s26+$0x1BB30] =	vst v42;
	v49 =	vld [tilespmem:s26+$0xFC80];
	v12 =	vmul.f32 v12, v31;
	v14 =	vmul.f32 v14, v33  }
0x342: {  	[tilespmem:s26+$0x1BA90] =	vst v57;
	v4 =	vadd.f32 v15, v4;
	v40 =	vld [tilespmem:s26+$0x15C80];
	v13 =	vmul.f32 v13, v33;
	v51 =	vmul.f32 v51, v39  }
0x343: {  	v57 =	vmul.f32 v54, v39;
	v59 =	vmul.f32 v58, v46;
	[tilespmem:s26+$0x1BA70] =	vst v61;
	v61 =	vld [tilespmem:$0x1FD50]  }
0x344: {  	v4 =	vadd.f32 v4, v25;
	v25 =	vld [tilespmem:s26+$0x15CA0];
	v42 =	vmul.f32 v55, v39;
	[tilespmem:s26+$0x1BA80] =	vst v62;
	v62 =	vmul.f32 v34, v39  }
0x345: {  	v11 =	vadd.f32 v16, v11;
	v16 =	vld [tilespmem:s26+$0xCCA0];
	v44 =	vmul.f32 v44, v31;
	[tilespmem:s26+$0x1BAA0] =	vst v60;
	v60 =	vmul.f32 v29, v39  }
0x346: {  	[tilespmem:s26+$0x1BAD0] =	vst v63;
	v54 =	vld [tilespmem:s26+$0xCCD0];
	v12 =	vadd.f32 v14, v12;
	v15 =	vadd.f32 v27, v62;
	v62 =	vmul.f32 v56, v31  }
0x347: {  	[tilespmem:s26+$0x1BB10] =	vst v24;
	v55 =	vld [tilespmem:s26+$0xFCD0];
	v14 =	vadd.f32 v59, v57;
	v56 =	vmul.f32 v48, v33;
	v48 =	vmul.f32 v37, v39  }
0x348: {  	v34 =	vld [tilespmem:s26+$0x15C90];
	v13 =	vadd.f32 v13, v62;
	v62 =	vmul.f32 v43, v33;
	[tilespmem:s26+$0x1BAB0] =	vst v61;
	v61 =	vmul.f32 v52, v46  }
0x349: {  	[tilespmem:s26+$0x1BB40] =	vst v23;
	v29 =	vld [tilespmem:s26+$0xFCA0];
	v12 =	vadd.f32 v12, v15;
	v52 =	vmul.f32 v53, v46;
	v53 =	vmul.f32 v45, v31  }
0x34a: {  	[tilespmem:s26+$0x1BB60] =	vst v22;
	v57 =	vld [tilespmem:s26+$0x12CD0];
	v43 =	vmul.f32 v49, v46;
	v49 =	vmul.f32 v40, v33;
	v63 =	vadd.f32 v61, v60  }
0x34b: {  	s31 =	sor.u32 $0x7, s28;
	[tilespmem:s26+$0x1BB70] =	vst v21;
	v27 =	vld [tilespmem:s26+$0xCCB0];
	v60 =	vadd.f32 v52, v51;
	v61 =	vmul.f32 v36, v31;
	v15 =	vadd.f32 v56, v53  }
0x34c: {  	[tilespmem:s26+$0x1BB80] =	vst v19;
	v37 =	vld [tilespmem:s26+$0x12CC0];
	v51 =	vmul.f32 v47, v46;
	v31 =	vmul.f32 v50, v31;
	v53 =	vmov s31  }
0x34d: {  	[tilespmem:s26+$0x1BB90] =	vst v32;
	v45 =	vld [tilespmem:s26+$0x12CB0];
	v24 =	vadd.f32 v43, v42;
	v52 =	vmul.f32 v34, v33;
	v6 =	vperm.xlane v6, v53  }
0x34e: {  	[tilespmem:s26+$0x1BBA0] =	vst v35;
	v39 =	vld [tilespmem:s26+$0x15CC0];
	v56 =	vadd.f32 v49, v44;
	v7 =	vperm.xlane v7, v53;
	v8 =	vperm.xlane v8, v53  }
0x34f: {  	[tilespmem:s26+$0x1BBB0] =	vst v17;
	v43 =	vld [tilespmem:s26+$0x12CE0];
	v5 =	vperm.xlane v5, v53;
	v13 =	vadd.f32 v13, v63;
	v16 =	vmul.f32 v16, v6  }
0x350: {  	[tilespmem:s26+$0x1BBC0] =	vst v9;
	v36 =	vld [tilespmem:s26+$0x15CB0];
	v63 =	vadd.f32 v62, v61;
	v59 =	vmul.f32 v29, v7;
	v62 =	vmul.f32 v38, v8  }
0x351: {  	[tilespmem:s26+$0x1BBD0] =	vst v20;
	v46 =	vld [tilespmem:s26+$0x15CE0];
	v15 =	vadd.f32 v15, v60;
	v25 =	vmul.f32 v25, v5;
	v33 =	vmul.f32 v27, v6  }
0x352: {  	[tilespmem:s26+$0x1BBE0] =	vst v0;
	v50 =	vld [tilespmem:s26+$0xFCF0];
	v58 =	vadd.f32 v51, v48;
	v35 =	vmul.f32 v30, v7;
	v40 =	vmul.f32 v45, v8  }
0x353: {  	[tilespmem:s26+$0x1BBF0] =	vst v2;
	v53 =	vld [tilespmem:s26+$0x12CF0];
	v61 =	vadd.f32 v52, v31;
	v48 =	vmul.f32 v18, v6;
	v49 =	vmul.f32 v28, v7  }
0x354: {  	[tilespmem:s26+$0x1BC00] =	vst v10;
	v60 =	vld [tilespmem:s26+$0x15CD0];
	v0 =	vadd.f32 v56, v24;
	v51 =	vmul.f32 v37, v8;
	v52 =	vmul.f32 v39, v5  }
0x355: {  	[tilespmem:s26+$0x1BC10] =	vst v3;
	v56 =	vld [tilespmem:s26+$0x15CF0];
	v54 =	vmul.f32 v54, v6;
	v55 =	vmul.f32 v55, v7;
	v14 =	vadd.f32 v63, v14  }
0x356: {  	[tilespmem:s26+$0x1BC30] =	vst v4;
	v38 =	vld [tilespmem:s26+$0xFCE0];
	v57 =	vmul.f32 v57, v8;
	v2 =	vadd.f32 v61, v58;
	v44 =	vadd.f32 v59, v16  }
0x357: {  	[tilespmem:s26+$0x1BC20] =	vst v11;
	v63 =	vld [tilespmem:s26+$0xCCE0];
	v61 =	vmul.f32 v43, v8;
	v45 =	vadd.f32 v25, v62;
	v3 =	vadd.f32 v35, v33  }
0x358: {  	[tilespmem:s26+$0x1BC40] =	vst v12;
	v47 =	vld [tilespmem:s26+$0xCCF0];
	v42 =	vmul.f32 v36, v5;
	v11 =	vadd.f32 v49, v48;
	v4 =	vadd.f32 v52, v51  }
0x359: {  	[tilespmem:s26+$0x1BC50] =	vst v13;
	v12 =	vadd.f32 v55, v54;
	v62 =	vmul.f32 v46, v5;
	v8 =	vmul.f32 v53, v8  }
0x35a: {  	[tilespmem:s26+$0x1BC60] =	vst v15;
	v9 =	vadd.f32 v42, v40;
	v10 =	vadd.f32 v45, v44;
	v58 =	vmul.f32 v60, v5  }
0x35b: {  	[tilespmem:s26+$0x1BC80] =	vst v0;
	v0 =	vadd.f32 v4, v11;
	v5 =	vmul.f32 v56, v5;
	v60 =	vmul.f32 v38, v7  }
0x35c: {  	[tilespmem:s26+$0x1BC70] =	vst v14;
	v4 =	vadd.f32 v62, v61;
	v7 =	vmul.f32 v50, v7;
	v59 =	vmul.f32 v63, v6  }
0x35d: {  	[tilespmem:s26+$0x1BC90] =	vst v2;
	v3 =	vadd.f32 v9, v3;
	v6 =	vmul.f32 v47, v6;
	v9 =	vadd.f32 v58, v57  }
0x35e: {  	p0 =	sne.s32 s25, $0xF;
	[tilespmem:s26+$0x1BCA0] =	vst v10;
	v5 =	vadd.f32 v5, v8;
	v63 =	vadd.f32 v60, v59  }
.Ltmp5:
0x35f: {  	v2 =	vadd.f32 v9, v12;
	[tilespmem:s26+$0x1BCB0] =	vst v3;
	v3 =	vadd.f32 v7, v6;
	(pc) =	sbr.rel @p0 .LBB2_13-.Ltmp5, $4  }
0x360: {  	[tilespmem:s26+$0x1BCC0] =	vst v0;
	v0 =	vadd.f32 v4, v63  }
0x361: {  	[tilespmem:s26+$0x1BCD0] =	vst v2;
	v2 =	vadd.f32 v5, v3  }
0x362: {  	[tilespmem:s26+$0x1BCE0] =	vst v0  }
0x363: {  	s25 =	sadd.s32 $0x1, s25;
	[tilespmem:s26+$0x1BCF0] =	vst v2  }
0x364: {  	s23 =	sadd.s32 $0x1, s23  }
0x365: {  	s16 =	sshll.u32 s24, $0x7;
	p0 =	sne.s32 s23, $0x24  }
.Ltmp6:
0x366: {  	s16 =	sadd.s32 s6, s16;
	(pc) =	sbr.rel @p0 .LBB2_4-.Ltmp6, $3  }
0x367: {  	s16 =	smul.u32 $0xC, s16;
	_ =	sdelay $0x1  }
0x368: {  	s16 =	sadd.s32 s7, s16  }
0x369: {  	v18 =	vlaneseq.u32;
	[hbm4b:s16+s3] =	stream.linear.scatter [tilespmem:s22], [sflag:$0x4], $0x3000, $0x38;
	[tilespmem:$0x1EA00] =	vst v63  }
0x36a: {  	s16 =	simm.s32 $0x3  }
0x36b: {  	_ =	swait.ge [sflag:s16], $0x3000  }
0x36c: {  	[sflag:s16] =	ssyncset.done $0x0  }
0x36d: {  	s23 =	simm.s32 $0x4;
	[sflag:s16] =	ssyncadd.s32 $0xFFFFD000  }
0x36e: {  	_ =	swait.ge [sflag:s23], $0x3000  }
0x36f: {  	s24 =	rddreg [dreg:$0xb]  }
0x370: {  	s31 =	rddreg [dreg:$0xa];
	s24 =	sadd.s32 $0x1, s24  }
0x371: {  	p0 =	sne.s32 s24, s31  }
.Ltmp7:
0x372: {  	_ = 	snop;
	(pc) =	sbr.rel @p0 .LBB2_1-.Ltmp7, $3  }
0x373: {  	_ =	sdelay $0x1  }
0x374: {  	[sflag:s23] =	ssyncset.done $0x0  }
0x375: {  	v3 =	vld [tilespmem:$0x1FFF0];
	[sflag:s23] =	ssyncadd.s32 $0xFFFFD000  }
0x376: {  	_ =	sfence.sel $0x180000  }
0x377: {  	[bflag:$0x0] =	sbarrier.arrive $0xFFFF  }
0x378: {  	_ =	strace $0x90000047  }
0x379: {  	s0 =	stileid.u32;
	[bflag:$0x2] =	sbarrier.arrive $0xFFFF  }
0x37a: {  	p0 =	sne.s32 s0, $0x0;
	s0 =	rddreg [dreg:$0x2]  }
0x37b: {  	s0 =	sadd.s32 @!p0 $0x100000, s0  }
0x37c: {  	[sflag:s0] =	ssyncadd.tile.s32 @!p0 $0x1;
	_ =	shalt  }
.Lfunc_end2:
_tile_overlayer_lowered:
.L_overlay_start_2:
0x37d: {  	(tag) =	ssettag $0x2  }
0x37e: {  	s0 =	rddreg [dreg:$0x0];
	s2 =	stileid.u32  }
0x37f: {  	s1 =	rddreg [dreg:$0x1];
	p0 =	sne.s32 s2, $0x0  }
0x380: {  	s3 =	rddreg [dreg:$0x2];
	[bflag:$0x3] =	sbarrier.arrive $0xFFFF;
	s2 =	simm.s32 @!p0 $0x1C05  }
0x381: {  	[timem:s3], [sflag:s2] =	dma.local @!p0 [hbm:s0], s1  }
0x382: {  	s0 =	simm.s32 @!p0 $0x5  }
0x383: {  	_ =	swait.ge @!p0 [sflag:s0], s1  }
0x384: {  	s1 =	ssub.s32 @!p0 $0x0, s1;
	[sflag:s0] =	ssyncset.done @!p0 $0x0  }
0x385: {  	[sflag:s0] =	ssyncadd.s32 @!p0 s1  }
0x386: {  	[bflag:$0x3] =	sbarrier.arrive $0xFFFF  }
0x387: {  	_ =	shalt  }

// kernel: sparse-core-data-format-call.cloned.1.call-start
scs
called_computation_lowered:
.L_overlay_start_0:
0x0: {  	s2 =	sld [smem:$0x3FD9]  }
0x1: {  	s3 =	sld [smem:$0x3FFE];
	_ =	sdelay $0x1  }
0x2: {  	s1 =	srdreg.scid  }
0x3: {  	s0 =	sand.u32 $0x1, s1  }
0x4: {  	s18 =	sshll.u32 s0, $0xA;
	s2 =	sadd.s32 s3, s2  }
0x5: {  	s2 =	sadd.s32 s2, s18  }
0x6: {  	[smem:$0x3FC6] =	sst s2  }
0x7: {  	_ = 	snop  }
0x8: {  	s2 =	sld [smem:$0x3FD0];
	(tm) =	ssettm $0x1  }
0x9: {  	s19 =	sld [smem:$0x3FFB];
	_ =	sdelay $0x3  }
0xa: {  	_ =	strace s19  }
0xb: {  	s3 =	sld [smem:$0x3FFC];
	_ =	sdelay $0x3  }
0xc: {  	_ =	strace s3  }
0xd: {  	s3 =	sld [smem:$0x3FFD];
	_ =	sdelay $0x3  }
0xe: {  	_ =	strace s3  }
0xf: {  	_ =	strace $0x8FFFFFFF  }
0x10: {  	s20 =	sld [smem:$0x3FDB];
	_ =	sdelay $0x1  }
0x11: {  	s4 =	simm.s32 $_scs_section_size  }
0x12: {  	s5 =	simm.s32 $_size__tile_overlayer_lowered;
	s6 =	simm.s32 $_tile_overlayer_lowered  }
0x13: {  	s23 =	simm.s32 $0x1BFF;
	s22 =	sshll.u32 s6, $0x1;
	s3 =	sadd.s32 s4, s20  }
0x14: {  	s7 =	simm.s32 $0x0;
	s21 =	sshll.u32 s5, $0x1;
	s5 =	sadd.s32 s22, s3  }
0x15: {  	[timem:s7], [sflag:s23] =	dma.local [hbm:s5], s21  }
0x16: {  	_ =	swait.ge [sflag:s23], s21  }
0x17: {  	s4 =	ssub.s32 $0x0, s21;
	[sflag:s23] =	ssyncset.done $0x0  }
0x18: {  	[sflag:s23] =	ssyncadd.s32 s4;
	_ =	sdelay $0x1  }
0x19: {  	s24 =	simm.s32 $0x1B8B  }
0x1a: {  	_ =	swait.ge [sflag:s24], $0x1  }
0x1b: {  	[sflag:s24] =	ssyncset.done $0x0  }
0x1c: {  	s26 =	simm.s32 $0x1B8E;
	s25 =	sld [smem:$0x3FFE];
	[sflag:s24] =	ssyncadd.s32 $0xFFFFFFFF  }
0x1d: {  	s27 =	simm.s32 $execute0_lowered;
	[smem:$0x3FD2] =	sst s26  }
0x1e: {  	s5 =	sshll.u32 s27, $0x1;
	_ =	strace $0x80000049;
	[dreg:$0x1] =	wrdreg $0xFFFFFFFF  }
0x1f: {  	s28 =	simm.s32 $_size_execute0_lowered;
	s3 =	sadd.s32 s3, s5;
	[dreg:$0x0] =	wrdreg $0x0  }
0x20: {  	s5 =	sshll.u32 s28, $0x1;
	[dreg:$0x2] =	wrdreg s3  }
0x21: {  	[dreg:$0x3] =	wrdreg s5  }
0x22: {  	[dreg:$0x4] =	wrdreg $0xC0  }
0x23: {  	_ =	task [dreg:s7], $0x5FFFF  }
0x24: {  	[dreg:$0x1] =	wrdreg $0xFFFFFFFF  }
0x25: {  	[dreg:$0x0] =	wrdreg $0x60  }
0x26: {  	[dreg:$0x2] =	wrdreg s25  }
0x27: {  	[dreg:$0x3] =	wrdreg s2  }
0x28: {  	[dreg:$0x4] =	wrdreg $0x9  }
0x29: {  	_ =	task.clear_ibuf [dreg:s7], $0x5FFFF;
	_ =	strace $0x90000049  }
0x2a: {  	s29 =	simm.s32 $0x9;
	_ =	strace $0x8000004B  }
0x2b: {  	_ =	swait.ge [sflag:s29], $0x1  }
0x2c: {  	[sflag:s29] =	ssyncadd.s32 $0xFFFFFFFF  }
0x2d: {  	_ =	strace $0x9000004B  }
0x2e: {  	_ =	sfence  }
0x2f: {  	s30 =	sld [smem:$0x0];
	_ =	sdelay $0x2  }
0x30: {  	s31 =	sshll.u32 s1, $0xD;
	s1 =	sshrl.u32 s1, $0x2  }
0x31: {  	s3 =	sand.u32 $0x4000, s31;
	s1 =	sadd.s32 s1, s30  }
0x32: {  	s0 =	sor.u32 s3, s0;
	s1 =	sshll.u32 s1, $0x11  }
0x33: {  	s0 =	sor.u32 s1, s0  }
0x34: {  	s0 =	sadd.s32 $0x8F2B, s0  }
0x35: {  	[sflag:s0] =	ssyncadd.remote.s32 $0x1  }
0x36: {  	_ =	sfence.sel $0xFFFF  }
0x37: {  	[dreg:$0x0] =	wrdreg $0xFFFFFFFF;
	(pc) =	sbr.abs _section_cstart, $3  }
0x38: {  	[dreg:$0x1] =	wrdreg $0xFFFFFFFF  }
0x39: {  	_ =	task.clear_ibuf [dreg:s7], $0x2FFFF;
	_ =	strace $0x9FFFFFFF  }
0x3a: {  	(tm) =	ssettm $0x7FFFFFFF  }
0x3b: {  	_ =	shalt  }
tec
execute0_lowered:
.L_overlay_start_1:
0x0: {  	(tag) =	ssettag $0x1  }
0x1: {  	s4 =	rddreg [dreg:$0x0]  }
0x2: {  	s2 =	rddreg [dreg:$0x1]  }
0x3: {  	s1 =	stileid.u32;
	s0 =	rddreg [dreg:$0x2];
	_ =	strace $0x8000004A  }
0x4: {  	s5 =	srdreg.scid;
	s8 =	simm.s32 $0x2;
	s17 =	simm.s32 $0x0  }
0x5: {  	p0 =	por $0x0, $0x0;
	s9 =	simm.s32 $0xC00;
	s18 =	simm.s32 $0x0  }
0x6: {  	s19 =	simm.s32 $0x0;
	s10 =	simm.s32 $0x0;
	s11 =	simm.s32 $0x0  }
0x7: {  	s12 =	simm.s32 $0x0;
	s13 =	simm.s32 $0x0;
	s3 =	sand.u32 $0x1, s1  }
0x8: {  	s16 =	simm.s32 $0x0;
	s5 =	sshll.u32 s5, $0x4;
	s6 =	ssub.s32 $0x2, s3  }
.Ltmp0:
0x9: {  	s7 =	sshrl.u32 s6, $0x1;
	s6 =	sand.u32 $0x1, s6;
	(pc) =	sbr.rel .LBB1_1-.Ltmp0, $4  }
0xa: {  	s4 =	sadd.s32 $0x372C00, s4;
	s5 =	sand.u32 $0x10, s5;
	s6 =	sadd.s32 s6, s7  }
0xb: {  	s31 =	sor.u32 s1, s5;
	s5 =	simm.s32 $0x1;
	s6 =	smul.u32 $0x48, s6  }
0xc: {  	s15 =	smov.u32 s3;
	s7 =	sshrl.u32 s31, $0x1;
	[sflag:s5] =	ssyncpa.u1 $0x0  }
0xd: {  	[sflag:s8] =	ssyncpa.u1 $0x0;
	s14 =	smov.u32 s7;
	s8 =	sor.u32 $0x1, s6  }
.LBB1_4:
0xe: {  	s25 =	sshll.u32 s10, $0x3  }
0xf: {  	s26 =	sand.u32 $0x7F, s10;
	[tilespmem:s22+$0x2040 ss:$0x81] =	vst.msk $0xffff, v4;
	s25 =	sand.u32 $0xFFFFFC00, s25  }
0x10: {  	s24 =	sshra.s32 s24, $0x2;
	[tilespmem:s22+$0x2850 ss:$0x81] =	vst.msk $0xffff, v3;
	s26 =	sor.u32 s26, s25;
	s25 =	smulhi.u32 $0xAAAAAAAB, s25  }
0x11: {  	p1 =	sgt.s32 s12, $0x1;
	s29 =	sshra.s32 s12, $0x1F;
	[tilespmem:s22+$0x3060 ss:$0x81] =	vst.msk $0xffff, v2;
	s27 =	smulhi.u32 $0xAAAAAAAB, s26  }
0x12: {  	s31 =	sshra.s32 s11, $0x1F;
	[tilespmem:s22+$0x0 ss:$0x81] =	vst.msk $0xffff, v1;
	s22 =	smov.u32 s10;
	s25 =	sshrl.u32 s25, $0x8  }
0x13: {  	s23 =	sadd.s32 s24, s23;
	s30 =	sshrl.u32 s27, $0x8;
	s28 =	smulhi.u32 $0x2AAAAAB, s25  }
0x14: {  	s29 =	sand.u32 s29, s12;
	s27 =	smov.u32 s12;
	s24 =	smul.u32 $0x180, s30  }
0x15: {  	s27 =	simm.s32 @!p1 $0x1;
	p1 =	sgt.s32 s11, $0x17F;
	s30 =	smov.u32 s11  }
0x16: {  	s31 =	sand.u32 s31, s11;
	s29 =	sxor.u32 $0xFFFFFFFF, s29;
	s30 =	simm.s32 @!p1 $0x17F  }
0x17: {  	v5 =	vld [tilespmem:s21+$0xFFFFFFD0];
	s27 =	sadd.s32 s29, s27;
	s28 =	smul.u32 $0x60, s28;
	s31 =	ssub.s32 s30, s31  }
0x18: {  	v58 =	vld [tilespmem:s21+$0xFFFFFFE0];
	p1 =	sgt.s32 s27, $0x0;
	s27 =	ssub.s32 $0x1, s27;
	s30 =	sadd.s32 $0xFFFFFE81, s31  }
0x19: {  	v59 =	vld [tilespmem:s21+$0xFFFFFFF0];
	s29 =	ssub.s32 $0x180, s31;
	s27 =	smul.u32 $0x60, s27;
	p2 =	sgt.s32 s30, $0x0  }
0x1a: {  	v60 =	vld [tilespmem:s21+$0x0];
	s31 =	sshra.s32 s10, $0x1F;
	s29 =	simm.s32 @p2 $0x0;
	p2 =	sgt.s32 s10, $0x100  }
0x1b: {  	v61 =	vld [tilespmem:s21+$0x10];
	[tilespmem:s23+$0x3870 ss:$0x81] =	vst.msk $0xffff, v0;
	s24 =	ssub.s32 s26, s24;
	s30 =	sand.u32 s31, s10;
	s22 =	simm.s32 @!p2 $0x100  }
0x1c: {  	v62 =	vld [tilespmem:s21+$0x20];
	[tilespmem:s23+$0x810 ss:$0x81] =	vst.msk $0xffff, v5;
	s31 =	smul.u32 $0x1B0000, s12;
	s27 =	simm.s32 @p1 $0x0;
	s22 =	ssub.s32 s22, s30  }
0x1d: {  	v63 =	vld [tilespmem:s21+$0xFFFFFFC0];
	[tilespmem:s23+$0x1020 ss:$0x81] =	vst.msk $0xffff, v58;
	s26 =	smul.u32 s29, s27;
	s29 =	ssub.s32 s25, s28;
	s30 =	sadd.s32 $0xFFFFFF00, s22  }
0x1e: {  	[tilespmem:s23+$0x1830 ss:$0x81] =	vst.msk $0xffff, v59;
	s28 =	smul.u32 $0x1200, s11;
	s22 =	ssub.s32 $0x180, s22;
	p1 =	sgt.s32 s30, $0x7F  }
0x1f: {  	[tilespmem:s23+$0x2040 ss:$0x81] =	vst.msk $0xffff, v60;
	s27 =	sadd.s32 s2, s31;
	s21 =	smul.u32 $0x30, s29;
	s22 =	simm.s32 @p1 $0x0  }
0x20: {  	[tilespmem:s23+$0x2850 ss:$0x81] =	vst.msk $0xffff, v61;
	s29 =	sand.u32 $0x7, s24;
	s25 =	sadd.s32 s28, s27;
	s22 =	smul.u32 s22, s26  }
0x21: {  	[tilespmem:s23+$0x3060 ss:$0x81] =	vst.msk $0xffff, v62;
	s24 =	sshrl.u32 s24, $0x3;
	s21 =	sadd.s32 s21, s25;
	s30 =	sshll.u32 s29, $0x12  }
0x22: {  	[tilespmem:s23+$0x0 ss:$0x81] =	vst.msk $0xffff, v63;
	s21 =	sadd.s32 s24, s21;
	s31 =	sor.u32 $0x400, s30;
	s22 =	sand.u32 $0x3FFFFFE0, s22  }
0x23: {  	[hbm4b:s21+s31] =	stream.strided.scatter [tilespmem:s20], [sflag:$0x2], s22, s9, s31, $0x20;
	[tilespmem:$0x10100] =	vst v63  }
.LBB1_5:
0x24: {  	p1 =	slt.u32 s16, $0x2;
	s21 =	smov.u32 s19  }
0x25: {  	p2 =	sgt.s32 @!p1 s19, $0x1;
	s20 =	sshra.s32 @!p1 s19, $0x1F;
	s22 =	sshra.s32 @!p1 s17, $0x1F  }
0x26: {  	p2 =	por !p2, p1;
	s19 =	sand.u32 @!p1 s20, s19;
	s20 =	smov.u32 s18  }
0x27: {  	s21 =	simm.s32 @p2 $0x1;
	s19 =	sxor.u32 @!p1 $0xFFFFFFFF, s19;
	p2 =	sgt.s32 @!p1 s18, $0x17F  }
0x28: {  	s19 =	sadd.s32 @!p1 s19, s21;
	p3 =	por !p2, p1;
	s21 =	sshra.s32 @!p1 s18, $0x1F  }
0x29: {  	p2 =	sgt.s32 @!p1 s19, $0x0;
	s20 =	simm.s32 @p3 $0x17F;
	s18 =	sand.u32 @!p1 s21, s18  }
0x2a: {  	s19 =	ssub.s32 @!p1 $0x1, s19;
	p3 =	sgt.s32 @!p1 s17, $0x100;
	s21 =	smov.u32 s17  }
0x2b: {  	s17 =	sand.u32 @!p1 s22, s17;
	s18 =	ssub.s32 @!p1 s20, s18;
	p3 =	por !p3, p1  }
0x2c: {  	s19 =	smul.u32 @!p1 $0x60, s19;
	s20 =	sadd.s32 @!p1 $0xFFFFFE81, s18;
	s21 =	simm.s32 @p3 $0x100  }
0x2d: {  	p2 =	por !p2, p1;
	p3 =	sgt.s32 @!p1 s20, $0x0;
	s17 =	ssub.s32 @!p1 s21, s17  }
0x2e: {  	s18 =	ssub.s32 @!p1 $0x180, s18;
	p3 =	por !p3, p1;
	s20 =	sadd.s32 @!p1 $0xFFFFFF00, s17  }
0x2f: {  	s19 =	simm.s32 @!p2 $0x0;
	s18 =	simm.s32 @!p3 $0x0;
	p3 =	sgt.s32 @!p1 s20, $0x7F  }
0x30: {  	s17 =	ssub.s32 @!p1 $0x180, s17;
	p2 =	por !p3, p1;
	s18 =	smul.u32 @!p1 s18, s19  }
0x31: {  	s21 =	smov.u32 s14;
	s20 =	sadd.s32 $0x80, s13;
	s17 =	simm.s32 @!p2 $0x0  }
0x32: {  	p2 =	sgt.s32 s20, $0x17F;
	s17 =	smul.u32 @!p1 s17, s18;
	s18 =	sadd.s32 $0x10, s14  }
0x33: {  	s21 =	smov.u32 @p2 s18  }
0x34: {  	s23 =	smov.u32 s15;
	s18 =	sadd.s32 $0x2, s15;
	p3 =	sgt.s32 s21, $0x17F  }
0x35: {  	p0 =	por !p0, !p0;
	s22 =	simm.s32 @!p1 $0x2;
	s23 =	smov.u32 @p3 s18  }
0x36: {  	s19 =	smov.u32 s12;
	s20 =	simm.s32 @p2 $0x0;
	p2 =	sgt.s32 s23, $0x1  }
0x37: {  	s17 =	sand.u32 @!p1 $0x3FFFFFE0, s17;
	s23 =	smov.u32 @p2 s3;
	p2 =	sne.s32 s16, s8  }
.Ltmp1:
0x38: {  	s12 =	smov.u32 s15;
	_ =	swait.ge @!p1 [sflag:s22], s17;
	(pc) =	sbr.rel @!p2 .LBB1_6-.Ltmp1, $4  }
0x39: {  	s24 =	ssub.s32 @!p1 $0x0, s17;
	s21 =	smov.u32 @p3 s7;
	s17 =	smov.u32 s10  }
0x3a: {  	s18 =	smov.u32 s11;
	s10 =	smov.u32 s13;
	s11 =	smov.u32 s14  }
0x3b: {  	s13 =	smov.u32 s20;
	[sflag:s22] =	ssyncset.done @!p1 $0x0;
	s14 =	smov.u32 s21  }
0x3c: {  	s16 =	sadd.s32 $0x1, s16;
	[sflag:s22] =	ssyncadd.s32 @!p1 s24;
	s15 =	smov.u32 s23  }
.LBB1_1:
0x3d: {  	p1 =	sge.u32 s16, s6  }
0x3e: {  	s20 =	sand.u32 @!p1 $0x1FFFFFF, s13  }
0x3f: {  	s21 =	smulhi.u32 @!p1 $0xAAAAAB, s20  }
0x40: {  	s22 =	smul.u32 @!p1 $0x240000, s15  }
0x41: {  	s21 =	smul.u32 @!p1 $0x180, s21  }
0x42: {  	s31 =	sadd.s32 $0xFFFFFFFF, s16;
	s23 =	smul.u32 @!p1 $0x1800, s14  }
0x43: {  	s22 =	sadd.s32 @!p1 s4, s22;
	s20 =	ssub.s32 @!p1 s20, s21;
	s21 =	sxor.u32 @!p1 $0xFFFFFFFF, s16  }
0x44: {  	s22 =	sadd.s32 @!p1 s23, s22;
	s21 =	sshll.u32 @!p1 s21, $0xE;
	s20 =	sshll.u32 @!p1 s20, $0x4  }
0x45: {  	s21 =	sand.u32 @!p1 $0x4000, s21;
	s20 =	sadd.s32 @!p1 s20, s22;
	s22 =	simm.s32 @!p1 $0x0  }
0x46: {  	[tilespmem:s21], [sflag:$0x1] =	stream.linear.gather @!p1 [hbm4b:s20+s22], $0x4000, $0x38;
	[tilespmem:$0x10100] =	vst v63  }
0x47: {  	p1 =	sge.u32 s31, s6  }
.Ltmp2:
0x48: {  	_ = 	snop;
	(pc) =	sbr.rel @p1 .LBB1_5-.Ltmp2, $1  }
0x49: {  	_ =	sdelay $0x3  }
0x4a: {  	s20 =	simm.s32 $0x1  }
0x4b: {  	_ =	swait.ge [sflag:s5], $0x4000;
	s20 =	simm.s32 @!p0 $0x0  }
0x4c: {  	[sflag:s5] =	ssyncset.done $0x0;
	s21 =	sshll.u32 s20, $0xE  }
0x4d: {  	[sflag:s5] =	ssyncadd.s32 $0xFFFFC000;
	s21 =	sor.u32 $0x40, s21  }
0x4e: {  	s20 =	smul.u32 $0x10200, s20;
	v0 =	vld [tilespmem:s21+$0x30]  }
0x4f: {  	v1 =	vld [tilespmem:s21+$0xFFFFFFD0]  }
0x50: {  	s20 =	sshrl.u32 s20, $0x2;
	v5 =	vld [tilespmem:s21+$0xFFFFFFE0]  }
0x51: {  	v6 =	vld [tilespmem:s21+$0xFFFFFFF0];
	s23 =	sor.u32 $0x8000, s20  }
0x52: {  	s31 =	sand.u32 $0x1, s16;
	v4 =	vld [tilespmem:s21+$0x0];
	s22 =	sadd.s32 $0x0, s23  }
0x53: {  	v3 =	vld [tilespmem:s21+$0x10];
	s20 =	smul.u32 $0x10200, s31;
	[tilespmem:s22+$0x3870 ss:$0x81] =	vst.msk $0xffff, v0  }
0x54: {  	v2 =	vld [tilespmem:s21+$0x20];
	[tilespmem:s22+$0x810 ss:$0x81] =	vst.msk $0xffff, v1  }
0x55: {  	s20 =	sshrl.u32 s20, $0x2;
	v1 =	vld [tilespmem:s21+$0xFFFFFFC0];
	[tilespmem:s22+$0x1020 ss:$0x81] =	vst.msk $0xffff, v5;
	s21 =	sadd.s32 $0x80, s21  }
0x56: {  	s24 =	simm.s32 $0x4;
	s25 =	simm.s32 $0x8;
	s20 =	sor.u32 $0x8000, s20;
	[tilespmem:s22+$0x1830 ss:$0x81] =	vst.msk $0xffff, v6;
	v0 =	vld [tilespmem:s21+$0x30]  }
.LBB1_3:
0x57: {  	p1 =	sne.s32 s25, $0x1FC;
	v5 =	vld [tilespmem:s21+$0xFFFFFFD0];
	[tilespmem:s22+$0x2040 ss:$0x81] =	vst.msk $0xffff, v4  }
0x58: {  	v6 =	vld [tilespmem:s21+$0xFFFFFFE0];
	[tilespmem:s22+$0x2850 ss:$0x81] =	vst.msk $0xffff, v3  }
0x59: {  	s26 =	sshra.s32 s24, $0x2;
	s24 =	smov.u32 s25;
	v7 =	vld [tilespmem:s21+$0xFFFFFFF0];
	[tilespmem:s22+$0x3060 ss:$0x81] =	vst.msk $0xffff, v2  }
.Ltmp3:
0x5a: {  	v4 =	vld [tilespmem:s21+$0x0];
	[tilespmem:s22+$0x0 ss:$0x81] =	vst.msk $0xffff, v1;
	s22 =	sadd.s32 s26, s23;
	(pc) =	sbr.rel @p1 .LBB1_3-.Ltmp3, $4  }
0x5b: {  	v3 =	vld [tilespmem:s21+$0x10];
	[tilespmem:s22+$0x3870 ss:$0x81] =	vst.msk $0xffff, v0  }
0x5c: {  	[tilespmem:s22+$0x810 ss:$0x81] =	vst.msk $0xffff, v5;
	v2 =	vld [tilespmem:s21+$0x20]  }
0x5d: {  	v1 =	vld [tilespmem:s21+$0xFFFFFFC0];
	[tilespmem:s22+$0x1020 ss:$0x81] =	vst.msk $0xffff, v6;
	s21 =	sadd.s32 $0x80, s21  }
0x5e: {  	s25 =	sadd.s32 $0x4, s25;
	v0 =	vld [tilespmem:s21+$0x30];
	[tilespmem:s22+$0x1830 ss:$0x81] =	vst.msk $0xffff, v7  }
.Ltmp4:
0x5f: {  	_ = 	snop;
	(pc) =	sbr.rel .LBB1_4-.Ltmp4, $1  }
0x60: {  	_ =	sdelay $0x3  }
.LBB1_6:
0x61: {  	_ =	sfence.sel $0x180000  }
0x62: {  	s2 =	simm.s32 $0x1;
	[bflag:$0x0] =	sbarrier.arrive $0xFFFF  }
0x63: {  	s31 =	simm.s32 $0x2;
	[sflag:s2] =	ssyncpa.u1 $0x1  }
0x64: {  	[sflag:s31] =	ssyncpa.u1 $0x1  }
0x65: {  	p0 =	sne.s32 s1, $0x0;
	_ =	strace $0x9000004A  }
0x66: {  	s0 =	sadd.s32 @!p0 $0x100000, s0;
	[bflag:$0x2] =	sbarrier.arrive $0xFFFF  }
0x67: {  	[sflag:s0] =	ssyncadd.tile.s32 @!p0 $0x1;
	_ =	shalt  }
.Lfunc_end1:
_tile_overlayer_lowered:
.L_overlay_start_2:
0x68: {  	(tag) =	ssettag $0x2  }
0x69: {  	s0 =	rddreg [dreg:$0x0];
	s2 =	stileid.u32  }
0x6a: {  	s1 =	rddreg [dreg:$0x1];
	p0 =	sne.s32 s2, $0x0  }
0x6b: {  	s3 =	rddreg [dreg:$0x2];
	[bflag:$0x3] =	sbarrier.arrive $0xFFFF;
	s2 =	simm.s32 @!p0 $0x1C01  }
0x6c: {  	[timem:s3], [sflag:s2] =	dma.local @!p0 [hbm:s0], s1  }
0x6d: {  	s0 =	simm.s32 @!p0 $0x1  }
0x6e: {  	_ =	swait.ge @!p0 [sflag:s0], s1  }
0x6f: {  	s1 =	ssub.s32 @!p0 $0x0, s1;
	[sflag:s0] =	ssyncset.done @!p0 $0x0  }
0x70: {  	[sflag:s0] =	ssyncadd.s32 @!p0 s1  }
0x71: {  	[bflag:$0x3] =	sbarrier.arrive $0xFFFF  }
0x72: {  	_ =	shalt  }

</sc_bundles>
